<compile_context>
chip_gen: v7x
topology: tpu7x:2x2x1
jax: 0.10.2.dev20260603
libtpu: 0.0.44.dev20260713+nightly
codegen_flags: <defaults>
</compile_context>

<pallas_src>
import functools

import numpy as np
import jax
import jax.numpy as jnp
from jax import lax
from jax.experimental import pallas as pl
from jax.experimental.pallas import tpu as pltpu
from jax.experimental.pallas import tpu_sc as plsc

_MARGIN = np.float32(0.1)
_N_SAMPLES = 1_000_000

_NW = 32
_B = 2048

_idx_cache = {}


def _rotl32(x, r):
    return ((x << np.uint32(r)) | (x >> np.uint32(32 - r))).astype(np.uint32)


def _threefry2x32(ks, x0, x1):
    x0 = x0.astype(np.uint32).copy()
    x1 = x1.astype(np.uint32).copy()
    ks0, ks1 = np.uint32(ks[0]), np.uint32(ks[1])
    ks2 = np.uint32(ks0 ^ ks1 ^ np.uint32(0x1BD11BDA))
    rot_a, rot_b = (13, 15, 26, 6), (17, 29, 16, 24)
    x0 += ks0
    x1 += ks1
    sched = [(ks1, ks2), (ks2, ks0), (ks0, ks1), (ks1, ks2), (ks2, ks0)]
    for i in range(5):
        for r in rot_a if i % 2 == 0 else rot_b:
            x0 += x1
            x1 = _rotl32(x1, r)
            x1 ^= x0
        a, b = sched[i]
        x0 += a
        x1 += b + np.uint32(i + 1)
    return x0, x1


def _np_split(key):
    b1, b2 = _threefry2x32(key, np.zeros(2, np.uint32),
                           np.arange(2, dtype=np.uint32))
    return np.stack([b1, b2], axis=1)


def _np_random_bits(key, n):
    b1, b2 = _threefry2x32(key, np.zeros(n, np.uint32),
                           np.arange(n, dtype=np.uint32))
    return b1 ^ b2


def _np_randint(key, n_draws, minval, maxval):
    k1, k2 = _np_split(key)
    y = _np_random_bits(k1, n_draws)
    z = _np_random_bits(k2, n_draws)
    span = np.uint32(np.uint64(maxval - minval) & np.uint64(0xFFFFFFFF))
    m16 = np.uint32(65536) % span
    mult = np.uint32(
        (np.uint64(m16) * np.uint64(m16)) & np.uint64(0xFFFFFFFF)) % span
    with np.errstate(over="ignore"):
        val = ((y % span) * mult + (z % span)) % span
    return (np.int64(minval) + val.astype(np.int64)).astype(np.int32)


def _pair_indices(n: int):
    if n not in _idx_cache:
        n_pairs = min(_N_SAMPLES, n * (n - 1) // 2)
        key = np.array([0, 42], np.uint32)
        ki, kj = _np_split(key)
        ii = _np_randint(ki, n_pairs, 0, n)
        ij = _np_randint(kj, n_pairs, 0, n)


        nblk = -(-n_pairs // (_NW * _B))
        nblk += nblk % 2
        tot = _NW * nblk * _B + 2 * _B

        def flat(a):
            out = ((np.arange(tot, dtype=np.int64) * 997) % n).astype(np.int32)
            out[:n_pairs] = a
            return out

        _idx_cache[n] = (flat(ii), flat(ij), nblk, n_pairs)
    return _idx_cache[n]


@functools.lru_cache(maxsize=None)
def _make_kernel(n: int, nblk: int, n_pairs: int):
    mesh = plsc.VectorSubcoreMesh(core_axis_name="c", subcore_axis_name="s")
    ndesc = _B // 128

    @functools.partial(
        pl.kernel,
        mesh=mesh,
        out_type=jax.ShapeDtypeStruct((_NW, 16), jnp.float32),
        scratch_types=[
            pltpu.VMEM((2, _B), jnp.int32),
            pltpu.VMEM((2, _B), jnp.int32),
            pltpu.VMEM((2, _B), jnp.float32),
            pltpu.VMEM((2, _B), jnp.float32),
            pltpu.VMEM((2, _B), jnp.float32),
            pltpu.VMEM((2, _B), jnp.float32),
            pltpu.VMEM((16,), jnp.float32),
            pltpu.SemaphoreType.DMA,
            pltpu.SemaphoreType.DMA,
        ],
    )
    def rank_loss_sc(ptab, ttab, hix, hjx, out,
                     vix, vjx, pi_v, ti_v, pj_v, tj_v, acc_v, sem_i, sem_g):
        wid = lax.axis_index("s") * 2 + lax.axis_index("c")
        iota = lax.iota(jnp.int32, 16)

        def stage_idx(g, p):
            base = (wid * nblk + g) * _B
            pltpu.async_copy(hix.at[pl.ds(base, _B)], vix.at[p], sem_i)
            pltpu.async_copy(hjx.at[pl.ds(base, _B)], vjx.at[p], sem_i)

        def wait_idx():
            pltpu.make_async_copy(hix.at[pl.ds(0, _B)], vix.at[0], sem_i).wait()
            pltpu.make_async_copy(hjx.at[pl.ds(0, _B)], vjx.at[0], sem_i).wait()

        def fire_gathers(p):
            for d in range(ndesc):
                s = pl.ds(d * 128, 128)
                pltpu.async_copy(ptab.at[vix.at[p].at[s]], pi_v.at[p].at[s], sem_g)
                pltpu.async_copy(ttab.at[vix.at[p].at[s]], ti_v.at[p].at[s], sem_g)
                pltpu.async_copy(ptab.at[vjx.at[p].at[s]], pj_v.at[p].at[s], sem_g)
                pltpu.async_copy(ttab.at[vjx.at[p].at[s]], tj_v.at[p].at[s], sem_g)

        def wait_gathers(p):
            dummy = ptab.at[pl.ds(0, _B)]
            for buf in (pi_v, ti_v, pj_v, tj_v):
                pltpu.make_async_copy(dummy, buf.at[p], sem_g).wait()

        def compute(g, p, acc):
            base = (wid * nblk + g) * _B

            def vec_body(v, acc):
                d = pl.ds(v * 16, 16)
                p_i = pi_v.at[p][d]
                t_i = ti_v.at[p][d]
                p_j = pj_v.at[p][d]
                t_j = tj_v.at[p][d]
                viol = jnp.maximum(
                    _MARGIN - jnp.sign(t_i - t_j) * (p_i - p_j), 0.0)
                k = base + v * 16 + iota
                return acc + jnp.where(k < n_pairs, viol, 0.0)

            return lax.fori_loop(0, _B // 16, vec_body, acc)

        stage_idx(0, 0)
        wait_idx()
        fire_gathers(0)
        stage_idx(1, 1)

        def block_pair(u, acc):
            def one(g, p, acc):
                wait_idx()
                fire_gathers(1 - p)
                wait_gathers(p)
                stage_idx(g + 2, p)
                return compute(g, p, acc)

            acc = one(2 * u, 0, acc)
            acc = one(2 * u + 1, 1, acc)
            return acc

        acc = lax.fori_loop(0, nblk // 2, block_pair,
                            jnp.zeros((16,), jnp.float32))
        wait_idx()
        wait_gathers(nblk % 2)
        acc_v[...] = acc
        pltpu.sync_copy(acc_v, out.at[wid])

    return rank_loss_sc


def kernel(delta_z_pred, delta_z_target):
    pred = delta_z_pred.reshape(-1)
    target = delta_z_target.reshape(-1)
    n = pred.shape[0]
    hix, hjx, nblk, n_pairs = _pair_indices(n)
    out = _make_kernel(n, nblk, n_pairs)(
        pred, target, jnp.asarray(hix), jnp.asarray(hjx))
    return jnp.sum(out) / jnp.float32(n_pairs)

# --- scband reference (transcript-rebuilt; emitter-appended) ---
"""Pipeline reference for scband-rank-preservation-loss-90537910599953 (READ-ONLY COPY).

The authoritative reference and input builder live on the scoring server;
editing this copy changes nothing except your own understanding.
"""

import jax, jax.numpy as jnp
import numpy as np

MARGIN = 0.1
N_SAMPLES = 1000000


def setup_inputs(seed: int = 0) -> dict:
    key = jax.random.key(seed)
    k1, k2 = jax.random.split(key)
    delta_z_pred = jax.random.normal(k1, (1000000, 1), dtype=jnp.float32)
    delta_z_target = jax.random.normal(k2, (1000000, 1), dtype=jnp.float32)
    return {"delta_z_pred": delta_z_pred, "delta_z_target": delta_z_target}


def reference(delta_z_pred, delta_z_target):
    pred = delta_z_pred.reshape(-1)
    target = delta_z_target.reshape(-1)
    n = pred.shape[0]
    n_pairs = min(N_SAMPLES, n * (n - 1) // 2)
    # torch.randint -> fixed-key jax randint (indices are random but deterministic here)
    idx_key = jax.random.key(42)
    ki, kj = jax.random.split(idx_key)
    idx_i = jax.random.randint(ki, (n_pairs,), 0, n)
    idx_j = jax.random.randint(kj, (n_pairs,), 0, n)
    target_diff = jnp.take(target, idx_i) - jnp.take(target, idx_j)
    pred_diff = jnp.take(pred, idx_i) - jnp.take(pred, idx_j)
    sign = jnp.sign(target_diff)
    violations = jax.nn.relu(MARGIN - sign * pred_diff)
    return violations.mean()

if __name__ == "__main__":
    import jax
    _d = setup_inputs()
    print(jax.jit(kernel)(*tuple(_d.values())))

</pallas_src>

<mosaic_0001>
#map = affine_map<(d0, d1) -> (0)>
#map1 = affine_map<(d0, d1) -> (0, 0)>
module attributes {stable_mosaic.version = 14 : i64} {
  func.func @rank_loss_sc(%arg0: i32, %arg1: i32, %arg2: memref<1000000xf32, #tpu.memory_space<hbm>>, %arg3: memref<1000000xf32, #tpu.memory_space<hbm>>, %arg4: memref<1052672xi32, #tpu.memory_space<hbm>>, %arg5: memref<1052672xi32, #tpu.memory_space<hbm>>, %arg6: memref<32x16xf32, #tpu.memory_space<hbm>>, %arg7: memref<2x2048xi32, #tpu.memory_space<vmem>>, %arg8: memref<2x2048xi32, #tpu.memory_space<vmem>>, %arg9: memref<2x2048xf32, #tpu.memory_space<vmem>>, %arg10: memref<2x2048xf32, #tpu.memory_space<vmem>>, %arg11: memref<2x2048xf32, #tpu.memory_space<vmem>>, %arg12: memref<2x2048xf32, #tpu.memory_space<vmem>>, %arg13: memref<16xf32, #tpu.memory_space<vmem>>, %arg14: memref<!tpu.dma_semaphore, #tpu.memory_space<semaphore_mem>>, %arg15: memref<!tpu.dma_semaphore, #tpu.memory_space<semaphore_mem>>) attributes {dimension_semantics = [#tpu.dimension_semantics<core_parallel>, #tpu.dimension_semantics<subcore_parallel>], iteration_bounds = array<i64: 2, 16>, scalar_prefetch = 0 : i64, scratch_operands = 9 : i64, tpu.core_type = #tpu.core_type<sc_vector_subcore>, window_params = [{transform_indices = #map}, {transform_indices = #map}, {transform_indices = #map}, {transform_indices = #map}, {transform_indices = #map1}]} {
    %mul3A = arith.constant 2 : i32
    %mul3A_0 = arith.muli %arg1, %mul3A : i32
    %add3A = arith.addi %mul3A_0, %arg0 : i32
    %iota3A = tpu.iota {dimensions = array<i32: 0>} : vector<16xi32>
    %mul3A_1 = arith.constant 16 : i32
    %mul3A_2 = arith.muli %add3A, %mul3A_1 : i32
    %add3A_3 = arith.constant 0 : i32
    %add3A_4 = arith.addi %mul3A_2, %add3A_3 : i32
    %mul3A_5 = arith.constant 2048 : i32
    %mul3A_6 = arith.muli %add3A_4, %mul3A_5 : i32
    %dma_start3A = arith.constant 0 : i32
    %dma_start3A_7 = arith.constant 0 : i32
    %dma_start3A_8 = tpu.memref_slice %arg7[%dma_start3A, %dma_start3A_7] : memref<2x2048xi32, #tpu.memory_space<vmem>> -> memref<1x2048xi32, #tpu.memory_space<vmem>>
    %dma_start3A_9 = tpu.memref_squeeze %dma_start3A_8 : memref<1x2048xi32, #tpu.memory_space<vmem>> -> memref<2048xi32, #tpu.memory_space<vmem>>
    %dma_start3A_10 = tpu.memref_slice %arg4[%mul3A_6] : memref<1052672xi32, #tpu.memory_space<hbm>> -> memref<2048xi32, #tpu.memory_space<hbm>>
    %dma_start3A_11 = arith.constant 0 : i32
    %dma_start3A_12 = tpu.memref_slice %arg7[%dma_start3A, %dma_start3A_11] : memref<2x2048xi32, #tpu.memory_space<vmem>> -> memref<1x2048xi32, #tpu.memory_space<vmem>>
    %dma_start3A_13 = tpu.memref_squeeze %dma_start3A_12 : memref<1x2048xi32, #tpu.memory_space<vmem>> -> memref<2048xi32, #tpu.memory_space<vmem>>
    %dma_start3A_14 = tpu.memref_slice %arg4[%mul3A_6] : memref<1052672xi32, #tpu.memory_space<hbm>> -> memref<2048xi32, #tpu.memory_space<hbm>>
    tpu.enqueue_dma source(%dma_start3A_14 : memref<2048xi32, #tpu.memory_space<hbm>>) target(%dma_start3A_13 : memref<2048xi32, #tpu.memory_space<vmem>>) target_semaphore(%arg14 : memref<!tpu.dma_semaphore, #tpu.memory_space<semaphore_mem>>)
    %dma_start3A_15 = arith.constant 0 : i32
    %dma_start3A_16 = arith.constant 0 : i32
    %dma_start3A_17 = tpu.memref_slice %arg8[%dma_start3A_15, %dma_start3A_16] : memref<2x2048xi32, #tpu.memory_space<vmem>> -> memref<1x2048xi32, #tpu.memory_space<vmem>>
    %dma_start3A_18 = tpu.memref_squeeze %dma_start3A_17 : memref<1x2048xi32, #tpu.memory_space<vmem>> -> memref<2048xi32, #tpu.memory_space<vmem>>
    %dma_start3A_19 = tpu.memref_slice %arg5[%mul3A_6] : memref<1052672xi32, #tpu.memory_space<hbm>> -> memref<2048xi32, #tpu.memory_space<hbm>>
    %dma_start3A_20 = arith.constant 0 : i32
    %dma_start3A_21 = tpu.memref_slice %arg8[%dma_start3A_15, %dma_start3A_20] : memref<2x2048xi32, #tpu.memory_space<vmem>> -> memref<1x2048xi32, #tpu.memory_space<vmem>>
    %dma_start3A_22 = tpu.memref_squeeze %dma_start3A_21 : memref<1x2048xi32, #tpu.memory_space<vmem>> -> memref<2048xi32, #tpu.memory_space<vmem>>
    %dma_start3A_23 = tpu.memref_slice %arg5[%mul3A_6] : memref<1052672xi32, #tpu.memory_space<hbm>> -> memref<2048xi32, #tpu.memory_space<hbm>>
    tpu.enqueue_dma source(%dma_start3A_23 : memref<2048xi32, #tpu.memory_space<hbm>>) target(%dma_start3A_22 : memref<2048xi32, #tpu.memory_space<vmem>>) target_semaphore(%arg14 : memref<!tpu.dma_semaphore, #tpu.memory_space<semaphore_mem>>)
    %dma_wait3A = arith.constant 0 : i32
    %dma_wait3A_24 = arith.constant 0 : i32
    %dma_wait3A_25 = tpu.memref_slice %arg7[%dma_wait3A, %dma_wait3A_24] : memref<2x2048xi32, #tpu.memory_space<vmem>> -> memref<1x2048xi32, #tpu.memory_space<vmem>>
    %dma_wait3A_26 = tpu.memref_squeeze %dma_wait3A_25 : memref<1x2048xi32, #tpu.memory_space<vmem>> -> memref<2048xi32, #tpu.memory_space<vmem>>
    %dma_wait3A_27 = arith.constant 0 : i32
    %dma_wait3A_28 = tpu.memref_slice %arg4[%dma_wait3A_27] : memref<1052672xi32, #tpu.memory_space<hbm>> -> memref<2048xi32, #tpu.memory_space<hbm>>
    %dma_wait3A_29 = arith.constant 0 : i32
    %dma_wait3A_30 = tpu.memref_slice %arg7[%dma_wait3A, %dma_wait3A_29] : memref<2x2048xi32, #tpu.memory_space<vmem>> -> memref<1x2048xi32, #tpu.memory_space<vmem>>
    %dma_wait3A_31 = tpu.memref_squeeze %dma_wait3A_30 : memref<1x2048xi32, #tpu.memory_space<vmem>> -> memref<2048xi32, #tpu.memory_space<vmem>>
    %dma_wait3A_32 = arith.constant 0 : i32
    %dma_wait3A_33 = tpu.memref_slice %arg4[%dma_wait3A_32] : memref<1052672xi32, #tpu.memory_space<hbm>> -> memref<2048xi32, #tpu.memory_space<hbm>>
    tpu.wait_dma2 semaphore(%arg14 : memref<!tpu.dma_semaphore, #tpu.memory_space<semaphore_mem>>) src(%dma_wait3A_33 : memref<2048xi32, #tpu.memory_space<hbm>>) dst(%dma_wait3A_31 : memref<2048xi32, #tpu.memory_space<vmem>>)
    %dma_wait3A_34 = arith.constant 0 : i32
    %dma_wait3A_35 = arith.constant 0 : i32
    %dma_wait3A_36 = tpu.memref_slice %arg8[%dma_wait3A_34, %dma_wait3A_35] : memref<2x2048xi32, #tpu.memory_space<vmem>> -> memref<1x2048xi32, #tpu.memory_space<vmem>>
    %dma_wait3A_37 = tpu.memref_squeeze %dma_wait3A_36 : memref<1x2048xi32, #tpu.memory_space<vmem>> -> memref<2048xi32, #tpu.memory_space<vmem>>
    %dma_wait3A_38 = arith.constant 0 : i32
    %dma_wait3A_39 = tpu.memref_slice %arg5[%dma_wait3A_38] : memref<1052672xi32, #tpu.memory_space<hbm>> -> memref<2048xi32, #tpu.memory_space<hbm>>
    %dma_wait3A_40 = arith.constant 0 : i32
    %dma_wait3A_41 = tpu.memref_slice %arg8[%dma_wait3A_34, %dma_wait3A_40] : memref<2x2048xi32, #tpu.memory_space<vmem>> -> memref<1x2048xi32, #tpu.memory_space<vmem>>
    %dma_wait3A_42 = tpu.memref_squeeze %dma_wait3A_41 : memref<1x2048xi32, #tpu.memory_space<vmem>> -> memref<2048xi32, #tpu.memory_space<vmem>>
    %dma_wait3A_43 = arith.constant 0 : i32
    %dma_wait3A_44 = tpu.memref_slice %arg5[%dma_wait3A_43] : memref<1052672xi32, #tpu.memory_space<hbm>> -> memref<2048xi32, #tpu.memory_space<hbm>>
    tpu.wait_dma2 semaphore(%arg14 : memref<!tpu.dma_semaphore, #tpu.memory_space<semaphore_mem>>) src(%dma_wait3A_44 : memref<2048xi32, #tpu.memory_space<hbm>>) dst(%dma_wait3A_42 : memref<2048xi32, #tpu.memory_space<vmem>>)
    %dma_start3A_45 = arith.constant 0 : i32
    %dma_start3A_46 = arith.constant 0 : i32
    %dma_start3A_47 = arith.constant 0 : i32
    %dma_start3A_48 = tpu.memref_slice %arg9[%dma_start3A_46, %dma_start3A_47] : memref<2x2048xf32, #tpu.memory_space<vmem>> -> memref<1x2048xf32, #tpu.memory_space<vmem>>
    %dma_start3A_49 = tpu.memref_squeeze %dma_start3A_48 : memref<1x2048xf32, #tpu.memory_space<vmem>> -> memref<2048xf32, #tpu.memory_space<vmem>>
    %dma_start3A_50 = arith.constant 0 : i32
    %dma_start3A_51 = tpu.memref_slice %dma_start3A_49[%dma_start3A_50] : memref<2048xf32, #tpu.memory_space<vmem>> -> memref<128xf32, #tpu.memory_space<vmem>>
    %dma_start3A_52 = arith.constant 0 : i32
    %dma_start3A_53 = tpu.memref_slice %arg7[%dma_start3A_45, %dma_start3A_52] : memref<2x2048xi32, #tpu.memory_space<vmem>> -> memref<1x2048xi32, #tpu.memory_space<vmem>>
    %dma_start3A_54 = tpu.memref_squeeze %dma_start3A_53 : memref<1x2048xi32, #tpu.memory_space<vmem>> -> memref<2048xi32, #tpu.memory_space<vmem>>
    %dma_start3A_55 = arith.constant 0 : i32
    %dma_start3A_56 = tpu.memref_slice %dma_start3A_54[%dma_start3A_55] : memref<2048xi32, #tpu.memory_space<vmem>> -> memref<128xi32, #tpu.memory_space<vmem>>
    %dma_start3A_57 = arith.constant 0 : i32
    %dma_start3A_58 = tpu.memref_slice %arg2[%dma_start3A_57] : memref<1000000xf32, #tpu.memory_space<hbm>> -> memref<1000000xf32, #tpu.memory_space<hbm>>
    tpu.enqueue_indirect_dma source(%dma_start3A_58 : memref<1000000xf32, #tpu.memory_space<hbm>>) target(%dma_start3A_51 : memref<128xf32, #tpu.memory_space<vmem>>) offsets(%dma_start3A_56 : memref<128xi32, #tpu.memory_space<vmem>>) semaphore(%arg15 : memref<!tpu.dma_semaphore, #tpu.memory_space<semaphore_mem>>)
    %dma_start3A_59 = arith.constant 0 : i32
    %dma_start3A_60 = arith.constant 0 : i32
    %dma_start3A_61 = arith.constant 0 : i32
    %dma_start3A_62 = tpu.memref_slice %arg10[%dma_start3A_60, %dma_start3A_61] : memref<2x2048xf32, #tpu.memory_space<vmem>> -> memref<1x2048xf32, #tpu.memory_space<vmem>>
    %dma_start3A_63 = tpu.memref_squeeze %dma_start3A_62 : memref<1x2048xf32, #tpu.memory_space<vmem>> -> memref<2048xf32, #tpu.memory_space<vmem>>
    %dma_start3A_64 = arith.constant 0 : i32
    %dma_start3A_65 = tpu.memref_slice %dma_start3A_63[%dma_start3A_64] : memref<2048xf32, #tpu.memory_space<vmem>> -> memref<128xf32, #tpu.memory_space<vmem>>
    %dma_start3A_66 = arith.constant 0 : i32
    %dma_start3A_67 = tpu.memref_slice %arg7[%dma_start3A_59, %dma_start3A_66] : memref<2x2048xi32, #tpu.memory_space<vmem>> -> memref<1x2048xi32, #tpu.memory_space<vmem>>
    %dma_start3A_68 = tpu.memref_squeeze %dma_start3A_67 : memref<1x2048xi32, #tpu.memory_space<vmem>> -> memref<2048xi32, #tpu.memory_space<vmem>>
    %dma_start3A_69 = arith.constant 0 : i32
    %dma_start3A_70 = tpu.memref_slice %dma_start3A_68[%dma_start3A_69] : memref<2048xi32, #tpu.memory_space<vmem>> -> memref<128xi32, #tpu.memory_space<vmem>>
    %dma_start3A_71 = arith.constant 0 : i32
    %dma_start3A_72 = tpu.memref_slice %arg3[%dma_start3A_71] : memref<1000000xf32, #tpu.memory_space<hbm>> -> memref<1000000xf32, #tpu.memory_space<hbm>>
    tpu.enqueue_indirect_dma source(%dma_start3A_72 : memref<1000000xf32, #tpu.memory_space<hbm>>) target(%dma_start3A_65 : memref<128xf32, #tpu.memory_space<vmem>>) offsets(%dma_start3A_70 : memref<128xi32, #tpu.memory_space<vmem>>) semaphore(%arg15 : memref<!tpu.dma_semaphore, #tpu.memory_space<semaphore_mem>>)
    %dma_start3A_73 = arith.constant 0 : i32
    %dma_start3A_74 = arith.constant 0 : i32
    %dma_start3A_75 = arith.constant 0 : i32
    %dma_start3A_76 = tpu.memref_slice %arg11[%dma_start3A_74, %dma_start3A_75] : memref<2x2048xf32, #tpu.memory_space<vmem>> -> memref<1x2048xf32, #tpu.memory_space<vmem>>
    %dma_start3A_77 = tpu.memref_squeeze %dma_start3A_76 : memref<1x2048xf32, #tpu.memory_space<vmem>> -> memref<2048xf32, #tpu.memory_space<vmem>>
    %dma_start3A_78 = arith.constant 0 : i32
    %dma_start3A_79 = tpu.memref_slice %dma_start3A_77[%dma_start3A_78] : memref<2048xf32, #tpu.memory_space<vmem>> -> memref<128xf32, #tpu.memory_space<vmem>>
    %dma_start3A_80 = arith.constant 0 : i32
    %dma_start3A_81 = tpu.memref_slice %arg8[%dma_start3A_73, %dma_start3A_80] : memref<2x2048xi32, #tpu.memory_space<vmem>> -> memref<1x2048xi32, #tpu.memory_space<vmem>>
    %dma_start3A_82 = tpu.memref_squeeze %dma_start3A_81 : memref<1x2048xi32, #tpu.memory_space<vmem>> -> memref<2048xi32, #tpu.memory_space<vmem>>
    %dma_start3A_83 = arith.constant 0 : i32
    %dma_start3A_84 = tpu.memref_slice %dma_start3A_82[%dma_start3A_83] : memref<2048xi32, #tpu.memory_space<vmem>> -> memref<128xi32, #tpu.memory_space<vmem>>
    %dma_start3A_85 = arith.constant 0 : i32
    %dma_start3A_86 = tpu.memref_slice %arg2[%dma_start3A_85] : memref<1000000xf32, #tpu.memory_space<hbm>> -> memref<1000000xf32, #tpu.memory_space<hbm>>
    tpu.enqueue_indirect_dma source(%dma_start3A_86 : memref<1000000xf32, #tpu.memory_space<hbm>>) target(%dma_start3A_79 : memref<128xf32, #tpu.memory_space<vmem>>) offsets(%dma_start3A_84 : memref<128xi32, #tpu.memory_space<vmem>>) semaphore(%arg15 : memref<!tpu.dma_semaphore, #tpu.memory_space<semaphore_mem>>)
    %dma_start3A_87 = arith.constant 0 : i32
    %dma_start3A_88 = arith.constant 0 : i32
    %dma_start3A_89 = arith.constant 0 : i32
    %dma_start3A_90 = tpu.memref_slice %arg12[%dma_start3A_88, %dma_start3A_89] : memref<2x2048xf32, #tpu.memory_space<vmem>> -> memref<1x2048xf32, #tpu.memory_space<vmem>>
    %dma_start3A_91 = tpu.memref_squeeze %dma_start3A_90 : memref<1x2048xf32, #tpu.memory_space<vmem>> -> memref<2048xf32, #tpu.memory_space<vmem>>
    %dma_start3A_92 = arith.constant 0 : i32
    %dma_start3A_93 = tpu.memref_slice %dma_start3A_91[%dma_start3A_92] : memref<2048xf32, #tpu.memory_space<vmem>> -> memref<128xf32, #tpu.memory_space<vmem>>
    %dma_start3A_94 = arith.constant 0 : i32
    %dma_start3A_95 = tpu.memref_slice %arg8[%dma_start3A_87, %dma_start3A_94] : memref<2x2048xi32, #tpu.memory_space<vmem>> -> memref<1x2048xi32, #tpu.memory_space<vmem>>
    %dma_start3A_96 = tpu.memref_squeeze %dma_start3A_95 : memref<1x2048xi32, #tpu.memory_space<vmem>> -> memref<2048xi32, #tpu.memory_space<vmem>>
    %dma_start3A_97 = arith.constant 0 : i32
    %dma_start3A_98 = tpu.memref_slice %dma_start3A_96[%dma_start3A_97] : memref<2048xi32, #tpu.memory_space<vmem>> -> memref<128xi32, #tpu.memory_space<vmem>>
    %dma_start3A_99 = arith.constant 0 : i32
    %dma_start3A_100 = tpu.memref_slice %arg3[%dma_start3A_99] : memref<1000000xf32, #tpu.memory_space<hbm>> -> memref<1000000xf32, #tpu.memory_space<hbm>>
    tpu.enqueue_indirect_dma source(%dma_start3A_100 : memref<1000000xf32, #tpu.memory_space<hbm>>) target(%dma_start3A_93 : memref<128xf32, #tpu.memory_space<vmem>>) offsets(%dma_start3A_98 : memref<128xi32, #tpu.memory_space<vmem>>) semaphore(%arg15 : memref<!tpu.dma_semaphore, #tpu.memory_space<semaphore_mem>>)
    %dma_start3A_101 = arith.constant 0 : i32
    %dma_start3A_102 = arith.constant 0 : i32
    %dma_start3A_103 = arith.constant 0 : i32
    %dma_start3A_104 = tpu.memref_slice %arg9[%dma_start3A_102, %dma_start3A_103] : memref<2x2048xf32, #tpu.memory_space<vmem>> -> memref<1x2048xf32, #tpu.memory_space<vmem>>
    %dma_start3A_105 = tpu.memref_squeeze %dma_start3A_104 : memref<1x2048xf32, #tpu.memory_space<vmem>> -> memref<2048xf32, #tpu.memory_space<vmem>>
    %dma_start3A_106 = arith.constant 128 : i32
    %dma_start3A_107 = tpu.memref_slice %dma_start3A_105[%dma_start3A_106] : memref<2048xf32, #tpu.memory_space<vmem>> -> memref<128xf32, #tpu.memory_space<vmem>>
    %dma_start3A_108 = arith.constant 0 : i32
    %dma_start3A_109 = tpu.memref_slice %arg7[%dma_start3A_101, %dma_start3A_108] : memref<2x2048xi32, #tpu.memory_space<vmem>> -> memref<1x2048xi32, #tpu.memory_space<vmem>>
    %dma_start3A_110 = tpu.memref_squeeze %dma_start3A_109 : memref<1x2048xi32, #tpu.memory_space<vmem>> -> memref<2048xi32, #tpu.memory_space<vmem>>
    %dma_start3A_111 = arith.constant 128 : i32
    %dma_start3A_112 = tpu.memref_slice %dma_start3A_110[%dma_start3A_111] : memref<2048xi32, #tpu.memory_space<vmem>> -> memref<128xi32, #tpu.memory_space<vmem>>
    %dma_start3A_113 = arith.constant 0 : i32
    %dma_start3A_114 = tpu.memref_slice %arg2[%dma_start3A_113] : memref<1000000xf32, #tpu.memory_space<hbm>> -> memref<1000000xf32, #tpu.memory_space<hbm>>
    tpu.enqueue_indirect_dma source(%dma_start3A_114 : memref<1000000xf32, #tpu.memory_space<hbm>>) target(%dma_start3A_107 : memref<128xf32, #tpu.memory_space<vmem>>) offsets(%dma_start3A_112 : memref<128xi32, #tpu.memory_space<vmem>>) semaphore(%arg15 : memref<!tpu.dma_semaphore, #tpu.memory_space<semaphore_mem>>)
    %dma_start3A_115 = arith.constant 0 : i32
    %dma_start3A_116 = arith.constant 0 : i32
    %dma_start3A_117 = arith.constant 0 : i32
    %dma_start3A_118 = tpu.memref_slice %arg10[%dma_start3A_116, %dma_start3A_117] : memref<2x2048xf32, #tpu.memory_space<vmem>> -> memref<1x2048xf32, #tpu.memory_space<vmem>>
    %dma_start3A_119 = tpu.memref_squeeze %dma_start3A_118 : memref<1x2048xf32, #tpu.memory_space<vmem>> -> memref<2048xf32, #tpu.memory_space<vmem>>
    %dma_start3A_120 = arith.constant 128 : i32
    %dma_start3A_121 = tpu.memref_slice %dma_start3A_119[%dma_start3A_120] : memref<2048xf32, #tpu.memory_space<vmem>> -> memref<128xf32, #tpu.memory_space<vmem>>
    %dma_start3A_122 = arith.constant 0 : i32
    %dma_start3A_123 = tpu.memref_slice %arg7[%dma_start3A_115, %dma_start3A_122] : memref<2x2048xi32, #tpu.memory_space<vmem>> -> memref<1x2048xi32, #tpu.memory_space<vmem>>
    %dma_start3A_124 = tpu.memref_squeeze %dma_start3A_123 : memref<1x2048xi32, #tpu.memory_space<vmem>> -> memref<2048xi32, #tpu.memory_space<vmem>>
    %dma_start3A_125 = arith.constant 128 : i32
    %dma_start3A_126 = tpu.memref_slice %dma_start3A_124[%dma_start3A_125] : memref<2048xi32, #tpu.memory_space<vmem>> -> memref<128xi32, #tpu.memory_space<vmem>>
    %dma_start3A_127 = arith.constant 0 : i32
    %dma_start3A_128 = tpu.memref_slice %arg3[%dma_start3A_127] : memref<1000000xf32, #tpu.memory_space<hbm>> -> memref<1000000xf32, #tpu.memory_space<hbm>>
    tpu.enqueue_indirect_dma source(%dma_start3A_128 : memref<1000000xf32, #tpu.memory_space<hbm>>) target(%dma_start3A_121 : memref<128xf32, #tpu.memory_space<vmem>>) offsets(%dma_start3A_126 : memref<128xi32, #tpu.memory_space<vmem>>) semaphore(%arg15 : memref<!tpu.dma_semaphore, #tpu.memory_space<semaphore_mem>>)
    %dma_start3A_129 = arith.constant 0 : i32
    %dma_start3A_130 = arith.constant 0 : i32
    %dma_start3A_131 = arith.constant 0 : i32
    %dma_start3A_132 = tpu.memref_slice %arg11[%dma_start3A_130, %dma_start3A_131] : memref<2x2048xf32, #tpu.memory_space<vmem>> -> memref<1x2048xf32, #tpu.memory_space<vmem>>
    %dma_start3A_133 = tpu.memref_squeeze %dma_start3A_132 : memref<1x2048xf32, #tpu.memory_space<vmem>> -> memref<2048xf32, #tpu.memory_space<vmem>>
    %dma_start3A_134 = arith.constant 128 : i32
    %dma_start3A_135 = tpu.memref_slice %dma_start3A_133[%dma_start3A_134] : memref<2048xf32, #tpu.memory_space<vmem>> -> memref<128xf32, #tpu.memory_space<vmem>>
    %dma_start3A_136 = arith.constant 0 : i32
    %dma_start3A_137 = tpu.memref_slice %arg8[%dma_start3A_129, %dma_start3A_136] : memref<2x2048xi32, #tpu.memory_space<vmem>> -> memref<1x2048xi32, #tpu.memory_space<vmem>>
    %dma_start3A_138 = tpu.memref_squeeze %dma_start3A_137 : memref<1x2048xi32, #tpu.memory_space<vmem>> -> memref<2048xi32, #tpu.memory_space<vmem>>
    %dma_start3A_139 = arith.constant 128 : i32
    %dma_start3A_140 = tpu.memref_slice %dma_start3A_138[%dma_start3A_139] : memref<2048xi32, #tpu.memory_space<vmem>> -> memref<128xi32, #tpu.memory_space<vmem>>
    %dma_start3A_141 = arith.constant 0 : i32
    %dma_start3A_142 = tpu.memref_slice %arg2[%dma_start3A_141] : memref<1000000xf32, #tpu.memory_space<hbm>> -> memref<1000000xf32, #tpu.memory_space<hbm>>
    tpu.enqueue_indirect_dma source(%dma_start3A_142 : memref<1000000xf32, #tpu.memory_space<hbm>>) target(%dma_start3A_135 : memref<128xf32, #tpu.memory_space<vmem>>) offsets(%dma_start3A_140 : memref<128xi32, #tpu.memory_space<vmem>>) semaphore(%arg15 : memref<!tpu.dma_semaphore, #tpu.memory_space<semaphore_mem>>)
    %dma_start3A_143 = arith.constant 0 : i32
    %dma_start3A_144 = arith.constant 0 : i32
    %dma_start3A_145 = arith.constant 0 : i32
    %dma_start3A_146 = tpu.memref_slice %arg12[%dma_start3A_144, %dma_start3A_145] : memref<2x2048xf32, #tpu.memory_space<vmem>> -> memref<1x2048xf32, #tpu.memory_space<vmem>>
    %dma_start3A_147 = tpu.memref_squeeze %dma_start3A_146 : memref<1x2048xf32, #tpu.memory_space<vmem>> -> memref<2048xf32, #tpu.memory_space<vmem>>
    %dma_start3A_148 = arith.constant 128 : i32
    %dma_start3A_149 = tpu.memref_slice %dma_start3A_147[%dma_start3A_148] : memref<2048xf32, #tpu.memory_space<vmem>> -> memref<128xf32, #tpu.memory_space<vmem>>
    %dma_start3A_150 = arith.constant 0 : i32
    %dma_start3A_151 = tpu.memref_slice %arg8[%dma_start3A_143, %dma_start3A_150] : memref<2x2048xi32, #tpu.memory_space<vmem>> -> memref<1x2048xi32, #tpu.memory_space<vmem>>
    %dma_start3A_152 = tpu.memref_squeeze %dma_start3A_151 : memref<1x2048xi32, #tpu.memory_space<vmem>> -> memref<2048xi32, #tpu.memory_space<vmem>>
    %dma_start3A_153 = arith.constant 128 : i32
    %dma_start3A_154 = tpu.memref_slice %dma_start3A_152[%dma_start3A_153] : memref<2048xi32, #tpu.memory_space<vmem>> -> memref<128xi32, #tpu.memory_space<vmem>>
    %dma_start3A_155 = arith.constant 0 : i32
    %dma_start3A_156 = tpu.memref_slice %arg3[%dma_start3A_155] : memref<1000000xf32, #tpu.memory_space<hbm>> -> memref<1000000xf32, #tpu.memory_space<hbm>>
    tpu.enqueue_indirect_dma source(%dma_start3A_156 : memref<1000000xf32, #tpu.memory_space<hbm>>) target(%dma_start3A_149 : memref<128xf32, #tpu.memory_space<vmem>>) offsets(%dma_start3A_154 : memref<128xi32, #tpu.memory_space<vmem>>) semaphore(%arg15 : memref<!tpu.dma_semaphore, #tpu.memory_space<semaphore_mem>>)
    %dma_start3A_157 = arith.constant 0 : i32
    %dma_start3A_158 = arith.constant 0 : i32
    %dma_start3A_159 = arith.constant 0 : i32
    %dma_start3A_160 = tpu.memref_slice %arg9[%dma_start3A_158, %dma_start3A_159] : memref<2x2048xf32, #tpu.memory_space<vmem>> -> memref<1x2048xf32, #tpu.memory_space<vmem>>
    %dma_start3A_161 = tpu.memref_squeeze %dma_start3A_160 : memref<1x2048xf32, #tpu.memory_space<vmem>> -> memref<2048xf32, #tpu.memory_space<vmem>>
    %dma_start3A_162 = arith.constant 256 : i32
    %dma_start3A_163 = tpu.memref_slice %dma_start3A_161[%dma_start3A_162] : memref<2048xf32, #tpu.memory_space<vmem>> -> memref<128xf32, #tpu.memory_space<vmem>>
    %dma_start3A_164 = arith.constant 0 : i32
    %dma_start3A_165 = tpu.memref_slice %arg7[%dma_start3A_157, %dma_start3A_164] : memref<2x2048xi32, #tpu.memory_space<vmem>> -> memref<1x2048xi32, #tpu.memory_space<vmem>>
    %dma_start3A_166 = tpu.memref_squeeze %dma_start3A_165 : memref<1x2048xi32, #tpu.memory_space<vmem>> -> memref<2048xi32, #tpu.memory_space<vmem>>
    %dma_start3A_167 = arith.constant 256 : i32
    %dma_start3A_168 = tpu.memref_slice %dma_start3A_166[%dma_start3A_167] : memref<2048xi32, #tpu.memory_space<vmem>> -> memref<128xi32, #tpu.memory_space<vmem>>
    %dma_start3A_169 = arith.constant 0 : i32
    %dma_start3A_170 = tpu.memref_slice %arg2[%dma_start3A_169] : memref<1000000xf32, #tpu.memory_space<hbm>> -> memref<1000000xf32, #tpu.memory_space<hbm>>
    tpu.enqueue_indirect_dma source(%dma_start3A_170 : memref<1000000xf32, #tpu.memory_space<hbm>>) target(%dma_start3A_163 : memref<128xf32, #tpu.memory_space<vmem>>) offsets(%dma_start3A_168 : memref<128xi32, #tpu.memory_space<vmem>>) semaphore(%arg15 : memref<!tpu.dma_semaphore, #tpu.memory_space<semaphore_mem>>)
    %dma_start3A_171 = arith.constant 0 : i32
    %dma_start3A_172 = arith.constant 0 : i32
    %dma_start3A_173 = arith.constant 0 : i32
    %dma_start3A_174 = tpu.memref_slice %arg10[%dma_start3A_172, %dma_start3A_173] : memref<2x2048xf32, #tpu.memory_space<vmem>> -> memref<1x2048xf32, #tpu.memory_space<vmem>>
    %dma_start3A_175 = tpu.memref_squeeze %dma_start3A_174 : memref<1x2048xf32, #tpu.memory_space<vmem>> -> memref<2048xf32, #tpu.memory_space<vmem>>
    %dma_start3A_176 = arith.constant 256 : i32
    %dma_start3A_177 = tpu.memref_slice %dma_start3A_175[%dma_start3A_176] : memref<2048xf32, #tpu.memory_space<vmem>> -> memref<128xf32, #tpu.memory_space<vmem>>
    %dma_start3A_178 = arith.constant 0 : i32
    %dma_start3A_179 = tpu.memref_slice %arg7[%dma_start3A_171, %dma_start3A_178] : memref<2x2048xi32, #tpu.memory_space<vmem>> -> memref<1x2048xi32, #tpu.memory_space<vmem>>
    %dma_start3A_180 = tpu.memref_squeeze %dma_start3A_179 : memref<1x2048xi32, #tpu.memory_space<vmem>> -> memref<2048xi32, #tpu.memory_space<vmem>>
    %dma_start3A_181 = arith.constant 256 : i32
    %dma_start3A_182 = tpu.memref_slice %dma_start3A_180[%dma_start3A_181] : memref<2048xi32, #tpu.memory_space<vmem>> -> memref<128xi32, #tpu.memory_space<vmem>>
    %dma_start3A_183 = arith.constant 0 : i32
    %dma_start3A_184 = tpu.memref_slice %arg3[%dma_start3A_183] : memref<1000000xf32, #tpu.memory_space<hbm>> -> memref<1000000xf32, #tpu.memory_space<hbm>>
    tpu.enqueue_indirect_dma source(%dma_start3A_184 : memref<1000000xf32, #tpu.memory_space<hbm>>) target(%dma_start3A_177 : memref<128xf32, #tpu.memory_space<vmem>>) offsets(%dma_start3A_182 : memref<128xi32, #tpu.memory_space<vmem>>) semaphore(%arg15 : memref<!tpu.dma_semaphore, #tpu.memory_space<semaphore_mem>>)
    %dma_start3A_185 = arith.constant 0 : i32
    %dma_start3A_186 = arith.constant 0 : i32
    %dma_start3A_187 = arith.constant 0 : i32
    %dma_start3A_188 = tpu.memref_slice %arg11[%dma_start3A_186, %dma_start3A_187] : memref<2x2048xf32, #tpu.memory_space<vmem>> -> memref<1x2048xf32, #tpu.memory_space<vmem>>
    %dma_start3A_189 = tpu.memref_squeeze %dma_start3A_188 : memref<1x2048xf32, #tpu.memory_space<vmem>> -> memref<2048xf32, #tpu.memory_space<vmem>>
    %dma_start3A_190 = arith.constant 256 : i32
    %dma_start3A_191 = tpu.memref_slice %dma_start3A_189[%dma_start3A_190] : memref<2048xf32, #tpu.memory_space<vmem>> -> memref<128xf32, #tpu.memory_space<vmem>>
    %dma_start3A_192 = arith.constant 0 : i32
    %dma_start3A_193 = tpu.memref_slice %arg8[%dma_start3A_185, %dma_start3A_192] : memref<2x2048xi32, #tpu.memory_space<vmem>> -> memref<1x2048xi32, #tpu.memory_space<vmem>>
    %dma_start3A_194 = tpu.memref_squeeze %dma_start3A_193 : memref<1x2048xi32, #tpu.memory_space<vmem>> -> memref<2048xi32, #tpu.memory_space<vmem>>
    %dma_start3A_195 = arith.constant 256 : i32
    %dma_start3A_196 = tpu.memref_slice %dma_start3A_194[%dma_start3A_195] : memref<2048xi32, #tpu.memory_space<vmem>> -> memref<128xi32, #tpu.memory_space<vmem>>
    %dma_start3A_197 = arith.constant 0 : i32
    %dma_start3A_198 = tpu.memref_slice %arg2[%dma_start3A_197] : memref<1000000xf32, #tpu.memory_space<hbm>> -> memref<1000000xf32, #tpu.memory_space<hbm>>
    tpu.enqueue_indirect_dma source(%dma_start3A_198 : memref<1000000xf32, #tpu.memory_space<hbm>>) target(%dma_start3A_191 : memref<128xf32, #tpu.memory_space<vmem>>) offsets(%dma_start3A_196 : memref<128xi32, #tpu.memory_space<vmem>>) semaphore(%arg15 : memref<!tpu.dma_semaphore, #tpu.memory_space<semaphore_mem>>)
    %dma_start3A_199 = arith.constant 0 : i32
    %dma_start3A_200 = arith.constant 0 : i32
    %dma_start3A_201 = arith.constant 0 : i32
    %dma_start3A_202 = tpu.memref_slice %arg12[%dma_start3A_200, %dma_start3A_201] : memref<2x2048xf32, #tpu.memory_space<vmem>> -> memref<1x2048xf32, #tpu.memory_space<vmem>>
    %dma_start3A_203 = tpu.memref_squeeze %dma_start3A_202 : memref<1x2048xf32, #tpu.memory_space<vmem>> -> memref<2048xf32, #tpu.memory_space<vmem>>
    %dma_start3A_204 = arith.constant 256 : i32
    %dma_start3A_205 = tpu.memref_slice %dma_start3A_203[%dma_start3A_204] : memref<2048xf32, #tpu.memory_space<vmem>> -> memref<128xf32, #tpu.memory_space<vmem>>
    %dma_start3A_206 = arith.constant 0 : i32
    %dma_start3A_207 = tpu.memref_slice %arg8[%dma_start3A_199, %dma_start3A_206] : memref<2x2048xi32, #tpu.memory_space<vmem>> -> memref<1x2048xi32, #tpu.memory_space<vmem>>
    %dma_start3A_208 = tpu.memref_squeeze %dma_start3A_207 : memref<1x2048xi32, #tpu.memory_space<vmem>> -> memref<2048xi32, #tpu.memory_space<vmem>>
    %dma_start3A_209 = arith.constant 256 : i32
    %dma_start3A_210 = tpu.memref_slice %dma_start3A_208[%dma_start3A_209] : memref<2048xi32, #tpu.memory_space<vmem>> -> memref<128xi32, #tpu.memory_space<vmem>>
    %dma_start3A_211 = arith.constant 0 : i32
    %dma_start3A_212 = tpu.memref_slice %arg3[%dma_start3A_211] : memref<1000000xf32, #tpu.memory_space<hbm>> -> memref<1000000xf32, #tpu.memory_space<hbm>>
    tpu.enqueue_indirect_dma source(%dma_start3A_212 : memref<1000000xf32, #tpu.memory_space<hbm>>) target(%dma_start3A_205 : memref<128xf32, #tpu.memory_space<vmem>>) offsets(%dma_start3A_210 : memref<128xi32, #tpu.memory_space<vmem>>) semaphore(%arg15 : memref<!tpu.dma_semaphore, #tpu.memory_space<semaphore_mem>>)
    %dma_start3A_213 = arith.constant 0 : i32
    %dma_start3A_214 = arith.constant 0 : i32
    %dma_start3A_215 = arith.constant 0 : i32
    %dma_start3A_216 = tpu.memref_slice %arg9[%dma_start3A_214, %dma_start3A_215] : memref<2x2048xf32, #tpu.memory_space<vmem>> -> memref<1x2048xf32, #tpu.memory_space<vmem>>
    %dma_start3A_217 = tpu.memref_squeeze %dma_start3A_216 : memref<1x2048xf32, #tpu.memory_space<vmem>> -> memref<2048xf32, #tpu.memory_space<vmem>>
    %dma_start3A_218 = arith.constant 384 : i32
    %dma_start3A_219 = tpu.memref_slice %dma_start3A_217[%dma_start3A_218] : memref<2048xf32, #tpu.memory_space<vmem>> -> memref<128xf32, #tpu.memory_space<vmem>>
    %dma_start3A_220 = arith.constant 0 : i32
    %dma_start3A_221 = tpu.memref_slice %arg7[%dma_start3A_213, %dma_start3A_220] : memref<2x2048xi32, #tpu.memory_space<vmem>> -> memref<1x2048xi32, #tpu.memory_space<vmem>>
    %dma_start3A_222 = tpu.memref_squeeze %dma_start3A_221 : memref<1x2048xi32, #tpu.memory_space<vmem>> -> memref<2048xi32, #tpu.memory_space<vmem>>
    %dma_start3A_223 = arith.constant 384 : i32
    %dma_start3A_224 = tpu.memref_slice %dma_start3A_222[%dma_start3A_223] : memref<2048xi32, #tpu.memory_space<vmem>> -> memref<128xi32, #tpu.memory_space<vmem>>
    %dma_start3A_225 = arith.constant 0 : i32
    %dma_start3A_226 = tpu.memref_slice %arg2[%dma_start3A_225] : memref<1000000xf32, #tpu.memory_space<hbm>> -> memref<1000000xf32, #tpu.memory_space<hbm>>
    tpu.enqueue_indirect_dma source(%dma_start3A_226 : memref<1000000xf32, #tpu.memory_space<hbm>>) target(%dma_start3A_219 : memref<128xf32, #tpu.memory_space<vmem>>) offsets(%dma_start3A_224 : memref<128xi32, #tpu.memory_space<vmem>>) semaphore(%arg15 : memref<!tpu.dma_semaphore, #tpu.memory_space<semaphore_mem>>)
    %dma_start3A_227 = arith.constant 0 : i32
    %dma_start3A_228 = arith.constant 0 : i32
    %dma_start3A_229 = arith.constant 0 : i32
    %dma_start3A_230 = tpu.memref_slice %arg10[%dma_start3A_228, %dma_start3A_229] : memref<2x2048xf32, #tpu.memory_space<vmem>> -> memref<1x2048xf32, #tpu.memory_space<vmem>>
    %dma_start3A_231 = tpu.memref_squeeze %dma_start3A_230 : memref<1x2048xf32, #tpu.memory_space<vmem>> -> memref<2048xf32, #tpu.memory_space<vmem>>
    %dma_start3A_232 = arith.constant 384 : i32
    %dma_start3A_233 = tpu.memref_slice %dma_start3A_231[%dma_start3A_232] : memref<2048xf32, #tpu.memory_space<vmem>> -> memref<128xf32, #tpu.memory_space<vmem>>
    %dma_start3A_234 = arith.constant 0 : i32
    %dma_start3A_235 = tpu.memref_slice %arg7[%dma_start3A_227, %dma_start3A_234] : memref<2x2048xi32, #tpu.memory_space<vmem>> -> memref<1x2048xi32, #tpu.memory_space<vmem>>
    %dma_start3A_236 = tpu.memref_squeeze %dma_start3A_235 : memref<1x2048xi32, #tpu.memory_space<vmem>> -> memref<2048xi32, #tpu.memory_space<vmem>>
    %dma_start3A_237 = arith.constant 384 : i32
    %dma_start3A_238 = tpu.memref_slice %dma_start3A_236[%dma_start3A_237] : memref<2048xi32, #tpu.memory_space<vmem>> -> memref<128xi32, #tpu.memory_space<vmem>>
    %dma_start3A_239 = arith.constant 0 : i32
    %dma_start3A_240 = tpu.memref_slice %arg3[%dma_start3A_239] : memref<1000000xf32, #tpu.memory_space<hbm>> -> memref<1000000xf32, #tpu.memory_space<hbm>>
    tpu.enqueue_indirect_dma source(%dma_start3A_240 : memref<1000000xf32, #tpu.memory_space<hbm>>) target(%dma_start3A_233 : memref<128xf32, #tpu.memory_space<vmem>>) offsets(%dma_start3A_238 : memref<128xi32, #tpu.memory_space<vmem>>) semaphore(%arg15 : memref<!tpu.dma_semaphore, #tpu.memory_space<semaphore_mem>>)
    %dma_start3A_241 = arith.constant 0 : i32
    %dma_start3A_242 = arith.constant 0 : i32
    %dma_start3A_243 = arith.constant 0 : i32
    %dma_start3A_244 = tpu.memref_slice %arg11[%dma_start3A_242, %dma_start3A_243] : memref<2x2048xf32, #tpu.memory_space<vmem>> -> memref<1x2048xf32, #tpu.memory_space<vmem>>
    %dma_start3A_245 = tpu.memref_squeeze %dma_start3A_244 : memref<1x2048xf32, #tpu.memory_space<vmem>> -> memref<2048xf32, #tpu.memory_space<vmem>>
    %dma_start3A_246 = arith.constant 384 : i32
    %dma_start3A_247 = tpu.memref_slice %dma_start3A_245[%dma_start3A_246] : memref<2048xf32, #tpu.memory_space<vmem>> -> memref<128xf32, #tpu.memory_space<vmem>>
    %dma_start3A_248 = arith.constant 0 : i32
    %dma_start3A_249 = tpu.memref_slice %arg8[%dma_start3A_241, %dma_start3A_248] : memref<2x2048xi32, #tpu.memory_space<vmem>> -> memref<1x2048xi32, #tpu.memory_space<vmem>>
    %dma_start3A_250 = tpu.memref_squeeze %dma_start3A_249 : memref<1x2048xi32, #tpu.memory_space<vmem>> -> memref<2048xi32, #tpu.memory_space<vmem>>
    %dma_start3A_251 = arith.constant 384 : i32
    %dma_start3A_252 = tpu.memref_slice %dma_start3A_250[%dma_start3A_251] : memref<2048xi32, #tpu.memory_space<vmem>> -> memref<128xi32, #tpu.memory_space<vmem>>
    %dma_start3A_253 = arith.constant 0 : i32
    %dma_start3A_254 = tpu.memref_slice %arg2[%dma_start3A_253] : memref<1000000xf32, #tpu.memory_space<hbm>> -> memref<1000000xf32, #tpu.memory_space<hbm>>
    tpu.enqueue_indirect_dma source(%dma_start3A_254 : memref<1000000xf32, #tpu.memory_space<hbm>>) target(%dma_start3A_247 : memref<128xf32, #tpu.memory_space<vmem>>) offsets(%dma_start3A_252 : memref<128xi32, #tpu.memory_space<vmem>>) semaphore(%arg15 : memref<!tpu.dma_semaphore, #tpu.memory_space<semaphore_mem>>)
    %dma_start3A_255 = arith.constant 0 : i32
    %dma_start3A_256 = arith.constant 0 : i32
    %dma_start3A_257 = arith.constant 0 : i32
    %dma_start3A_258 = tpu.memref_slice %arg12[%dma_start3A_256, %dma_start3A_257] : memref<2x2048xf32, #tpu.memory_space<vmem>> -> memref<1x2048xf32, #tpu.memory_space<vmem>>
    %dma_start3A_259 = tpu.memref_squeeze %dma_start3A_258 : memref<1x2048xf32, #tpu.memory_space<vmem>> -> memref<2048xf32, #tpu.memory_space<vmem>>
    %dma_start3A_260 = arith.constant 384 : i32
    %dma_start3A_261 = tpu.memref_slice %dma_start3A_259[%dma_start3A_260] : memref<2048xf32, #tpu.memory_space<vmem>> -> memref<128xf32, #tpu.memory_space<vmem>>
    %dma_start3A_262 = arith.constant 0 : i32
    %dma_start3A_263 = tpu.memref_slice %arg8[%dma_start3A_255, %dma_start3A_262] : memref<2x2048xi32, #tpu.memory_space<vmem>> -> memref<1x2048xi32, #tpu.memory_space<vmem>>
    %dma_start3A_264 = tpu.memref_squeeze %dma_start3A_263 : memref<1x2048xi32, #tpu.memory_space<vmem>> -> memref<2048xi32, #tpu.memory_space<vmem>>
    %dma_start3A_265 = arith.constant 384 : i32
    %dma_start3A_266 = tpu.memref_slice %dma_start3A_264[%dma_start3A_265] : memref<2048xi32, #tpu.memory_space<vmem>> -> memref<128xi32, #tpu.memory_space<vmem>>
    %dma_start3A_267 = arith.constant 0 : i32
    %dma_start3A_268 = tpu.memref_slice %arg3[%dma_start3A_267] : memref<1000000xf32, #tpu.memory_space<hbm>> -> memref<1000000xf32, #tpu.memory_space<hbm>>
    tpu.enqueue_indirect_dma source(%dma_start3A_268 : memref<1000000xf32, #tpu.memory_space<hbm>>) target(%dma_start3A_261 : memref<128xf32, #tpu.memory_space<vmem>>) offsets(%dma_start3A_266 : memref<128xi32, #tpu.memory_space<vmem>>) semaphore(%arg15 : memref<!tpu.dma_semaphore, #tpu.memory_space<semaphore_mem>>)
    %dma_start3A_269 = arith.constant 0 : i32
    %dma_start3A_270 = arith.constant 0 : i32
    %dma_start3A_271 = arith.constant 0 : i32
    %dma_start3A_272 = tpu.memref_slice %arg9[%dma_start3A_270, %dma_start3A_271] : memref<2x2048xf32, #tpu.memory_space<vmem>> -> memref<1x2048xf32, #tpu.memory_space<vmem>>
    %dma_start3A_273 = tpu.memref_squeeze %dma_start3A_272 : memref<1x2048xf32, #tpu.memory_space<vmem>> -> memref<2048xf32, #tpu.memory_space<vmem>>
    %dma_start3A_274 = arith.constant 512 : i32
    %dma_start3A_275 = tpu.memref_slice %dma_start3A_273[%dma_start3A_274] : memref<2048xf32, #tpu.memory_space<vmem>> -> memref<128xf32, #tpu.memory_space<vmem>>
    %dma_start3A_276 = arith.constant 0 : i32
    %dma_start3A_277 = tpu.memref_slice %arg7[%dma_start3A_269, %dma_start3A_276] : memref<2x2048xi32, #tpu.memory_space<vmem>> -> memref<1x2048xi32, #tpu.memory_space<vmem>>
    %dma_start3A_278 = tpu.memref_squeeze %dma_start3A_277 : memref<1x2048xi32, #tpu.memory_space<vmem>> -> memref<2048xi32, #tpu.memory_space<vmem>>
    %dma_start3A_279 = arith.constant 512 : i32
    %dma_start3A_280 = tpu.memref_slice %dma_start3A_278[%dma_start3A_279] : memref<2048xi32, #tpu.memory_space<vmem>> -> memref<128xi32, #tpu.memory_space<vmem>>
    %dma_start3A_281 = arith.constant 0 : i32
    %dma_start3A_282 = tpu.memref_slice %arg2[%dma_start3A_281] : memref<1000000xf32, #tpu.memory_space<hbm>> -> memref<1000000xf32, #tpu.memory_space<hbm>>
    tpu.enqueue_indirect_dma source(%dma_start3A_282 : memref<1000000xf32, #tpu.memory_space<hbm>>) target(%dma_start3A_275 : memref<128xf32, #tpu.memory_space<vmem>>) offsets(%dma_start3A_280 : memref<128xi32, #tpu.memory_space<vmem>>) semaphore(%arg15 : memref<!tpu.dma_semaphore, #tpu.memory_space<semaphore_mem>>)
    %dma_start3A_283 = arith.constant 0 : i32
    %dma_start3A_284 = arith.constant 0 : i32
    %dma_start3A_285 = arith.constant 0 : i32
    %dma_start3A_286 = tpu.memref_slice %arg10[%dma_start3A_284, %dma_start3A_285] : memref<2x2048xf32, #tpu.memory_space<vmem>> -> memref<1x2048xf32, #tpu.memory_space<vmem>>
    %dma_start3A_287 = tpu.memref_squeeze %dma_start3A_286 : memref<1x2048xf32, #tpu.memory_space<vmem>> -> memref<2048xf32, #tpu.memory_space<vmem>>
    %dma_start3A_288 = arith.constant 512 : i32
    %dma_start3A_289 = tpu.memref_slice %dma_start3A_287[%dma_start3A_288] : memref<2048xf32, #tpu.memory_space<vmem>> -> memref<128xf32, #tpu.memory_space<vmem>>
    %dma_start3A_290 = arith.constant 0 : i32
    %dma_start3A_291 = tpu.memref_slice %arg7[%dma_start3A_283, %dma_start3A_290] : memref<2x2048xi32, #tpu.memory_space<vmem>> -> memref<1x2048xi32, #tpu.memory_space<vmem>>
    %dma_start3A_292 = tpu.memref_squeeze %dma_start3A_291 : memref<1x2048xi32, #tpu.memory_space<vmem>> -> memref<2048xi32, #tpu.memory_space<vmem>>
    %dma_start3A_293 = arith.constant 512 : i32
    %dma_start3A_294 = tpu.memref_slice %dma_start3A_292[%dma_start3A_293] : memref<2048xi32, #tpu.memory_space<vmem>> -> memref<128xi32, #tpu.memory_space<vmem>>
    %dma_start3A_295 = arith.constant 0 : i32
    %dma_start3A_296 = tpu.memref_slice %arg3[%dma_start3A_295] : memref<1000000xf32, #tpu.memory_space<hbm>> -> memref<1000000xf32, #tpu.memory_space<hbm>>
    tpu.enqueue_indirect_dma source(%dma_start3A_296 : memref<1000000xf32, #tpu.memory_space<hbm>>) target(%dma_start3A_289 : memref<128xf32, #tpu.memory_space<vmem>>) offsets(%dma_start3A_294 : memref<128xi32, #tpu.memory_space<vmem>>) semaphore(%arg15 : memref<!tpu.dma_semaphore, #tpu.memory_space<semaphore_mem>>)
    %dma_start3A_297 = arith.constant 0 : i32
    %dma_start3A_298 = arith.constant 0 : i32
    %dma_start3A_299 = arith.constant 0 : i32
    %dma_start3A_300 = tpu.memref_slice %arg11[%dma_start3A_298, %dma_start3A_299] : memref<2x2048xf32, #tpu.memory_space<vmem>> -> memref<1x2048xf32, #tpu.memory_space<vmem>>
    %dma_start3A_301 = tpu.memref_squeeze %dma_start3A_300 : memref<1x2048xf32, #tpu.memory_space<vmem>> -> memref<2048xf32, #tpu.memory_space<vmem>>
    %dma_start3A_302 = arith.constant 512 : i32
    %dma_start3A_303 = tpu.memref_slice %dma_start3A_301[%dma_start3A_302] : memref<2048xf32, #tpu.memory_space<vmem>> -> memref<128xf32, #tpu.memory_space<vmem>>
    %dma_start3A_304 = arith.constant 0 : i32
    %dma_start3A_305 = tpu.memref_slice %arg8[%dma_start3A_297, %dma_start3A_304] : memref<2x2048xi32, #tpu.memory_space<vmem>> -> memref<1x2048xi32, #tpu.memory_space<vmem>>
    %dma_start3A_306 = tpu.memref_squeeze %dma_start3A_305 : memref<1x2048xi32, #tpu.memory_space<vmem>> -> memref<2048xi32, #tpu.memory_space<vmem>>
    %dma_start3A_307 = arith.constant 512 : i32
    %dma_start3A_308 = tpu.memref_slice %dma_start3A_306[%dma_start3A_307] : memref<2048xi32, #tpu.memory_space<vmem>> -> memref<128xi32, #tpu.memory_space<vmem>>
    %dma_start3A_309 = arith.constant 0 : i32
    %dma_start3A_310 = tpu.memref_slice %arg2[%dma_start3A_309] : memref<1000000xf32, #tpu.memory_space<hbm>> -> memref<1000000xf32, #tpu.memory_space<hbm>>
    tpu.enqueue_indirect_dma source(%dma_start3A_310 : memref<1000000xf32, #tpu.memory_space<hbm>>) target(%dma_start3A_303 : memref<128xf32, #tpu.memory_space<vmem>>) offsets(%dma_start3A_308 : memref<128xi32, #tpu.memory_space<vmem>>) semaphore(%arg15 : memref<!tpu.dma_semaphore, #tpu.memory_space<semaphore_mem>>)
    %dma_start3A_311 = arith.constant 0 : i32
    %dma_start3A_312 = arith.constant 0 : i32
    %dma_start3A_313 = arith.constant 0 : i32
    %dma_start3A_314 = tpu.memref_slice %arg12[%dma_start3A_312, %dma_start3A_313] : memref<2x2048xf32, #tpu.memory_space<vmem>> -> memref<1x2048xf32, #tpu.memory_space<vmem>>
    %dma_start3A_315 = tpu.memref_squeeze %dma_start3A_314 : memref<1x2048xf32, #tpu.memory_space<vmem>> -> memref<2048xf32, #tpu.memory_space<vmem>>
    %dma_start3A_316 = arith.constant 512 : i32
    %dma_start3A_317 = tpu.memref_slice %dma_start3A_315[%dma_start3A_316] : memref<2048xf32, #tpu.memory_space<vmem>> -> memref<128xf32, #tpu.memory_space<vmem>>
    %dma_start3A_318 = arith.constant 0 : i32
    %dma_start3A_319 = tpu.memref_slice %arg8[%dma_start3A_311, %dma_start3A_318] : memref<2x2048xi32, #tpu.memory_space<vmem>> -> memref<1x2048xi32, #tpu.memory_space<vmem>>
    %dma_start3A_320 = tpu.memref_squeeze %dma_start3A_319 : memref<1x2048xi32, #tpu.memory_space<vmem>> -> memref<2048xi32, #tpu.memory_space<vmem>>
    %dma_start3A_321 = arith.constant 512 : i32
    %dma_start3A_322 = tpu.memref_slice %dma_start3A_320[%dma_start3A_321] : memref<2048xi32, #tpu.memory_space<vmem>> -> memref<128xi32, #tpu.memory_space<vmem>>
    %dma_start3A_323 = arith.constant 0 : i32
    %dma_start3A_324 = tpu.memref_slice %arg3[%dma_start3A_323] : memref<1000000xf32, #tpu.memory_space<hbm>> -> memref<1000000xf32, #tpu.memory_space<hbm>>
    tpu.enqueue_indirect_dma source(%dma_start3A_324 : memref<1000000xf32, #tpu.memory_space<hbm>>) target(%dma_start3A_317 : memref<128xf32, #tpu.memory_space<vmem>>) offsets(%dma_start3A_322 : memref<128xi32, #tpu.memory_space<vmem>>) semaphore(%arg15 : memref<!tpu.dma_semaphore, #tpu.memory_space<semaphore_mem>>)
    %dma_start3A_325 = arith.constant 0 : i32
    %dma_start3A_326 = arith.constant 0 : i32
    %dma_start3A_327 = arith.constant 0 : i32
    %dma_start3A_328 = tpu.memref_slice %arg9[%dma_start3A_326, %dma_start3A_327] : memref<2x2048xf32, #tpu.memory_space<vmem>> -> memref<1x2048xf32, #tpu.memory_space<vmem>>
    %dma_start3A_329 = tpu.memref_squeeze %dma_start3A_328 : memref<1x2048xf32, #tpu.memory_space<vmem>> -> memref<2048xf32, #tpu.memory_space<vmem>>
    %dma_start3A_330 = arith.constant 640 : i32
    %dma_start3A_331 = tpu.memref_slice %dma_start3A_329[%dma_start3A_330] : memref<2048xf32, #tpu.memory_space<vmem>> -> memref<128xf32, #tpu.memory_space<vmem>>
    %dma_start3A_332 = arith.constant 0 : i32
    %dma_start3A_333 = tpu.memref_slice %arg7[%dma_start3A_325, %dma_start3A_332] : memref<2x2048xi32, #tpu.memory_space<vmem>> -> memref<1x2048xi32, #tpu.memory_space<vmem>>
    %dma_start3A_334 = tpu.memref_squeeze %dma_start3A_333 : memref<1x2048xi32, #tpu.memory_space<vmem>> -> memref<2048xi32, #tpu.memory_space<vmem>>
    %dma_start3A_335 = arith.constant 640 : i32
    %dma_start3A_336 = tpu.memref_slice %dma_start3A_334[%dma_start3A_335] : memref<2048xi32, #tpu.memory_space<vmem>> -> memref<128xi32, #tpu.memory_space<vmem>>
    %dma_start3A_337 = arith.constant 0 : i32
    %dma_start3A_338 = tpu.memref_slice %arg2[%dma_start3A_337] : memref<1000000xf32, #tpu.memory_space<hbm>> -> memref<1000000xf32, #tpu.memory_space<hbm>>
    tpu.enqueue_indirect_dma source(%dma_start3A_338 : memref<1000000xf32, #tpu.memory_space<hbm>>) target(%dma_start3A_331 : memref<128xf32, #tpu.memory_space<vmem>>) offsets(%dma_start3A_336 : memref<128xi32, #tpu.memory_space<vmem>>) semaphore(%arg15 : memref<!tpu.dma_semaphore, #tpu.memory_space<semaphore_mem>>)
    %dma_start3A_339 = arith.constant 0 : i32
    %dma_start3A_340 = arith.constant 0 : i32
    %dma_start3A_341 = arith.constant 0 : i32
    %dma_start3A_342 = tpu.memref_slice %arg10[%dma_start3A_340, %dma_start3A_341] : memref<2x2048xf32, #tpu.memory_space<vmem>> -> memref<1x2048xf32, #tpu.memory_space<vmem>>
    %dma_start3A_343 = tpu.memref_squeeze %dma_start3A_342 : memref<1x2048xf32, #tpu.memory_space<vmem>> -> memref<2048xf32, #tpu.memory_space<vmem>>
    %dma_start3A_344 = arith.constant 640 : i32
    %dma_start3A_345 = tpu.memref_slice %dma_start3A_343[%dma_start3A_344] : memref<2048xf32, #tpu.memory_space<vmem>> -> memref<128xf32, #tpu.memory_space<vmem>>
    %dma_start3A_346 = arith.constant 0 : i32
    %dma_start3A_347 = tpu.memref_slice %arg7[%dma_start3A_339, %dma_start3A_346] : memref<2x2048xi32, #tpu.memory_space<vmem>> -> memref<1x2048xi32, #tpu.memory_space<vmem>>
    %dma_start3A_348 = tpu.memref_squeeze %dma_start3A_347 : memref<1x2048xi32, #tpu.memory_space<vmem>> -> memref<2048xi32, #tpu.memory_space<vmem>>
    %dma_start3A_349 = arith.constant 640 : i32
    %dma_start3A_350 = tpu.memref_slice %dma_start3A_348[%dma_start3A_349] : memref<2048xi32, #tpu.memory_space<vmem>> -> memref<128xi32, #tpu.memory_space<vmem>>
    %dma_start3A_351 = arith.constant 0 : i32
    %dma_start3A_352 = tpu.memref_slice %arg3[%dma_start3A_351] : memref<1000000xf32, #tpu.memory_space<hbm>> -> memref<1000000xf32, #tpu.memory_space<hbm>>
    tpu.enqueue_indirect_dma source(%dma_start3A_352 : memref<1000000xf32, #tpu.memory_space<hbm>>) target(%dma_start3A_345 : memref<128xf32, #tpu.memory_space<vmem>>) offsets(%dma_start3A_350 : memref<128xi32, #tpu.memory_space<vmem>>) semaphore(%arg15 : memref<!tpu.dma_semaphore, #tpu.memory_space<semaphore_mem>>)
    %dma_start3A_353 = arith.constant 0 : i32
    %dma_start3A_354 = arith.constant 0 : i32
    %dma_start3A_355 = arith.constant 0 : i32
    %dma_start3A_356 = tpu.memref_slice %arg11[%dma_start3A_354, %dma_start3A_355] : memref<2x2048xf32, #tpu.memory_space<vmem>> -> memref<1x2048xf32, #tpu.memory_space<vmem>>
    %dma_start3A_357 = tpu.memref_squeeze %dma_start3A_356 : memref<1x2048xf32, #tpu.memory_space<vmem>> -> memref<2048xf32, #tpu.memory_space<vmem>>
    %dma_start3A_358 = arith.constant 640 : i32
    %dma_start3A_359 = tpu.memref_slice %dma_start3A_357[%dma_start3A_358] : memref<2048xf32, #tpu.memory_space<vmem>> -> memref<128xf32, #tpu.memory_space<vmem>>
    %dma_start3A_360 = arith.constant 0 : i32
    %dma_start3A_361 = tpu.memref_slice %arg8[%dma_start3A_353, %dma_start3A_360] : memref<2x2048xi32, #tpu.memory_space<vmem>> -> memref<1x2048xi32, #tpu.memory_space<vmem>>
    %dma_start3A_362 = tpu.memref_squeeze %dma_start3A_361 : memref<1x2048xi32, #tpu.memory_space<vmem>> -> memref<2048xi32, #tpu.memory_space<vmem>>
    %dma_start3A_363 = arith.constant 640 : i32
    %dma_start3A_364 = tpu.memref_slice %dma_start3A_362[%dma_start3A_363] : memref<2048xi32, #tpu.memory_space<vmem>> -> memref<128xi32, #tpu.memory_space<vmem>>
    %dma_start3A_365 = arith.constant 0 : i32
    %dma_start3A_366 = tpu.memref_slice %arg2[%dma_start3A_365] : memref<1000000xf32, #tpu.memory_space<hbm>> -> memref<1000000xf32, #tpu.memory_space<hbm>>
    tpu.enqueue_indirect_dma source(%dma_start3A_366 : memref<1000000xf32, #tpu.memory_space<hbm>>) target(%dma_start3A_359 : memref<128xf32, #tpu.memory_space<vmem>>) offsets(%dma_start3A_364 : memref<128xi32, #tpu.memory_space<vmem>>) semaphore(%arg15 : memref<!tpu.dma_semaphore, #tpu.memory_space<semaphore_mem>>)
    %dma_start3A_367 = arith.constant 0 : i32
    %dma_start3A_368 = arith.constant 0 : i32
    %dma_start3A_369 = arith.constant 0 : i32
    %dma_start3A_370 = tpu.memref_slice %arg12[%dma_start3A_368, %dma_start3A_369] : memref<2x2048xf32, #tpu.memory_space<vmem>> -> memref<1x2048xf32, #tpu.memory_space<vmem>>
    %dma_start3A_371 = tpu.memref_squeeze %dma_start3A_370 : memref<1x2048xf32, #tpu.memory_space<vmem>> -> memref<2048xf32, #tpu.memory_space<vmem>>
    %dma_start3A_372 = arith.constant 640 : i32
    %dma_start3A_373 = tpu.memref_slice %dma_start3A_371[%dma_start3A_372] : memref<2048xf32, #tpu.memory_space<vmem>> -> memref<128xf32, #tpu.memory_space<vmem>>
    %dma_start3A_374 = arith.constant 0 : i32
    %dma_start3A_375 = tpu.memref_slice %arg8[%dma_start3A_367, %dma_start3A_374] : memref<2x2048xi32, #tpu.memory_space<vmem>> -> memref<1x2048xi32, #tpu.memory_space<vmem>>
    %dma_start3A_376 = tpu.memref_squeeze %dma_start3A_375 : memref<1x2048xi32, #tpu.memory_space<vmem>> -> memref<2048xi32, #tpu.memory_space<vmem>>
    %dma_start3A_377 = arith.constant 640 : i32
    %dma_start3A_378 = tpu.memref_slice %dma_start3A_376[%dma_start3A_377] : memref<2048xi32, #tpu.memory_space<vmem>> -> memref<128xi32, #tpu.memory_space<vmem>>
    %dma_start3A_379 = arith.constant 0 : i32
    %dma_start3A_380 = tpu.memref_slice %arg3[%dma_start3A_379] : memref<1000000xf32, #tpu.memory_space<hbm>> -> memref<1000000xf32, #tpu.memory_space<hbm>>
    tpu.enqueue_indirect_dma source(%dma_start3A_380 : memref<1000000xf32, #tpu.memory_space<hbm>>) target(%dma_start3A_373 : memref<128xf32, #tpu.memory_space<vmem>>) offsets(%dma_start3A_378 : memref<128xi32, #tpu.memory_space<vmem>>) semaphore(%arg15 : memref<!tpu.dma_semaphore, #tpu.memory_space<semaphore_mem>>)
    %dma_start3A_381 = arith.constant 0 : i32
    %dma_start3A_382 = arith.constant 0 : i32
    %dma_start3A_383 = arith.constant 0 : i32
    %dma_start3A_384 = tpu.memref_slice %arg9[%dma_start3A_382, %dma_start3A_383] : memref<2x2048xf32, #tpu.memory_space<vmem>> -> memref<1x2048xf32, #tpu.memory_space<vmem>>
    %dma_start3A_385 = tpu.memref_squeeze %dma_start3A_384 : memref<1x2048xf32, #tpu.memory_space<vmem>> -> memref<2048xf32, #tpu.memory_space<vmem>>
    %dma_start3A_386 = arith.constant 768 : i32
    %dma_start3A_387 = tpu.memref_slice %dma_start3A_385[%dma_start3A_386] : memref<2048xf32, #tpu.memory_space<vmem>> -> memref<128xf32, #tpu.memory_space<vmem>>
    %dma_start3A_388 = arith.constant 0 : i32
    %dma_start3A_389 = tpu.memref_slice %arg7[%dma_start3A_381, %dma_start3A_388] : memref<2x2048xi32, #tpu.memory_space<vmem>> -> memref<1x2048xi32, #tpu.memory_space<vmem>>
    %dma_start3A_390 = tpu.memref_squeeze %dma_start3A_389 : memref<1x2048xi32, #tpu.memory_space<vmem>> -> memref<2048xi32, #tpu.memory_space<vmem>>
    %dma_start3A_391 = arith.constant 768 : i32
    %dma_start3A_392 = tpu.memref_slice %dma_start3A_390[%dma_start3A_391] : memref<2048xi32, #tpu.memory_space<vmem>> -> memref<128xi32, #tpu.memory_space<vmem>>
    %dma_start3A_393 = arith.constant 0 : i32
    %dma_start3A_394 = tpu.memref_slice %arg2[%dma_start3A_393] : memref<1000000xf32, #tpu.memory_space<hbm>> -> memref<1000000xf32, #tpu.memory_space<hbm>>
    tpu.enqueue_indirect_dma source(%dma_start3A_394 : memref<1000000xf32, #tpu.memory_space<hbm>>) target(%dma_start3A_387 : memref<128xf32, #tpu.memory_space<vmem>>) offsets(%dma_start3A_392 : memref<128xi32, #tpu.memory_space<vmem>>) semaphore(%arg15 : memref<!tpu.dma_semaphore, #tpu.memory_space<semaphore_mem>>)
    %dma_start3A_395 = arith.constant 0 : i32
    %dma_start3A_396 = arith.constant 0 : i32
    %dma_start3A_397 = arith.constant 0 : i32
    %dma_start3A_398 = tpu.memref_slice %arg10[%dma_start3A_396, %dma_start3A_397] : memref<2x2048xf32, #tpu.memory_space<vmem>> -> memref<1x2048xf32, #tpu.memory_space<vmem>>
    %dma_start3A_399 = tpu.memref_squeeze %dma_start3A_398 : memref<1x2048xf32, #tpu.memory_space<vmem>> -> memref<2048xf32, #tpu.memory_space<vmem>>
    %dma_start3A_400 = arith.constant 768 : i32
    %dma_start3A_401 = tpu.memref_slice %dma_start3A_399[%dma_start3A_400] : memref<2048xf32, #tpu.memory_space<vmem>> -> memref<128xf32, #tpu.memory_space<vmem>>
    %dma_start3A_402 = arith.constant 0 : i32
    %dma_start3A_403 = tpu.memref_slice %arg7[%dma_start3A_395, %dma_start3A_402] : memref<2x2048xi32, #tpu.memory_space<vmem>> -> memref<1x2048xi32, #tpu.memory_space<vmem>>
    %dma_start3A_404 = tpu.memref_squeeze %dma_start3A_403 : memref<1x2048xi32, #tpu.memory_space<vmem>> -> memref<2048xi32, #tpu.memory_space<vmem>>
    %dma_start3A_405 = arith.constant 768 : i32
    %dma_start3A_406 = tpu.memref_slice %dma_start3A_404[%dma_start3A_405] : memref<2048xi32, #tpu.memory_space<vmem>> -> memref<128xi32, #tpu.memory_space<vmem>>
    %dma_start3A_407 = arith.constant 0 : i32
    %dma_start3A_408 = tpu.memref_slice %arg3[%dma_start3A_407] : memref<1000000xf32, #tpu.memory_space<hbm>> -> memref<1000000xf32, #tpu.memory_space<hbm>>
    tpu.enqueue_indirect_dma source(%dma_start3A_408 : memref<1000000xf32, #tpu.memory_space<hbm>>) target(%dma_start3A_401 : memref<128xf32, #tpu.memory_space<vmem>>) offsets(%dma_start3A_406 : memref<128xi32, #tpu.memory_space<vmem>>) semaphore(%arg15 : memref<!tpu.dma_semaphore, #tpu.memory_space<semaphore_mem>>)
    %dma_start3A_409 = arith.constant 0 : i32
    %dma_start3A_410 = arith.constant 0 : i32
    %dma_start3A_411 = arith.constant 0 : i32
    %dma_start3A_412 = tpu.memref_slice %arg11[%dma_start3A_410, %dma_start3A_411] : memref<2x2048xf32, #tpu.memory_space<vmem>> -> memref<1x2048xf32, #tpu.memory_space<vmem>>
    %dma_start3A_413 = tpu.memref_squeeze %dma_start3A_412 : memref<1x2048xf32, #tpu.memory_space<vmem>> -> memref<2048xf32, #tpu.memory_space<vmem>>
    %dma_start3A_414 = arith.constant 768 : i32
    %dma_start3A_415 = tpu.memref_slice %dma_start3A_413[%dma_start3A_414] : memref<2048xf32, #tpu.memory_space<vmem>> -> memref<128xf32, #tpu.memory_space<vmem>>
    %dma_start3A_416 = arith.constant 0 : i32
    %dma_start3A_417 = tpu.memref_slice %arg8[%dma_start3A_409, %dma_start3A_416] : memref<2x2048xi32, #tpu.memory_space<vmem>> -> memref<1x2048xi32, #tpu.memory_space<vmem>>
    %dma_start3A_418 = tpu.memref_squeeze %dma_start3A_417 : memref<1x2048xi32, #tpu.memory_space<vmem>> -> memref<2048xi32, #tpu.memory_space<vmem>>
    %dma_start3A_419 = arith.constant 768 : i32
    %dma_start3A_420 = tpu.memref_slice %dma_start3A_418[%dma_start3A_419] : memref<2048xi32, #tpu.memory_space<vmem>> -> memref<128xi32, #tpu.memory_space<vmem>>
    %dma_start3A_421 = arith.constant 0 : i32
    %dma_start3A_422 = tpu.memref_slice %arg2[%dma_start3A_421] : memref<1000000xf32, #tpu.memory_space<hbm>> -> memref<1000000xf32, #tpu.memory_space<hbm>>
    tpu.enqueue_indirect_dma source(%dma_start3A_422 : memref<1000000xf32, #tpu.memory_space<hbm>>) target(%dma_start3A_415 : memref<128xf32, #tpu.memory_space<vmem>>) offsets(%dma_start3A_420 : memref<128xi32, #tpu.memory_space<vmem>>) semaphore(%arg15 : memref<!tpu.dma_semaphore, #tpu.memory_space<semaphore_mem>>)
    %dma_start3A_423 = arith.constant 0 : i32
    %dma_start3A_424 = arith.constant 0 : i32
    %dma_start3A_425 = arith.constant 0 : i32
    %dma_start3A_426 = tpu.memref_slice %arg12[%dma_start3A_424, %dma_start3A_425] : memref<2x2048xf32, #tpu.memory_space<vmem>> -> memref<1x2048xf32, #tpu.memory_space<vmem>>
    %dma_start3A_427 = tpu.memref_squeeze %dma_start3A_426 : memref<1x2048xf32, #tpu.memory_space<vmem>> -> memref<2048xf32, #tpu.memory_space<vmem>>
    %dma_start3A_428 = arith.constant 768 : i32
    %dma_start3A_429 = tpu.memref_slice %dma_start3A_427[%dma_start3A_428] : memref<2048xf32, #tpu.memory_space<vmem>> -> memref<128xf32, #tpu.memory_space<vmem>>
    %dma_start3A_430 = arith.constant 0 : i32
    %dma_start3A_431 = tpu.memref_slice %arg8[%dma_start3A_423, %dma_start3A_430] : memref<2x2048xi32, #tpu.memory_space<vmem>> -> memref<1x2048xi32, #tpu.memory_space<vmem>>
    %dma_start3A_432 = tpu.memref_squeeze %dma_start3A_431 : memref<1x2048xi32, #tpu.memory_space<vmem>> -> memref<2048xi32, #tpu.memory_space<vmem>>
    %dma_start3A_433 = arith.constant 768 : i32
    %dma_start3A_434 = tpu.memref_slice %dma_start3A_432[%dma_start3A_433] : memref<2048xi32, #tpu.memory_space<vmem>> -> memref<128xi32, #tpu.memory_space<vmem>>
    %dma_start3A_435 = arith.constant 0 : i32
    %dma_start3A_436 = tpu.memref_slice %arg3[%dma_start3A_435] : memref<1000000xf32, #tpu.memory_space<hbm>> -> memref<1000000xf32, #tpu.memory_space<hbm>>
    tpu.enqueue_indirect_dma source(%dma_start3A_436 : memref<1000000xf32, #tpu.memory_space<hbm>>) target(%dma_start3A_429 : memref<128xf32, #tpu.memory_space<vmem>>) offsets(%dma_start3A_434 : memref<128xi32, #tpu.memory_space<vmem>>) semaphore(%arg15 : memref<!tpu.dma_semaphore, #tpu.memory_space<semaphore_mem>>)
    %dma_start3A_437 = arith.constant 0 : i32
    %dma_start3A_438 = arith.constant 0 : i32
    %dma_start3A_439 = arith.constant 0 : i32
    %dma_start3A_440 = tpu.memref_slice %arg9[%dma_start3A_438, %dma_start3A_439] : memref<2x2048xf32, #tpu.memory_space<vmem>> -> memref<1x2048xf32, #tpu.memory_space<vmem>>
    %dma_start3A_441 = tpu.memref_squeeze %dma_start3A_440 : memref<1x2048xf32, #tpu.memory_space<vmem>> -> memref<2048xf32, #tpu.memory_space<vmem>>
    %dma_start3A_442 = arith.constant 896 : i32
    %dma_start3A_443 = tpu.memref_slice %dma_start3A_441[%dma_start3A_442] : memref<2048xf32, #tpu.memory_space<vmem>> -> memref<128xf32, #tpu.memory_space<vmem>>
    %dma_start3A_444 = arith.constant 0 : i32
    %dma_start3A_445 = tpu.memref_slice %arg7[%dma_start3A_437, %dma_start3A_444] : memref<2x2048xi32, #tpu.memory_space<vmem>> -> memref<1x2048xi32, #tpu.memory_space<vmem>>
    %dma_start3A_446 = tpu.memref_squeeze %dma_start3A_445 : memref<1x2048xi32, #tpu.memory_space<vmem>> -> memref<2048xi32, #tpu.memory_space<vmem>>
    %dma_start3A_447 = arith.constant 896 : i32
    %dma_start3A_448 = tpu.memref_slice %dma_start3A_446[%dma_start3A_447] : memref<2048xi32, #tpu.memory_space<vmem>> -> memref<128xi32, #tpu.memory_space<vmem>>
    %dma_start3A_449 = arith.constant 0 : i32
    %dma_start3A_450 = tpu.memref_slice %arg2[%dma_start3A_449] : memref<1000000xf32, #tpu.memory_space<hbm>> -> memref<1000000xf32, #tpu.memory_space<hbm>>
    tpu.enqueue_indirect_dma source(%dma_start3A_450 : memref<1000000xf32, #tpu.memory_space<hbm>>) target(%dma_start3A_443 : memref<128xf32, #tpu.memory_space<vmem>>) offsets(%dma_start3A_448 : memref<128xi32, #tpu.memory_space<vmem>>) semaphore(%arg15 : memref<!tpu.dma_semaphore, #tpu.memory_space<semaphore_mem>>)
    %dma_start3A_451 = arith.constant 0 : i32
    %dma_start3A_452 = arith.constant 0 : i32
    %dma_start3A_453 = arith.constant 0 : i32
    %dma_start3A_454 = tpu.memref_slice %arg10[%dma_start3A_452, %dma_start3A_453] : memref<2x2048xf32, #tpu.memory_space<vmem>> -> memref<1x2048xf32, #tpu.memory_space<vmem>>
    %dma_start3A_455 = tpu.memref_squeeze %dma_start3A_454 : memref<1x2048xf32, #tpu.memory_space<vmem>> -> memref<2048xf32, #tpu.memory_space<vmem>>
    %dma_start3A_456 = arith.constant 896 : i32
    %dma_start3A_457 = tpu.memref_slice %dma_start3A_455[%dma_start3A_456] : memref<2048xf32, #tpu.memory_space<vmem>> -> memref<128xf32, #tpu.memory_space<vmem>>
    %dma_start3A_458 = arith.constant 0 : i32
    %dma_start3A_459 = tpu.memref_slice %arg7[%dma_start3A_451, %dma_start3A_458] : memref<2x2048xi32, #tpu.memory_space<vmem>> -> memref<1x2048xi32, #tpu.memory_space<vmem>>
    %dma_start3A_460 = tpu.memref_squeeze %dma_start3A_459 : memref<1x2048xi32, #tpu.memory_space<vmem>> -> memref<2048xi32, #tpu.memory_space<vmem>>
    %dma_start3A_461 = arith.constant 896 : i32
    %dma_start3A_462 = tpu.memref_slice %dma_start3A_460[%dma_start3A_461] : memref<2048xi32, #tpu.memory_space<vmem>> -> memref<128xi32, #tpu.memory_space<vmem>>
    %dma_start3A_463 = arith.constant 0 : i32
    %dma_start3A_464 = tpu.memref_slice %arg3[%dma_start3A_463] : memref<1000000xf32, #tpu.memory_space<hbm>> -> memref<1000000xf32, #tpu.memory_space<hbm>>
    tpu.enqueue_indirect_dma source(%dma_start3A_464 : memref<1000000xf32, #tpu.memory_space<hbm>>) target(%dma_start3A_457 : memref<128xf32, #tpu.memory_space<vmem>>) offsets(%dma_start3A_462 : memref<128xi32, #tpu.memory_space<vmem>>) semaphore(%arg15 : memref<!tpu.dma_semaphore, #tpu.memory_space<semaphore_mem>>)
    %dma_start3A_465 = arith.constant 0 : i32
    %dma_start3A_466 = arith.constant 0 : i32
    %dma_start3A_467 = arith.constant 0 : i32
    %dma_start3A_468 = tpu.memref_slice %arg11[%dma_start3A_466, %dma_start3A_467] : memref<2x2048xf32, #tpu.memory_space<vmem>> -> memref<1x2048xf32, #tpu.memory_space<vmem>>
    %dma_start3A_469 = tpu.memref_squeeze %dma_start3A_468 : memref<1x2048xf32, #tpu.memory_space<vmem>> -> memref<2048xf32, #tpu.memory_space<vmem>>
    %dma_start3A_470 = arith.constant 896 : i32
    %dma_start3A_471 = tpu.memref_slice %dma_start3A_469[%dma_start3A_470] : memref<2048xf32, #tpu.memory_space<vmem>> -> memref<128xf32, #tpu.memory_space<vmem>>
    %dma_start3A_472 = arith.constant 0 : i32
    %dma_start3A_473 = tpu.memref_slice %arg8[%dma_start3A_465, %dma_start3A_472] : memref<2x2048xi32, #tpu.memory_space<vmem>> -> memref<1x2048xi32, #tpu.memory_space<vmem>>
    %dma_start3A_474 = tpu.memref_squeeze %dma_start3A_473 : memref<1x2048xi32, #tpu.memory_space<vmem>> -> memref<2048xi32, #tpu.memory_space<vmem>>
    %dma_start3A_475 = arith.constant 896 : i32
    %dma_start3A_476 = tpu.memref_slice %dma_start3A_474[%dma_start3A_475] : memref<2048xi32, #tpu.memory_space<vmem>> -> memref<128xi32, #tpu.memory_space<vmem>>
    %dma_start3A_477 = arith.constant 0 : i32
    %dma_start3A_478 = tpu.memref_slice %arg2[%dma_start3A_477] : memref<1000000xf32, #tpu.memory_space<hbm>> -> memref<1000000xf32, #tpu.memory_space<hbm>>
    tpu.enqueue_indirect_dma source(%dma_start3A_478 : memref<1000000xf32, #tpu.memory_space<hbm>>) target(%dma_start3A_471 : memref<128xf32, #tpu.memory_space<vmem>>) offsets(%dma_start3A_476 : memref<128xi32, #tpu.memory_space<vmem>>) semaphore(%arg15 : memref<!tpu.dma_semaphore, #tpu.memory_space<semaphore_mem>>)
    %dma_start3A_479 = arith.constant 0 : i32
    %dma_start3A_480 = arith.constant 0 : i32
    %dma_start3A_481 = arith.constant 0 : i32
    %dma_start3A_482 = tpu.memref_slice %arg12[%dma_start3A_480, %dma_start3A_481] : memref<2x2048xf32, #tpu.memory_space<vmem>> -> memref<1x2048xf32, #tpu.memory_space<vmem>>
    %dma_start3A_483 = tpu.memref_squeeze %dma_start3A_482 : memref<1x2048xf32, #tpu.memory_space<vmem>> -> memref<2048xf32, #tpu.memory_space<vmem>>
    %dma_start3A_484 = arith.constant 896 : i32
    %dma_start3A_485 = tpu.memref_slice %dma_start3A_483[%dma_start3A_484] : memref<2048xf32, #tpu.memory_space<vmem>> -> memref<128xf32, #tpu.memory_space<vmem>>
    %dma_start3A_486 = arith.constant 0 : i32
    %dma_start3A_487 = tpu.memref_slice %arg8[%dma_start3A_479, %dma_start3A_486] : memref<2x2048xi32, #tpu.memory_space<vmem>> -> memref<1x2048xi32, #tpu.memory_space<vmem>>
    %dma_start3A_488 = tpu.memref_squeeze %dma_start3A_487 : memref<1x2048xi32, #tpu.memory_space<vmem>> -> memref<2048xi32, #tpu.memory_space<vmem>>
    %dma_start3A_489 = arith.constant 896 : i32
    %dma_start3A_490 = tpu.memref_slice %dma_start3A_488[%dma_start3A_489] : memref<2048xi32, #tpu.memory_space<vmem>> -> memref<128xi32, #tpu.memory_space<vmem>>
    %dma_start3A_491 = arith.constant 0 : i32
    %dma_start3A_492 = tpu.memref_slice %arg3[%dma_start3A_491] : memref<1000000xf32, #tpu.memory_space<hbm>> -> memref<1000000xf32, #tpu.memory_space<hbm>>
    tpu.enqueue_indirect_dma source(%dma_start3A_492 : memref<1000000xf32, #tpu.memory_space<hbm>>) target(%dma_start3A_485 : memref<128xf32, #tpu.memory_space<vmem>>) offsets(%dma_start3A_490 : memref<128xi32, #tpu.memory_space<vmem>>) semaphore(%arg15 : memref<!tpu.dma_semaphore, #tpu.memory_space<semaphore_mem>>)
    %dma_start3A_493 = arith.constant 0 : i32
    %dma_start3A_494 = arith.constant 0 : i32
    %dma_start3A_495 = arith.constant 0 : i32
    %dma_start3A_496 = tpu.memref_slice %arg9[%dma_start3A_494, %dma_start3A_495] : memref<2x2048xf32, #tpu.memory_space<vmem>> -> memref<1x2048xf32, #tpu.memory_space<vmem>>
    %dma_start3A_497 = tpu.memref_squeeze %dma_start3A_496 : memref<1x2048xf32, #tpu.memory_space<vmem>> -> memref<2048xf32, #tpu.memory_space<vmem>>
    %dma_start3A_498 = arith.constant 1024 : i32
    %dma_start3A_499 = tpu.memref_slice %dma_start3A_497[%dma_start3A_498] : memref<2048xf32, #tpu.memory_space<vmem>> -> memref<128xf32, #tpu.memory_space<vmem>>
    %dma_start3A_500 = arith.constant 0 : i32
    %dma_start3A_501 = tpu.memref_slice %arg7[%dma_start3A_493, %dma_start3A_500] : memref<2x2048xi32, #tpu.memory_space<vmem>> -> memref<1x2048xi32, #tpu.memory_space<vmem>>
    %dma_start3A_502 = tpu.memref_squeeze %dma_start3A_501 : memref<1x2048xi32, #tpu.memory_space<vmem>> -> memref<2048xi32, #tpu.memory_space<vmem>>
    %dma_start3A_503 = arith.constant 1024 : i32
    %dma_start3A_504 = tpu.memref_slice %dma_start3A_502[%dma_start3A_503] : memref<2048xi32, #tpu.memory_space<vmem>> -> memref<128xi32, #tpu.memory_space<vmem>>
    %dma_start3A_505 = arith.constant 0 : i32
    %dma_start3A_506 = tpu.memref_slice %arg2[%dma_start3A_505] : memref<1000000xf32, #tpu.memory_space<hbm>> -> memref<1000000xf32, #tpu.memory_space<hbm>>
    tpu.enqueue_indirect_dma source(%dma_start3A_506 : memref<1000000xf32, #tpu.memory_space<hbm>>) target(%dma_start3A_499 : memref<128xf32, #tpu.memory_space<vmem>>) offsets(%dma_start3A_504 : memref<128xi32, #tpu.memory_space<vmem>>) semaphore(%arg15 : memref<!tpu.dma_semaphore, #tpu.memory_space<semaphore_mem>>)
    %dma_start3A_507 = arith.constant 0 : i32
    %dma_start3A_508 = arith.constant 0 : i32
    %dma_start3A_509 = arith.constant 0 : i32
    %dma_start3A_510 = tpu.memref_slice %arg10[%dma_start3A_508, %dma_start3A_509] : memref<2x2048xf32, #tpu.memory_space<vmem>> -> memref<1x2048xf32, #tpu.memory_space<vmem>>
    %dma_start3A_511 = tpu.memref_squeeze %dma_start3A_510 : memref<1x2048xf32, #tpu.memory_space<vmem>> -> memref<2048xf32, #tpu.memory_space<vmem>>
    %dma_start3A_512 = arith.constant 1024 : i32
    %dma_start3A_513 = tpu.memref_slice %dma_start3A_511[%dma_start3A_512] : memref<2048xf32, #tpu.memory_space<vmem>> -> memref<128xf32, #tpu.memory_space<vmem>>
    %dma_start3A_514 = arith.constant 0 : i32
    %dma_start3A_515 = tpu.memref_slice %arg7[%dma_start3A_507, %dma_start3A_514] : memref<2x2048xi32, #tpu.memory_space<vmem>> -> memref<1x2048xi32, #tpu.memory_space<vmem>>
    %dma_start3A_516 = tpu.memref_squeeze %dma_start3A_515 : memref<1x2048xi32, #tpu.memory_space<vmem>> -> memref<2048xi32, #tpu.memory_space<vmem>>
    %dma_start3A_517 = arith.constant 1024 : i32
    %dma_start3A_518 = tpu.memref_slice %dma_start3A_516[%dma_start3A_517] : memref<2048xi32, #tpu.memory_space<vmem>> -> memref<128xi32, #tpu.memory_space<vmem>>
    %dma_start3A_519 = arith.constant 0 : i32
    %dma_start3A_520 = tpu.memref_slice %arg3[%dma_start3A_519] : memref<1000000xf32, #tpu.memory_space<hbm>> -> memref<1000000xf32, #tpu.memory_space<hbm>>
    tpu.enqueue_indirect_dma source(%dma_start3A_520 : memref<1000000xf32, #tpu.memory_space<hbm>>) target(%dma_start3A_513 : memref<128xf32, #tpu.memory_space<vmem>>) offsets(%dma_start3A_518 : memref<128xi32, #tpu.memory_space<vmem>>) semaphore(%arg15 : memref<!tpu.dma_semaphore, #tpu.memory_space<semaphore_mem>>)
    %dma_start3A_521 = arith.constant 0 : i32
    %dma_start3A_522 = arith.constant 0 : i32
    %dma_start3A_523 = arith.constant 0 : i32
    %dma_start3A_524 = tpu.memref_slice %arg11[%dma_start3A_522, %dma_start3A_523] : memref<2x2048xf32, #tpu.memory_space<vmem>> -> memref<1x2048xf32, #tpu.memory_space<vmem>>
    %dma_start3A_525 = tpu.memref_squeeze %dma_start3A_524 : memref<1x2048xf32, #tpu.memory_space<vmem>> -> memref<2048xf32, #tpu.memory_space<vmem>>
    %dma_start3A_526 = arith.constant 1024 : i32
    %dma_start3A_527 = tpu.memref_slice %dma_start3A_525[%dma_start3A_526] : memref<2048xf32, #tpu.memory_space<vmem>> -> memref<128xf32, #tpu.memory_space<vmem>>
    %dma_start3A_528 = arith.constant 0 : i32
    %dma_start3A_529 = tpu.memref_slice %arg8[%dma_start3A_521, %dma_start3A_528] : memref<2x2048xi32, #tpu.memory_space<vmem>> -> memref<1x2048xi32, #tpu.memory_space<vmem>>
    %dma_start3A_530 = tpu.memref_squeeze %dma_start3A_529 : memref<1x2048xi32, #tpu.memory_space<vmem>> -> memref<2048xi32, #tpu.memory_space<vmem>>
    %dma_start3A_531 = arith.constant 1024 : i32
    %dma_start3A_532 = tpu.memref_slice %dma_start3A_530[%dma_start3A_531] : memref<2048xi32, #tpu.memory_space<vmem>> -> memref<128xi32, #tpu.memory_space<vmem>>
    %dma_start3A_533 = arith.constant 0 : i32
    %dma_start3A_534 = tpu.memref_slice %arg2[%dma_start3A_533] : memref<1000000xf32, #tpu.memory_space<hbm>> -> memref<1000000xf32, #tpu.memory_space<hbm>>
    tpu.enqueue_indirect_dma source(%dma_start3A_534 : memref<1000000xf32, #tpu.memory_space<hbm>>) target(%dma_start3A_527 : memref<128xf32, #tpu.memory_space<vmem>>) offsets(%dma_start3A_532 : memref<128xi32, #tpu.memory_space<vmem>>) semaphore(%arg15 : memref<!tpu.dma_semaphore, #tpu.memory_space<semaphore_mem>>)
    %dma_start3A_535 = arith.constant 0 : i32
    %dma_start3A_536 = arith.constant 0 : i32
    %dma_start3A_537 = arith.constant 0 : i32
    %dma_start3A_538 = tpu.memref_slice %arg12[%dma_start3A_536, %dma_start3A_537] : memref<2x2048xf32, #tpu.memory_space<vmem>> -> memref<1x2048xf32, #tpu.memory_space<vmem>>
    %dma_start3A_539 = tpu.memref_squeeze %dma_start3A_538 : memref<1x2048xf32, #tpu.memory_space<vmem>> -> memref<2048xf32, #tpu.memory_space<vmem>>
    %dma_start3A_540 = arith.constant 1024 : i32
    %dma_start3A_541 = tpu.memref_slice %dma_start3A_539[%dma_start3A_540] : memref<2048xf32, #tpu.memory_space<vmem>> -> memref<128xf32, #tpu.memory_space<vmem>>
    %dma_start3A_542 = arith.constant 0 : i32
    %dma_start3A_543 = tpu.memref_slice %arg8[%dma_start3A_535, %dma_start3A_542] : memref<2x2048xi32, #tpu.memory_space<vmem>> -> memref<1x2048xi32, #tpu.memory_space<vmem>>
    %dma_start3A_544 = tpu.memref_squeeze %dma_start3A_543 : memref<1x2048xi32, #tpu.memory_space<vmem>> -> memref<2048xi32, #tpu.memory_space<vmem>>
    %dma_start3A_545 = arith.constant 1024 : i32
    %dma_start3A_546 = tpu.memref_slice %dma_start3A_544[%dma_start3A_545] : memref<2048xi32, #tpu.memory_space<vmem>> -> memref<128xi32, #tpu.memory_space<vmem>>
    %dma_start3A_547 = arith.constant 0 : i32
    %dma_start3A_548 = tpu.memref_slice %arg3[%dma_start3A_547] : memref<1000000xf32, #tpu.memory_space<hbm>> -> memref<1000000xf32, #tpu.memory_space<hbm>>
    tpu.enqueue_indirect_dma source(%dma_start3A_548 : memref<1000000xf32, #tpu.memory_space<hbm>>) target(%dma_start3A_541 : memref<128xf32, #tpu.memory_space<vmem>>) offsets(%dma_start3A_546 : memref<128xi32, #tpu.memory_space<vmem>>) semaphore(%arg15 : memref<!tpu.dma_semaphore, #tpu.memory_space<semaphore_mem>>)
    %dma_start3A_549 = arith.constant 0 : i32
    %dma_start3A_550 = arith.constant 0 : i32
    %dma_start3A_551 = arith.constant 0 : i32
    %dma_start3A_552 = tpu.memref_slice %arg9[%dma_start3A_550, %dma_start3A_551] : memref<2x2048xf32, #tpu.memory_space<vmem>> -> memref<1x2048xf32, #tpu.memory_space<vmem>>
    %dma_start3A_553 = tpu.memref_squeeze %dma_start3A_552 : memref<1x2048xf32, #tpu.memory_space<vmem>> -> memref<2048xf32, #tpu.memory_space<vmem>>
    %dma_start3A_554 = arith.constant 1152 : i32
    %dma_start3A_555 = tpu.memref_slice %dma_start3A_553[%dma_start3A_554] : memref<2048xf32, #tpu.memory_space<vmem>> -> memref<128xf32, #tpu.memory_space<vmem>>
    %dma_start3A_556 = arith.constant 0 : i32
    %dma_start3A_557 = tpu.memref_slice %arg7[%dma_start3A_549, %dma_start3A_556] : memref<2x2048xi32, #tpu.memory_space<vmem>> -> memref<1x2048xi32, #tpu.memory_space<vmem>>
    %dma_start3A_558 = tpu.memref_squeeze %dma_start3A_557 : memref<1x2048xi32, #tpu.memory_space<vmem>> -> memref<2048xi32, #tpu.memory_space<vmem>>
    %dma_start3A_559 = arith.constant 1152 : i32
    %dma_start3A_560 = tpu.memref_slice %dma_start3A_558[%dma_start3A_559] : memref<2048xi32, #tpu.memory_space<vmem>> -> memref<128xi32, #tpu.memory_space<vmem>>
    %dma_start3A_561 = arith.constant 0 : i32
    %dma_start3A_562 = tpu.memref_slice %arg2[%dma_start3A_561] : memref<1000000xf32, #tpu.memory_space<hbm>> -> memref<1000000xf32, #tpu.memory_space<hbm>>
    tpu.enqueue_indirect_dma source(%dma_start3A_562 : memref<1000000xf32, #tpu.memory_space<hbm>>) target(%dma_start3A_555 : memref<128xf32, #tpu.memory_space<vmem>>) offsets(%dma_start3A_560 : memref<128xi32, #tpu.memory_space<vmem>>) semaphore(%arg15 : memref<!tpu.dma_semaphore, #tpu.memory_space<semaphore_mem>>)
    %dma_start3A_563 = arith.constant 0 : i32
    %dma_start3A_564 = arith.constant 0 : i32
    %dma_start3A_565 = arith.constant 0 : i32
    %dma_start3A_566 = tpu.memref_slice %arg10[%dma_start3A_564, %dma_start3A_565] : memref<2x2048xf32, #tpu.memory_space<vmem>> -> memref<1x2048xf32, #tpu.memory_space<vmem>>
    %dma_start3A_567 = tpu.memref_squeeze %dma_start3A_566 : memref<1x2048xf32, #tpu.memory_space<vmem>> -> memref<2048xf32, #tpu.memory_space<vmem>>
    %dma_start3A_568 = arith.constant 1152 : i32
    %dma_start3A_569 = tpu.memref_slice %dma_start3A_567[%dma_start3A_568] : memref<2048xf32, #tpu.memory_space<vmem>> -> memref<128xf32, #tpu.memory_space<vmem>>
    %dma_start3A_570 = arith.constant 0 : i32
    %dma_start3A_571 = tpu.memref_slice %arg7[%dma_start3A_563, %dma_start3A_570] : memref<2x2048xi32, #tpu.memory_space<vmem>> -> memref<1x2048xi32, #tpu.memory_space<vmem>>
    %dma_start3A_572 = tpu.memref_squeeze %dma_start3A_571 : memref<1x2048xi32, #tpu.memory_space<vmem>> -> memref<2048xi32, #tpu.memory_space<vmem>>
    %dma_start3A_573 = arith.constant 1152 : i32
    %dma_start3A_574 = tpu.memref_slice %dma_start3A_572[%dma_start3A_573] : memref<2048xi32, #tpu.memory_space<vmem>> -> memref<128xi32, #tpu.memory_space<vmem>>
    %dma_start3A_575 = arith.constant 0 : i32
    %dma_start3A_576 = tpu.memref_slice %arg3[%dma_start3A_575] : memref<1000000xf32, #tpu.memory_space<hbm>> -> memref<1000000xf32, #tpu.memory_space<hbm>>
    tpu.enqueue_indirect_dma source(%dma_start3A_576 : memref<1000000xf32, #tpu.memory_space<hbm>>) target(%dma_start3A_569 : memref<128xf32, #tpu.memory_space<vmem>>) offsets(%dma_start3A_574 : memref<128xi32, #tpu.memory_space<vmem>>) semaphore(%arg15 : memref<!tpu.dma_semaphore, #tpu.memory_space<semaphore_mem>>)
    %dma_start3A_577 = arith.constant 0 : i32
    %dma_start3A_578 = arith.constant 0 : i32
    %dma_start3A_579 = arith.constant 0 : i32
    %dma_start3A_580 = tpu.memref_slice %arg11[%dma_start3A_578, %dma_start3A_579] : memref<2x2048xf32, #tpu.memory_space<vmem>> -> memref<1x2048xf32, #tpu.memory_space<vmem>>
    %dma_start3A_581 = tpu.memref_squeeze %dma_start3A_580 : memref<1x2048xf32, #tpu.memory_space<vmem>> -> memref<2048xf32, #tpu.memory_space<vmem>>
    %dma_start3A_582 = arith.constant 1152 : i32
    %dma_start3A_583 = tpu.memref_slice %dma_start3A_581[%dma_start3A_582] : memref<2048xf32, #tpu.memory_space<vmem>> -> memref<128xf32, #tpu.memory_space<vmem>>
    %dma_start3A_584 = arith.constant 0 : i32
    %dma_start3A_585 = tpu.memref_slice %arg8[%dma_start3A_577, %dma_start3A_584] : memref<2x2048xi32, #tpu.memory_space<vmem>> -> memref<1x2048xi32, #tpu.memory_space<vmem>>
    %dma_start3A_586 = tpu.memref_squeeze %dma_start3A_585 : memref<1x2048xi32, #tpu.memory_space<vmem>> -> memref<2048xi32, #tpu.memory_space<vmem>>
    %dma_start3A_587 = arith.constant 1152 : i32
    %dma_start3A_588 = tpu.memref_slice %dma_start3A_586[%dma_start3A_587] : memref<2048xi32, #tpu.memory_space<vmem>> -> memref<128xi32, #tpu.memory_space<vmem>>
    %dma_start3A_589 = arith.constant 0 : i32
    %dma_start3A_590 = tpu.memref_slice %arg2[%dma_start3A_589] : memref<1000000xf32, #tpu.memory_space<hbm>> -> memref<1000000xf32, #tpu.memory_space<hbm>>
    tpu.enqueue_indirect_dma source(%dma_start3A_590 : memref<1000000xf32, #tpu.memory_space<hbm>>) target(%dma_start3A_583 : memref<128xf32, #tpu.memory_space<vmem>>) offsets(%dma_start3A_588 : memref<128xi32, #tpu.memory_space<vmem>>) semaphore(%arg15 : memref<!tpu.dma_semaphore, #tpu.memory_space<semaphore_mem>>)
    %dma_start3A_591 = arith.constant 0 : i32
    %dma_start3A_592 = arith.constant 0 : i32
    %dma_start3A_593 = arith.constant 0 : i32
    %dma_start3A_594 = tpu.memref_slice %arg12[%dma_start3A_592, %dma_start3A_593] : memref<2x2048xf32, #tpu.memory_space<vmem>> -> memref<1x2048xf32, #tpu.memory_space<vmem>>
    %dma_start3A_595 = tpu.memref_squeeze %dma_start3A_594 : memref<1x2048xf32, #tpu.memory_space<vmem>> -> memref<2048xf32, #tpu.memory_space<vmem>>
    %dma_start3A_596 = arith.constant 1152 : i32
    %dma_start3A_597 = tpu.memref_slice %dma_start3A_595[%dma_start3A_596] : memref<2048xf32, #tpu.memory_space<vmem>> -> memref<128xf32, #tpu.memory_space<vmem>>
    %dma_start3A_598 = arith.constant 0 : i32
    %dma_start3A_599 = tpu.memref_slice %arg8[%dma_start3A_591, %dma_start3A_598] : memref<2x2048xi32, #tpu.memory_space<vmem>> -> memref<1x2048xi32, #tpu.memory_space<vmem>>
    %dma_start3A_600 = tpu.memref_squeeze %dma_start3A_599 : memref<1x2048xi32, #tpu.memory_space<vmem>> -> memref<2048xi32, #tpu.memory_space<vmem>>
    %dma_start3A_601 = arith.constant 1152 : i32
    %dma_start3A_602 = tpu.memref_slice %dma_start3A_600[%dma_start3A_601] : memref<2048xi32, #tpu.memory_space<vmem>> -> memref<128xi32, #tpu.memory_space<vmem>>
    %dma_start3A_603 = arith.constant 0 : i32
    %dma_start3A_604 = tpu.memref_slice %arg3[%dma_start3A_603] : memref<1000000xf32, #tpu.memory_space<hbm>> -> memref<1000000xf32, #tpu.memory_space<hbm>>
    tpu.enqueue_indirect_dma source(%dma_start3A_604 : memref<1000000xf32, #tpu.memory_space<hbm>>) target(%dma_start3A_597 : memref<128xf32, #tpu.memory_space<vmem>>) offsets(%dma_start3A_602 : memref<128xi32, #tpu.memory_space<vmem>>) semaphore(%arg15 : memref<!tpu.dma_semaphore, #tpu.memory_space<semaphore_mem>>)
    %dma_start3A_605 = arith.constant 0 : i32
    %dma_start3A_606 = arith.constant 0 : i32
    %dma_start3A_607 = arith.constant 0 : i32
    %dma_start3A_608 = tpu.memref_slice %arg9[%dma_start3A_606, %dma_start3A_607] : memref<2x2048xf32, #tpu.memory_space<vmem>> -> memref<1x2048xf32, #tpu.memory_space<vmem>>
    %dma_start3A_609 = tpu.memref_squeeze %dma_start3A_608 : memref<1x2048xf32, #tpu.memory_space<vmem>> -> memref<2048xf32, #tpu.memory_space<vmem>>
    %dma_start3A_610 = arith.constant 1280 : i32
    %dma_start3A_611 = tpu.memref_slice %dma_start3A_609[%dma_start3A_610] : memref<2048xf32, #tpu.memory_space<vmem>> -> memref<128xf32, #tpu.memory_space<vmem>>
    %dma_start3A_612 = arith.constant 0 : i32
    %dma_start3A_613 = tpu.memref_slice %arg7[%dma_start3A_605, %dma_start3A_612] : memref<2x2048xi32, #tpu.memory_space<vmem>> -> memref<1x2048xi32, #tpu.memory_space<vmem>>
    %dma_start3A_614 = tpu.memref_squeeze %dma_start3A_613 : memref<1x2048xi32, #tpu.memory_space<vmem>> -> memref<2048xi32, #tpu.memory_space<vmem>>
    %dma_start3A_615 = arith.constant 1280 : i32
    %dma_start3A_616 = tpu.memref_slice %dma_start3A_614[%dma_start3A_615] : memref<2048xi32, #tpu.memory_space<vmem>> -> memref<128xi32, #tpu.memory_space<vmem>>
    %dma_start3A_617 = arith.constant 0 : i32
    %dma_start3A_618 = tpu.memref_slice %arg2[%dma_start3A_617] : memref<1000000xf32, #tpu.memory_space<hbm>> -> memref<1000000xf32, #tpu.memory_space<hbm>>
    tpu.enqueue_indirect_dma source(%dma_start3A_618 : memref<1000000xf32, #tpu.memory_space<hbm>>) target(%dma_start3A_611 : memref<128xf32, #tpu.memory_space<vmem>>) offsets(%dma_start3A_616 : memref<128xi32, #tpu.memory_space<vmem>>) semaphore(%arg15 : memref<!tpu.dma_semaphore, #tpu.memory_space<semaphore_mem>>)
    %dma_start3A_619 = arith.constant 0 : i32
    %dma_start3A_620 = arith.constant 0 : i32
    %dma_start3A_621 = arith.constant 0 : i32
    %dma_start3A_622 = tpu.memref_slice %arg10[%dma_start3A_620, %dma_start3A_621] : memref<2x2048xf32, #tpu.memory_space<vmem>> -> memref<1x2048xf32, #tpu.memory_space<vmem>>
    %dma_start3A_623 = tpu.memref_squeeze %dma_start3A_622 : memref<1x2048xf32, #tpu.memory_space<vmem>> -> memref<2048xf32, #tpu.memory_space<vmem>>
    %dma_start3A_624 = arith.constant 1280 : i32
    %dma_start3A_625 = tpu.memref_slice %dma_start3A_623[%dma_start3A_624] : memref<2048xf32, #tpu.memory_space<vmem>> -> memref<128xf32, #tpu.memory_space<vmem>>
    %dma_start3A_626 = arith.constant 0 : i32
    %dma_start3A_627 = tpu.memref_slice %arg7[%dma_start3A_619, %dma_start3A_626] : memref<2x2048xi32, #tpu.memory_space<vmem>> -> memref<1x2048xi32, #tpu.memory_space<vmem>>
    %dma_start3A_628 = tpu.memref_squeeze %dma_start3A_627 : memref<1x2048xi32, #tpu.memory_space<vmem>> -> memref<2048xi32, #tpu.memory_space<vmem>>
    %dma_start3A_629 = arith.constant 1280 : i32
    %dma_start3A_630 = tpu.memref_slice %dma_start3A_628[%dma_start3A_629] : memref<2048xi32, #tpu.memory_space<vmem>> -> memref<128xi32, #tpu.memory_space<vmem>>
    %dma_start3A_631 = arith.constant 0 : i32
    %dma_start3A_632 = tpu.memref_slice %arg3[%dma_start3A_631] : memref<1000000xf32, #tpu.memory_space<hbm>> -> memref<1000000xf32, #tpu.memory_space<hbm>>
    tpu.enqueue_indirect_dma source(%dma_start3A_632 : memref<1000000xf32, #tpu.memory_space<hbm>>) target(%dma_start3A_625 : memref<128xf32, #tpu.memory_space<vmem>>) offsets(%dma_start3A_630 : memref<128xi32, #tpu.memory_space<vmem>>) semaphore(%arg15 : memref<!tpu.dma_semaphore, #tpu.memory_space<semaphore_mem>>)
    %dma_start3A_633 = arith.constant 0 : i32
    %dma_start3A_634 = arith.constant 0 : i32
    %dma_start3A_635 = arith.constant 0 : i32
    %dma_start3A_636 = tpu.memref_slice %arg11[%dma_start3A_634, %dma_start3A_635] : memref<2x2048xf32, #tpu.memory_space<vmem>> -> memref<1x2048xf32, #tpu.memory_space<vmem>>
    %dma_start3A_637 = tpu.memref_squeeze %dma_start3A_636 : memref<1x2048xf32, #tpu.memory_space<vmem>> -> memref<2048xf32, #tpu.memory_space<vmem>>
    %dma_start3A_638 = arith.constant 1280 : i32
    %dma_start3A_639 = tpu.memref_slice %dma_start3A_637[%dma_start3A_638] : memref<2048xf32, #tpu.memory_space<vmem>> -> memref<128xf32, #tpu.memory_space<vmem>>
    %dma_start3A_640 = arith.constant 0 : i32
    %dma_start3A_641 = tpu.memref_slice %arg8[%dma_start3A_633, %dma_start3A_640] : memref<2x2048xi32, #tpu.memory_space<vmem>> -> memref<1x2048xi32, #tpu.memory_space<vmem>>
    %dma_start3A_642 = tpu.memref_squeeze %dma_start3A_641 : memref<1x2048xi32, #tpu.memory_space<vmem>> -> memref<2048xi32, #tpu.memory_space<vmem>>
    %dma_start3A_643 = arith.constant 1280 : i32
    %dma_start3A_644 = tpu.memref_slice %dma_start3A_642[%dma_start3A_643] : memref<2048xi32, #tpu.memory_space<vmem>> -> memref<128xi32, #tpu.memory_space<vmem>>
    %dma_start3A_645 = arith.constant 0 : i32
    %dma_start3A_646 = tpu.memref_slice %arg2[%dma_start3A_645] : memref<1000000xf32, #tpu.memory_space<hbm>> -> memref<1000000xf32, #tpu.memory_space<hbm>>
    tpu.enqueue_indirect_dma source(%dma_start3A_646 : memref<1000000xf32, #tpu.memory_space<hbm>>) target(%dma_start3A_639 : memref<128xf32, #tpu.memory_space<vmem>>) offsets(%dma_start3A_644 : memref<128xi32, #tpu.memory_space<vmem>>) semaphore(%arg15 : memref<!tpu.dma_semaphore, #tpu.memory_space<semaphore_mem>>)
    %dma_start3A_647 = arith.constant 0 : i32
    %dma_start3A_648 = arith.constant 0 : i32
    %dma_start3A_649 = arith.constant 0 : i32
    %dma_start3A_650 = tpu.memref_slice %arg12[%dma_start3A_648, %dma_start3A_649] : memref<2x2048xf32, #tpu.memory_space<vmem>> -> memref<1x2048xf32, #tpu.memory_space<vmem>>
    %dma_start3A_651 = tpu.memref_squeeze %dma_start3A_650 : memref<1x2048xf32, #tpu.memory_space<vmem>> -> memref<2048xf32, #tpu.memory_space<vmem>>
    %dma_start3A_652 = arith.constant 1280 : i32
    %dma_start3A_653 = tpu.memref_slice %dma_start3A_651[%dma_start3A_652] : memref<2048xf32, #tpu.memory_space<vmem>> -> memref<128xf32, #tpu.memory_space<vmem>>
    %dma_start3A_654 = arith.constant 0 : i32
    %dma_start3A_655 = tpu.memref_slice %arg8[%dma_start3A_647, %dma_start3A_654] : memref<2x2048xi32, #tpu.memory_space<vmem>> -> memref<1x2048xi32, #tpu.memory_space<vmem>>
    %dma_start3A_656 = tpu.memref_squeeze %dma_start3A_655 : memref<1x2048xi32, #tpu.memory_space<vmem>> -> memref<2048xi32, #tpu.memory_space<vmem>>
    %dma_start3A_657 = arith.constant 1280 : i32
    %dma_start3A_658 = tpu.memref_slice %dma_start3A_656[%dma_start3A_657] : memref<2048xi32, #tpu.memory_space<vmem>> -> memref<128xi32, #tpu.memory_space<vmem>>
    %dma_start3A_659 = arith.constant 0 : i32
    %dma_start3A_660 = tpu.memref_slice %arg3[%dma_start3A_659] : memref<1000000xf32, #tpu.memory_space<hbm>> -> memref<1000000xf32, #tpu.memory_space<hbm>>
    tpu.enqueue_indirect_dma source(%dma_start3A_660 : memref<1000000xf32, #tpu.memory_space<hbm>>) target(%dma_start3A_653 : memref<128xf32, #tpu.memory_space<vmem>>) offsets(%dma_start3A_658 : memref<128xi32, #tpu.memory_space<vmem>>) semaphore(%arg15 : memref<!tpu.dma_semaphore, #tpu.memory_space<semaphore_mem>>)
    %dma_start3A_661 = arith.constant 0 : i32
    %dma_start3A_662 = arith.constant 0 : i32
    %dma_start3A_663 = arith.constant 0 : i32
    %dma_start3A_664 = tpu.memref_slice %arg9[%dma_start3A_662, %dma_start3A_663] : memref<2x2048xf32, #tpu.memory_space<vmem>> -> memref<1x2048xf32, #tpu.memory_space<vmem>>
    %dma_start3A_665 = tpu.memref_squeeze %dma_start3A_664 : memref<1x2048xf32, #tpu.memory_space<vmem>> -> memref<2048xf32, #tpu.memory_space<vmem>>
    %dma_start3A_666 = arith.constant 1408 : i32
    %dma_start3A_667 = tpu.memref_slice %dma_start3A_665[%dma_start3A_666] : memref<2048xf32, #tpu.memory_space<vmem>> -> memref<128xf32, #tpu.memory_space<vmem>>
    %dma_start3A_668 = arith.constant 0 : i32
    %dma_start3A_669 = tpu.memref_slice %arg7[%dma_start3A_661, %dma_start3A_668] : memref<2x2048xi32, #tpu.memory_space<vmem>> -> memref<1x2048xi32, #tpu.memory_space<vmem>>
    %dma_start3A_670 = tpu.memref_squeeze %dma_start3A_669 : memref<1x2048xi32, #tpu.memory_space<vmem>> -> memref<2048xi32, #tpu.memory_space<vmem>>
    %dma_start3A_671 = arith.constant 1408 : i32
    %dma_start3A_672 = tpu.memref_slice %dma_start3A_670[%dma_start3A_671] : memref<2048xi32, #tpu.memory_space<vmem>> -> memref<128xi32, #tpu.memory_space<vmem>>
    %dma_start3A_673 = arith.constant 0 : i32
    %dma_start3A_674 = tpu.memref_slice %arg2[%dma_start3A_673] : memref<1000000xf32, #tpu.memory_space<hbm>> -> memref<1000000xf32, #tpu.memory_space<hbm>>
    tpu.enqueue_indirect_dma source(%dma_start3A_674 : memref<1000000xf32, #tpu.memory_space<hbm>>) target(%dma_start3A_667 : memref<128xf32, #tpu.memory_space<vmem>>) offsets(%dma_start3A_672 : memref<128xi32, #tpu.memory_space<vmem>>) semaphore(%arg15 : memref<!tpu.dma_semaphore, #tpu.memory_space<semaphore_mem>>)
    %dma_start3A_675 = arith.constant 0 : i32
    %dma_start3A_676 = arith.constant 0 : i32
    %dma_start3A_677 = arith.constant 0 : i32
    %dma_start3A_678 = tpu.memref_slice %arg10[%dma_start3A_676, %dma_start3A_677] : memref<2x2048xf32, #tpu.memory_space<vmem>> -> memref<1x2048xf32, #tpu.memory_space<vmem>>
    %dma_start3A_679 = tpu.memref_squeeze %dma_start3A_678 : memref<1x2048xf32, #tpu.memory_space<vmem>> -> memref<2048xf32, #tpu.memory_space<vmem>>
    %dma_start3A_680 = arith.constant 1408 : i32
    %dma_start3A_681 = tpu.memref_slice %dma_start3A_679[%dma_start3A_680] : memref<2048xf32, #tpu.memory_space<vmem>> -> memref<128xf32, #tpu.memory_space<vmem>>
    %dma_start3A_682 = arith.constant 0 : i32
    %dma_start3A_683 = tpu.memref_slice %arg7[%dma_start3A_675, %dma_start3A_682] : memref<2x2048xi32, #tpu.memory_space<vmem>> -> memref<1x2048xi32, #tpu.memory_space<vmem>>
    %dma_start3A_684 = tpu.memref_squeeze %dma_start3A_683 : memref<1x2048xi32, #tpu.memory_space<vmem>> -> memref<2048xi32, #tpu.memory_space<vmem>>
    %dma_start3A_685 = arith.constant 1408 : i32
    %dma_start3A_686 = tpu.memref_slice %dma_start3A_684[%dma_start3A_685] : memref<2048xi32, #tpu.memory_space<vmem>> -> memref<128xi32, #tpu.memory_space<vmem>>
    %dma_start3A_687 = arith.constant 0 : i32
    %dma_start3A_688 = tpu.memref_slice %arg3[%dma_start3A_687] : memref<1000000xf32, #tpu.memory_space<hbm>> -> memref<1000000xf32, #tpu.memory_space<hbm>>
    tpu.enqueue_indirect_dma source(%dma_start3A_688 : memref<1000000xf32, #tpu.memory_space<hbm>>) target(%dma_start3A_681 : memref<128xf32, #tpu.memory_space<vmem>>) offsets(%dma_start3A_686 : memref<128xi32, #tpu.memory_space<vmem>>) semaphore(%arg15 : memref<!tpu.dma_semaphore, #tpu.memory_space<semaphore_mem>>)
    %dma_start3A_689 = arith.constant 0 : i32
    %dma_start3A_690 = arith.constant 0 : i32
    %dma_start3A_691 = arith.constant 0 : i32
    %dma_start3A_692 = tpu.memref_slice %arg11[%dma_start3A_690, %dma_start3A_691] : memref<2x2048xf32, #tpu.memory_space<vmem>> -> memref<1x2048xf32, #tpu.memory_space<vmem>>
    %dma_start3A_693 = tpu.memref_squeeze %dma_start3A_692 : memref<1x2048xf32, #tpu.memory_space<vmem>> -> memref<2048xf32, #tpu.memory_space<vmem>>
    %dma_start3A_694 = arith.constant 1408 : i32
    %dma_start3A_695 = tpu.memref_slice %dma_start3A_693[%dma_start3A_694] : memref<2048xf32, #tpu.memory_space<vmem>> -> memref<128xf32, #tpu.memory_space<vmem>>
    %dma_start3A_696 = arith.constant 0 : i32
    %dma_start3A_697 = tpu.memref_slice %arg8[%dma_start3A_689, %dma_start3A_696] : memref<2x2048xi32, #tpu.memory_space<vmem>> -> memref<1x2048xi32, #tpu.memory_space<vmem>>
    %dma_start3A_698 = tpu.memref_squeeze %dma_start3A_697 : memref<1x2048xi32, #tpu.memory_space<vmem>> -> memref<2048xi32, #tpu.memory_space<vmem>>
    %dma_start3A_699 = arith.constant 1408 : i32
    %dma_start3A_700 = tpu.memref_slice %dma_start3A_698[%dma_start3A_699] : memref<2048xi32, #tpu.memory_space<vmem>> -> memref<128xi32, #tpu.memory_space<vmem>>
    %dma_start3A_701 = arith.constant 0 : i32
    %dma_start3A_702 = tpu.memref_slice %arg2[%dma_start3A_701] : memref<1000000xf32, #tpu.memory_space<hbm>> -> memref<1000000xf32, #tpu.memory_space<hbm>>
    tpu.enqueue_indirect_dma source(%dma_start3A_702 : memref<1000000xf32, #tpu.memory_space<hbm>>) target(%dma_start3A_695 : memref<128xf32, #tpu.memory_space<vmem>>) offsets(%dma_start3A_700 : memref<128xi32, #tpu.memory_space<vmem>>) semaphore(%arg15 : memref<!tpu.dma_semaphore, #tpu.memory_space<semaphore_mem>>)
    %dma_start3A_703 = arith.constant 0 : i32
    %dma_start3A_704 = arith.constant 0 : i32
    %dma_start3A_705 = arith.constant 0 : i32
    %dma_start3A_706 = tpu.memref_slice %arg12[%dma_start3A_704, %dma_start3A_705] : memref<2x2048xf32, #tpu.memory_space<vmem>> -> memref<1x2048xf32, #tpu.memory_space<vmem>>
    %dma_start3A_707 = tpu.memref_squeeze %dma_start3A_706 : memref<1x2048xf32, #tpu.memory_space<vmem>> -> memref<2048xf32, #tpu.memory_space<vmem>>
    %dma_start3A_708 = arith.constant 1408 : i32
    %dma_start3A_709 = tpu.memref_slice %dma_start3A_707[%dma_start3A_708] : memref<2048xf32, #tpu.memory_space<vmem>> -> memref<128xf32, #tpu.memory_space<vmem>>
    %dma_start3A_710 = arith.constant 0 : i32
    %dma_start3A_711 = tpu.memref_slice %arg8[%dma_start3A_703, %dma_start3A_710] : memref<2x2048xi32, #tpu.memory_space<vmem>> -> memref<1x2048xi32, #tpu.memory_space<vmem>>
    %dma_start3A_712 = tpu.memref_squeeze %dma_start3A_711 : memref<1x2048xi32, #tpu.memory_space<vmem>> -> memref<2048xi32, #tpu.memory_space<vmem>>
    %dma_start3A_713 = arith.constant 1408 : i32
    %dma_start3A_714 = tpu.memref_slice %dma_start3A_712[%dma_start3A_713] : memref<2048xi32, #tpu.memory_space<vmem>> -> memref<128xi32, #tpu.memory_space<vmem>>
    %dma_start3A_715 = arith.constant 0 : i32
    %dma_start3A_716 = tpu.memref_slice %arg3[%dma_start3A_715] : memref<1000000xf32, #tpu.memory_space<hbm>> -> memref<1000000xf32, #tpu.memory_space<hbm>>
    tpu.enqueue_indirect_dma source(%dma_start3A_716 : memref<1000000xf32, #tpu.memory_space<hbm>>) target(%dma_start3A_709 : memref<128xf32, #tpu.memory_space<vmem>>) offsets(%dma_start3A_714 : memref<128xi32, #tpu.memory_space<vmem>>) semaphore(%arg15 : memref<!tpu.dma_semaphore, #tpu.memory_space<semaphore_mem>>)
    %dma_start3A_717 = arith.constant 0 : i32
    %dma_start3A_718 = arith.constant 0 : i32
    %dma_start3A_719 = arith.constant 0 : i32
    %dma_start3A_720 = tpu.memref_slice %arg9[%dma_start3A_718, %dma_start3A_719] : memref<2x2048xf32, #tpu.memory_space<vmem>> -> memref<1x2048xf32, #tpu.memory_space<vmem>>
    %dma_start3A_721 = tpu.memref_squeeze %dma_start3A_720 : memref<1x2048xf32, #tpu.memory_space<vmem>> -> memref<2048xf32, #tpu.memory_space<vmem>>
    %dma_start3A_722 = arith.constant 1536 : i32
    %dma_start3A_723 = tpu.memref_slice %dma_start3A_721[%dma_start3A_722] : memref<2048xf32, #tpu.memory_space<vmem>> -> memref<128xf32, #tpu.memory_space<vmem>>
    %dma_start3A_724 = arith.constant 0 : i32
    %dma_start3A_725 = tpu.memref_slice %arg7[%dma_start3A_717, %dma_start3A_724] : memref<2x2048xi32, #tpu.memory_space<vmem>> -> memref<1x2048xi32, #tpu.memory_space<vmem>>
    %dma_start3A_726 = tpu.memref_squeeze %dma_start3A_725 : memref<1x2048xi32, #tpu.memory_space<vmem>> -> memref<2048xi32, #tpu.memory_space<vmem>>
    %dma_start3A_727 = arith.constant 1536 : i32
    %dma_start3A_728 = tpu.memref_slice %dma_start3A_726[%dma_start3A_727] : memref<2048xi32, #tpu.memory_space<vmem>> -> memref<128xi32, #tpu.memory_space<vmem>>
    %dma_start3A_729 = arith.constant 0 : i32
    %dma_start3A_730 = tpu.memref_slice %arg2[%dma_start3A_729] : memref<1000000xf32, #tpu.memory_space<hbm>> -> memref<1000000xf32, #tpu.memory_space<hbm>>
    tpu.enqueue_indirect_dma source(%dma_start3A_730 : memref<1000000xf32, #tpu.memory_space<hbm>>) target(%dma_start3A_723 : memref<128xf32, #tpu.memory_space<vmem>>) offsets(%dma_start3A_728 : memref<128xi32, #tpu.memory_space<vmem>>) semaphore(%arg15 : memref<!tpu.dma_semaphore, #tpu.memory_space<semaphore_mem>>)
    %dma_start3A_731 = arith.constant 0 : i32
    %dma_start3A_732 = arith.constant 0 : i32
    %dma_start3A_733 = arith.constant 0 : i32
    %dma_start3A_734 = tpu.memref_slice %arg10[%dma_start3A_732, %dma_start3A_733] : memref<2x2048xf32, #tpu.memory_space<vmem>> -> memref<1x2048xf32, #tpu.memory_space<vmem>>
    %dma_start3A_735 = tpu.memref_squeeze %dma_start3A_734 : memref<1x2048xf32, #tpu.memory_space<vmem>> -> memref<2048xf32, #tpu.memory_space<vmem>>
    %dma_start3A_736 = arith.constant 1536 : i32
    %dma_start3A_737 = tpu.memref_slice %dma_start3A_735[%dma_start3A_736] : memref<2048xf32, #tpu.memory_space<vmem>> -> memref<128xf32, #tpu.memory_space<vmem>>
    %dma_start3A_738 = arith.constant 0 : i32
    %dma_start3A_739 = tpu.memref_slice %arg7[%dma_start3A_731, %dma_start3A_738] : memref<2x2048xi32, #tpu.memory_space<vmem>> -> memref<1x2048xi32, #tpu.memory_space<vmem>>
    %dma_start3A_740 = tpu.memref_squeeze %dma_start3A_739 : memref<1x2048xi32, #tpu.memory_space<vmem>> -> memref<2048xi32, #tpu.memory_space<vmem>>
    %dma_start3A_741 = arith.constant 1536 : i32
    %dma_start3A_742 = tpu.memref_slice %dma_start3A_740[%dma_start3A_741] : memref<2048xi32, #tpu.memory_space<vmem>> -> memref<128xi32, #tpu.memory_space<vmem>>
    %dma_start3A_743 = arith.constant 0 : i32
    %dma_start3A_744 = tpu.memref_slice %arg3[%dma_start3A_743] : memref<1000000xf32, #tpu.memory_space<hbm>> -> memref<1000000xf32, #tpu.memory_space<hbm>>
    tpu.enqueue_indirect_dma source(%dma_start3A_744 : memref<1000000xf32, #tpu.memory_space<hbm>>) target(%dma_start3A_737 : memref<128xf32, #tpu.memory_space<vmem>>) offsets(%dma_start3A_742 : memref<128xi32, #tpu.memory_space<vmem>>) semaphore(%arg15 : memref<!tpu.dma_semaphore, #tpu.memory_space<semaphore_mem>>)
    %dma_start3A_745 = arith.constant 0 : i32
    %dma_start3A_746 = arith.constant 0 : i32
    %dma_start3A_747 = arith.constant 0 : i32
    %dma_start3A_748 = tpu.memref_slice %arg11[%dma_start3A_746, %dma_start3A_747] : memref<2x2048xf32, #tpu.memory_space<vmem>> -> memref<1x2048xf32, #tpu.memory_space<vmem>>
    %dma_start3A_749 = tpu.memref_squeeze %dma_start3A_748 : memref<1x2048xf32, #tpu.memory_space<vmem>> -> memref<2048xf32, #tpu.memory_space<vmem>>
    %dma_start3A_750 = arith.constant 1536 : i32
    %dma_start3A_751 = tpu.memref_slice %dma_start3A_749[%dma_start3A_750] : memref<2048xf32, #tpu.memory_space<vmem>> -> memref<128xf32, #tpu.memory_space<vmem>>
    %dma_start3A_752 = arith.constant 0 : i32
    %dma_start3A_753 = tpu.memref_slice %arg8[%dma_start3A_745, %dma_start3A_752] : memref<2x2048xi32, #tpu.memory_space<vmem>> -> memref<1x2048xi32, #tpu.memory_space<vmem>>
    %dma_start3A_754 = tpu.memref_squeeze %dma_start3A_753 : memref<1x2048xi32, #tpu.memory_space<vmem>> -> memref<2048xi32, #tpu.memory_space<vmem>>
    %dma_start3A_755 = arith.constant 1536 : i32
    %dma_start3A_756 = tpu.memref_slice %dma_start3A_754[%dma_start3A_755] : memref<2048xi32, #tpu.memory_space<vmem>> -> memref<128xi32, #tpu.memory_space<vmem>>
    %dma_start3A_757 = arith.constant 0 : i32
    %dma_start3A_758 = tpu.memref_slice %arg2[%dma_start3A_757] : memref<1000000xf32, #tpu.memory_space<hbm>> -> memref<1000000xf32, #tpu.memory_space<hbm>>
    tpu.enqueue_indirect_dma source(%dma_start3A_758 : memref<1000000xf32, #tpu.memory_space<hbm>>) target(%dma_start3A_751 : memref<128xf32, #tpu.memory_space<vmem>>) offsets(%dma_start3A_756 : memref<128xi32, #tpu.memory_space<vmem>>) semaphore(%arg15 : memref<!tpu.dma_semaphore, #tpu.memory_space<semaphore_mem>>)
    %dma_start3A_759 = arith.constant 0 : i32
    %dma_start3A_760 = arith.constant 0 : i32
    %dma_start3A_761 = arith.constant 0 : i32
    %dma_start3A_762 = tpu.memref_slice %arg12[%dma_start3A_760, %dma_start3A_761] : memref<2x2048xf32, #tpu.memory_space<vmem>> -> memref<1x2048xf32, #tpu.memory_space<vmem>>
    %dma_start3A_763 = tpu.memref_squeeze %dma_start3A_762 : memref<1x2048xf32, #tpu.memory_space<vmem>> -> memref<2048xf32, #tpu.memory_space<vmem>>
    %dma_start3A_764 = arith.constant 1536 : i32
    %dma_start3A_765 = tpu.memref_slice %dma_start3A_763[%dma_start3A_764] : memref<2048xf32, #tpu.memory_space<vmem>> -> memref<128xf32, #tpu.memory_space<vmem>>
    %dma_start3A_766 = arith.constant 0 : i32
    %dma_start3A_767 = tpu.memref_slice %arg8[%dma_start3A_759, %dma_start3A_766] : memref<2x2048xi32, #tpu.memory_space<vmem>> -> memref<1x2048xi32, #tpu.memory_space<vmem>>
    %dma_start3A_768 = tpu.memref_squeeze %dma_start3A_767 : memref<1x2048xi32, #tpu.memory_space<vmem>> -> memref<2048xi32, #tpu.memory_space<vmem>>
    %dma_start3A_769 = arith.constant 1536 : i32
    %dma_start3A_770 = tpu.memref_slice %dma_start3A_768[%dma_start3A_769] : memref<2048xi32, #tpu.memory_space<vmem>> -> memref<128xi32, #tpu.memory_space<vmem>>
    %dma_start3A_771 = arith.constant 0 : i32
    %dma_start3A_772 = tpu.memref_slice %arg3[%dma_start3A_771] : memref<1000000xf32, #tpu.memory_space<hbm>> -> memref<1000000xf32, #tpu.memory_space<hbm>>
    tpu.enqueue_indirect_dma source(%dma_start3A_772 : memref<1000000xf32, #tpu.memory_space<hbm>>) target(%dma_start3A_765 : memref<128xf32, #tpu.memory_space<vmem>>) offsets(%dma_start3A_770 : memref<128xi32, #tpu.memory_space<vmem>>) semaphore(%arg15 : memref<!tpu.dma_semaphore, #tpu.memory_space<semaphore_mem>>)
    %dma_start3A_773 = arith.constant 0 : i32
    %dma_start3A_774 = arith.constant 0 : i32
    %dma_start3A_775 = arith.constant 0 : i32
    %dma_start3A_776 = tpu.memref_slice %arg9[%dma_start3A_774, %dma_start3A_775] : memref<2x2048xf32, #tpu.memory_space<vmem>> -> memref<1x2048xf32, #tpu.memory_space<vmem>>
    %dma_start3A_777 = tpu.memref_squeeze %dma_start3A_776 : memref<1x2048xf32, #tpu.memory_space<vmem>> -> memref<2048xf32, #tpu.memory_space<vmem>>
    %dma_start3A_778 = arith.constant 1664 : i32
    %dma_start3A_779 = tpu.memref_slice %dma_start3A_777[%dma_start3A_778] : memref<2048xf32, #tpu.memory_space<vmem>> -> memref<128xf32, #tpu.memory_space<vmem>>
    %dma_start3A_780 = arith.constant 0 : i32
    %dma_start3A_781 = tpu.memref_slice %arg7[%dma_start3A_773, %dma_start3A_780] : memref<2x2048xi32, #tpu.memory_space<vmem>> -> memref<1x2048xi32, #tpu.memory_space<vmem>>
    %dma_start3A_782 = tpu.memref_squeeze %dma_start3A_781 : memref<1x2048xi32, #tpu.memory_space<vmem>> -> memref<2048xi32, #tpu.memory_space<vmem>>
    %dma_start3A_783 = arith.constant 1664 : i32
    %dma_start3A_784 = tpu.memref_slice %dma_start3A_782[%dma_start3A_783] : memref<2048xi32, #tpu.memory_space<vmem>> -> memref<128xi32, #tpu.memory_space<vmem>>
    %dma_start3A_785 = arith.constant 0 : i32
    %dma_start3A_786 = tpu.memref_slice %arg2[%dma_start3A_785] : memref<1000000xf32, #tpu.memory_space<hbm>> -> memref<1000000xf32, #tpu.memory_space<hbm>>
    tpu.enqueue_indirect_dma source(%dma_start3A_786 : memref<1000000xf32, #tpu.memory_space<hbm>>) target(%dma_start3A_779 : memref<128xf32, #tpu.memory_space<vmem>>) offsets(%dma_start3A_784 : memref<128xi32, #tpu.memory_space<vmem>>) semaphore(%arg15 : memref<!tpu.dma_semaphore, #tpu.memory_space<semaphore_mem>>)
    %dma_start3A_787 = arith.constant 0 : i32
    %dma_start3A_788 = arith.constant 0 : i32
    %dma_start3A_789 = arith.constant 0 : i32
    %dma_start3A_790 = tpu.memref_slice %arg10[%dma_start3A_788, %dma_start3A_789] : memref<2x2048xf32, #tpu.memory_space<vmem>> -> memref<1x2048xf32, #tpu.memory_space<vmem>>
    %dma_start3A_791 = tpu.memref_squeeze %dma_start3A_790 : memref<1x2048xf32, #tpu.memory_space<vmem>> -> memref<2048xf32, #tpu.memory_space<vmem>>
    %dma_start3A_792 = arith.constant 1664 : i32
    %dma_start3A_793 = tpu.memref_slice %dma_start3A_791[%dma_start3A_792] : memref<2048xf32, #tpu.memory_space<vmem>> -> memref<128xf32, #tpu.memory_space<vmem>>
    %dma_start3A_794 = arith.constant 0 : i32
    %dma_start3A_795 = tpu.memref_slice %arg7[%dma_start3A_787, %dma_start3A_794] : memref<2x2048xi32, #tpu.memory_space<vmem>> -> memref<1x2048xi32, #tpu.memory_space<vmem>>
    %dma_start3A_796 = tpu.memref_squeeze %dma_start3A_795 : memref<1x2048xi32, #tpu.memory_space<vmem>> -> memref<2048xi32, #tpu.memory_space<vmem>>
    %dma_start3A_797 = arith.constant 1664 : i32
    %dma_start3A_798 = tpu.memref_slice %dma_start3A_796[%dma_start3A_797] : memref<2048xi32, #tpu.memory_space<vmem>> -> memref<128xi32, #tpu.memory_space<vmem>>
    %dma_start3A_799 = arith.constant 0 : i32
    %dma_start3A_800 = tpu.memref_slice %arg3[%dma_start3A_799] : memref<1000000xf32, #tpu.memory_space<hbm>> -> memref<1000000xf32, #tpu.memory_space<hbm>>
    tpu.enqueue_indirect_dma source(%dma_start3A_800 : memref<1000000xf32, #tpu.memory_space<hbm>>) target(%dma_start3A_793 : memref<128xf32, #tpu.memory_space<vmem>>) offsets(%dma_start3A_798 : memref<128xi32, #tpu.memory_space<vmem>>) semaphore(%arg15 : memref<!tpu.dma_semaphore, #tpu.memory_space<semaphore_mem>>)
    %dma_start3A_801 = arith.constant 0 : i32
    %dma_start3A_802 = arith.constant 0 : i32
    %dma_start3A_803 = arith.constant 0 : i32
    %dma_start3A_804 = tpu.memref_slice %arg11[%dma_start3A_802, %dma_start3A_803] : memref<2x2048xf32, #tpu.memory_space<vmem>> -> memref<1x2048xf32, #tpu.memory_space<vmem>>
    %dma_start3A_805 = tpu.memref_squeeze %dma_start3A_804 : memref<1x2048xf32, #tpu.memory_space<vmem>> -> memref<2048xf32, #tpu.memory_space<vmem>>
    %dma_start3A_806 = arith.constant 1664 : i32
    %dma_start3A_807 = tpu.memref_slice %dma_start3A_805[%dma_start3A_806] : memref<2048xf32, #tpu.memory_space<vmem>> -> memref<128xf32, #tpu.memory_space<vmem>>
    %dma_start3A_808 = arith.constant 0 : i32
    %dma_start3A_809 = tpu.memref_slice %arg8[%dma_start3A_801, %dma_start3A_808] : memref<2x2048xi32, #tpu.memory_space<vmem>> -> memref<1x2048xi32, #tpu.memory_space<vmem>>
    %dma_start3A_810 = tpu.memref_squeeze %dma_start3A_809 : memref<1x2048xi32, #tpu.memory_space<vmem>> -> memref<2048xi32, #tpu.memory_space<vmem>>
    %dma_start3A_811 = arith.constant 1664 : i32
    %dma_start3A_812 = tpu.memref_slice %dma_start3A_810[%dma_start3A_811] : memref<2048xi32, #tpu.memory_space<vmem>> -> memref<128xi32, #tpu.memory_space<vmem>>
    %dma_start3A_813 = arith.constant 0 : i32
    %dma_start3A_814 = tpu.memref_slice %arg2[%dma_start3A_813] : memref<1000000xf32, #tpu.memory_space<hbm>> -> memref<1000000xf32, #tpu.memory_space<hbm>>
    tpu.enqueue_indirect_dma source(%dma_start3A_814 : memref<1000000xf32, #tpu.memory_space<hbm>>) target(%dma_start3A_807 : memref<128xf32, #tpu.memory_space<vmem>>) offsets(%dma_start3A_812 : memref<128xi32, #tpu.memory_space<vmem>>) semaphore(%arg15 : memref<!tpu.dma_semaphore, #tpu.memory_space<semaphore_mem>>)
    %dma_start3A_815 = arith.constant 0 : i32
    %dma_start3A_816 = arith.constant 0 : i32
    %dma_start3A_817 = arith.constant 0 : i32
    %dma_start3A_818 = tpu.memref_slice %arg12[%dma_start3A_816, %dma_start3A_817] : memref<2x2048xf32, #tpu.memory_space<vmem>> -> memref<1x2048xf32, #tpu.memory_space<vmem>>
    %dma_start3A_819 = tpu.memref_squeeze %dma_start3A_818 : memref<1x2048xf32, #tpu.memory_space<vmem>> -> memref<2048xf32, #tpu.memory_space<vmem>>
    %dma_start3A_820 = arith.constant 1664 : i32
    %dma_start3A_821 = tpu.memref_slice %dma_start3A_819[%dma_start3A_820] : memref<2048xf32, #tpu.memory_space<vmem>> -> memref<128xf32, #tpu.memory_space<vmem>>
    %dma_start3A_822 = arith.constant 0 : i32
    %dma_start3A_823 = tpu.memref_slice %arg8[%dma_start3A_815, %dma_start3A_822] : memref<2x2048xi32, #tpu.memory_space<vmem>> -> memref<1x2048xi32, #tpu.memory_space<vmem>>
    %dma_start3A_824 = tpu.memref_squeeze %dma_start3A_823 : memref<1x2048xi32, #tpu.memory_space<vmem>> -> memref<2048xi32, #tpu.memory_space<vmem>>
    %dma_start3A_825 = arith.constant 1664 : i32
    %dma_start3A_826 = tpu.memref_slice %dma_start3A_824[%dma_start3A_825] : memref<2048xi32, #tpu.memory_space<vmem>> -> memref<128xi32, #tpu.memory_space<vmem>>
    %dma_start3A_827 = arith.constant 0 : i32
    %dma_start3A_828 = tpu.memref_slice %arg3[%dma_start3A_827] : memref<1000000xf32, #tpu.memory_space<hbm>> -> memref<1000000xf32, #tpu.memory_space<hbm>>
    tpu.enqueue_indirect_dma source(%dma_start3A_828 : memref<1000000xf32, #tpu.memory_space<hbm>>) target(%dma_start3A_821 : memref<128xf32, #tpu.memory_space<vmem>>) offsets(%dma_start3A_826 : memref<128xi32, #tpu.memory_space<vmem>>) semaphore(%arg15 : memref<!tpu.dma_semaphore, #tpu.memory_space<semaphore_mem>>)
    %dma_start3A_829 = arith.constant 0 : i32
    %dma_start3A_830 = arith.constant 0 : i32
    %dma_start3A_831 = arith.constant 0 : i32
    %dma_start3A_832 = tpu.memref_slice %arg9[%dma_start3A_830, %dma_start3A_831] : memref<2x2048xf32, #tpu.memory_space<vmem>> -> memref<1x2048xf32, #tpu.memory_space<vmem>>
    %dma_start3A_833 = tpu.memref_squeeze %dma_start3A_832 : memref<1x2048xf32, #tpu.memory_space<vmem>> -> memref<2048xf32, #tpu.memory_space<vmem>>
    %dma_start3A_834 = arith.constant 1792 : i32
    %dma_start3A_835 = tpu.memref_slice %dma_start3A_833[%dma_start3A_834] : memref<2048xf32, #tpu.memory_space<vmem>> -> memref<128xf32, #tpu.memory_space<vmem>>
    %dma_start3A_836 = arith.constant 0 : i32
    %dma_start3A_837 = tpu.memref_slice %arg7[%dma_start3A_829, %dma_start3A_836] : memref<2x2048xi32, #tpu.memory_space<vmem>> -> memref<1x2048xi32, #tpu.memory_space<vmem>>
    %dma_start3A_838 = tpu.memref_squeeze %dma_start3A_837 : memref<1x2048xi32, #tpu.memory_space<vmem>> -> memref<2048xi32, #tpu.memory_space<vmem>>
    %dma_start3A_839 = arith.constant 1792 : i32
    %dma_start3A_840 = tpu.memref_slice %dma_start3A_838[%dma_start3A_839] : memref<2048xi32, #tpu.memory_space<vmem>> -> memref<128xi32, #tpu.memory_space<vmem>>
    %dma_start3A_841 = arith.constant 0 : i32
    %dma_start3A_842 = tpu.memref_slice %arg2[%dma_start3A_841] : memref<1000000xf32, #tpu.memory_space<hbm>> -> memref<1000000xf32, #tpu.memory_space<hbm>>
    tpu.enqueue_indirect_dma source(%dma_start3A_842 : memref<1000000xf32, #tpu.memory_space<hbm>>) target(%dma_start3A_835 : memref<128xf32, #tpu.memory_space<vmem>>) offsets(%dma_start3A_840 : memref<128xi32, #tpu.memory_space<vmem>>) semaphore(%arg15 : memref<!tpu.dma_semaphore, #tpu.memory_space<semaphore_mem>>)
    %dma_start3A_843 = arith.constant 0 : i32
    %dma_start3A_844 = arith.constant 0 : i32
    %dma_start3A_845 = arith.constant 0 : i32
    %dma_start3A_846 = tpu.memref_slice %arg10[%dma_start3A_844, %dma_start3A_845] : memref<2x2048xf32, #tpu.memory_space<vmem>> -> memref<1x2048xf32, #tpu.memory_space<vmem>>
    %dma_start3A_847 = tpu.memref_squeeze %dma_start3A_846 : memref<1x2048xf32, #tpu.memory_space<vmem>> -> memref<2048xf32, #tpu.memory_space<vmem>>
    %dma_start3A_848 = arith.constant 1792 : i32
    %dma_start3A_849 = tpu.memref_slice %dma_start3A_847[%dma_start3A_848] : memref<2048xf32, #tpu.memory_space<vmem>> -> memref<128xf32, #tpu.memory_space<vmem>>
    %dma_start3A_850 = arith.constant 0 : i32
    %dma_start3A_851 = tpu.memref_slice %arg7[%dma_start3A_843, %dma_start3A_850] : memref<2x2048xi32, #tpu.memory_space<vmem>> -> memref<1x2048xi32, #tpu.memory_space<vmem>>
    %dma_start3A_852 = tpu.memref_squeeze %dma_start3A_851 : memref<1x2048xi32, #tpu.memory_space<vmem>> -> memref<2048xi32, #tpu.memory_space<vmem>>
    %dma_start3A_853 = arith.constant 1792 : i32
    %dma_start3A_854 = tpu.memref_slice %dma_start3A_852[%dma_start3A_853] : memref<2048xi32, #tpu.memory_space<vmem>> -> memref<128xi32, #tpu.memory_space<vmem>>
    %dma_start3A_855 = arith.constant 0 : i32
    %dma_start3A_856 = tpu.memref_slice %arg3[%dma_start3A_855] : memref<1000000xf32, #tpu.memory_space<hbm>> -> memref<1000000xf32, #tpu.memory_space<hbm>>
    tpu.enqueue_indirect_dma source(%dma_start3A_856 : memref<1000000xf32, #tpu.memory_space<hbm>>) target(%dma_start3A_849 : memref<128xf32, #tpu.memory_space<vmem>>) offsets(%dma_start3A_854 : memref<128xi32, #tpu.memory_space<vmem>>) semaphore(%arg15 : memref<!tpu.dma_semaphore, #tpu.memory_space<semaphore_mem>>)
    %dma_start3A_857 = arith.constant 0 : i32
    %dma_start3A_858 = arith.constant 0 : i32
    %dma_start3A_859 = arith.constant 0 : i32
    %dma_start3A_860 = tpu.memref_slice %arg11[%dma_start3A_858, %dma_start3A_859] : memref<2x2048xf32, #tpu.memory_space<vmem>> -> memref<1x2048xf32, #tpu.memory_space<vmem>>
    %dma_start3A_861 = tpu.memref_squeeze %dma_start3A_860 : memref<1x2048xf32, #tpu.memory_space<vmem>> -> memref<2048xf32, #tpu.memory_space<vmem>>
    %dma_start3A_862 = arith.constant 1792 : i32
    %dma_start3A_863 = tpu.memref_slice %dma_start3A_861[%dma_start3A_862] : memref<2048xf32, #tpu.memory_space<vmem>> -> memref<128xf32, #tpu.memory_space<vmem>>
    %dma_start3A_864 = arith.constant 0 : i32
    %dma_start3A_865 = tpu.memref_slice %arg8[%dma_start3A_857, %dma_start3A_864] : memref<2x2048xi32, #tpu.memory_space<vmem>> -> memref<1x2048xi32, #tpu.memory_space<vmem>>
    %dma_start3A_866 = tpu.memref_squeeze %dma_start3A_865 : memref<1x2048xi32, #tpu.memory_space<vmem>> -> memref<2048xi32, #tpu.memory_space<vmem>>
    %dma_start3A_867 = arith.constant 1792 : i32
    %dma_start3A_868 = tpu.memref_slice %dma_start3A_866[%dma_start3A_867] : memref<2048xi32, #tpu.memory_space<vmem>> -> memref<128xi32, #tpu.memory_space<vmem>>
    %dma_start3A_869 = arith.constant 0 : i32
    %dma_start3A_870 = tpu.memref_slice %arg2[%dma_start3A_869] : memref<1000000xf32, #tpu.memory_space<hbm>> -> memref<1000000xf32, #tpu.memory_space<hbm>>
    tpu.enqueue_indirect_dma source(%dma_start3A_870 : memref<1000000xf32, #tpu.memory_space<hbm>>) target(%dma_start3A_863 : memref<128xf32, #tpu.memory_space<vmem>>) offsets(%dma_start3A_868 : memref<128xi32, #tpu.memory_space<vmem>>) semaphore(%arg15 : memref<!tpu.dma_semaphore, #tpu.memory_space<semaphore_mem>>)
    %dma_start3A_871 = arith.constant 0 : i32
    %dma_start3A_872 = arith.constant 0 : i32
    %dma_start3A_873 = arith.constant 0 : i32
    %dma_start3A_874 = tpu.memref_slice %arg12[%dma_start3A_872, %dma_start3A_873] : memref<2x2048xf32, #tpu.memory_space<vmem>> -> memref<1x2048xf32, #tpu.memory_space<vmem>>
    %dma_start3A_875 = tpu.memref_squeeze %dma_start3A_874 : memref<1x2048xf32, #tpu.memory_space<vmem>> -> memref<2048xf32, #tpu.memory_space<vmem>>
    %dma_start3A_876 = arith.constant 1792 : i32
    %dma_start3A_877 = tpu.memref_slice %dma_start3A_875[%dma_start3A_876] : memref<2048xf32, #tpu.memory_space<vmem>> -> memref<128xf32, #tpu.memory_space<vmem>>
    %dma_start3A_878 = arith.constant 0 : i32
    %dma_start3A_879 = tpu.memref_slice %arg8[%dma_start3A_871, %dma_start3A_878] : memref<2x2048xi32, #tpu.memory_space<vmem>> -> memref<1x2048xi32, #tpu.memory_space<vmem>>
    %dma_start3A_880 = tpu.memref_squeeze %dma_start3A_879 : memref<1x2048xi32, #tpu.memory_space<vmem>> -> memref<2048xi32, #tpu.memory_space<vmem>>
    %dma_start3A_881 = arith.constant 1792 : i32
    %dma_start3A_882 = tpu.memref_slice %dma_start3A_880[%dma_start3A_881] : memref<2048xi32, #tpu.memory_space<vmem>> -> memref<128xi32, #tpu.memory_space<vmem>>
    %dma_start3A_883 = arith.constant 0 : i32
    %dma_start3A_884 = tpu.memref_slice %arg3[%dma_start3A_883] : memref<1000000xf32, #tpu.memory_space<hbm>> -> memref<1000000xf32, #tpu.memory_space<hbm>>
    tpu.enqueue_indirect_dma source(%dma_start3A_884 : memref<1000000xf32, #tpu.memory_space<hbm>>) target(%dma_start3A_877 : memref<128xf32, #tpu.memory_space<vmem>>) offsets(%dma_start3A_882 : memref<128xi32, #tpu.memory_space<vmem>>) semaphore(%arg15 : memref<!tpu.dma_semaphore, #tpu.memory_space<semaphore_mem>>)
    %dma_start3A_885 = arith.constant 0 : i32
    %dma_start3A_886 = arith.constant 0 : i32
    %dma_start3A_887 = arith.constant 0 : i32
    %dma_start3A_888 = tpu.memref_slice %arg9[%dma_start3A_886, %dma_start3A_887] : memref<2x2048xf32, #tpu.memory_space<vmem>> -> memref<1x2048xf32, #tpu.memory_space<vmem>>
    %dma_start3A_889 = tpu.memref_squeeze %dma_start3A_888 : memref<1x2048xf32, #tpu.memory_space<vmem>> -> memref<2048xf32, #tpu.memory_space<vmem>>
    %dma_start3A_890 = arith.constant 1920 : i32
    %dma_start3A_891 = tpu.memref_slice %dma_start3A_889[%dma_start3A_890] : memref<2048xf32, #tpu.memory_space<vmem>> -> memref<128xf32, #tpu.memory_space<vmem>>
    %dma_start3A_892 = arith.constant 0 : i32
    %dma_start3A_893 = tpu.memref_slice %arg7[%dma_start3A_885, %dma_start3A_892] : memref<2x2048xi32, #tpu.memory_space<vmem>> -> memref<1x2048xi32, #tpu.memory_space<vmem>>
    %dma_start3A_894 = tpu.memref_squeeze %dma_start3A_893 : memref<1x2048xi32, #tpu.memory_space<vmem>> -> memref<2048xi32, #tpu.memory_space<vmem>>
    %dma_start3A_895 = arith.constant 1920 : i32
    %dma_start3A_896 = tpu.memref_slice %dma_start3A_894[%dma_start3A_895] : memref<2048xi32, #tpu.memory_space<vmem>> -> memref<128xi32, #tpu.memory_space<vmem>>
    %dma_start3A_897 = arith.constant 0 : i32
    %dma_start3A_898 = tpu.memref_slice %arg2[%dma_start3A_897] : memref<1000000xf32, #tpu.memory_space<hbm>> -> memref<1000000xf32, #tpu.memory_space<hbm>>
    tpu.enqueue_indirect_dma source(%dma_start3A_898 : memref<1000000xf32, #tpu.memory_space<hbm>>) target(%dma_start3A_891 : memref<128xf32, #tpu.memory_space<vmem>>) offsets(%dma_start3A_896 : memref<128xi32, #tpu.memory_space<vmem>>) semaphore(%arg15 : memref<!tpu.dma_semaphore, #tpu.memory_space<semaphore_mem>>)
    %dma_start3A_899 = arith.constant 0 : i32
    %dma_start3A_900 = arith.constant 0 : i32
    %dma_start3A_901 = arith.constant 0 : i32
    %dma_start3A_902 = tpu.memref_slice %arg10[%dma_start3A_900, %dma_start3A_901] : memref<2x2048xf32, #tpu.memory_space<vmem>> -> memref<1x2048xf32, #tpu.memory_space<vmem>>
    %dma_start3A_903 = tpu.memref_squeeze %dma_start3A_902 : memref<1x2048xf32, #tpu.memory_space<vmem>> -> memref<2048xf32, #tpu.memory_space<vmem>>
    %dma_start3A_904 = arith.constant 1920 : i32
    %dma_start3A_905 = tpu.memref_slice %dma_start3A_903[%dma_start3A_904] : memref<2048xf32, #tpu.memory_space<vmem>> -> memref<128xf32, #tpu.memory_space<vmem>>
    %dma_start3A_906 = arith.constant 0 : i32
    %dma_start3A_907 = tpu.memref_slice %arg7[%dma_start3A_899, %dma_start3A_906] : memref<2x2048xi32, #tpu.memory_space<vmem>> -> memref<1x2048xi32, #tpu.memory_space<vmem>>
    %dma_start3A_908 = tpu.memref_squeeze %dma_start3A_907 : memref<1x2048xi32, #tpu.memory_space<vmem>> -> memref<2048xi32, #tpu.memory_space<vmem>>
    %dma_start3A_909 = arith.constant 1920 : i32
    %dma_start3A_910 = tpu.memref_slice %dma_start3A_908[%dma_start3A_909] : memref<2048xi32, #tpu.memory_space<vmem>> -> memref<128xi32, #tpu.memory_space<vmem>>
    %dma_start3A_911 = arith.constant 0 : i32
    %dma_start3A_912 = tpu.memref_slice %arg3[%dma_start3A_911] : memref<1000000xf32, #tpu.memory_space<hbm>> -> memref<1000000xf32, #tpu.memory_space<hbm>>
    tpu.enqueue_indirect_dma source(%dma_start3A_912 : memref<1000000xf32, #tpu.memory_space<hbm>>) target(%dma_start3A_905 : memref<128xf32, #tpu.memory_space<vmem>>) offsets(%dma_start3A_910 : memref<128xi32, #tpu.memory_space<vmem>>) semaphore(%arg15 : memref<!tpu.dma_semaphore, #tpu.memory_space<semaphore_mem>>)
    %dma_start3A_913 = arith.constant 0 : i32
    %dma_start3A_914 = arith.constant 0 : i32
    %dma_start3A_915 = arith.constant 0 : i32
    %dma_start3A_916 = tpu.memref_slice %arg11[%dma_start3A_914, %dma_start3A_915] : memref<2x2048xf32, #tpu.memory_space<vmem>> -> memref<1x2048xf32, #tpu.memory_space<vmem>>
    %dma_start3A_917 = tpu.memref_squeeze %dma_start3A_916 : memref<1x2048xf32, #tpu.memory_space<vmem>> -> memref<2048xf32, #tpu.memory_space<vmem>>
    %dma_start3A_918 = arith.constant 1920 : i32
    %dma_start3A_919 = tpu.memref_slice %dma_start3A_917[%dma_start3A_918] : memref<2048xf32, #tpu.memory_space<vmem>> -> memref<128xf32, #tpu.memory_space<vmem>>
    %dma_start3A_920 = arith.constant 0 : i32
    %dma_start3A_921 = tpu.memref_slice %arg8[%dma_start3A_913, %dma_start3A_920] : memref<2x2048xi32, #tpu.memory_space<vmem>> -> memref<1x2048xi32, #tpu.memory_space<vmem>>
    %dma_start3A_922 = tpu.memref_squeeze %dma_start3A_921 : memref<1x2048xi32, #tpu.memory_space<vmem>> -> memref<2048xi32, #tpu.memory_space<vmem>>
    %dma_start3A_923 = arith.constant 1920 : i32
    %dma_start3A_924 = tpu.memref_slice %dma_start3A_922[%dma_start3A_923] : memref<2048xi32, #tpu.memory_space<vmem>> -> memref<128xi32, #tpu.memory_space<vmem>>
    %dma_start3A_925 = arith.constant 0 : i32
    %dma_start3A_926 = tpu.memref_slice %arg2[%dma_start3A_925] : memref<1000000xf32, #tpu.memory_space<hbm>> -> memref<1000000xf32, #tpu.memory_space<hbm>>
    tpu.enqueue_indirect_dma source(%dma_start3A_926 : memref<1000000xf32, #tpu.memory_space<hbm>>) target(%dma_start3A_919 : memref<128xf32, #tpu.memory_space<vmem>>) offsets(%dma_start3A_924 : memref<128xi32, #tpu.memory_space<vmem>>) semaphore(%arg15 : memref<!tpu.dma_semaphore, #tpu.memory_space<semaphore_mem>>)
    %dma_start3A_927 = arith.constant 0 : i32
    %dma_start3A_928 = arith.constant 0 : i32
    %dma_start3A_929 = arith.constant 0 : i32
    %dma_start3A_930 = tpu.memref_slice %arg12[%dma_start3A_928, %dma_start3A_929] : memref<2x2048xf32, #tpu.memory_space<vmem>> -> memref<1x2048xf32, #tpu.memory_space<vmem>>
    %dma_start3A_931 = tpu.memref_squeeze %dma_start3A_930 : memref<1x2048xf32, #tpu.memory_space<vmem>> -> memref<2048xf32, #tpu.memory_space<vmem>>
    %dma_start3A_932 = arith.constant 1920 : i32
    %dma_start3A_933 = tpu.memref_slice %dma_start3A_931[%dma_start3A_932] : memref<2048xf32, #tpu.memory_space<vmem>> -> memref<128xf32, #tpu.memory_space<vmem>>
    %dma_start3A_934 = arith.constant 0 : i32
    %dma_start3A_935 = tpu.memref_slice %arg8[%dma_start3A_927, %dma_start3A_934] : memref<2x2048xi32, #tpu.memory_space<vmem>> -> memref<1x2048xi32, #tpu.memory_space<vmem>>
    %dma_start3A_936 = tpu.memref_squeeze %dma_start3A_935 : memref<1x2048xi32, #tpu.memory_space<vmem>> -> memref<2048xi32, #tpu.memory_space<vmem>>
    %dma_start3A_937 = arith.constant 1920 : i32
    %dma_start3A_938 = tpu.memref_slice %dma_start3A_936[%dma_start3A_937] : memref<2048xi32, #tpu.memory_space<vmem>> -> memref<128xi32, #tpu.memory_space<vmem>>
    %dma_start3A_939 = arith.constant 0 : i32
    %dma_start3A_940 = tpu.memref_slice %arg3[%dma_start3A_939] : memref<1000000xf32, #tpu.memory_space<hbm>> -> memref<1000000xf32, #tpu.memory_space<hbm>>
    tpu.enqueue_indirect_dma source(%dma_start3A_940 : memref<1000000xf32, #tpu.memory_space<hbm>>) target(%dma_start3A_933 : memref<128xf32, #tpu.memory_space<vmem>>) offsets(%dma_start3A_938 : memref<128xi32, #tpu.memory_space<vmem>>) semaphore(%arg15 : memref<!tpu.dma_semaphore, #tpu.memory_space<semaphore_mem>>)
    %mul3A_941 = arith.constant 16 : i32
    %mul3A_942 = arith.muli %add3A, %mul3A_941 : i32
    %add3A_943 = arith.constant 1 : i32
    %add3A_944 = arith.addi %mul3A_942, %add3A_943 : i32
    %mul3A_945 = arith.constant 2048 : i32
    %mul3A_946 = arith.muli %add3A_944, %mul3A_945 : i32
    %dma_start3A_947 = arith.constant 1 : i32
    %dma_start3A_948 = arith.constant 0 : i32
    %dma_start3A_949 = tpu.memref_slice %arg7[%dma_start3A_947, %dma_start3A_948] : memref<2x2048xi32, #tpu.memory_space<vmem>> -> memref<1x2048xi32, #tpu.memory_space<vmem>>
    %dma_start3A_950 = tpu.memref_squeeze %dma_start3A_949 : memref<1x2048xi32, #tpu.memory_space<vmem>> -> memref<2048xi32, #tpu.memory_space<vmem>>
    %dma_start3A_951 = tpu.memref_slice %arg4[%mul3A_946] : memref<1052672xi32, #tpu.memory_space<hbm>> -> memref<2048xi32, #tpu.memory_space<hbm>>
    %dma_start3A_952 = arith.constant 0 : i32
    %dma_start3A_953 = tpu.memref_slice %arg7[%dma_start3A_947, %dma_start3A_952] : memref<2x2048xi32, #tpu.memory_space<vmem>> -> memref<1x2048xi32, #tpu.memory_space<vmem>>
    %dma_start3A_954 = tpu.memref_squeeze %dma_start3A_953 : memref<1x2048xi32, #tpu.memory_space<vmem>> -> memref<2048xi32, #tpu.memory_space<vmem>>
    %dma_start3A_955 = tpu.memref_slice %arg4[%mul3A_946] : memref<1052672xi32, #tpu.memory_space<hbm>> -> memref<2048xi32, #tpu.memory_space<hbm>>
    tpu.enqueue_dma source(%dma_start3A_955 : memref<2048xi32, #tpu.memory_space<hbm>>) target(%dma_start3A_954 : memref<2048xi32, #tpu.memory_space<vmem>>) target_semaphore(%arg14 : memref<!tpu.dma_semaphore, #tpu.memory_space<semaphore_mem>>)
    %dma_start3A_956 = arith.constant 1 : i32
    %dma_start3A_957 = arith.constant 0 : i32
    %dma_start3A_958 = tpu.memref_slice %arg8[%dma_start3A_956, %dma_start3A_957] : memref<2x2048xi32, #tpu.memory_space<vmem>> -> memref<1x2048xi32, #tpu.memory_space<vmem>>
    %dma_start3A_959 = tpu.memref_squeeze %dma_start3A_958 : memref<1x2048xi32, #tpu.memory_space<vmem>> -> memref<2048xi32, #tpu.memory_space<vmem>>
    %dma_start3A_960 = tpu.memref_slice %arg5[%mul3A_946] : memref<1052672xi32, #tpu.memory_space<hbm>> -> memref<2048xi32, #tpu.memory_space<hbm>>
    %dma_start3A_961 = arith.constant 0 : i32
    %dma_start3A_962 = tpu.memref_slice %arg8[%dma_start3A_956, %dma_start3A_961] : memref<2x2048xi32, #tpu.memory_space<vmem>> -> memref<1x2048xi32, #tpu.memory_space<vmem>>
    %dma_start3A_963 = tpu.memref_squeeze %dma_start3A_962 : memref<1x2048xi32, #tpu.memory_space<vmem>> -> memref<2048xi32, #tpu.memory_space<vmem>>
    %dma_start3A_964 = tpu.memref_slice %arg5[%mul3A_946] : memref<1052672xi32, #tpu.memory_space<hbm>> -> memref<2048xi32, #tpu.memory_space<hbm>>
    tpu.enqueue_dma source(%dma_start3A_964 : memref<2048xi32, #tpu.memory_space<hbm>>) target(%dma_start3A_963 : memref<2048xi32, #tpu.memory_space<vmem>>) target_semaphore(%arg14 : memref<!tpu.dma_semaphore, #tpu.memory_space<semaphore_mem>>)
    %broadcast_in_dim3A = arith.constant 0.000000e+00 : f32
    %broadcast_in_dim3A_965 = vector.broadcast %broadcast_in_dim3A : f32 to vector<16xf32>
    %scan3A = arith.constant 0 : i32
    %scan3A_966 = arith.constant 8 : i32
    %scan3A_967 = arith.addi %scan3A, %scan3A_966 : i32
    %scan3A_968 = arith.constant 1 : i32
    %scan3A_969 = scf.for %scan3A_1040 = %scan3A to %scan3A_967 step %scan3A_968 iter_args(%scan3A_1041 = %broadcast_in_dim3A_965) -> (vector<16xf32>)  : i32 {
      %mul3A_1042 = arith.constant 2 : i32
      %mul3A_1043 = arith.muli %mul3A_1042, %scan3A_1040 : i32
      %dma_wait3A_1044 = arith.constant 0 : i32
      %dma_wait3A_1045 = arith.constant 0 : i32
      %dma_wait3A_1046 = tpu.memref_slice %arg7[%dma_wait3A_1044, %dma_wait3A_1045] : memref<2x2048xi32, #tpu.memory_space<vmem>> -> memref<1x2048xi32, #tpu.memory_space<vmem>>
      %dma_wait3A_1047 = tpu.memref_squeeze %dma_wait3A_1046 : memref<1x2048xi32, #tpu.memory_space<vmem>> -> memref<2048xi32, #tpu.memory_space<vmem>>
      %dma_wait3A_1048 = arith.constant 0 : i32
      %dma_wait3A_1049 = tpu.memref_slice %arg4[%dma_wait3A_1048] : memref<1052672xi32, #tpu.memory_space<hbm>> -> memref<2048xi32, #tpu.memory_space<hbm>>
      %dma_wait3A_1050 = arith.constant 0 : i32
      %dma_wait3A_1051 = tpu.memref_slice %arg7[%dma_wait3A_1044, %dma_wait3A_1050] : memref<2x2048xi32, #tpu.memory_space<vmem>> -> memref<1x2048xi32, #tpu.memory_space<vmem>>
      %dma_wait3A_1052 = tpu.memref_squeeze %dma_wait3A_1051 : memref<1x2048xi32, #tpu.memory_space<vmem>> -> memref<2048xi32, #tpu.memory_space<vmem>>
      %dma_wait3A_1053 = arith.constant 0 : i32
      %dma_wait3A_1054 = tpu.memref_slice %arg4[%dma_wait3A_1053] : memref<1052672xi32, #tpu.memory_space<hbm>> -> memref<2048xi32, #tpu.memory_space<hbm>>
      tpu.wait_dma2 semaphore(%arg14 : memref<!tpu.dma_semaphore, #tpu.memory_space<semaphore_mem>>) src(%dma_wait3A_1054 : memref<2048xi32, #tpu.memory_space<hbm>>) dst(%dma_wait3A_1052 : memref<2048xi32, #tpu.memory_space<vmem>>)
      %dma_wait3A_1055 = arith.constant 0 : i32
      %dma_wait3A_1056 = arith.constant 0 : i32
      %dma_wait3A_1057 = tpu.memref_slice %arg8[%dma_wait3A_1055, %dma_wait3A_1056] : memref<2x2048xi32, #tpu.memory_space<vmem>> -> memref<1x2048xi32, #tpu.memory_space<vmem>>
      %dma_wait3A_1058 = tpu.memref_squeeze %dma_wait3A_1057 : memref<1x2048xi32, #tpu.memory_space<vmem>> -> memref<2048xi32, #tpu.memory_space<vmem>>
      %dma_wait3A_1059 = arith.constant 0 : i32
      %dma_wait3A_1060 = tpu.memref_slice %arg5[%dma_wait3A_1059] : memref<1052672xi32, #tpu.memory_space<hbm>> -> memref<2048xi32, #tpu.memory_space<hbm>>
      %dma_wait3A_1061 = arith.constant 0 : i32
      %dma_wait3A_1062 = tpu.memref_slice %arg8[%dma_wait3A_1055, %dma_wait3A_1061] : memref<2x2048xi32, #tpu.memory_space<vmem>> -> memref<1x2048xi32, #tpu.memory_space<vmem>>
      %dma_wait3A_1063 = tpu.memref_squeeze %dma_wait3A_1062 : memref<1x2048xi32, #tpu.memory_space<vmem>> -> memref<2048xi32, #tpu.memory_space<vmem>>
      %dma_wait3A_1064 = arith.constant 0 : i32
      %dma_wait3A_1065 = tpu.memref_slice %arg5[%dma_wait3A_1064] : memref<1052672xi32, #tpu.memory_space<hbm>> -> memref<2048xi32, #tpu.memory_space<hbm>>
      tpu.wait_dma2 semaphore(%arg14 : memref<!tpu.dma_semaphore, #tpu.memory_space<semaphore_mem>>) src(%dma_wait3A_1065 : memref<2048xi32, #tpu.memory_space<hbm>>) dst(%dma_wait3A_1063 : memref<2048xi32, #tpu.memory_space<vmem>>)
      %dma_start3A_1066 = arith.constant 1 : i32
      %dma_start3A_1067 = arith.constant 1 : i32
      %dma_start3A_1068 = arith.constant 0 : i32
      %dma_start3A_1069 = tpu.memref_slice %arg9[%dma_start3A_1067, %dma_start3A_1068] : memref<2x2048xf32, #tpu.memory_space<vmem>> -> memref<1x2048xf32, #tpu.memory_space<vmem>>
      %dma_start3A_1070 = tpu.memref_squeeze %dma_start3A_1069 : memref<1x2048xf32, #tpu.memory_space<vmem>> -> memref<2048xf32, #tpu.memory_space<vmem>>
      %dma_start3A_1071 = arith.constant 0 : i32
      %dma_start3A_1072 = tpu.memref_slice %dma_start3A_1070[%dma_start3A_1071] : memref<2048xf32, #tpu.memory_space<vmem>> -> memref<128xf32, #tpu.memory_space<vmem>>
      %dma_start3A_1073 = arith.constant 0 : i32
      %dma_start3A_1074 = tpu.memref_slice %arg7[%dma_start3A_1066, %dma_start3A_1073] : memref<2x2048xi32, #tpu.memory_space<vmem>> -> memref<1x2048xi32, #tpu.memory_space<vmem>>
      %dma_start3A_1075 = tpu.memref_squeeze %dma_start3A_1074 : memref<1x2048xi32, #tpu.memory_space<vmem>> -> memref<2048xi32, #tpu.memory_space<vmem>>
      %dma_start3A_1076 = arith.constant 0 : i32
      %dma_start3A_1077 = tpu.memref_slice %dma_start3A_1075[%dma_start3A_1076] : memref<2048xi32, #tpu.memory_space<vmem>> -> memref<128xi32, #tpu.memory_space<vmem>>
      %dma_start3A_1078 = arith.constant 0 : i32
      %dma_start3A_1079 = tpu.memref_slice %arg2[%dma_start3A_1078] : memref<1000000xf32, #tpu.memory_space<hbm>> -> memref<1000000xf32, #tpu.memory_space<hbm>>
      tpu.enqueue_indirect_dma source(%dma_start3A_1079 : memref<1000000xf32, #tpu.memory_space<hbm>>) target(%dma_start3A_1072 : memref<128xf32, #tpu.memory_space<vmem>>) offsets(%dma_start3A_1077 : memref<128xi32, #tpu.memory_space<vmem>>) semaphore(%arg15 : memref<!tpu.dma_semaphore, #tpu.memory_space<semaphore_mem>>)
      %dma_start3A_1080 = arith.constant 1 : i32
      %dma_start3A_1081 = arith.constant 1 : i32
      %dma_start3A_1082 = arith.constant 0 : i32
      %dma_start3A_1083 = tpu.memref_slice %arg10[%dma_start3A_1081, %dma_start3A_1082] : memref<2x2048xf32, #tpu.memory_space<vmem>> -> memref<1x2048xf32, #tpu.memory_space<vmem>>
      %dma_start3A_1084 = tpu.memref_squeeze %dma_start3A_1083 : memref<1x2048xf32, #tpu.memory_space<vmem>> -> memref<2048xf32, #tpu.memory_space<vmem>>
      %dma_start3A_1085 = arith.constant 0 : i32
      %dma_start3A_1086 = tpu.memref_slice %dma_start3A_1084[%dma_start3A_1085] : memref<2048xf32, #tpu.memory_space<vmem>> -> memref<128xf32, #tpu.memory_space<vmem>>
      %dma_start3A_1087 = arith.constant 0 : i32
      %dma_start3A_1088 = tpu.memref_slice %arg7[%dma_start3A_1080, %dma_start3A_1087] : memref<2x2048xi32, #tpu.memory_space<vmem>> -> memref<1x2048xi32, #tpu.memory_space<vmem>>
      %dma_start3A_1089 = tpu.memref_squeeze %dma_start3A_1088 : memref<1x2048xi32, #tpu.memory_space<vmem>> -> memref<2048xi32, #tpu.memory_space<vmem>>
      %dma_start3A_1090 = arith.constant 0 : i32
      %dma_start3A_1091 = tpu.memref_slice %dma_start3A_1089[%dma_start3A_1090] : memref<2048xi32, #tpu.memory_space<vmem>> -> memref<128xi32, #tpu.memory_space<vmem>>
      %dma_start3A_1092 = arith.constant 0 : i32
      %dma_start3A_1093 = tpu.memref_slice %arg3[%dma_start3A_1092] : memref<1000000xf32, #tpu.memory_space<hbm>> -> memref<1000000xf32, #tpu.memory_space<hbm>>
      tpu.enqueue_indirect_dma source(%dma_start3A_1093 : memref<1000000xf32, #tpu.memory_space<hbm>>) target(%dma_start3A_1086 : memref<128xf32, #tpu.memory_space<vmem>>) offsets(%dma_start3A_1091 : memref<128xi32, #tpu.memory_space<vmem>>) semaphore(%arg15 : memref<!tpu.dma_semaphore, #tpu.memory_space<semaphore_mem>>)
      %dma_start3A_1094 = arith.constant 1 : i32
      %dma_start3A_1095 = arith.constant 1 : i32
      %dma_start3A_1096 = arith.constant 0 : i32
      %dma_start3A_1097 = tpu.memref_slice %arg11[%dma_start3A_1095, %dma_start3A_1096] : memref<2x2048xf32, #tpu.memory_space<vmem>> -> memref<1x2048xf32, #tpu.memory_space<vmem>>
      %dma_start3A_1098 = tpu.memref_squeeze %dma_start3A_1097 : memref<1x2048xf32, #tpu.memory_space<vmem>> -> memref<2048xf32, #tpu.memory_space<vmem>>
      %dma_start3A_1099 = arith.constant 0 : i32
      %dma_start3A_1100 = tpu.memref_slice %dma_start3A_1098[%dma_start3A_1099] : memref<2048xf32, #tpu.memory_space<vmem>> -> memref<128xf32, #tpu.memory_space<vmem>>
      %dma_start3A_1101 = arith.constant 0 : i32
      %dma_start3A_1102 = tpu.memref_slice %arg8[%dma_start3A_1094, %dma_start3A_1101] : memref<2x2048xi32, #tpu.memory_space<vmem>> -> memref<1x2048xi32, #tpu.memory_space<vmem>>
      %dma_start3A_1103 = tpu.memref_squeeze %dma_start3A_1102 : memref<1x2048xi32, #tpu.memory_space<vmem>> -> memref<2048xi32, #tpu.memory_space<vmem>>
      %dma_start3A_1104 = arith.constant 0 : i32
      %dma_start3A_1105 = tpu.memref_slice %dma_start3A_1103[%dma_start3A_1104] : memref<2048xi32, #tpu.memory_space<vmem>> -> memref<128xi32, #tpu.memory_space<vmem>>
      %dma_start3A_1106 = arith.constant 0 : i32
      %dma_start3A_1107 = tpu.memref_slice %arg2[%dma_start3A_1106] : memref<1000000xf32, #tpu.memory_space<hbm>> -> memref<1000000xf32, #tpu.memory_space<hbm>>
      tpu.enqueue_indirect_dma source(%dma_start3A_1107 : memref<1000000xf32, #tpu.memory_space<hbm>>) target(%dma_start3A_1100 : memref<128xf32, #tpu.memory_space<vmem>>) offsets(%dma_start3A_1105 : memref<128xi32, #tpu.memory_space<vmem>>) semaphore(%arg15 : memref<!tpu.dma_semaphore, #tpu.memory_space<semaphore_mem>>)
      %dma_start3A_1108 = arith.constant 1 : i32
      %dma_start3A_1109 = arith.constant 1 : i32
      %dma_start3A_1110 = arith.constant 0 : i32
      %dma_start3A_1111 = tpu.memref_slice %arg12[%dma_start3A_1109, %dma_start3A_1110] : memref<2x2048xf32, #tpu.memory_space<vmem>> -> memref<1x2048xf32, #tpu.memory_space<vmem>>
      %dma_start3A_1112 = tpu.memref_squeeze %dma_start3A_1111 : memref<1x2048xf32, #tpu.memory_space<vmem>> -> memref<2048xf32, #tpu.memory_space<vmem>>
      %dma_start3A_1113 = arith.constant 0 : i32
      %dma_start3A_1114 = tpu.memref_slice %dma_start3A_1112[%dma_start3A_1113] : memref<2048xf32, #tpu.memory_space<vmem>> -> memref<128xf32, #tpu.memory_space<vmem>>
      %dma_start3A_1115 = arith.constant 0 : i32
      %dma_start3A_1116 = tpu.memref_slice %arg8[%dma_start3A_1108, %dma_start3A_1115] : memref<2x2048xi32, #tpu.memory_space<vmem>> -> memref<1x2048xi32, #tpu.memory_space<vmem>>
      %dma_start3A_1117 = tpu.memref_squeeze %dma_start3A_1116 : memref<1x2048xi32, #tpu.memory_space<vmem>> -> memref<2048xi32, #tpu.memory_space<vmem>>
      %dma_start3A_1118 = arith.constant 0 : i32
      %dma_start3A_1119 = tpu.memref_slice %dma_start3A_1117[%dma_start3A_1118] : memref<2048xi32, #tpu.memory_space<vmem>> -> memref<128xi32, #tpu.memory_space<vmem>>
      %dma_start3A_1120 = arith.constant 0 : i32
      %dma_start3A_1121 = tpu.memref_slice %arg3[%dma_start3A_1120] : memref<1000000xf32, #tpu.memory_space<hbm>> -> memref<1000000xf32, #tpu.memory_space<hbm>>
      tpu.enqueue_indirect_dma source(%dma_start3A_1121 : memref<1000000xf32, #tpu.memory_space<hbm>>) target(%dma_start3A_1114 : memref<128xf32, #tpu.memory_space<vmem>>) offsets(%dma_start3A_1119 : memref<128xi32, #tpu.memory_space<vmem>>) semaphore(%arg15 : memref<!tpu.dma_semaphore, #tpu.memory_space<semaphore_mem>>)
      %dma_start3A_1122 = arith.constant 1 : i32
      %dma_start3A_1123 = arith.constant 1 : i32
      %dma_start3A_1124 = arith.constant 0 : i32
      %dma_start3A_1125 = tpu.memref_slice %arg9[%dma_start3A_1123, %dma_start3A_1124] : memref<2x2048xf32, #tpu.memory_space<vmem>> -> memref<1x2048xf32, #tpu.memory_space<vmem>>
      %dma_start3A_1126 = tpu.memref_squeeze %dma_start3A_1125 : memref<1x2048xf32, #tpu.memory_space<vmem>> -> memref<2048xf32, #tpu.memory_space<vmem>>
      %dma_start3A_1127 = arith.constant 128 : i32
      %dma_start3A_1128 = tpu.memref_slice %dma_start3A_1126[%dma_start3A_1127] : memref<2048xf32, #tpu.memory_space<vmem>> -> memref<128xf32, #tpu.memory_space<vmem>>
      %dma_start3A_1129 = arith.constant 0 : i32
      %dma_start3A_1130 = tpu.memref_slice %arg7[%dma_start3A_1122, %dma_start3A_1129] : memref<2x2048xi32, #tpu.memory_space<vmem>> -> memref<1x2048xi32, #tpu.memory_space<vmem>>
      %dma_start3A_1131 = tpu.memref_squeeze %dma_start3A_1130 : memref<1x2048xi32, #tpu.memory_space<vmem>> -> memref<2048xi32, #tpu.memory_space<vmem>>
      %dma_start3A_1132 = arith.constant 128 : i32
      %dma_start3A_1133 = tpu.memref_slice %dma_start3A_1131[%dma_start3A_1132] : memref<2048xi32, #tpu.memory_space<vmem>> -> memref<128xi32, #tpu.memory_space<vmem>>
      %dma_start3A_1134 = arith.constant 0 : i32
      %dma_start3A_1135 = tpu.memref_slice %arg2[%dma_start3A_1134] : memref<1000000xf32, #tpu.memory_space<hbm>> -> memref<1000000xf32, #tpu.memory_space<hbm>>
      tpu.enqueue_indirect_dma source(%dma_start3A_1135 : memref<1000000xf32, #tpu.memory_space<hbm>>) target(%dma_start3A_1128 : memref<128xf32, #tpu.memory_space<vmem>>) offsets(%dma_start3A_1133 : memref<128xi32, #tpu.memory_space<vmem>>) semaphore(%arg15 : memref<!tpu.dma_semaphore, #tpu.memory_space<semaphore_mem>>)
      %dma_start3A_1136 = arith.constant 1 : i32
      %dma_start3A_1137 = arith.constant 1 : i32
      %dma_start3A_1138 = arith.constant 0 : i32
      %dma_start3A_1139 = tpu.memref_slice %arg10[%dma_start3A_1137, %dma_start3A_1138] : memref<2x2048xf32, #tpu.memory_space<vmem>> -> memref<1x2048xf32, #tpu.memory_space<vmem>>
      %dma_start3A_1140 = tpu.memref_squeeze %dma_start3A_1139 : memref<1x2048xf32, #tpu.memory_space<vmem>> -> memref<2048xf32, #tpu.memory_space<vmem>>
      %dma_start3A_1141 = arith.constant 128 : i32
      %dma_start3A_1142 = tpu.memref_slice %dma_start3A_1140[%dma_start3A_1141] : memref<2048xf32, #tpu.memory_space<vmem>> -> memref<128xf32, #tpu.memory_space<vmem>>
      %dma_start3A_1143 = arith.constant 0 : i32
      %dma_start3A_1144 = tpu.memref_slice %arg7[%dma_start3A_1136, %dma_start3A_1143] : memref<2x2048xi32, #tpu.memory_space<vmem>> -> memref<1x2048xi32, #tpu.memory_space<vmem>>
      %dma_start3A_1145 = tpu.memref_squeeze %dma_start3A_1144 : memref<1x2048xi32, #tpu.memory_space<vmem>> -> memref<2048xi32, #tpu.memory_space<vmem>>
      %dma_start3A_1146 = arith.constant 128 : i32
      %dma_start3A_1147 = tpu.memref_slice %dma_start3A_1145[%dma_start3A_1146] : memref<2048xi32, #tpu.memory_space<vmem>> -> memref<128xi32, #tpu.memory_space<vmem>>
      %dma_start3A_1148 = arith.constant 0 : i32
      %dma_start3A_1149 = tpu.memref_slice %arg3[%dma_start3A_1148] : memref<1000000xf32, #tpu.memory_space<hbm>> -> memref<1000000xf32, #tpu.memory_space<hbm>>
      tpu.enqueue_indirect_dma source(%dma_start3A_1149 : memref<1000000xf32, #tpu.memory_space<hbm>>) target(%dma_start3A_1142 : memref<128xf32, #tpu.memory_space<vmem>>) offsets(%dma_start3A_1147 : memref<128xi32, #tpu.memory_space<vmem>>) semaphore(%arg15 : memref<!tpu.dma_semaphore, #tpu.memory_space<semaphore_mem>>)
      %dma_start3A_1150 = arith.constant 1 : i32
      %dma_start3A_1151 = arith.constant 1 : i32
      %dma_start3A_1152 = arith.constant 0 : i32
      %dma_start3A_1153 = tpu.memref_slice %arg11[%dma_start3A_1151, %dma_start3A_1152] : memref<2x2048xf32, #tpu.memory_space<vmem>> -> memref<1x2048xf32, #tpu.memory_space<vmem>>
      %dma_start3A_1154 = tpu.memref_squeeze %dma_start3A_1153 : memref<1x2048xf32, #tpu.memory_space<vmem>> -> memref<2048xf32, #tpu.memory_space<vmem>>
      %dma_start3A_1155 = arith.constant 128 : i32
      %dma_start3A_1156 = tpu.memref_slice %dma_start3A_1154[%dma_start3A_1155] : memref<2048xf32, #tpu.memory_space<vmem>> -> memref<128xf32, #tpu.memory_space<vmem>>
      %dma_start3A_1157 = arith.constant 0 : i32
      %dma_start3A_1158 = tpu.memref_slice %arg8[%dma_start3A_1150, %dma_start3A_1157] : memref<2x2048xi32, #tpu.memory_space<vmem>> -> memref<1x2048xi32, #tpu.memory_space<vmem>>
      %dma_start3A_1159 = tpu.memref_squeeze %dma_start3A_1158 : memref<1x2048xi32, #tpu.memory_space<vmem>> -> memref<2048xi32, #tpu.memory_space<vmem>>
      %dma_start3A_1160 = arith.constant 128 : i32
      %dma_start3A_1161 = tpu.memref_slice %dma_start3A_1159[%dma_start3A_1160] : memref<2048xi32, #tpu.memory_space<vmem>> -> memref<128xi32, #tpu.memory_space<vmem>>
      %dma_start3A_1162 = arith.constant 0 : i32
      %dma_start3A_1163 = tpu.memref_slice %arg2[%dma_start3A_1162] : memref<1000000xf32, #tpu.memory_space<hbm>> -> memref<1000000xf32, #tpu.memory_space<hbm>>
      tpu.enqueue_indirect_dma source(%dma_start3A_1163 : memref<1000000xf32, #tpu.memory_space<hbm>>) target(%dma_start3A_1156 : memref<128xf32, #tpu.memory_space<vmem>>) offsets(%dma_start3A_1161 : memref<128xi32, #tpu.memory_space<vmem>>) semaphore(%arg15 : memref<!tpu.dma_semaphore, #tpu.memory_space<semaphore_mem>>)
      %dma_start3A_1164 = arith.constant 1 : i32
      %dma_start3A_1165 = arith.constant 1 : i32
      %dma_start3A_1166 = arith.constant 0 : i32
      %dma_start3A_1167 = tpu.memref_slice %arg12[%dma_start3A_1165, %dma_start3A_1166] : memref<2x2048xf32, #tpu.memory_space<vmem>> -> memref<1x2048xf32, #tpu.memory_space<vmem>>
      %dma_start3A_1168 = tpu.memref_squeeze %dma_start3A_1167 : memref<1x2048xf32, #tpu.memory_space<vmem>> -> memref<2048xf32, #tpu.memory_space<vmem>>
      %dma_start3A_1169 = arith.constant 128 : i32
      %dma_start3A_1170 = tpu.memref_slice %dma_start3A_1168[%dma_start3A_1169] : memref<2048xf32, #tpu.memory_space<vmem>> -> memref<128xf32, #tpu.memory_space<vmem>>
      %dma_start3A_1171 = arith.constant 0 : i32
      %dma_start3A_1172 = tpu.memref_slice %arg8[%dma_start3A_1164, %dma_start3A_1171] : memref<2x2048xi32, #tpu.memory_space<vmem>> -> memref<1x2048xi32, #tpu.memory_space<vmem>>
      %dma_start3A_1173 = tpu.memref_squeeze %dma_start3A_1172 : memref<1x2048xi32, #tpu.memory_space<vmem>> -> memref<2048xi32, #tpu.memory_space<vmem>>
      %dma_start3A_1174 = arith.constant 128 : i32
      %dma_start3A_1175 = tpu.memref_slice %dma_start3A_1173[%dma_start3A_1174] : memref<2048xi32, #tpu.memory_space<vmem>> -> memref<128xi32, #tpu.memory_space<vmem>>
      %dma_start3A_1176 = arith.constant 0 : i32
      %dma_start3A_1177 = tpu.memref_slice %arg3[%dma_start3A_1176] : memref<1000000xf32, #tpu.memory_space<hbm>> -> memref<1000000xf32, #tpu.memory_space<hbm>>
      tpu.enqueue_indirect_dma source(%dma_start3A_1177 : memref<1000000xf32, #tpu.memory_space<hbm>>) target(%dma_start3A_1170 : memref<128xf32, #tpu.memory_space<vmem>>) offsets(%dma_start3A_1175 : memref<128xi32, #tpu.memory_space<vmem>>) semaphore(%arg15 : memref<!tpu.dma_semaphore, #tpu.memory_space<semaphore_mem>>)
      %dma_start3A_1178 = arith.constant 1 : i32
      %dma_start3A_1179 = arith.constant 1 : i32
      %dma_start3A_1180 = arith.constant 0 : i32
      %dma_start3A_1181 = tpu.memref_slice %arg9[%dma_start3A_1179, %dma_start3A_1180] : memref<2x2048xf32, #tpu.memory_space<vmem>> -> memref<1x2048xf32, #tpu.memory_space<vmem>>
      %dma_start3A_1182 = tpu.memref_squeeze %dma_start3A_1181 : memref<1x2048xf32, #tpu.memory_space<vmem>> -> memref<2048xf32, #tpu.memory_space<vmem>>
      %dma_start3A_1183 = arith.constant 256 : i32
      %dma_start3A_1184 = tpu.memref_slice %dma_start3A_1182[%dma_start3A_1183] : memref<2048xf32, #tpu.memory_space<vmem>> -> memref<128xf32, #tpu.memory_space<vmem>>
      %dma_start3A_1185 = arith.constant 0 : i32
      %dma_start3A_1186 = tpu.memref_slice %arg7[%dma_start3A_1178, %dma_start3A_1185] : memref<2x2048xi32, #tpu.memory_space<vmem>> -> memref<1x2048xi32, #tpu.memory_space<vmem>>
      %dma_start3A_1187 = tpu.memref_squeeze %dma_start3A_1186 : memref<1x2048xi32, #tpu.memory_space<vmem>> -> memref<2048xi32, #tpu.memory_space<vmem>>
      %dma_start3A_1188 = arith.constant 256 : i32
      %dma_start3A_1189 = tpu.memref_slice %dma_start3A_1187[%dma_start3A_1188] : memref<2048xi32, #tpu.memory_space<vmem>> -> memref<128xi32, #tpu.memory_space<vmem>>
      %dma_start3A_1190 = arith.constant 0 : i32
      %dma_start3A_1191 = tpu.memref_slice %arg2[%dma_start3A_1190] : memref<1000000xf32, #tpu.memory_space<hbm>> -> memref<1000000xf32, #tpu.memory_space<hbm>>
      tpu.enqueue_indirect_dma source(%dma_start3A_1191 : memref<1000000xf32, #tpu.memory_space<hbm>>) target(%dma_start3A_1184 : memref<128xf32, #tpu.memory_space<vmem>>) offsets(%dma_start3A_1189 : memref<128xi32, #tpu.memory_space<vmem>>) semaphore(%arg15 : memref<!tpu.dma_semaphore, #tpu.memory_space<semaphore_mem>>)
      %dma_start3A_1192 = arith.constant 1 : i32
      %dma_start3A_1193 = arith.constant 1 : i32
      %dma_start3A_1194 = arith.constant 0 : i32
      %dma_start3A_1195 = tpu.memref_slice %arg10[%dma_start3A_1193, %dma_start3A_1194] : memref<2x2048xf32, #tpu.memory_space<vmem>> -> memref<1x2048xf32, #tpu.memory_space<vmem>>
      %dma_start3A_1196 = tpu.memref_squeeze %dma_start3A_1195 : memref<1x2048xf32, #tpu.memory_space<vmem>> -> memref<2048xf32, #tpu.memory_space<vmem>>
      %dma_start3A_1197 = arith.constant 256 : i32
      %dma_start3A_1198 = tpu.memref_slice %dma_start3A_1196[%dma_start3A_1197] : memref<2048xf32, #tpu.memory_space<vmem>> -> memref<128xf32, #tpu.memory_space<vmem>>
      %dma_start3A_1199 = arith.constant 0 : i32
      %dma_start3A_1200 = tpu.memref_slice %arg7[%dma_start3A_1192, %dma_start3A_1199] : memref<2x2048xi32, #tpu.memory_space<vmem>> -> memref<1x2048xi32, #tpu.memory_space<vmem>>
      %dma_start3A_1201 = tpu.memref_squeeze %dma_start3A_1200 : memref<1x2048xi32, #tpu.memory_space<vmem>> -> memref<2048xi32, #tpu.memory_space<vmem>>
      %dma_start3A_1202 = arith.constant 256 : i32
      %dma_start3A_1203 = tpu.memref_slice %dma_start3A_1201[%dma_start3A_1202] : memref<2048xi32, #tpu.memory_space<vmem>> -> memref<128xi32, #tpu.memory_space<vmem>>
      %dma_start3A_1204 = arith.constant 0 : i32
      %dma_start3A_1205 = tpu.memref_slice %arg3[%dma_start3A_1204] : memref<1000000xf32, #tpu.memory_space<hbm>> -> memref<1000000xf32, #tpu.memory_space<hbm>>
      tpu.enqueue_indirect_dma source(%dma_start3A_1205 : memref<1000000xf32, #tpu.memory_space<hbm>>) target(%dma_start3A_1198 : memref<128xf32, #tpu.memory_space<vmem>>) offsets(%dma_start3A_1203 : memref<128xi32, #tpu.memory_space<vmem>>) semaphore(%arg15 : memref<!tpu.dma_semaphore, #tpu.memory_space<semaphore_mem>>)
      %dma_start3A_1206 = arith.constant 1 : i32
      %dma_start3A_1207 = arith.constant 1 : i32
      %dma_start3A_1208 = arith.constant 0 : i32
      %dma_start3A_1209 = tpu.memref_slice %arg11[%dma_start3A_1207, %dma_start3A_1208] : memref<2x2048xf32, #tpu.memory_space<vmem>> -> memref<1x2048xf32, #tpu.memory_space<vmem>>
      %dma_start3A_1210 = tpu.memref_squeeze %dma_start3A_1209 : memref<1x2048xf32, #tpu.memory_space<vmem>> -> memref<2048xf32, #tpu.memory_space<vmem>>
      %dma_start3A_1211 = arith.constant 256 : i32
      %dma_start3A_1212 = tpu.memref_slice %dma_start3A_1210[%dma_start3A_1211] : memref<2048xf32, #tpu.memory_space<vmem>> -> memref<128xf32, #tpu.memory_space<vmem>>
      %dma_start3A_1213 = arith.constant 0 : i32
      %dma_start3A_1214 = tpu.memref_slice %arg8[%dma_start3A_1206, %dma_start3A_1213] : memref<2x2048xi32, #tpu.memory_space<vmem>> -> memref<1x2048xi32, #tpu.memory_space<vmem>>
      %dma_start3A_1215 = tpu.memref_squeeze %dma_start3A_1214 : memref<1x2048xi32, #tpu.memory_space<vmem>> -> memref<2048xi32, #tpu.memory_space<vmem>>
      %dma_start3A_1216 = arith.constant 256 : i32
      %dma_start3A_1217 = tpu.memref_slice %dma_start3A_1215[%dma_start3A_1216] : memref<2048xi32, #tpu.memory_space<vmem>> -> memref<128xi32, #tpu.memory_space<vmem>>
      %dma_start3A_1218 = arith.constant 0 : i32
      %dma_start3A_1219 = tpu.memref_slice %arg2[%dma_start3A_1218] : memref<1000000xf32, #tpu.memory_space<hbm>> -> memref<1000000xf32, #tpu.memory_space<hbm>>
      tpu.enqueue_indirect_dma source(%dma_start3A_1219 : memref<1000000xf32, #tpu.memory_space<hbm>>) target(%dma_start3A_1212 : memref<128xf32, #tpu.memory_space<vmem>>) offsets(%dma_start3A_1217 : memref<128xi32, #tpu.memory_space<vmem>>) semaphore(%arg15 : memref<!tpu.dma_semaphore, #tpu.memory_space<semaphore_mem>>)
      %dma_start3A_1220 = arith.constant 1 : i32
      %dma_start3A_1221 = arith.constant 1 : i32
      %dma_start3A_1222 = arith.constant 0 : i32
      %dma_start3A_1223 = tpu.memref_slice %arg12[%dma_start3A_1221, %dma_start3A_1222] : memref<2x2048xf32, #tpu.memory_space<vmem>> -> memref<1x2048xf32, #tpu.memory_space<vmem>>
      %dma_start3A_1224 = tpu.memref_squeeze %dma_start3A_1223 : memref<1x2048xf32, #tpu.memory_space<vmem>> -> memref<2048xf32, #tpu.memory_space<vmem>>
      %dma_start3A_1225 = arith.constant 256 : i32
      %dma_start3A_1226 = tpu.memref_slice %dma_start3A_1224[%dma_start3A_1225] : memref<2048xf32, #tpu.memory_space<vmem>> -> memref<128xf32, #tpu.memory_space<vmem>>
      %dma_start3A_1227 = arith.constant 0 : i32
      %dma_start3A_1228 = tpu.memref_slice %arg8[%dma_start3A_1220, %dma_start3A_1227] : memref<2x2048xi32, #tpu.memory_space<vmem>> -> memref<1x2048xi32, #tpu.memory_space<vmem>>
      %dma_start3A_1229 = tpu.memref_squeeze %dma_start3A_1228 : memref<1x2048xi32, #tpu.memory_space<vmem>> -> memref<2048xi32, #tpu.memory_space<vmem>>
      %dma_start3A_1230 = arith.constant 256 : i32
      %dma_start3A_1231 = tpu.memref_slice %dma_start3A_1229[%dma_start3A_1230] : memref<2048xi32, #tpu.memory_space<vmem>> -> memref<128xi32, #tpu.memory_space<vmem>>
      %dma_start3A_1232 = arith.constant 0 : i32
      %dma_start3A_1233 = tpu.memref_slice %arg3[%dma_start3A_1232] : memref<1000000xf32, #tpu.memory_space<hbm>> -> memref<1000000xf32, #tpu.memory_space<hbm>>
      tpu.enqueue_indirect_dma source(%dma_start3A_1233 : memref<1000000xf32, #tpu.memory_space<hbm>>) target(%dma_start3A_1226 : memref<128xf32, #tpu.memory_space<vmem>>) offsets(%dma_start3A_1231 : memref<128xi32, #tpu.memory_space<vmem>>) semaphore(%arg15 : memref<!tpu.dma_semaphore, #tpu.memory_space<semaphore_mem>>)
      %dma_start3A_1234 = arith.constant 1 : i32
      %dma_start3A_1235 = arith.constant 1 : i32
      %dma_start3A_1236 = arith.constant 0 : i32
      %dma_start3A_1237 = tpu.memref_slice %arg9[%dma_start3A_1235, %dma_start3A_1236] : memref<2x2048xf32, #tpu.memory_space<vmem>> -> memref<1x2048xf32, #tpu.memory_space<vmem>>
      %dma_start3A_1238 = tpu.memref_squeeze %dma_start3A_1237 : memref<1x2048xf32, #tpu.memory_space<vmem>> -> memref<2048xf32, #tpu.memory_space<vmem>>
      %dma_start3A_1239 = arith.constant 384 : i32
      %dma_start3A_1240 = tpu.memref_slice %dma_start3A_1238[%dma_start3A_1239] : memref<2048xf32, #tpu.memory_space<vmem>> -> memref<128xf32, #tpu.memory_space<vmem>>
      %dma_start3A_1241 = arith.constant 0 : i32
      %dma_start3A_1242 = tpu.memref_slice %arg7[%dma_start3A_1234, %dma_start3A_1241] : memref<2x2048xi32, #tpu.memory_space<vmem>> -> memref<1x2048xi32, #tpu.memory_space<vmem>>
      %dma_start3A_1243 = tpu.memref_squeeze %dma_start3A_1242 : memref<1x2048xi32, #tpu.memory_space<vmem>> -> memref<2048xi32, #tpu.memory_space<vmem>>
      %dma_start3A_1244 = arith.constant 384 : i32
      %dma_start3A_1245 = tpu.memref_slice %dma_start3A_1243[%dma_start3A_1244] : memref<2048xi32, #tpu.memory_space<vmem>> -> memref<128xi32, #tpu.memory_space<vmem>>
      %dma_start3A_1246 = arith.constant 0 : i32
      %dma_start3A_1247 = tpu.memref_slice %arg2[%dma_start3A_1246] : memref<1000000xf32, #tpu.memory_space<hbm>> -> memref<1000000xf32, #tpu.memory_space<hbm>>
      tpu.enqueue_indirect_dma source(%dma_start3A_1247 : memref<1000000xf32, #tpu.memory_space<hbm>>) target(%dma_start3A_1240 : memref<128xf32, #tpu.memory_space<vmem>>) offsets(%dma_start3A_1245 : memref<128xi32, #tpu.memory_space<vmem>>) semaphore(%arg15 : memref<!tpu.dma_semaphore, #tpu.memory_space<semaphore_mem>>)
      %dma_start3A_1248 = arith.constant 1 : i32
      %dma_start3A_1249 = arith.constant 1 : i32
      %dma_start3A_1250 = arith.constant 0 : i32
      %dma_start3A_1251 = tpu.memref_slice %arg10[%dma_start3A_1249, %dma_start3A_1250] : memref<2x2048xf32, #tpu.memory_space<vmem>> -> memref<1x2048xf32, #tpu.memory_space<vmem>>
      %dma_start3A_1252 = tpu.memref_squeeze %dma_start3A_1251 : memref<1x2048xf32, #tpu.memory_space<vmem>> -> memref<2048xf32, #tpu.memory_space<vmem>>
      %dma_start3A_1253 = arith.constant 384 : i32
      %dma_start3A_1254 = tpu.memref_slice %dma_start3A_1252[%dma_start3A_1253] : memref<2048xf32, #tpu.memory_space<vmem>> -> memref<128xf32, #tpu.memory_space<vmem>>
      %dma_start3A_1255 = arith.constant 0 : i32
      %dma_start3A_1256 = tpu.memref_slice %arg7[%dma_start3A_1248, %dma_start3A_1255] : memref<2x2048xi32, #tpu.memory_space<vmem>> -> memref<1x2048xi32, #tpu.memory_space<vmem>>
      %dma_start3A_1257 = tpu.memref_squeeze %dma_start3A_1256 : memref<1x2048xi32, #tpu.memory_space<vmem>> -> memref<2048xi32, #tpu.memory_space<vmem>>
      %dma_start3A_1258 = arith.constant 384 : i32
      %dma_start3A_1259 = tpu.memref_slice %dma_start3A_1257[%dma_start3A_1258] : memref<2048xi32, #tpu.memory_space<vmem>> -> memref<128xi32, #tpu.memory_space<vmem>>
      %dma_start3A_1260 = arith.constant 0 : i32
      %dma_start3A_1261 = tpu.memref_slice %arg3[%dma_start3A_1260] : memref<1000000xf32, #tpu.memory_space<hbm>> -> memref<1000000xf32, #tpu.memory_space<hbm>>
      tpu.enqueue_indirect_dma source(%dma_start3A_1261 : memref<1000000xf32, #tpu.memory_space<hbm>>) target(%dma_start3A_1254 : memref<128xf32, #tpu.memory_space<vmem>>) offsets(%dma_start3A_1259 : memref<128xi32, #tpu.memory_space<vmem>>) semaphore(%arg15 : memref<!tpu.dma_semaphore, #tpu.memory_space<semaphore_mem>>)
      %dma_start3A_1262 = arith.constant 1 : i32
      %dma_start3A_1263 = arith.constant 1 : i32
      %dma_start3A_1264 = arith.constant 0 : i32
      %dma_start3A_1265 = tpu.memref_slice %arg11[%dma_start3A_1263, %dma_start3A_1264] : memref<2x2048xf32, #tpu.memory_space<vmem>> -> memref<1x2048xf32, #tpu.memory_space<vmem>>
      %dma_start3A_1266 = tpu.memref_squeeze %dma_start3A_1265 : memref<1x2048xf32, #tpu.memory_space<vmem>> -> memref<2048xf32, #tpu.memory_space<vmem>>
      %dma_start3A_1267 = arith.constant 384 : i32
      %dma_start3A_1268 = tpu.memref_slice %dma_start3A_1266[%dma_start3A_1267] : memref<2048xf32, #tpu.memory_space<vmem>> -> memref<128xf32, #tpu.memory_space<vmem>>
      %dma_start3A_1269 = arith.constant 0 : i32
      %dma_start3A_1270 = tpu.memref_slice %arg8[%dma_start3A_1262, %dma_start3A_1269] : memref<2x2048xi32, #tpu.memory_space<vmem>> -> memref<1x2048xi32, #tpu.memory_space<vmem>>
      %dma_start3A_1271 = tpu.memref_squeeze %dma_start3A_1270 : memref<1x2048xi32, #tpu.memory_space<vmem>> -> memref<2048xi32, #tpu.memory_space<vmem>>
      %dma_start3A_1272 = arith.constant 384 : i32
      %dma_start3A_1273 = tpu.memref_slice %dma_start3A_1271[%dma_start3A_1272] : memref<2048xi32, #tpu.memory_space<vmem>> -> memref<128xi32, #tpu.memory_space<vmem>>
      %dma_start3A_1274 = arith.constant 0 : i32
      %dma_start3A_1275 = tpu.memref_slice %arg2[%dma_start3A_1274] : memref<1000000xf32, #tpu.memory_space<hbm>> -> memref<1000000xf32, #tpu.memory_space<hbm>>
      tpu.enqueue_indirect_dma source(%dma_start3A_1275 : memref<1000000xf32, #tpu.memory_space<hbm>>) target(%dma_start3A_1268 : memref<128xf32, #tpu.memory_space<vmem>>) offsets(%dma_start3A_1273 : memref<128xi32, #tpu.memory_space<vmem>>) semaphore(%arg15 : memref<!tpu.dma_semaphore, #tpu.memory_space<semaphore_mem>>)
      %dma_start3A_1276 = arith.constant 1 : i32
      %dma_start3A_1277 = arith.constant 1 : i32
      %dma_start3A_1278 = arith.constant 0 : i32
      %dma_start3A_1279 = tpu.memref_slice %arg12[%dma_start3A_1277, %dma_start3A_1278] : memref<2x2048xf32, #tpu.memory_space<vmem>> -> memref<1x2048xf32, #tpu.memory_space<vmem>>
      %dma_start3A_1280 = tpu.memref_squeeze %dma_start3A_1279 : memref<1x2048xf32, #tpu.memory_space<vmem>> -> memref<2048xf32, #tpu.memory_space<vmem>>
      %dma_start3A_1281 = arith.constant 384 : i32
      %dma_start3A_1282 = tpu.memref_slice %dma_start3A_1280[%dma_start3A_1281] : memref<2048xf32, #tpu.memory_space<vmem>> -> memref<128xf32, #tpu.memory_space<vmem>>
      %dma_start3A_1283 = arith.constant 0 : i32
      %dma_start3A_1284 = tpu.memref_slice %arg8[%dma_start3A_1276, %dma_start3A_1283] : memref<2x2048xi32, #tpu.memory_space<vmem>> -> memref<1x2048xi32, #tpu.memory_space<vmem>>
      %dma_start3A_1285 = tpu.memref_squeeze %dma_start3A_1284 : memref<1x2048xi32, #tpu.memory_space<vmem>> -> memref<2048xi32, #tpu.memory_space<vmem>>
      %dma_start3A_1286 = arith.constant 384 : i32
      %dma_start3A_1287 = tpu.memref_slice %dma_start3A_1285[%dma_start3A_1286] : memref<2048xi32, #tpu.memory_space<vmem>> -> memref<128xi32, #tpu.memory_space<vmem>>
      %dma_start3A_1288 = arith.constant 0 : i32
      %dma_start3A_1289 = tpu.memref_slice %arg3[%dma_start3A_1288] : memref<1000000xf32, #tpu.memory_space<hbm>> -> memref<1000000xf32, #tpu.memory_space<hbm>>
      tpu.enqueue_indirect_dma source(%dma_start3A_1289 : memref<1000000xf32, #tpu.memory_space<hbm>>) target(%dma_start3A_1282 : memref<128xf32, #tpu.memory_space<vmem>>) offsets(%dma_start3A_1287 : memref<128xi32, #tpu.memory_space<vmem>>) semaphore(%arg15 : memref<!tpu.dma_semaphore, #tpu.memory_space<semaphore_mem>>)
      %dma_start3A_1290 = arith.constant 1 : i32
      %dma_start3A_1291 = arith.constant 1 : i32
      %dma_start3A_1292 = arith.constant 0 : i32
      %dma_start3A_1293 = tpu.memref_slice %arg9[%dma_start3A_1291, %dma_start3A_1292] : memref<2x2048xf32, #tpu.memory_space<vmem>> -> memref<1x2048xf32, #tpu.memory_space<vmem>>
      %dma_start3A_1294 = tpu.memref_squeeze %dma_start3A_1293 : memref<1x2048xf32, #tpu.memory_space<vmem>> -> memref<2048xf32, #tpu.memory_space<vmem>>
      %dma_start3A_1295 = arith.constant 512 : i32
      %dma_start3A_1296 = tpu.memref_slice %dma_start3A_1294[%dma_start3A_1295] : memref<2048xf32, #tpu.memory_space<vmem>> -> memref<128xf32, #tpu.memory_space<vmem>>
      %dma_start3A_1297 = arith.constant 0 : i32
      %dma_start3A_1298 = tpu.memref_slice %arg7[%dma_start3A_1290, %dma_start3A_1297] : memref<2x2048xi32, #tpu.memory_space<vmem>> -> memref<1x2048xi32, #tpu.memory_space<vmem>>
      %dma_start3A_1299 = tpu.memref_squeeze %dma_start3A_1298 : memref<1x2048xi32, #tpu.memory_space<vmem>> -> memref<2048xi32, #tpu.memory_space<vmem>>
      %dma_start3A_1300 = arith.constant 512 : i32
      %dma_start3A_1301 = tpu.memref_slice %dma_start3A_1299[%dma_start3A_1300] : memref<2048xi32, #tpu.memory_space<vmem>> -> memref<128xi32, #tpu.memory_space<vmem>>
      %dma_start3A_1302 = arith.constant 0 : i32
      %dma_start3A_1303 = tpu.memref_slice %arg2[%dma_start3A_1302] : memref<1000000xf32, #tpu.memory_space<hbm>> -> memref<1000000xf32, #tpu.memory_space<hbm>>
      tpu.enqueue_indirect_dma source(%dma_start3A_1303 : memref<1000000xf32, #tpu.memory_space<hbm>>) target(%dma_start3A_1296 : memref<128xf32, #tpu.memory_space<vmem>>) offsets(%dma_start3A_1301 : memref<128xi32, #tpu.memory_space<vmem>>) semaphore(%arg15 : memref<!tpu.dma_semaphore, #tpu.memory_space<semaphore_mem>>)
      %dma_start3A_1304 = arith.constant 1 : i32
      %dma_start3A_1305 = arith.constant 1 : i32
      %dma_start3A_1306 = arith.constant 0 : i32
      %dma_start3A_1307 = tpu.memref_slice %arg10[%dma_start3A_1305, %dma_start3A_1306] : memref<2x2048xf32, #tpu.memory_space<vmem>> -> memref<1x2048xf32, #tpu.memory_space<vmem>>
      %dma_start3A_1308 = tpu.memref_squeeze %dma_start3A_1307 : memref<1x2048xf32, #tpu.memory_space<vmem>> -> memref<2048xf32, #tpu.memory_space<vmem>>
      %dma_start3A_1309 = arith.constant 512 : i32
      %dma_start3A_1310 = tpu.memref_slice %dma_start3A_1308[%dma_start3A_1309] : memref<2048xf32, #tpu.memory_space<vmem>> -> memref<128xf32, #tpu.memory_space<vmem>>
      %dma_start3A_1311 = arith.constant 0 : i32
      %dma_start3A_1312 = tpu.memref_slice %arg7[%dma_start3A_1304, %dma_start3A_1311] : memref<2x2048xi32, #tpu.memory_space<vmem>> -> memref<1x2048xi32, #tpu.memory_space<vmem>>
      %dma_start3A_1313 = tpu.memref_squeeze %dma_start3A_1312 : memref<1x2048xi32, #tpu.memory_space<vmem>> -> memref<2048xi32, #tpu.memory_space<vmem>>
      %dma_start3A_1314 = arith.constant 512 : i32
      %dma_start3A_1315 = tpu.memref_slice %dma_start3A_1313[%dma_start3A_1314] : memref<2048xi32, #tpu.memory_space<vmem>> -> memref<128xi32, #tpu.memory_space<vmem>>
      %dma_start3A_1316 = arith.constant 0 : i32
      %dma_start3A_1317 = tpu.memref_slice %arg3[%dma_start3A_1316] : memref<1000000xf32, #tpu.memory_space<hbm>> -> memref<1000000xf32, #tpu.memory_space<hbm>>
      tpu.enqueue_indirect_dma source(%dma_start3A_1317 : memref<1000000xf32, #tpu.memory_space<hbm>>) target(%dma_start3A_1310 : memref<128xf32, #tpu.memory_space<vmem>>) offsets(%dma_start3A_1315 : memref<128xi32, #tpu.memory_space<vmem>>) semaphore(%arg15 : memref<!tpu.dma_semaphore, #tpu.memory_space<semaphore_mem>>)
      %dma_start3A_1318 = arith.constant 1 : i32
      %dma_start3A_1319 = arith.constant 1 : i32
      %dma_start3A_1320 = arith.constant 0 : i32
      %dma_start3A_1321 = tpu.memref_slice %arg11[%dma_start3A_1319, %dma_start3A_1320] : memref<2x2048xf32, #tpu.memory_space<vmem>> -> memref<1x2048xf32, #tpu.memory_space<vmem>>
      %dma_start3A_1322 = tpu.memref_squeeze %dma_start3A_1321 : memref<1x2048xf32, #tpu.memory_space<vmem>> -> memref<2048xf32, #tpu.memory_space<vmem>>
      %dma_start3A_1323 = arith.constant 512 : i32
      %dma_start3A_1324 = tpu.memref_slice %dma_start3A_1322[%dma_start3A_1323] : memref<2048xf32, #tpu.memory_space<vmem>> -> memref<128xf32, #tpu.memory_space<vmem>>
      %dma_start3A_1325 = arith.constant 0 : i32
      %dma_start3A_1326 = tpu.memref_slice %arg8[%dma_start3A_1318, %dma_start3A_1325] : memref<2x2048xi32, #tpu.memory_space<vmem>> -> memref<1x2048xi32, #tpu.memory_space<vmem>>
      %dma_start3A_1327 = tpu.memref_squeeze %dma_start3A_1326 : memref<1x2048xi32, #tpu.memory_space<vmem>> -> memref<2048xi32, #tpu.memory_space<vmem>>
      %dma_start3A_1328 = arith.constant 512 : i32
      %dma_start3A_1329 = tpu.memref_slice %dma_start3A_1327[%dma_start3A_1328] : memref<2048xi32, #tpu.memory_space<vmem>> -> memref<128xi32, #tpu.memory_space<vmem>>
      %dma_start3A_1330 = arith.constant 0 : i32
      %dma_start3A_1331 = tpu.memref_slice %arg2[%dma_start3A_1330] : memref<1000000xf32, #tpu.memory_space<hbm>> -> memref<1000000xf32, #tpu.memory_space<hbm>>
      tpu.enqueue_indirect_dma source(%dma_start3A_1331 : memref<1000000xf32, #tpu.memory_space<hbm>>) target(%dma_start3A_1324 : memref<128xf32, #tpu.memory_space<vmem>>) offsets(%dma_start3A_1329 : memref<128xi32, #tpu.memory_space<vmem>>) semaphore(%arg15 : memref<!tpu.dma_semaphore, #tpu.memory_space<semaphore_mem>>)
      %dma_start3A_1332 = arith.constant 1 : i32
      %dma_start3A_1333 = arith.constant 1 : i32
      %dma_start3A_1334 = arith.constant 0 : i32
      %dma_start3A_1335 = tpu.memref_slice %arg12[%dma_start3A_1333, %dma_start3A_1334] : memref<2x2048xf32, #tpu.memory_space<vmem>> -> memref<1x2048xf32, #tpu.memory_space<vmem>>
      %dma_start3A_1336 = tpu.memref_squeeze %dma_start3A_1335 : memref<1x2048xf32, #tpu.memory_space<vmem>> -> memref<2048xf32, #tpu.memory_space<vmem>>
      %dma_start3A_1337 = arith.constant 512 : i32
      %dma_start3A_1338 = tpu.memref_slice %dma_start3A_1336[%dma_start3A_1337] : memref<2048xf32, #tpu.memory_space<vmem>> -> memref<128xf32, #tpu.memory_space<vmem>>
      %dma_start3A_1339 = arith.constant 0 : i32
      %dma_start3A_1340 = tpu.memref_slice %arg8[%dma_start3A_1332, %dma_start3A_1339] : memref<2x2048xi32, #tpu.memory_space<vmem>> -> memref<1x2048xi32, #tpu.memory_space<vmem>>
      %dma_start3A_1341 = tpu.memref_squeeze %dma_start3A_1340 : memref<1x2048xi32, #tpu.memory_space<vmem>> -> memref<2048xi32, #tpu.memory_space<vmem>>
      %dma_start3A_1342 = arith.constant 512 : i32
      %dma_start3A_1343 = tpu.memref_slice %dma_start3A_1341[%dma_start3A_1342] : memref<2048xi32, #tpu.memory_space<vmem>> -> memref<128xi32, #tpu.memory_space<vmem>>
      %dma_start3A_1344 = arith.constant 0 : i32
      %dma_start3A_1345 = tpu.memref_slice %arg3[%dma_start3A_1344] : memref<1000000xf32, #tpu.memory_space<hbm>> -> memref<1000000xf32, #tpu.memory_space<hbm>>
      tpu.enqueue_indirect_dma source(%dma_start3A_1345 : memref<1000000xf32, #tpu.memory_space<hbm>>) target(%dma_start3A_1338 : memref<128xf32, #tpu.memory_space<vmem>>) offsets(%dma_start3A_1343 : memref<128xi32, #tpu.memory_space<vmem>>) semaphore(%arg15 : memref<!tpu.dma_semaphore, #tpu.memory_space<semaphore_mem>>)
      %dma_start3A_1346 = arith.constant 1 : i32
      %dma_start3A_1347 = arith.constant 1 : i32
      %dma_start3A_1348 = arith.constant 0 : i32
      %dma_start3A_1349 = tpu.memref_slice %arg9[%dma_start3A_1347, %dma_start3A_1348] : memref<2x2048xf32, #tpu.memory_space<vmem>> -> memref<1x2048xf32, #tpu.memory_space<vmem>>
      %dma_start3A_1350 = tpu.memref_squeeze %dma_start3A_1349 : memref<1x2048xf32, #tpu.memory_space<vmem>> -> memref<2048xf32, #tpu.memory_space<vmem>>
      %dma_start3A_1351 = arith.constant 640 : i32
      %dma_start3A_1352 = tpu.memref_slice %dma_start3A_1350[%dma_start3A_1351] : memref<2048xf32, #tpu.memory_space<vmem>> -> memref<128xf32, #tpu.memory_space<vmem>>
      %dma_start3A_1353 = arith.constant 0 : i32
      %dma_start3A_1354 = tpu.memref_slice %arg7[%dma_start3A_1346, %dma_start3A_1353] : memref<2x2048xi32, #tpu.memory_space<vmem>> -> memref<1x2048xi32, #tpu.memory_space<vmem>>
      %dma_start3A_1355 = tpu.memref_squeeze %dma_start3A_1354 : memref<1x2048xi32, #tpu.memory_space<vmem>> -> memref<2048xi32, #tpu.memory_space<vmem>>
      %dma_start3A_1356 = arith.constant 640 : i32
      %dma_start3A_1357 = tpu.memref_slice %dma_start3A_1355[%dma_start3A_1356] : memref<2048xi32, #tpu.memory_space<vmem>> -> memref<128xi32, #tpu.memory_space<vmem>>
      %dma_start3A_1358 = arith.constant 0 : i32
      %dma_start3A_1359 = tpu.memref_slice %arg2[%dma_start3A_1358] : memref<1000000xf32, #tpu.memory_space<hbm>> -> memref<1000000xf32, #tpu.memory_space<hbm>>
      tpu.enqueue_indirect_dma source(%dma_start3A_1359 : memref<1000000xf32, #tpu.memory_space<hbm>>) target(%dma_start3A_1352 : memref<128xf32, #tpu.memory_space<vmem>>) offsets(%dma_start3A_1357 : memref<128xi32, #tpu.memory_space<vmem>>) semaphore(%arg15 : memref<!tpu.dma_semaphore, #tpu.memory_space<semaphore_mem>>)
      %dma_start3A_1360 = arith.constant 1 : i32
      %dma_start3A_1361 = arith.constant 1 : i32
      %dma_start3A_1362 = arith.constant 0 : i32
      %dma_start3A_1363 = tpu.memref_slice %arg10[%dma_start3A_1361, %dma_start3A_1362] : memref<2x2048xf32, #tpu.memory_space<vmem>> -> memref<1x2048xf32, #tpu.memory_space<vmem>>
      %dma_start3A_1364 = tpu.memref_squeeze %dma_start3A_1363 : memref<1x2048xf32, #tpu.memory_space<vmem>> -> memref<2048xf32, #tpu.memory_space<vmem>>
      %dma_start3A_1365 = arith.constant 640 : i32
      %dma_start3A_1366 = tpu.memref_slice %dma_start3A_1364[%dma_start3A_1365] : memref<2048xf32, #tpu.memory_space<vmem>> -> memref<128xf32, #tpu.memory_space<vmem>>
      %dma_start3A_1367 = arith.constant 0 : i32
      %dma_start3A_1368 = tpu.memref_slice %arg7[%dma_start3A_1360, %dma_start3A_1367] : memref<2x2048xi32, #tpu.memory_space<vmem>> -> memref<1x2048xi32, #tpu.memory_space<vmem>>
      %dma_start3A_1369 = tpu.memref_squeeze %dma_start3A_1368 : memref<1x2048xi32, #tpu.memory_space<vmem>> -> memref<2048xi32, #tpu.memory_space<vmem>>
      %dma_start3A_1370 = arith.constant 640 : i32
      %dma_start3A_1371 = tpu.memref_slice %dma_start3A_1369[%dma_start3A_1370] : memref<2048xi32, #tpu.memory_space<vmem>> -> memref<128xi32, #tpu.memory_space<vmem>>
      %dma_start3A_1372 = arith.constant 0 : i32
      %dma_start3A_1373 = tpu.memref_slice %arg3[%dma_start3A_1372] : memref<1000000xf32, #tpu.memory_space<hbm>> -> memref<1000000xf32, #tpu.memory_space<hbm>>
      tpu.enqueue_indirect_dma source(%dma_start3A_1373 : memref<1000000xf32, #tpu.memory_space<hbm>>) target(%dma_start3A_1366 : memref<128xf32, #tpu.memory_space<vmem>>) offsets(%dma_start3A_1371 : memref<128xi32, #tpu.memory_space<vmem>>) semaphore(%arg15 : memref<!tpu.dma_semaphore, #tpu.memory_space<semaphore_mem>>)
      %dma_start3A_1374 = arith.constant 1 : i32
      %dma_start3A_1375 = arith.constant 1 : i32
      %dma_start3A_1376 = arith.constant 0 : i32
      %dma_start3A_1377 = tpu.memref_slice %arg11[%dma_start3A_1375, %dma_start3A_1376] : memref<2x2048xf32, #tpu.memory_space<vmem>> -> memref<1x2048xf32, #tpu.memory_space<vmem>>
      %dma_start3A_1378 = tpu.memref_squeeze %dma_start3A_1377 : memref<1x2048xf32, #tpu.memory_space<vmem>> -> memref<2048xf32, #tpu.memory_space<vmem>>
      %dma_start3A_1379 = arith.constant 640 : i32
      %dma_start3A_1380 = tpu.memref_slice %dma_start3A_1378[%dma_start3A_1379] : memref<2048xf32, #tpu.memory_space<vmem>> -> memref<128xf32, #tpu.memory_space<vmem>>
      %dma_start3A_1381 = arith.constant 0 : i32
      %dma_start3A_1382 = tpu.memref_slice %arg8[%dma_start3A_1374, %dma_start3A_1381] : memref<2x2048xi32, #tpu.memory_space<vmem>> -> memref<1x2048xi32, #tpu.memory_space<vmem>>
      %dma_start3A_1383 = tpu.memref_squeeze %dma_start3A_1382 : memref<1x2048xi32, #tpu.memory_space<vmem>> -> memref<2048xi32, #tpu.memory_space<vmem>>
      %dma_start3A_1384 = arith.constant 640 : i32
      %dma_start3A_1385 = tpu.memref_slice %dma_start3A_1383[%dma_start3A_1384] : memref<2048xi32, #tpu.memory_space<vmem>> -> memref<128xi32, #tpu.memory_space<vmem>>
      %dma_start3A_1386 = arith.constant 0 : i32
      %dma_start3A_1387 = tpu.memref_slice %arg2[%dma_start3A_1386] : memref<1000000xf32, #tpu.memory_space<hbm>> -> memref<1000000xf32, #tpu.memory_space<hbm>>
      tpu.enqueue_indirect_dma source(%dma_start3A_1387 : memref<1000000xf32, #tpu.memory_space<hbm>>) target(%dma_start3A_1380 : memref<128xf32, #tpu.memory_space<vmem>>) offsets(%dma_start3A_1385 : memref<128xi32, #tpu.memory_space<vmem>>) semaphore(%arg15 : memref<!tpu.dma_semaphore, #tpu.memory_space<semaphore_mem>>)
      %dma_start3A_1388 = arith.constant 1 : i32
      %dma_start3A_1389 = arith.constant 1 : i32
      %dma_start3A_1390 = arith.constant 0 : i32
      %dma_start3A_1391 = tpu.memref_slice %arg12[%dma_start3A_1389, %dma_start3A_1390] : memref<2x2048xf32, #tpu.memory_space<vmem>> -> memref<1x2048xf32, #tpu.memory_space<vmem>>
      %dma_start3A_1392 = tpu.memref_squeeze %dma_start3A_1391 : memref<1x2048xf32, #tpu.memory_space<vmem>> -> memref<2048xf32, #tpu.memory_space<vmem>>
      %dma_start3A_1393 = arith.constant 640 : i32
      %dma_start3A_1394 = tpu.memref_slice %dma_start3A_1392[%dma_start3A_1393] : memref<2048xf32, #tpu.memory_space<vmem>> -> memref<128xf32, #tpu.memory_space<vmem>>
      %dma_start3A_1395 = arith.constant 0 : i32
      %dma_start3A_1396 = tpu.memref_slice %arg8[%dma_start3A_1388, %dma_start3A_1395] : memref<2x2048xi32, #tpu.memory_space<vmem>> -> memref<1x2048xi32, #tpu.memory_space<vmem>>
      %dma_start3A_1397 = tpu.memref_squeeze %dma_start3A_1396 : memref<1x2048xi32, #tpu.memory_space<vmem>> -> memref<2048xi32, #tpu.memory_space<vmem>>
      %dma_start3A_1398 = arith.constant 640 : i32
      %dma_start3A_1399 = tpu.memref_slice %dma_start3A_1397[%dma_start3A_1398] : memref<2048xi32, #tpu.memory_space<vmem>> -> memref<128xi32, #tpu.memory_space<vmem>>
      %dma_start3A_1400 = arith.constant 0 : i32
      %dma_start3A_1401 = tpu.memref_slice %arg3[%dma_start3A_1400] : memref<1000000xf32, #tpu.memory_space<hbm>> -> memref<1000000xf32, #tpu.memory_space<hbm>>
      tpu.enqueue_indirect_dma source(%dma_start3A_1401 : memref<1000000xf32, #tpu.memory_space<hbm>>) target(%dma_start3A_1394 : memref<128xf32, #tpu.memory_space<vmem>>) offsets(%dma_start3A_1399 : memref<128xi32, #tpu.memory_space<vmem>>) semaphore(%arg15 : memref<!tpu.dma_semaphore, #tpu.memory_space<semaphore_mem>>)
      %dma_start3A_1402 = arith.constant 1 : i32
      %dma_start3A_1403 = arith.constant 1 : i32
      %dma_start3A_1404 = arith.constant 0 : i32
      %dma_start3A_1405 = tpu.memref_slice %arg9[%dma_start3A_1403, %dma_start3A_1404] : memref<2x2048xf32, #tpu.memory_space<vmem>> -> memref<1x2048xf32, #tpu.memory_space<vmem>>
      %dma_start3A_1406 = tpu.memref_squeeze %dma_start3A_1405 : memref<1x2048xf32, #tpu.memory_space<vmem>> -> memref<2048xf32, #tpu.memory_space<vmem>>
      %dma_start3A_1407 = arith.constant 768 : i32
      %dma_start3A_1408 = tpu.memref_slice %dma_start3A_1406[%dma_start3A_1407] : memref<2048xf32, #tpu.memory_space<vmem>> -> memref<128xf32, #tpu.memory_space<vmem>>
      %dma_start3A_1409 = arith.constant 0 : i32
      %dma_start3A_1410 = tpu.memref_slice %arg7[%dma_start3A_1402, %dma_start3A_1409] : memref<2x2048xi32, #tpu.memory_space<vmem>> -> memref<1x2048xi32, #tpu.memory_space<vmem>>
      %dma_start3A_1411 = tpu.memref_squeeze %dma_start3A_1410 : memref<1x2048xi32, #tpu.memory_space<vmem>> -> memref<2048xi32, #tpu.memory_space<vmem>>
      %dma_start3A_1412 = arith.constant 768 : i32
      %dma_start3A_1413 = tpu.memref_slice %dma_start3A_1411[%dma_start3A_1412] : memref<2048xi32, #tpu.memory_space<vmem>> -> memref<128xi32, #tpu.memory_space<vmem>>
      %dma_start3A_1414 = arith.constant 0 : i32
      %dma_start3A_1415 = tpu.memref_slice %arg2[%dma_start3A_1414] : memref<1000000xf32, #tpu.memory_space<hbm>> -> memref<1000000xf32, #tpu.memory_space<hbm>>
      tpu.enqueue_indirect_dma source(%dma_start3A_1415 : memref<1000000xf32, #tpu.memory_space<hbm>>) target(%dma_start3A_1408 : memref<128xf32, #tpu.memory_space<vmem>>) offsets(%dma_start3A_1413 : memref<128xi32, #tpu.memory_space<vmem>>) semaphore(%arg15 : memref<!tpu.dma_semaphore, #tpu.memory_space<semaphore_mem>>)
      %dma_start3A_1416 = arith.constant 1 : i32
      %dma_start3A_1417 = arith.constant 1 : i32
      %dma_start3A_1418 = arith.constant 0 : i32
      %dma_start3A_1419 = tpu.memref_slice %arg10[%dma_start3A_1417, %dma_start3A_1418] : memref<2x2048xf32, #tpu.memory_space<vmem>> -> memref<1x2048xf32, #tpu.memory_space<vmem>>
      %dma_start3A_1420 = tpu.memref_squeeze %dma_start3A_1419 : memref<1x2048xf32, #tpu.memory_space<vmem>> -> memref<2048xf32, #tpu.memory_space<vmem>>
      %dma_start3A_1421 = arith.constant 768 : i32
      %dma_start3A_1422 = tpu.memref_slice %dma_start3A_1420[%dma_start3A_1421] : memref<2048xf32, #tpu.memory_space<vmem>> -> memref<128xf32, #tpu.memory_space<vmem>>
      %dma_start3A_1423 = arith.constant 0 : i32
      %dma_start3A_1424 = tpu.memref_slice %arg7[%dma_start3A_1416, %dma_start3A_1423] : memref<2x2048xi32, #tpu.memory_space<vmem>> -> memref<1x2048xi32, #tpu.memory_space<vmem>>
      %dma_start3A_1425 = tpu.memref_squeeze %dma_start3A_1424 : memref<1x2048xi32, #tpu.memory_space<vmem>> -> memref<2048xi32, #tpu.memory_space<vmem>>
      %dma_start3A_1426 = arith.constant 768 : i32
      %dma_start3A_1427 = tpu.memref_slice %dma_start3A_1425[%dma_start3A_1426] : memref<2048xi32, #tpu.memory_space<vmem>> -> memref<128xi32, #tpu.memory_space<vmem>>
      %dma_start3A_1428 = arith.constant 0 : i32
      %dma_start3A_1429 = tpu.memref_slice %arg3[%dma_start3A_1428] : memref<1000000xf32, #tpu.memory_space<hbm>> -> memref<1000000xf32, #tpu.memory_space<hbm>>
      tpu.enqueue_indirect_dma source(%dma_start3A_1429 : memref<1000000xf32, #tpu.memory_space<hbm>>) target(%dma_start3A_1422 : memref<128xf32, #tpu.memory_space<vmem>>) offsets(%dma_start3A_1427 : memref<128xi32, #tpu.memory_space<vmem>>) semaphore(%arg15 : memref<!tpu.dma_semaphore, #tpu.memory_space<semaphore_mem>>)
      %dma_start3A_1430 = arith.constant 1 : i32
      %dma_start3A_1431 = arith.constant 1 : i32
      %dma_start3A_1432 = arith.constant 0 : i32
      %dma_start3A_1433 = tpu.memref_slice %arg11[%dma_start3A_1431, %dma_start3A_1432] : memref<2x2048xf32, #tpu.memory_space<vmem>> -> memref<1x2048xf32, #tpu.memory_space<vmem>>
      %dma_start3A_1434 = tpu.memref_squeeze %dma_start3A_1433 : memref<1x2048xf32, #tpu.memory_space<vmem>> -> memref<2048xf32, #tpu.memory_space<vmem>>
      %dma_start3A_1435 = arith.constant 768 : i32
      %dma_start3A_1436 = tpu.memref_slice %dma_start3A_1434[%dma_start3A_1435] : memref<2048xf32, #tpu.memory_space<vmem>> -> memref<128xf32, #tpu.memory_space<vmem>>
      %dma_start3A_1437 = arith.constant 0 : i32
      %dma_start3A_1438 = tpu.memref_slice %arg8[%dma_start3A_1430, %dma_start3A_1437] : memref<2x2048xi32, #tpu.memory_space<vmem>> -> memref<1x2048xi32, #tpu.memory_space<vmem>>
      %dma_start3A_1439 = tpu.memref_squeeze %dma_start3A_1438 : memref<1x2048xi32, #tpu.memory_space<vmem>> -> memref<2048xi32, #tpu.memory_space<vmem>>
      %dma_start3A_1440 = arith.constant 768 : i32
      %dma_start3A_1441 = tpu.memref_slice %dma_start3A_1439[%dma_start3A_1440] : memref<2048xi32, #tpu.memory_space<vmem>> -> memref<128xi32, #tpu.memory_space<vmem>>
      %dma_start3A_1442 = arith.constant 0 : i32
      %dma_start3A_1443 = tpu.memref_slice %arg2[%dma_start3A_1442] : memref<1000000xf32, #tpu.memory_space<hbm>> -> memref<1000000xf32, #tpu.memory_space<hbm>>
      tpu.enqueue_indirect_dma source(%dma_start3A_1443 : memref<1000000xf32, #tpu.memory_space<hbm>>) target(%dma_start3A_1436 : memref<128xf32, #tpu.memory_space<vmem>>) offsets(%dma_start3A_1441 : memref<128xi32, #tpu.memory_space<vmem>>) semaphore(%arg15 : memref<!tpu.dma_semaphore, #tpu.memory_space<semaphore_mem>>)
      %dma_start3A_1444 = arith.constant 1 : i32
      %dma_start3A_1445 = arith.constant 1 : i32
      %dma_start3A_1446 = arith.constant 0 : i32
      %dma_start3A_1447 = tpu.memref_slice %arg12[%dma_start3A_1445, %dma_start3A_1446] : memref<2x2048xf32, #tpu.memory_space<vmem>> -> memref<1x2048xf32, #tpu.memory_space<vmem>>
      %dma_start3A_1448 = tpu.memref_squeeze %dma_start3A_1447 : memref<1x2048xf32, #tpu.memory_space<vmem>> -> memref<2048xf32, #tpu.memory_space<vmem>>
      %dma_start3A_1449 = arith.constant 768 : i32
      %dma_start3A_1450 = tpu.memref_slice %dma_start3A_1448[%dma_start3A_1449] : memref<2048xf32, #tpu.memory_space<vmem>> -> memref<128xf32, #tpu.memory_space<vmem>>
      %dma_start3A_1451 = arith.constant 0 : i32
      %dma_start3A_1452 = tpu.memref_slice %arg8[%dma_start3A_1444, %dma_start3A_1451] : memref<2x2048xi32, #tpu.memory_space<vmem>> -> memref<1x2048xi32, #tpu.memory_space<vmem>>
      %dma_start3A_1453 = tpu.memref_squeeze %dma_start3A_1452 : memref<1x2048xi32, #tpu.memory_space<vmem>> -> memref<2048xi32, #tpu.memory_space<vmem>>
      %dma_start3A_1454 = arith.constant 768 : i32
      %dma_start3A_1455 = tpu.memref_slice %dma_start3A_1453[%dma_start3A_1454] : memref<2048xi32, #tpu.memory_space<vmem>> -> memref<128xi32, #tpu.memory_space<vmem>>
      %dma_start3A_1456 = arith.constant 0 : i32
      %dma_start3A_1457 = tpu.memref_slice %arg3[%dma_start3A_1456] : memref<1000000xf32, #tpu.memory_space<hbm>> -> memref<1000000xf32, #tpu.memory_space<hbm>>
      tpu.enqueue_indirect_dma source(%dma_start3A_1457 : memref<1000000xf32, #tpu.memory_space<hbm>>) target(%dma_start3A_1450 : memref<128xf32, #tpu.memory_space<vmem>>) offsets(%dma_start3A_1455 : memref<128xi32, #tpu.memory_space<vmem>>) semaphore(%arg15 : memref<!tpu.dma_semaphore, #tpu.memory_space<semaphore_mem>>)
      %dma_start3A_1458 = arith.constant 1 : i32
      %dma_start3A_1459 = arith.constant 1 : i32
      %dma_start3A_1460 = arith.constant 0 : i32
      %dma_start3A_1461 = tpu.memref_slice %arg9[%dma_start3A_1459, %dma_start3A_1460] : memref<2x2048xf32, #tpu.memory_space<vmem>> -> memref<1x2048xf32, #tpu.memory_space<vmem>>
      %dma_start3A_1462 = tpu.memref_squeeze %dma_start3A_1461 : memref<1x2048xf32, #tpu.memory_space<vmem>> -> memref<2048xf32, #tpu.memory_space<vmem>>
      %dma_start3A_1463 = arith.constant 896 : i32
      %dma_start3A_1464 = tpu.memref_slice %dma_start3A_1462[%dma_start3A_1463] : memref<2048xf32, #tpu.memory_space<vmem>> -> memref<128xf32, #tpu.memory_space<vmem>>
      %dma_start3A_1465 = arith.constant 0 : i32
      %dma_start3A_1466 = tpu.memref_slice %arg7[%dma_start3A_1458, %dma_start3A_1465] : memref<2x2048xi32, #tpu.memory_space<vmem>> -> memref<1x2048xi32, #tpu.memory_space<vmem>>
      %dma_start3A_1467 = tpu.memref_squeeze %dma_start3A_1466 : memref<1x2048xi32, #tpu.memory_space<vmem>> -> memref<2048xi32, #tpu.memory_space<vmem>>
      %dma_start3A_1468 = arith.constant 896 : i32
      %dma_start3A_1469 = tpu.memref_slice %dma_start3A_1467[%dma_start3A_1468] : memref<2048xi32, #tpu.memory_space<vmem>> -> memref<128xi32, #tpu.memory_space<vmem>>
      %dma_start3A_1470 = arith.constant 0 : i32
      %dma_start3A_1471 = tpu.memref_slice %arg2[%dma_start3A_1470] : memref<1000000xf32, #tpu.memory_space<hbm>> -> memref<1000000xf32, #tpu.memory_space<hbm>>
      tpu.enqueue_indirect_dma source(%dma_start3A_1471 : memref<1000000xf32, #tpu.memory_space<hbm>>) target(%dma_start3A_1464 : memref<128xf32, #tpu.memory_space<vmem>>) offsets(%dma_start3A_1469 : memref<128xi32, #tpu.memory_space<vmem>>) semaphore(%arg15 : memref<!tpu.dma_semaphore, #tpu.memory_space<semaphore_mem>>)
      %dma_start3A_1472 = arith.constant 1 : i32
      %dma_start3A_1473 = arith.constant 1 : i32
      %dma_start3A_1474 = arith.constant 0 : i32
      %dma_start3A_1475 = tpu.memref_slice %arg10[%dma_start3A_1473, %dma_start3A_1474] : memref<2x2048xf32, #tpu.memory_space<vmem>> -> memref<1x2048xf32, #tpu.memory_space<vmem>>
      %dma_start3A_1476 = tpu.memref_squeeze %dma_start3A_1475 : memref<1x2048xf32, #tpu.memory_space<vmem>> -> memref<2048xf32, #tpu.memory_space<vmem>>
      %dma_start3A_1477 = arith.constant 896 : i32
      %dma_start3A_1478 = tpu.memref_slice %dma_start3A_1476[%dma_start3A_1477] : memref<2048xf32, #tpu.memory_space<vmem>> -> memref<128xf32, #tpu.memory_space<vmem>>
      %dma_start3A_1479 = arith.constant 0 : i32
      %dma_start3A_1480 = tpu.memref_slice %arg7[%dma_start3A_1472, %dma_start3A_1479] : memref<2x2048xi32, #tpu.memory_space<vmem>> -> memref<1x2048xi32, #tpu.memory_space<vmem>>
      %dma_start3A_1481 = tpu.memref_squeeze %dma_start3A_1480 : memref<1x2048xi32, #tpu.memory_space<vmem>> -> memref<2048xi32, #tpu.memory_space<vmem>>
      %dma_start3A_1482 = arith.constant 896 : i32
      %dma_start3A_1483 = tpu.memref_slice %dma_start3A_1481[%dma_start3A_1482] : memref<2048xi32, #tpu.memory_space<vmem>> -> memref<128xi32, #tpu.memory_space<vmem>>
      %dma_start3A_1484 = arith.constant 0 : i32
      %dma_start3A_1485 = tpu.memref_slice %arg3[%dma_start3A_1484] : memref<1000000xf32, #tpu.memory_space<hbm>> -> memref<1000000xf32, #tpu.memory_space<hbm>>
      tpu.enqueue_indirect_dma source(%dma_start3A_1485 : memref<1000000xf32, #tpu.memory_space<hbm>>) target(%dma_start3A_1478 : memref<128xf32, #tpu.memory_space<vmem>>) offsets(%dma_start3A_1483 : memref<128xi32, #tpu.memory_space<vmem>>) semaphore(%arg15 : memref<!tpu.dma_semaphore, #tpu.memory_space<semaphore_mem>>)
      %dma_start3A_1486 = arith.constant 1 : i32
      %dma_start3A_1487 = arith.constant 1 : i32
      %dma_start3A_1488 = arith.constant 0 : i32
      %dma_start3A_1489 = tpu.memref_slice %arg11[%dma_start3A_1487, %dma_start3A_1488] : memref<2x2048xf32, #tpu.memory_space<vmem>> -> memref<1x2048xf32, #tpu.memory_space<vmem>>
      %dma_start3A_1490 = tpu.memref_squeeze %dma_start3A_1489 : memref<1x2048xf32, #tpu.memory_space<vmem>> -> memref<2048xf32, #tpu.memory_space<vmem>>
      %dma_start3A_1491 = arith.constant 896 : i32
      %dma_start3A_1492 = tpu.memref_slice %dma_start3A_1490[%dma_start3A_1491] : memref<2048xf32, #tpu.memory_space<vmem>> -> memref<128xf32, #tpu.memory_space<vmem>>
      %dma_start3A_1493 = arith.constant 0 : i32
      %dma_start3A_1494 = tpu.memref_slice %arg8[%dma_start3A_1486, %dma_start3A_1493] : memref<2x2048xi32, #tpu.memory_space<vmem>> -> memref<1x2048xi32, #tpu.memory_space<vmem>>
      %dma_start3A_1495 = tpu.memref_squeeze %dma_start3A_1494 : memref<1x2048xi32, #tpu.memory_space<vmem>> -> memref<2048xi32, #tpu.memory_space<vmem>>
      %dma_start3A_1496 = arith.constant 896 : i32
      %dma_start3A_1497 = tpu.memref_slice %dma_start3A_1495[%dma_start3A_1496] : memref<2048xi32, #tpu.memory_space<vmem>> -> memref<128xi32, #tpu.memory_space<vmem>>
      %dma_start3A_1498 = arith.constant 0 : i32
      %dma_start3A_1499 = tpu.memref_slice %arg2[%dma_start3A_1498] : memref<1000000xf32, #tpu.memory_space<hbm>> -> memref<1000000xf32, #tpu.memory_space<hbm>>
      tpu.enqueue_indirect_dma source(%dma_start3A_1499 : memref<1000000xf32, #tpu.memory_space<hbm>>) target(%dma_start3A_1492 : memref<128xf32, #tpu.memory_space<vmem>>) offsets(%dma_start3A_1497 : memref<128xi32, #tpu.memory_space<vmem>>) semaphore(%arg15 : memref<!tpu.dma_semaphore, #tpu.memory_space<semaphore_mem>>)
      %dma_start3A_1500 = arith.constant 1 : i32
      %dma_start3A_1501 = arith.constant 1 : i32
      %dma_start3A_1502 = arith.constant 0 : i32
      %dma_start3A_1503 = tpu.memref_slice %arg12[%dma_start3A_1501, %dma_start3A_1502] : memref<2x2048xf32, #tpu.memory_space<vmem>> -> memref<1x2048xf32, #tpu.memory_space<vmem>>
      %dma_start3A_1504 = tpu.memref_squeeze %dma_start3A_1503 : memref<1x2048xf32, #tpu.memory_space<vmem>> -> memref<2048xf32, #tpu.memory_space<vmem>>
      %dma_start3A_1505 = arith.constant 896 : i32
      %dma_start3A_1506 = tpu.memref_slice %dma_start3A_1504[%dma_start3A_1505] : memref<2048xf32, #tpu.memory_space<vmem>> -> memref<128xf32, #tpu.memory_space<vmem>>
      %dma_start3A_1507 = arith.constant 0 : i32
      %dma_start3A_1508 = tpu.memref_slice %arg8[%dma_start3A_1500, %dma_start3A_1507] : memref<2x2048xi32, #tpu.memory_space<vmem>> -> memref<1x2048xi32, #tpu.memory_space<vmem>>
      %dma_start3A_1509 = tpu.memref_squeeze %dma_start3A_1508 : memref<1x2048xi32, #tpu.memory_space<vmem>> -> memref<2048xi32, #tpu.memory_space<vmem>>
      %dma_start3A_1510 = arith.constant 896 : i32
      %dma_start3A_1511 = tpu.memref_slice %dma_start3A_1509[%dma_start3A_1510] : memref<2048xi32, #tpu.memory_space<vmem>> -> memref<128xi32, #tpu.memory_space<vmem>>
      %dma_start3A_1512 = arith.constant 0 : i32
      %dma_start3A_1513 = tpu.memref_slice %arg3[%dma_start3A_1512] : memref<1000000xf32, #tpu.memory_space<hbm>> -> memref<1000000xf32, #tpu.memory_space<hbm>>
      tpu.enqueue_indirect_dma source(%dma_start3A_1513 : memref<1000000xf32, #tpu.memory_space<hbm>>) target(%dma_start3A_1506 : memref<128xf32, #tpu.memory_space<vmem>>) offsets(%dma_start3A_1511 : memref<128xi32, #tpu.memory_space<vmem>>) semaphore(%arg15 : memref<!tpu.dma_semaphore, #tpu.memory_space<semaphore_mem>>)
      %dma_start3A_1514 = arith.constant 1 : i32
      %dma_start3A_1515 = arith.constant 1 : i32
      %dma_start3A_1516 = arith.constant 0 : i32
      %dma_start3A_1517 = tpu.memref_slice %arg9[%dma_start3A_1515, %dma_start3A_1516] : memref<2x2048xf32, #tpu.memory_space<vmem>> -> memref<1x2048xf32, #tpu.memory_space<vmem>>
      %dma_start3A_1518 = tpu.memref_squeeze %dma_start3A_1517 : memref<1x2048xf32, #tpu.memory_space<vmem>> -> memref<2048xf32, #tpu.memory_space<vmem>>
      %dma_start3A_1519 = arith.constant 1024 : i32
      %dma_start3A_1520 = tpu.memref_slice %dma_start3A_1518[%dma_start3A_1519] : memref<2048xf32, #tpu.memory_space<vmem>> -> memref<128xf32, #tpu.memory_space<vmem>>
      %dma_start3A_1521 = arith.constant 0 : i32
      %dma_start3A_1522 = tpu.memref_slice %arg7[%dma_start3A_1514, %dma_start3A_1521] : memref<2x2048xi32, #tpu.memory_space<vmem>> -> memref<1x2048xi32, #tpu.memory_space<vmem>>
      %dma_start3A_1523 = tpu.memref_squeeze %dma_start3A_1522 : memref<1x2048xi32, #tpu.memory_space<vmem>> -> memref<2048xi32, #tpu.memory_space<vmem>>
      %dma_start3A_1524 = arith.constant 1024 : i32
      %dma_start3A_1525 = tpu.memref_slice %dma_start3A_1523[%dma_start3A_1524] : memref<2048xi32, #tpu.memory_space<vmem>> -> memref<128xi32, #tpu.memory_space<vmem>>
      %dma_start3A_1526 = arith.constant 0 : i32
      %dma_start3A_1527 = tpu.memref_slice %arg2[%dma_start3A_1526] : memref<1000000xf32, #tpu.memory_space<hbm>> -> memref<1000000xf32, #tpu.memory_space<hbm>>
      tpu.enqueue_indirect_dma source(%dma_start3A_1527 : memref<1000000xf32, #tpu.memory_space<hbm>>) target(%dma_start3A_1520 : memref<128xf32, #tpu.memory_space<vmem>>) offsets(%dma_start3A_1525 : memref<128xi32, #tpu.memory_space<vmem>>) semaphore(%arg15 : memref<!tpu.dma_semaphore, #tpu.memory_space<semaphore_mem>>)
      %dma_start3A_1528 = arith.constant 1 : i32
      %dma_start3A_1529 = arith.constant 1 : i32
      %dma_start3A_1530 = arith.constant 0 : i32
      %dma_start3A_1531 = tpu.memref_slice %arg10[%dma_start3A_1529, %dma_start3A_1530] : memref<2x2048xf32, #tpu.memory_space<vmem>> -> memref<1x2048xf32, #tpu.memory_space<vmem>>
      %dma_start3A_1532 = tpu.memref_squeeze %dma_start3A_1531 : memref<1x2048xf32, #tpu.memory_space<vmem>> -> memref<2048xf32, #tpu.memory_space<vmem>>
      %dma_start3A_1533 = arith.constant 1024 : i32
      %dma_start3A_1534 = tpu.memref_slice %dma_start3A_1532[%dma_start3A_1533] : memref<2048xf32, #tpu.memory_space<vmem>> -> memref<128xf32, #tpu.memory_space<vmem>>
      %dma_start3A_1535 = arith.constant 0 : i32
      %dma_start3A_1536 = tpu.memref_slice %arg7[%dma_start3A_1528, %dma_start3A_1535] : memref<2x2048xi32, #tpu.memory_space<vmem>> -> memref<1x2048xi32, #tpu.memory_space<vmem>>
      %dma_start3A_1537 = tpu.memref_squeeze %dma_start3A_1536 : memref<1x2048xi32, #tpu.memory_space<vmem>> -> memref<2048xi32, #tpu.memory_space<vmem>>
      %dma_start3A_1538 = arith.constant 1024 : i32
      %dma_start3A_1539 = tpu.memref_slice %dma_start3A_1537[%dma_start3A_1538] : memref<2048xi32, #tpu.memory_space<vmem>> -> memref<128xi32, #tpu.memory_space<vmem>>
      %dma_start3A_1540 = arith.constant 0 : i32
      %dma_start3A_1541 = tpu.memref_slice %arg3[%dma_start3A_1540] : memref<1000000xf32, #tpu.memory_space<hbm>> -> memref<1000000xf32, #tpu.memory_space<hbm>>
      tpu.enqueue_indirect_dma source(%dma_start3A_1541 : memref<1000000xf32, #tpu.memory_space<hbm>>) target(%dma_start3A_1534 : memref<128xf32, #tpu.memory_space<vmem>>) offsets(%dma_start3A_1539 : memref<128xi32, #tpu.memory_space<vmem>>) semaphore(%arg15 : memref<!tpu.dma_semaphore, #tpu.memory_space<semaphore_mem>>)
      %dma_start3A_1542 = arith.constant 1 : i32
      %dma_start3A_1543 = arith.constant 1 : i32
      %dma_start3A_1544 = arith.constant 0 : i32
      %dma_start3A_1545 = tpu.memref_slice %arg11[%dma_start3A_1543, %dma_start3A_1544] : memref<2x2048xf32, #tpu.memory_space<vmem>> -> memref<1x2048xf32, #tpu.memory_space<vmem>>
      %dma_start3A_1546 = tpu.memref_squeeze %dma_start3A_1545 : memref<1x2048xf32, #tpu.memory_space<vmem>> -> memref<2048xf32, #tpu.memory_space<vmem>>
      %dma_start3A_1547 = arith.constant 1024 : i32
      %dma_start3A_1548 = tpu.memref_slice %dma_start3A_1546[%dma_start3A_1547] : memref<2048xf32, #tpu.memory_space<vmem>> -> memref<128xf32, #tpu.memory_space<vmem>>
      %dma_start3A_1549 = arith.constant 0 : i32
      %dma_start3A_1550 = tpu.memref_slice %arg8[%dma_start3A_1542, %dma_start3A_1549] : memref<2x2048xi32, #tpu.memory_space<vmem>> -> memref<1x2048xi32, #tpu.memory_space<vmem>>
      %dma_start3A_1551 = tpu.memref_squeeze %dma_start3A_1550 : memref<1x2048xi32, #tpu.memory_space<vmem>> -> memref<2048xi32, #tpu.memory_space<vmem>>
      %dma_start3A_1552 = arith.constant 1024 : i32
      %dma_start3A_1553 = tpu.memref_slice %dma_start3A_1551[%dma_start3A_1552] : memref<2048xi32, #tpu.memory_space<vmem>> -> memref<128xi32, #tpu.memory_space<vmem>>
      %dma_start3A_1554 = arith.constant 0 : i32
      %dma_start3A_1555 = tpu.memref_slice %arg2[%dma_start3A_1554] : memref<1000000xf32, #tpu.memory_space<hbm>> -> memref<1000000xf32, #tpu.memory_space<hbm>>
      tpu.enqueue_indirect_dma source(%dma_start3A_1555 : memref<1000000xf32, #tpu.memory_space<hbm>>) target(%dma_start3A_1548 : memref<128xf32, #tpu.memory_space<vmem>>) offsets(%dma_start3A_1553 : memref<128xi32, #tpu.memory_space<vmem>>) semaphore(%arg15 : memref<!tpu.dma_semaphore, #tpu.memory_space<semaphore_mem>>)
      %dma_start3A_1556 = arith.constant 1 : i32
      %dma_start3A_1557 = arith.constant 1 : i32
      %dma_start3A_1558 = arith.constant 0 : i32
      %dma_start3A_1559 = tpu.memref_slice %arg12[%dma_start3A_1557, %dma_start3A_1558] : memref<2x2048xf32, #tpu.memory_space<vmem>> -> memref<1x2048xf32, #tpu.memory_space<vmem>>
      %dma_start3A_1560 = tpu.memref_squeeze %dma_start3A_1559 : memref<1x2048xf32, #tpu.memory_space<vmem>> -> memref<2048xf32, #tpu.memory_space<vmem>>
      %dma_start3A_1561 = arith.constant 1024 : i32
      %dma_start3A_1562 = tpu.memref_slice %dma_start3A_1560[%dma_start3A_1561] : memref<2048xf32, #tpu.memory_space<vmem>> -> memref<128xf32, #tpu.memory_space<vmem>>
      %dma_start3A_1563 = arith.constant 0 : i32
      %dma_start3A_1564 = tpu.memref_slice %arg8[%dma_start3A_1556, %dma_start3A_1563] : memref<2x2048xi32, #tpu.memory_space<vmem>> -> memref<1x2048xi32, #tpu.memory_space<vmem>>
      %dma_start3A_1565 = tpu.memref_squeeze %dma_start3A_1564 : memref<1x2048xi32, #tpu.memory_space<vmem>> -> memref<2048xi32, #tpu.memory_space<vmem>>
      %dma_start3A_1566 = arith.constant 1024 : i32
      %dma_start3A_1567 = tpu.memref_slice %dma_start3A_1565[%dma_start3A_1566] : memref<2048xi32, #tpu.memory_space<vmem>> -> memref<128xi32, #tpu.memory_space<vmem>>
      %dma_start3A_1568 = arith.constant 0 : i32
      %dma_start3A_1569 = tpu.memref_slice %arg3[%dma_start3A_1568] : memref<1000000xf32, #tpu.memory_space<hbm>> -> memref<1000000xf32, #tpu.memory_space<hbm>>
      tpu.enqueue_indirect_dma source(%dma_start3A_1569 : memref<1000000xf32, #tpu.memory_space<hbm>>) target(%dma_start3A_1562 : memref<128xf32, #tpu.memory_space<vmem>>) offsets(%dma_start3A_1567 : memref<128xi32, #tpu.memory_space<vmem>>) semaphore(%arg15 : memref<!tpu.dma_semaphore, #tpu.memory_space<semaphore_mem>>)
      %dma_start3A_1570 = arith.constant 1 : i32
      %dma_start3A_1571 = arith.constant 1 : i32
      %dma_start3A_1572 = arith.constant 0 : i32
      %dma_start3A_1573 = tpu.memref_slice %arg9[%dma_start3A_1571, %dma_start3A_1572] : memref<2x2048xf32, #tpu.memory_space<vmem>> -> memref<1x2048xf32, #tpu.memory_space<vmem>>
      %dma_start3A_1574 = tpu.memref_squeeze %dma_start3A_1573 : memref<1x2048xf32, #tpu.memory_space<vmem>> -> memref<2048xf32, #tpu.memory_space<vmem>>
      %dma_start3A_1575 = arith.constant 1152 : i32
      %dma_start3A_1576 = tpu.memref_slice %dma_start3A_1574[%dma_start3A_1575] : memref<2048xf32, #tpu.memory_space<vmem>> -> memref<128xf32, #tpu.memory_space<vmem>>
      %dma_start3A_1577 = arith.constant 0 : i32
      %dma_start3A_1578 = tpu.memref_slice %arg7[%dma_start3A_1570, %dma_start3A_1577] : memref<2x2048xi32, #tpu.memory_space<vmem>> -> memref<1x2048xi32, #tpu.memory_space<vmem>>
      %dma_start3A_1579 = tpu.memref_squeeze %dma_start3A_1578 : memref<1x2048xi32, #tpu.memory_space<vmem>> -> memref<2048xi32, #tpu.memory_space<vmem>>
      %dma_start3A_1580 = arith.constant 1152 : i32
      %dma_start3A_1581 = tpu.memref_slice %dma_start3A_1579[%dma_start3A_1580] : memref<2048xi32, #tpu.memory_space<vmem>> -> memref<128xi32, #tpu.memory_space<vmem>>
      %dma_start3A_1582 = arith.constant 0 : i32
      %dma_start3A_1583 = tpu.memref_slice %arg2[%dma_start3A_1582] : memref<1000000xf32, #tpu.memory_space<hbm>> -> memref<1000000xf32, #tpu.memory_space<hbm>>
      tpu.enqueue_indirect_dma source(%dma_start3A_1583 : memref<1000000xf32, #tpu.memory_space<hbm>>) target(%dma_start3A_1576 : memref<128xf32, #tpu.memory_space<vmem>>) offsets(%dma_start3A_1581 : memref<128xi32, #tpu.memory_space<vmem>>) semaphore(%arg15 : memref<!tpu.dma_semaphore, #tpu.memory_space<semaphore_mem>>)
      %dma_start3A_1584 = arith.constant 1 : i32
      %dma_start3A_1585 = arith.constant 1 : i32
      %dma_start3A_1586 = arith.constant 0 : i32
      %dma_start3A_1587 = tpu.memref_slice %arg10[%dma_start3A_1585, %dma_start3A_1586] : memref<2x2048xf32, #tpu.memory_space<vmem>> -> memref<1x2048xf32, #tpu.memory_space<vmem>>
      %dma_start3A_1588 = tpu.memref_squeeze %dma_start3A_1587 : memref<1x2048xf32, #tpu.memory_space<vmem>> -> memref<2048xf32, #tpu.memory_space<vmem>>
      %dma_start3A_1589 = arith.constant 1152 : i32
      %dma_start3A_1590 = tpu.memref_slice %dma_start3A_1588[%dma_start3A_1589] : memref<2048xf32, #tpu.memory_space<vmem>> -> memref<128xf32, #tpu.memory_space<vmem>>
      %dma_start3A_1591 = arith.constant 0 : i32
      %dma_start3A_1592 = tpu.memref_slice %arg7[%dma_start3A_1584, %dma_start3A_1591] : memref<2x2048xi32, #tpu.memory_space<vmem>> -> memref<1x2048xi32, #tpu.memory_space<vmem>>
      %dma_start3A_1593 = tpu.memref_squeeze %dma_start3A_1592 : memref<1x2048xi32, #tpu.memory_space<vmem>> -> memref<2048xi32, #tpu.memory_space<vmem>>
      %dma_start3A_1594 = arith.constant 1152 : i32
      %dma_start3A_1595 = tpu.memref_slice %dma_start3A_1593[%dma_start3A_1594] : memref<2048xi32, #tpu.memory_space<vmem>> -> memref<128xi32, #tpu.memory_space<vmem>>
      %dma_start3A_1596 = arith.constant 0 : i32
      %dma_start3A_1597 = tpu.memref_slice %arg3[%dma_start3A_1596] : memref<1000000xf32, #tpu.memory_space<hbm>> -> memref<1000000xf32, #tpu.memory_space<hbm>>
      tpu.enqueue_indirect_dma source(%dma_start3A_1597 : memref<1000000xf32, #tpu.memory_space<hbm>>) target(%dma_start3A_1590 : memref<128xf32, #tpu.memory_space<vmem>>) offsets(%dma_start3A_1595 : memref<128xi32, #tpu.memory_space<vmem>>) semaphore(%arg15 : memref<!tpu.dma_semaphore, #tpu.memory_space<semaphore_mem>>)
      %dma_start3A_1598 = arith.constant 1 : i32
      %dma_start3A_1599 = arith.constant 1 : i32
      %dma_start3A_1600 = arith.constant 0 : i32
      %dma_start3A_1601 = tpu.memref_slice %arg11[%dma_start3A_1599, %dma_start3A_1600] : memref<2x2048xf32, #tpu.memory_space<vmem>> -> memref<1x2048xf32, #tpu.memory_space<vmem>>
      %dma_start3A_1602 = tpu.memref_squeeze %dma_start3A_1601 : memref<1x2048xf32, #tpu.memory_space<vmem>> -> memref<2048xf32, #tpu.memory_space<vmem>>
      %dma_start3A_1603 = arith.constant 1152 : i32
      %dma_start3A_1604 = tpu.memref_slice %dma_start3A_1602[%dma_start3A_1603] : memref<2048xf32, #tpu.memory_space<vmem>> -> memref<128xf32, #tpu.memory_space<vmem>>
      %dma_start3A_1605 = arith.constant 0 : i32
      %dma_start3A_1606 = tpu.memref_slice %arg8[%dma_start3A_1598, %dma_start3A_1605] : memref<2x2048xi32, #tpu.memory_space<vmem>> -> memref<1x2048xi32, #tpu.memory_space<vmem>>
      %dma_start3A_1607 = tpu.memref_squeeze %dma_start3A_1606 : memref<1x2048xi32, #tpu.memory_space<vmem>> -> memref<2048xi32, #tpu.memory_space<vmem>>
      %dma_start3A_1608 = arith.constant 1152 : i32
      %dma_start3A_1609 = tpu.memref_slice %dma_start3A_1607[%dma_start3A_1608] : memref<2048xi32, #tpu.memory_space<vmem>> -> memref<128xi32, #tpu.memory_space<vmem>>
      %dma_start3A_1610 = arith.constant 0 : i32
      %dma_start3A_1611 = tpu.memref_slice %arg2[%dma_start3A_1610] : memref<1000000xf32, #tpu.memory_space<hbm>> -> memref<1000000xf32, #tpu.memory_space<hbm>>
      tpu.enqueue_indirect_dma source(%dma_start3A_1611 : memref<1000000xf32, #tpu.memory_space<hbm>>) target(%dma_start3A_1604 : memref<128xf32, #tpu.memory_space<vmem>>) offsets(%dma_start3A_1609 : memref<128xi32, #tpu.memory_space<vmem>>) semaphore(%arg15 : memref<!tpu.dma_semaphore, #tpu.memory_space<semaphore_mem>>)
      %dma_start3A_1612 = arith.constant 1 : i32
      %dma_start3A_1613 = arith.constant 1 : i32
      %dma_start3A_1614 = arith.constant 0 : i32
      %dma_start3A_1615 = tpu.memref_slice %arg12[%dma_start3A_1613, %dma_start3A_1614] : memref<2x2048xf32, #tpu.memory_space<vmem>> -> memref<1x2048xf32, #tpu.memory_space<vmem>>
      %dma_start3A_1616 = tpu.memref_squeeze %dma_start3A_1615 : memref<1x2048xf32, #tpu.memory_space<vmem>> -> memref<2048xf32, #tpu.memory_space<vmem>>
      %dma_start3A_1617 = arith.constant 1152 : i32
      %dma_start3A_1618 = tpu.memref_slice %dma_start3A_1616[%dma_start3A_1617] : memref<2048xf32, #tpu.memory_space<vmem>> -> memref<128xf32, #tpu.memory_space<vmem>>
      %dma_start3A_1619 = arith.constant 0 : i32
      %dma_start3A_1620 = tpu.memref_slice %arg8[%dma_start3A_1612, %dma_start3A_1619] : memref<2x2048xi32, #tpu.memory_space<vmem>> -> memref<1x2048xi32, #tpu.memory_space<vmem>>
      %dma_start3A_1621 = tpu.memref_squeeze %dma_start3A_1620 : memref<1x2048xi32, #tpu.memory_space<vmem>> -> memref<2048xi32, #tpu.memory_space<vmem>>
      %dma_start3A_1622 = arith.constant 1152 : i32
      %dma_start3A_1623 = tpu.memref_slice %dma_start3A_1621[%dma_start3A_1622] : memref<2048xi32, #tpu.memory_space<vmem>> -> memref<128xi32, #tpu.memory_space<vmem>>
      %dma_start3A_1624 = arith.constant 0 : i32
      %dma_start3A_1625 = tpu.memref_slice %arg3[%dma_start3A_1624] : memref<1000000xf32, #tpu.memory_space<hbm>> -> memref<1000000xf32, #tpu.memory_space<hbm>>
      tpu.enqueue_indirect_dma source(%dma_start3A_1625 : memref<1000000xf32, #tpu.memory_space<hbm>>) target(%dma_start3A_1618 : memref<128xf32, #tpu.memory_space<vmem>>) offsets(%dma_start3A_1623 : memref<128xi32, #tpu.memory_space<vmem>>) semaphore(%arg15 : memref<!tpu.dma_semaphore, #tpu.memory_space<semaphore_mem>>)
      %dma_start3A_1626 = arith.constant 1 : i32
      %dma_start3A_1627 = arith.constant 1 : i32
      %dma_start3A_1628 = arith.constant 0 : i32
      %dma_start3A_1629 = tpu.memref_slice %arg9[%dma_start3A_1627, %dma_start3A_1628] : memref<2x2048xf32, #tpu.memory_space<vmem>> -> memref<1x2048xf32, #tpu.memory_space<vmem>>
      %dma_start3A_1630 = tpu.memref_squeeze %dma_start3A_1629 : memref<1x2048xf32, #tpu.memory_space<vmem>> -> memref<2048xf32, #tpu.memory_space<vmem>>
      %dma_start3A_1631 = arith.constant 1280 : i32
      %dma_start3A_1632 = tpu.memref_slice %dma_start3A_1630[%dma_start3A_1631] : memref<2048xf32, #tpu.memory_space<vmem>> -> memref<128xf32, #tpu.memory_space<vmem>>
      %dma_start3A_1633 = arith.constant 0 : i32
      %dma_start3A_1634 = tpu.memref_slice %arg7[%dma_start3A_1626, %dma_start3A_1633] : memref<2x2048xi32, #tpu.memory_space<vmem>> -> memref<1x2048xi32, #tpu.memory_space<vmem>>
      %dma_start3A_1635 = tpu.memref_squeeze %dma_start3A_1634 : memref<1x2048xi32, #tpu.memory_space<vmem>> -> memref<2048xi32, #tpu.memory_space<vmem>>
      %dma_start3A_1636 = arith.constant 1280 : i32
      %dma_start3A_1637 = tpu.memref_slice %dma_start3A_1635[%dma_start3A_1636] : memref<2048xi32, #tpu.memory_space<vmem>> -> memref<128xi32, #tpu.memory_space<vmem>>
      %dma_start3A_1638 = arith.constant 0 : i32
      %dma_start3A_1639 = tpu.memref_slice %arg2[%dma_start3A_1638] : memref<1000000xf32, #tpu.memory_space<hbm>> -> memref<1000000xf32, #tpu.memory_space<hbm>>
      tpu.enqueue_indirect_dma source(%dma_start3A_1639 : memref<1000000xf32, #tpu.memory_space<hbm>>) target(%dma_start3A_1632 : memref<128xf32, #tpu.memory_space<vmem>>) offsets(%dma_start3A_1637 : memref<128xi32, #tpu.memory_space<vmem>>) semaphore(%arg15 : memref<!tpu.dma_semaphore, #tpu.memory_space<semaphore_mem>>)
      %dma_start3A_1640 = arith.constant 1 : i32
      %dma_start3A_1641 = arith.constant 1 : i32
      %dma_start3A_1642 = arith.constant 0 : i32
      %dma_start3A_1643 = tpu.memref_slice %arg10[%dma_start3A_1641, %dma_start3A_1642] : memref<2x2048xf32, #tpu.memory_space<vmem>> -> memref<1x2048xf32, #tpu.memory_space<vmem>>
      %dma_start3A_1644 = tpu.memref_squeeze %dma_start3A_1643 : memref<1x2048xf32, #tpu.memory_space<vmem>> -> memref<2048xf32, #tpu.memory_space<vmem>>
      %dma_start3A_1645 = arith.constant 1280 : i32
      %dma_start3A_1646 = tpu.memref_slice %dma_start3A_1644[%dma_start3A_1645] : memref<2048xf32, #tpu.memory_space<vmem>> -> memref<128xf32, #tpu.memory_space<vmem>>
      %dma_start3A_1647 = arith.constant 0 : i32
      %dma_start3A_1648 = tpu.memref_slice %arg7[%dma_start3A_1640, %dma_start3A_1647] : memref<2x2048xi32, #tpu.memory_space<vmem>> -> memref<1x2048xi32, #tpu.memory_space<vmem>>
      %dma_start3A_1649 = tpu.memref_squeeze %dma_start3A_1648 : memref<1x2048xi32, #tpu.memory_space<vmem>> -> memref<2048xi32, #tpu.memory_space<vmem>>
      %dma_start3A_1650 = arith.constant 1280 : i32
      %dma_start3A_1651 = tpu.memref_slice %dma_start3A_1649[%dma_start3A_1650] : memref<2048xi32, #tpu.memory_space<vmem>> -> memref<128xi32, #tpu.memory_space<vmem>>
      %dma_start3A_1652 = arith.constant 0 : i32
      %dma_start3A_1653 = tpu.memref_slice %arg3[%dma_start3A_1652] : memref<1000000xf32, #tpu.memory_space<hbm>> -> memref<1000000xf32, #tpu.memory_space<hbm>>
      tpu.enqueue_indirect_dma source(%dma_start3A_1653 : memref<1000000xf32, #tpu.memory_space<hbm>>) target(%dma_start3A_1646 : memref<128xf32, #tpu.memory_space<vmem>>) offsets(%dma_start3A_1651 : memref<128xi32, #tpu.memory_space<vmem>>) semaphore(%arg15 : memref<!tpu.dma_semaphore, #tpu.memory_space<semaphore_mem>>)
      %dma_start3A_1654 = arith.constant 1 : i32
      %dma_start3A_1655 = arith.constant 1 : i32
      %dma_start3A_1656 = arith.constant 0 : i32
      %dma_start3A_1657 = tpu.memref_slice %arg11[%dma_start3A_1655, %dma_start3A_1656] : memref<2x2048xf32, #tpu.memory_space<vmem>> -> memref<1x2048xf32, #tpu.memory_space<vmem>>
      %dma_start3A_1658 = tpu.memref_squeeze %dma_start3A_1657 : memref<1x2048xf32, #tpu.memory_space<vmem>> -> memref<2048xf32, #tpu.memory_space<vmem>>
      %dma_start3A_1659 = arith.constant 1280 : i32
      %dma_start3A_1660 = tpu.memref_slice %dma_start3A_1658[%dma_start3A_1659] : memref<2048xf32, #tpu.memory_space<vmem>> -> memref<128xf32, #tpu.memory_space<vmem>>
      %dma_start3A_1661 = arith.constant 0 : i32
      %dma_start3A_1662 = tpu.memref_slice %arg8[%dma_start3A_1654, %dma_start3A_1661] : memref<2x2048xi32, #tpu.memory_space<vmem>> -> memref<1x2048xi32, #tpu.memory_space<vmem>>
      %dma_start3A_1663 = tpu.memref_squeeze %dma_start3A_1662 : memref<1x2048xi32, #tpu.memory_space<vmem>> -> memref<2048xi32, #tpu.memory_space<vmem>>
      %dma_start3A_1664 = arith.constant 1280 : i32
      %dma_start3A_1665 = tpu.memref_slice %dma_start3A_1663[%dma_start3A_1664] : memref<2048xi32, #tpu.memory_space<vmem>> -> memref<128xi32, #tpu.memory_space<vmem>>
      %dma_start3A_1666 = arith.constant 0 : i32
      %dma_start3A_1667 = tpu.memref_slice %arg2[%dma_start3A_1666] : memref<1000000xf32, #tpu.memory_space<hbm>> -> memref<1000000xf32, #tpu.memory_space<hbm>>
      tpu.enqueue_indirect_dma source(%dma_start3A_1667 : memref<1000000xf32, #tpu.memory_space<hbm>>) target(%dma_start3A_1660 : memref<128xf32, #tpu.memory_space<vmem>>) offsets(%dma_start3A_1665 : memref<128xi32, #tpu.memory_space<vmem>>) semaphore(%arg15 : memref<!tpu.dma_semaphore, #tpu.memory_space<semaphore_mem>>)
      %dma_start3A_1668 = arith.constant 1 : i32
      %dma_start3A_1669 = arith.constant 1 : i32
      %dma_start3A_1670 = arith.constant 0 : i32
      %dma_start3A_1671 = tpu.memref_slice %arg12[%dma_start3A_1669, %dma_start3A_1670] : memref<2x2048xf32, #tpu.memory_space<vmem>> -> memref<1x2048xf32, #tpu.memory_space<vmem>>
      %dma_start3A_1672 = tpu.memref_squeeze %dma_start3A_1671 : memref<1x2048xf32, #tpu.memory_space<vmem>> -> memref<2048xf32, #tpu.memory_space<vmem>>
      %dma_start3A_1673 = arith.constant 1280 : i32
      %dma_start3A_1674 = tpu.memref_slice %dma_start3A_1672[%dma_start3A_1673] : memref<2048xf32, #tpu.memory_space<vmem>> -> memref<128xf32, #tpu.memory_space<vmem>>
      %dma_start3A_1675 = arith.constant 0 : i32
      %dma_start3A_1676 = tpu.memref_slice %arg8[%dma_start3A_1668, %dma_start3A_1675] : memref<2x2048xi32, #tpu.memory_space<vmem>> -> memref<1x2048xi32, #tpu.memory_space<vmem>>
      %dma_start3A_1677 = tpu.memref_squeeze %dma_start3A_1676 : memref<1x2048xi32, #tpu.memory_space<vmem>> -> memref<2048xi32, #tpu.memory_space<vmem>>
      %dma_start3A_1678 = arith.constant 1280 : i32
      %dma_start3A_1679 = tpu.memref_slice %dma_start3A_1677[%dma_start3A_1678] : memref<2048xi32, #tpu.memory_space<vmem>> -> memref<128xi32, #tpu.memory_space<vmem>>
      %dma_start3A_1680 = arith.constant 0 : i32
      %dma_start3A_1681 = tpu.memref_slice %arg3[%dma_start3A_1680] : memref<1000000xf32, #tpu.memory_space<hbm>> -> memref<1000000xf32, #tpu.memory_space<hbm>>
      tpu.enqueue_indirect_dma source(%dma_start3A_1681 : memref<1000000xf32, #tpu.memory_space<hbm>>) target(%dma_start3A_1674 : memref<128xf32, #tpu.memory_space<vmem>>) offsets(%dma_start3A_1679 : memref<128xi32, #tpu.memory_space<vmem>>) semaphore(%arg15 : memref<!tpu.dma_semaphore, #tpu.memory_space<semaphore_mem>>)
      %dma_start3A_1682 = arith.constant 1 : i32
      %dma_start3A_1683 = arith.constant 1 : i32
      %dma_start3A_1684 = arith.constant 0 : i32
      %dma_start3A_1685 = tpu.memref_slice %arg9[%dma_start3A_1683, %dma_start3A_1684] : memref<2x2048xf32, #tpu.memory_space<vmem>> -> memref<1x2048xf32, #tpu.memory_space<vmem>>
      %dma_start3A_1686 = tpu.memref_squeeze %dma_start3A_1685 : memref<1x2048xf32, #tpu.memory_space<vmem>> -> memref<2048xf32, #tpu.memory_space<vmem>>
      %dma_start3A_1687 = arith.constant 1408 : i32
      %dma_start3A_1688 = tpu.memref_slice %dma_start3A_1686[%dma_start3A_1687] : memref<2048xf32, #tpu.memory_space<vmem>> -> memref<128xf32, #tpu.memory_space<vmem>>
      %dma_start3A_1689 = arith.constant 0 : i32
      %dma_start3A_1690 = tpu.memref_slice %arg7[%dma_start3A_1682, %dma_start3A_1689] : memref<2x2048xi32, #tpu.memory_space<vmem>> -> memref<1x2048xi32, #tpu.memory_space<vmem>>
      %dma_start3A_1691 = tpu.memref_squeeze %dma_start3A_1690 : memref<1x2048xi32, #tpu.memory_space<vmem>> -> memref<2048xi32, #tpu.memory_space<vmem>>
      %dma_start3A_1692 = arith.constant 1408 : i32
      %dma_start3A_1693 = tpu.memref_slice %dma_start3A_1691[%dma_start3A_1692] : memref<2048xi32, #tpu.memory_space<vmem>> -> memref<128xi32, #tpu.memory_space<vmem>>
      %dma_start3A_1694 = arith.constant 0 : i32
      %dma_start3A_1695 = tpu.memref_slice %arg2[%dma_start3A_1694] : memref<1000000xf32, #tpu.memory_space<hbm>> -> memref<1000000xf32, #tpu.memory_space<hbm>>
      tpu.enqueue_indirect_dma source(%dma_start3A_1695 : memref<1000000xf32, #tpu.memory_space<hbm>>) target(%dma_start3A_1688 : memref<128xf32, #tpu.memory_space<vmem>>) offsets(%dma_start3A_1693 : memref<128xi32, #tpu.memory_space<vmem>>) semaphore(%arg15 : memref<!tpu.dma_semaphore, #tpu.memory_space<semaphore_mem>>)
      %dma_start3A_1696 = arith.constant 1 : i32
      %dma_start3A_1697 = arith.constant 1 : i32
      %dma_start3A_1698 = arith.constant 0 : i32
      %dma_start3A_1699 = tpu.memref_slice %arg10[%dma_start3A_1697, %dma_start3A_1698] : memref<2x2048xf32, #tpu.memory_space<vmem>> -> memref<1x2048xf32, #tpu.memory_space<vmem>>
      %dma_start3A_1700 = tpu.memref_squeeze %dma_start3A_1699 : memref<1x2048xf32, #tpu.memory_space<vmem>> -> memref<2048xf32, #tpu.memory_space<vmem>>
      %dma_start3A_1701 = arith.constant 1408 : i32
      %dma_start3A_1702 = tpu.memref_slice %dma_start3A_1700[%dma_start3A_1701] : memref<2048xf32, #tpu.memory_space<vmem>> -> memref<128xf32, #tpu.memory_space<vmem>>
      %dma_start3A_1703 = arith.constant 0 : i32
      %dma_start3A_1704 = tpu.memref_slice %arg7[%dma_start3A_1696, %dma_start3A_1703] : memref<2x2048xi32, #tpu.memory_space<vmem>> -> memref<1x2048xi32, #tpu.memory_space<vmem>>
      %dma_start3A_1705 = tpu.memref_squeeze %dma_start3A_1704 : memref<1x2048xi32, #tpu.memory_space<vmem>> -> memref<2048xi32, #tpu.memory_space<vmem>>
      %dma_start3A_1706 = arith.constant 1408 : i32
      %dma_start3A_1707 = tpu.memref_slice %dma_start3A_1705[%dma_start3A_1706] : memref<2048xi32, #tpu.memory_space<vmem>> -> memref<128xi32, #tpu.memory_space<vmem>>
      %dma_start3A_1708 = arith.constant 0 : i32
      %dma_start3A_1709 = tpu.memref_slice %arg3[%dma_start3A_1708] : memref<1000000xf32, #tpu.memory_space<hbm>> -> memref<1000000xf32, #tpu.memory_space<hbm>>
      tpu.enqueue_indirect_dma source(%dma_start3A_1709 : memref<1000000xf32, #tpu.memory_space<hbm>>) target(%dma_start3A_1702 : memref<128xf32, #tpu.memory_space<vmem>>) offsets(%dma_start3A_1707 : memref<128xi32, #tpu.memory_space<vmem>>) semaphore(%arg15 : memref<!tpu.dma_semaphore, #tpu.memory_space<semaphore_mem>>)
      %dma_start3A_1710 = arith.constant 1 : i32
      %dma_start3A_1711 = arith.constant 1 : i32
      %dma_start3A_1712 = arith.constant 0 : i32
      %dma_start3A_1713 = tpu.memref_slice %arg11[%dma_start3A_1711, %dma_start3A_1712] : memref<2x2048xf32, #tpu.memory_space<vmem>> -> memref<1x2048xf32, #tpu.memory_space<vmem>>
      %dma_start3A_1714 = tpu.memref_squeeze %dma_start3A_1713 : memref<1x2048xf32, #tpu.memory_space<vmem>> -> memref<2048xf32, #tpu.memory_space<vmem>>
      %dma_start3A_1715 = arith.constant 1408 : i32
      %dma_start3A_1716 = tpu.memref_slice %dma_start3A_1714[%dma_start3A_1715] : memref<2048xf32, #tpu.memory_space<vmem>> -> memref<128xf32, #tpu.memory_space<vmem>>
      %dma_start3A_1717 = arith.constant 0 : i32
      %dma_start3A_1718 = tpu.memref_slice %arg8[%dma_start3A_1710, %dma_start3A_1717] : memref<2x2048xi32, #tpu.memory_space<vmem>> -> memref<1x2048xi32, #tpu.memory_space<vmem>>
      %dma_start3A_1719 = tpu.memref_squeeze %dma_start3A_1718 : memref<1x2048xi32, #tpu.memory_space<vmem>> -> memref<2048xi32, #tpu.memory_space<vmem>>
      %dma_start3A_1720 = arith.constant 1408 : i32
      %dma_start3A_1721 = tpu.memref_slice %dma_start3A_1719[%dma_start3A_1720] : memref<2048xi32, #tpu.memory_space<vmem>> -> memref<128xi32, #tpu.memory_space<vmem>>
      %dma_start3A_1722 = arith.constant 0 : i32
      %dma_start3A_1723 = tpu.memref_slice %arg2[%dma_start3A_1722] : memref<1000000xf32, #tpu.memory_space<hbm>> -> memref<1000000xf32, #tpu.memory_space<hbm>>
      tpu.enqueue_indirect_dma source(%dma_start3A_1723 : memref<1000000xf32, #tpu.memory_space<hbm>>) target(%dma_start3A_1716 : memref<128xf32, #tpu.memory_space<vmem>>) offsets(%dma_start3A_1721 : memref<128xi32, #tpu.memory_space<vmem>>) semaphore(%arg15 : memref<!tpu.dma_semaphore, #tpu.memory_space<semaphore_mem>>)
      %dma_start3A_1724 = arith.constant 1 : i32
      %dma_start3A_1725 = arith.constant 1 : i32
      %dma_start3A_1726 = arith.constant 0 : i32
      %dma_start3A_1727 = tpu.memref_slice %arg12[%dma_start3A_1725, %dma_start3A_1726] : memref<2x2048xf32, #tpu.memory_space<vmem>> -> memref<1x2048xf32, #tpu.memory_space<vmem>>
      %dma_start3A_1728 = tpu.memref_squeeze %dma_start3A_1727 : memref<1x2048xf32, #tpu.memory_space<vmem>> -> memref<2048xf32, #tpu.memory_space<vmem>>
      %dma_start3A_1729 = arith.constant 1408 : i32
      %dma_start3A_1730 = tpu.memref_slice %dma_start3A_1728[%dma_start3A_1729] : memref<2048xf32, #tpu.memory_space<vmem>> -> memref<128xf32, #tpu.memory_space<vmem>>
      %dma_start3A_1731 = arith.constant 0 : i32
      %dma_start3A_1732 = tpu.memref_slice %arg8[%dma_start3A_1724, %dma_start3A_1731] : memref<2x2048xi32, #tpu.memory_space<vmem>> -> memref<1x2048xi32, #tpu.memory_space<vmem>>
      %dma_start3A_1733 = tpu.memref_squeeze %dma_start3A_1732 : memref<1x2048xi32, #tpu.memory_space<vmem>> -> memref<2048xi32, #tpu.memory_space<vmem>>
      %dma_start3A_1734 = arith.constant 1408 : i32
      %dma_start3A_1735 = tpu.memref_slice %dma_start3A_1733[%dma_start3A_1734] : memref<2048xi32, #tpu.memory_space<vmem>> -> memref<128xi32, #tpu.memory_space<vmem>>
      %dma_start3A_1736 = arith.constant 0 : i32
      %dma_start3A_1737 = tpu.memref_slice %arg3[%dma_start3A_1736] : memref<1000000xf32, #tpu.memory_space<hbm>> -> memref<1000000xf32, #tpu.memory_space<hbm>>
      tpu.enqueue_indirect_dma source(%dma_start3A_1737 : memref<1000000xf32, #tpu.memory_space<hbm>>) target(%dma_start3A_1730 : memref<128xf32, #tpu.memory_space<vmem>>) offsets(%dma_start3A_1735 : memref<128xi32, #tpu.memory_space<vmem>>) semaphore(%arg15 : memref<!tpu.dma_semaphore, #tpu.memory_space<semaphore_mem>>)
      %dma_start3A_1738 = arith.constant 1 : i32
      %dma_start3A_1739 = arith.constant 1 : i32
      %dma_start3A_1740 = arith.constant 0 : i32
      %dma_start3A_1741 = tpu.memref_slice %arg9[%dma_start3A_1739, %dma_start3A_1740] : memref<2x2048xf32, #tpu.memory_space<vmem>> -> memref<1x2048xf32, #tpu.memory_space<vmem>>
      %dma_start3A_1742 = tpu.memref_squeeze %dma_start3A_1741 : memref<1x2048xf32, #tpu.memory_space<vmem>> -> memref<2048xf32, #tpu.memory_space<vmem>>
      %dma_start3A_1743 = arith.constant 1536 : i32
      %dma_start3A_1744 = tpu.memref_slice %dma_start3A_1742[%dma_start3A_1743] : memref<2048xf32, #tpu.memory_space<vmem>> -> memref<128xf32, #tpu.memory_space<vmem>>
      %dma_start3A_1745 = arith.constant 0 : i32
      %dma_start3A_1746 = tpu.memref_slice %arg7[%dma_start3A_1738, %dma_start3A_1745] : memref<2x2048xi32, #tpu.memory_space<vmem>> -> memref<1x2048xi32, #tpu.memory_space<vmem>>
      %dma_start3A_1747 = tpu.memref_squeeze %dma_start3A_1746 : memref<1x2048xi32, #tpu.memory_space<vmem>> -> memref<2048xi32, #tpu.memory_space<vmem>>
      %dma_start3A_1748 = arith.constant 1536 : i32
      %dma_start3A_1749 = tpu.memref_slice %dma_start3A_1747[%dma_start3A_1748] : memref<2048xi32, #tpu.memory_space<vmem>> -> memref<128xi32, #tpu.memory_space<vmem>>
      %dma_start3A_1750 = arith.constant 0 : i32
      %dma_start3A_1751 = tpu.memref_slice %arg2[%dma_start3A_1750] : memref<1000000xf32, #tpu.memory_space<hbm>> -> memref<1000000xf32, #tpu.memory_space<hbm>>
      tpu.enqueue_indirect_dma source(%dma_start3A_1751 : memref<1000000xf32, #tpu.memory_space<hbm>>) target(%dma_start3A_1744 : memref<128xf32, #tpu.memory_space<vmem>>) offsets(%dma_start3A_1749 : memref<128xi32, #tpu.memory_space<vmem>>) semaphore(%arg15 : memref<!tpu.dma_semaphore, #tpu.memory_space<semaphore_mem>>)
      %dma_start3A_1752 = arith.constant 1 : i32
      %dma_start3A_1753 = arith.constant 1 : i32
      %dma_start3A_1754 = arith.constant 0 : i32
      %dma_start3A_1755 = tpu.memref_slice %arg10[%dma_start3A_1753, %dma_start3A_1754] : memref<2x2048xf32, #tpu.memory_space<vmem>> -> memref<1x2048xf32, #tpu.memory_space<vmem>>
      %dma_start3A_1756 = tpu.memref_squeeze %dma_start3A_1755 : memref<1x2048xf32, #tpu.memory_space<vmem>> -> memref<2048xf32, #tpu.memory_space<vmem>>
      %dma_start3A_1757 = arith.constant 1536 : i32
      %dma_start3A_1758 = tpu.memref_slice %dma_start3A_1756[%dma_start3A_1757] : memref<2048xf32, #tpu.memory_space<vmem>> -> memref<128xf32, #tpu.memory_space<vmem>>
      %dma_start3A_1759 = arith.constant 0 : i32
      %dma_start3A_1760 = tpu.memref_slice %arg7[%dma_start3A_1752, %dma_start3A_1759] : memref<2x2048xi32, #tpu.memory_space<vmem>> -> memref<1x2048xi32, #tpu.memory_space<vmem>>
      %dma_start3A_1761 = tpu.memref_squeeze %dma_start3A_1760 : memref<1x2048xi32, #tpu.memory_space<vmem>> -> memref<2048xi32, #tpu.memory_space<vmem>>
      %dma_start3A_1762 = arith.constant 1536 : i32
      %dma_start3A_1763 = tpu.memref_slice %dma_start3A_1761[%dma_start3A_1762] : memref<2048xi32, #tpu.memory_space<vmem>> -> memref<128xi32, #tpu.memory_space<vmem>>
      %dma_start3A_1764 = arith.constant 0 : i32
      %dma_start3A_1765 = tpu.memref_slice %arg3[%dma_start3A_1764] : memref<1000000xf32, #tpu.memory_space<hbm>> -> memref<1000000xf32, #tpu.memory_space<hbm>>
      tpu.enqueue_indirect_dma source(%dma_start3A_1765 : memref<1000000xf32, #tpu.memory_space<hbm>>) target(%dma_start3A_1758 : memref<128xf32, #tpu.memory_space<vmem>>) offsets(%dma_start3A_1763 : memref<128xi32, #tpu.memory_space<vmem>>) semaphore(%arg15 : memref<!tpu.dma_semaphore, #tpu.memory_space<semaphore_mem>>)
      %dma_start3A_1766 = arith.constant 1 : i32
      %dma_start3A_1767 = arith.constant 1 : i32
      %dma_start3A_1768 = arith.constant 0 : i32
      %dma_start3A_1769 = tpu.memref_slice %arg11[%dma_start3A_1767, %dma_start3A_1768] : memref<2x2048xf32, #tpu.memory_space<vmem>> -> memref<1x2048xf32, #tpu.memory_space<vmem>>
      %dma_start3A_1770 = tpu.memref_squeeze %dma_start3A_1769 : memref<1x2048xf32, #tpu.memory_space<vmem>> -> memref<2048xf32, #tpu.memory_space<vmem>>
      %dma_start3A_1771 = arith.constant 1536 : i32
      %dma_start3A_1772 = tpu.memref_slice %dma_start3A_1770[%dma_start3A_1771] : memref<2048xf32, #tpu.memory_space<vmem>> -> memref<128xf32, #tpu.memory_space<vmem>>
      %dma_start3A_1773 = arith.constant 0 : i32
      %dma_start3A_1774 = tpu.memref_slice %arg8[%dma_start3A_1766, %dma_start3A_1773] : memref<2x2048xi32, #tpu.memory_space<vmem>> -> memref<1x2048xi32, #tpu.memory_space<vmem>>
      %dma_start3A_1775 = tpu.memref_squeeze %dma_start3A_1774 : memref<1x2048xi32, #tpu.memory_space<vmem>> -> memref<2048xi32, #tpu.memory_space<vmem>>
      %dma_start3A_1776 = arith.constant 1536 : i32
      %dma_start3A_1777 = tpu.memref_slice %dma_start3A_1775[%dma_start3A_1776] : memref<2048xi32, #tpu.memory_space<vmem>> -> memref<128xi32, #tpu.memory_space<vmem>>
      %dma_start3A_1778 = arith.constant 0 : i32
      %dma_start3A_1779 = tpu.memref_slice %arg2[%dma_start3A_1778] : memref<1000000xf32, #tpu.memory_space<hbm>> -> memref<1000000xf32, #tpu.memory_space<hbm>>
      tpu.enqueue_indirect_dma source(%dma_start3A_1779 : memref<1000000xf32, #tpu.memory_space<hbm>>) target(%dma_start3A_1772 : memref<128xf32, #tpu.memory_space<vmem>>) offsets(%dma_start3A_1777 : memref<128xi32, #tpu.memory_space<vmem>>) semaphore(%arg15 : memref<!tpu.dma_semaphore, #tpu.memory_space<semaphore_mem>>)
      %dma_start3A_1780 = arith.constant 1 : i32
      %dma_start3A_1781 = arith.constant 1 : i32
      %dma_start3A_1782 = arith.constant 0 : i32
      %dma_start3A_1783 = tpu.memref_slice %arg12[%dma_start3A_1781, %dma_start3A_1782] : memref<2x2048xf32, #tpu.memory_space<vmem>> -> memref<1x2048xf32, #tpu.memory_space<vmem>>
      %dma_start3A_1784 = tpu.memref_squeeze %dma_start3A_1783 : memref<1x2048xf32, #tpu.memory_space<vmem>> -> memref<2048xf32, #tpu.memory_space<vmem>>
      %dma_start3A_1785 = arith.constant 1536 : i32
      %dma_start3A_1786 = tpu.memref_slice %dma_start3A_1784[%dma_start3A_1785] : memref<2048xf32, #tpu.memory_space<vmem>> -> memref<128xf32, #tpu.memory_space<vmem>>
      %dma_start3A_1787 = arith.constant 0 : i32
      %dma_start3A_1788 = tpu.memref_slice %arg8[%dma_start3A_1780, %dma_start3A_1787] : memref<2x2048xi32, #tpu.memory_space<vmem>> -> memref<1x2048xi32, #tpu.memory_space<vmem>>
      %dma_start3A_1789 = tpu.memref_squeeze %dma_start3A_1788 : memref<1x2048xi32, #tpu.memory_space<vmem>> -> memref<2048xi32, #tpu.memory_space<vmem>>
      %dma_start3A_1790 = arith.constant 1536 : i32
      %dma_start3A_1791 = tpu.memref_slice %dma_start3A_1789[%dma_start3A_1790] : memref<2048xi32, #tpu.memory_space<vmem>> -> memref<128xi32, #tpu.memory_space<vmem>>
      %dma_start3A_1792 = arith.constant 0 : i32
      %dma_start3A_1793 = tpu.memref_slice %arg3[%dma_start3A_1792] : memref<1000000xf32, #tpu.memory_space<hbm>> -> memref<1000000xf32, #tpu.memory_space<hbm>>
      tpu.enqueue_indirect_dma source(%dma_start3A_1793 : memref<1000000xf32, #tpu.memory_space<hbm>>) target(%dma_start3A_1786 : memref<128xf32, #tpu.memory_space<vmem>>) offsets(%dma_start3A_1791 : memref<128xi32, #tpu.memory_space<vmem>>) semaphore(%arg15 : memref<!tpu.dma_semaphore, #tpu.memory_space<semaphore_mem>>)
      %dma_start3A_1794 = arith.constant 1 : i32
      %dma_start3A_1795 = arith.constant 1 : i32
      %dma_start3A_1796 = arith.constant 0 : i32
      %dma_start3A_1797 = tpu.memref_slice %arg9[%dma_start3A_1795, %dma_start3A_1796] : memref<2x2048xf32, #tpu.memory_space<vmem>> -> memref<1x2048xf32, #tpu.memory_space<vmem>>
      %dma_start3A_1798 = tpu.memref_squeeze %dma_start3A_1797 : memref<1x2048xf32, #tpu.memory_space<vmem>> -> memref<2048xf32, #tpu.memory_space<vmem>>
      %dma_start3A_1799 = arith.constant 1664 : i32
      %dma_start3A_1800 = tpu.memref_slice %dma_start3A_1798[%dma_start3A_1799] : memref<2048xf32, #tpu.memory_space<vmem>> -> memref<128xf32, #tpu.memory_space<vmem>>
      %dma_start3A_1801 = arith.constant 0 : i32
      %dma_start3A_1802 = tpu.memref_slice %arg7[%dma_start3A_1794, %dma_start3A_1801] : memref<2x2048xi32, #tpu.memory_space<vmem>> -> memref<1x2048xi32, #tpu.memory_space<vmem>>
      %dma_start3A_1803 = tpu.memref_squeeze %dma_start3A_1802 : memref<1x2048xi32, #tpu.memory_space<vmem>> -> memref<2048xi32, #tpu.memory_space<vmem>>
      %dma_start3A_1804 = arith.constant 1664 : i32
      %dma_start3A_1805 = tpu.memref_slice %dma_start3A_1803[%dma_start3A_1804] : memref<2048xi32, #tpu.memory_space<vmem>> -> memref<128xi32, #tpu.memory_space<vmem>>
      %dma_start3A_1806 = arith.constant 0 : i32
      %dma_start3A_1807 = tpu.memref_slice %arg2[%dma_start3A_1806] : memref<1000000xf32, #tpu.memory_space<hbm>> -> memref<1000000xf32, #tpu.memory_space<hbm>>
      tpu.enqueue_indirect_dma source(%dma_start3A_1807 : memref<1000000xf32, #tpu.memory_space<hbm>>) target(%dma_start3A_1800 : memref<128xf32, #tpu.memory_space<vmem>>) offsets(%dma_start3A_1805 : memref<128xi32, #tpu.memory_space<vmem>>) semaphore(%arg15 : memref<!tpu.dma_semaphore, #tpu.memory_space<semaphore_mem>>)
      %dma_start3A_1808 = arith.constant 1 : i32
      %dma_start3A_1809 = arith.constant 1 : i32
      %dma_start3A_1810 = arith.constant 0 : i32
      %dma_start3A_1811 = tpu.memref_slice %arg10[%dma_start3A_1809, %dma_start3A_1810] : memref<2x2048xf32, #tpu.memory_space<vmem>> -> memref<1x2048xf32, #tpu.memory_space<vmem>>
      %dma_start3A_1812 = tpu.memref_squeeze %dma_start3A_1811 : memref<1x2048xf32, #tpu.memory_space<vmem>> -> memref<2048xf32, #tpu.memory_space<vmem>>
      %dma_start3A_1813 = arith.constant 1664 : i32
      %dma_start3A_1814 = tpu.memref_slice %dma_start3A_1812[%dma_start3A_1813] : memref<2048xf32, #tpu.memory_space<vmem>> -> memref<128xf32, #tpu.memory_space<vmem>>
      %dma_start3A_1815 = arith.constant 0 : i32
      %dma_start3A_1816 = tpu.memref_slice %arg7[%dma_start3A_1808, %dma_start3A_1815] : memref<2x2048xi32, #tpu.memory_space<vmem>> -> memref<1x2048xi32, #tpu.memory_space<vmem>>
      %dma_start3A_1817 = tpu.memref_squeeze %dma_start3A_1816 : memref<1x2048xi32, #tpu.memory_space<vmem>> -> memref<2048xi32, #tpu.memory_space<vmem>>
      %dma_start3A_1818 = arith.constant 1664 : i32
      %dma_start3A_1819 = tpu.memref_slice %dma_start3A_1817[%dma_start3A_1818] : memref<2048xi32, #tpu.memory_space<vmem>> -> memref<128xi32, #tpu.memory_space<vmem>>
      %dma_start3A_1820 = arith.constant 0 : i32
      %dma_start3A_1821 = tpu.memref_slice %arg3[%dma_start3A_1820] : memref<1000000xf32, #tpu.memory_space<hbm>> -> memref<1000000xf32, #tpu.memory_space<hbm>>
      tpu.enqueue_indirect_dma source(%dma_start3A_1821 : memref<1000000xf32, #tpu.memory_space<hbm>>) target(%dma_start3A_1814 : memref<128xf32, #tpu.memory_space<vmem>>) offsets(%dma_start3A_1819 : memref<128xi32, #tpu.memory_space<vmem>>) semaphore(%arg15 : memref<!tpu.dma_semaphore, #tpu.memory_space<semaphore_mem>>)
      %dma_start3A_1822 = arith.constant 1 : i32
      %dma_start3A_1823 = arith.constant 1 : i32
      %dma_start3A_1824 = arith.constant 0 : i32
      %dma_start3A_1825 = tpu.memref_slice %arg11[%dma_start3A_1823, %dma_start3A_1824] : memref<2x2048xf32, #tpu.memory_space<vmem>> -> memref<1x2048xf32, #tpu.memory_space<vmem>>
      %dma_start3A_1826 = tpu.memref_squeeze %dma_start3A_1825 : memref<1x2048xf32, #tpu.memory_space<vmem>> -> memref<2048xf32, #tpu.memory_space<vmem>>
      %dma_start3A_1827 = arith.constant 1664 : i32
      %dma_start3A_1828 = tpu.memref_slice %dma_start3A_1826[%dma_start3A_1827] : memref<2048xf32, #tpu.memory_space<vmem>> -> memref<128xf32, #tpu.memory_space<vmem>>
      %dma_start3A_1829 = arith.constant 0 : i32
      %dma_start3A_1830 = tpu.memref_slice %arg8[%dma_start3A_1822, %dma_start3A_1829] : memref<2x2048xi32, #tpu.memory_space<vmem>> -> memref<1x2048xi32, #tpu.memory_space<vmem>>
      %dma_start3A_1831 = tpu.memref_squeeze %dma_start3A_1830 : memref<1x2048xi32, #tpu.memory_space<vmem>> -> memref<2048xi32, #tpu.memory_space<vmem>>
      %dma_start3A_1832 = arith.constant 1664 : i32
      %dma_start3A_1833 = tpu.memref_slice %dma_start3A_1831[%dma_start3A_1832] : memref<2048xi32, #tpu.memory_space<vmem>> -> memref<128xi32, #tpu.memory_space<vmem>>
      %dma_start3A_1834 = arith.constant 0 : i32
      %dma_start3A_1835 = tpu.memref_slice %arg2[%dma_start3A_1834] : memref<1000000xf32, #tpu.memory_space<hbm>> -> memref<1000000xf32, #tpu.memory_space<hbm>>
      tpu.enqueue_indirect_dma source(%dma_start3A_1835 : memref<1000000xf32, #tpu.memory_space<hbm>>) target(%dma_start3A_1828 : memref<128xf32, #tpu.memory_space<vmem>>) offsets(%dma_start3A_1833 : memref<128xi32, #tpu.memory_space<vmem>>) semaphore(%arg15 : memref<!tpu.dma_semaphore, #tpu.memory_space<semaphore_mem>>)
      %dma_start3A_1836 = arith.constant 1 : i32
      %dma_start3A_1837 = arith.constant 1 : i32
      %dma_start3A_1838 = arith.constant 0 : i32
      %dma_start3A_1839 = tpu.memref_slice %arg12[%dma_start3A_1837, %dma_start3A_1838] : memref<2x2048xf32, #tpu.memory_space<vmem>> -> memref<1x2048xf32, #tpu.memory_space<vmem>>
      %dma_start3A_1840 = tpu.memref_squeeze %dma_start3A_1839 : memref<1x2048xf32, #tpu.memory_space<vmem>> -> memref<2048xf32, #tpu.memory_space<vmem>>
      %dma_start3A_1841 = arith.constant 1664 : i32
      %dma_start3A_1842 = tpu.memref_slice %dma_start3A_1840[%dma_start3A_1841] : memref<2048xf32, #tpu.memory_space<vmem>> -> memref<128xf32, #tpu.memory_space<vmem>>
      %dma_start3A_1843 = arith.constant 0 : i32
      %dma_start3A_1844 = tpu.memref_slice %arg8[%dma_start3A_1836, %dma_start3A_1843] : memref<2x2048xi32, #tpu.memory_space<vmem>> -> memref<1x2048xi32, #tpu.memory_space<vmem>>
      %dma_start3A_1845 = tpu.memref_squeeze %dma_start3A_1844 : memref<1x2048xi32, #tpu.memory_space<vmem>> -> memref<2048xi32, #tpu.memory_space<vmem>>
      %dma_start3A_1846 = arith.constant 1664 : i32
      %dma_start3A_1847 = tpu.memref_slice %dma_start3A_1845[%dma_start3A_1846] : memref<2048xi32, #tpu.memory_space<vmem>> -> memref<128xi32, #tpu.memory_space<vmem>>
      %dma_start3A_1848 = arith.constant 0 : i32
      %dma_start3A_1849 = tpu.memref_slice %arg3[%dma_start3A_1848] : memref<1000000xf32, #tpu.memory_space<hbm>> -> memref<1000000xf32, #tpu.memory_space<hbm>>
      tpu.enqueue_indirect_dma source(%dma_start3A_1849 : memref<1000000xf32, #tpu.memory_space<hbm>>) target(%dma_start3A_1842 : memref<128xf32, #tpu.memory_space<vmem>>) offsets(%dma_start3A_1847 : memref<128xi32, #tpu.memory_space<vmem>>) semaphore(%arg15 : memref<!tpu.dma_semaphore, #tpu.memory_space<semaphore_mem>>)
      %dma_start3A_1850 = arith.constant 1 : i32
      %dma_start3A_1851 = arith.constant 1 : i32
      %dma_start3A_1852 = arith.constant 0 : i32
      %dma_start3A_1853 = tpu.memref_slice %arg9[%dma_start3A_1851, %dma_start3A_1852] : memref<2x2048xf32, #tpu.memory_space<vmem>> -> memref<1x2048xf32, #tpu.memory_space<vmem>>
      %dma_start3A_1854 = tpu.memref_squeeze %dma_start3A_1853 : memref<1x2048xf32, #tpu.memory_space<vmem>> -> memref<2048xf32, #tpu.memory_space<vmem>>
      %dma_start3A_1855 = arith.constant 1792 : i32
      %dma_start3A_1856 = tpu.memref_slice %dma_start3A_1854[%dma_start3A_1855] : memref<2048xf32, #tpu.memory_space<vmem>> -> memref<128xf32, #tpu.memory_space<vmem>>
      %dma_start3A_1857 = arith.constant 0 : i32
      %dma_start3A_1858 = tpu.memref_slice %arg7[%dma_start3A_1850, %dma_start3A_1857] : memref<2x2048xi32, #tpu.memory_space<vmem>> -> memref<1x2048xi32, #tpu.memory_space<vmem>>
      %dma_start3A_1859 = tpu.memref_squeeze %dma_start3A_1858 : memref<1x2048xi32, #tpu.memory_space<vmem>> -> memref<2048xi32, #tpu.memory_space<vmem>>
      %dma_start3A_1860 = arith.constant 1792 : i32
      %dma_start3A_1861 = tpu.memref_slice %dma_start3A_1859[%dma_start3A_1860] : memref<2048xi32, #tpu.memory_space<vmem>> -> memref<128xi32, #tpu.memory_space<vmem>>
      %dma_start3A_1862 = arith.constant 0 : i32
      %dma_start3A_1863 = tpu.memref_slice %arg2[%dma_start3A_1862] : memref<1000000xf32, #tpu.memory_space<hbm>> -> memref<1000000xf32, #tpu.memory_space<hbm>>
      tpu.enqueue_indirect_dma source(%dma_start3A_1863 : memref<1000000xf32, #tpu.memory_space<hbm>>) target(%dma_start3A_1856 : memref<128xf32, #tpu.memory_space<vmem>>) offsets(%dma_start3A_1861 : memref<128xi32, #tpu.memory_space<vmem>>) semaphore(%arg15 : memref<!tpu.dma_semaphore, #tpu.memory_space<semaphore_mem>>)
      %dma_start3A_1864 = arith.constant 1 : i32
      %dma_start3A_1865 = arith.constant 1 : i32
      %dma_start3A_1866 = arith.constant 0 : i32
      %dma_start3A_1867 = tpu.memref_slice %arg10[%dma_start3A_1865, %dma_start3A_1866] : memref<2x2048xf32, #tpu.memory_space<vmem>> -> memref<1x2048xf32, #tpu.memory_space<vmem>>
      %dma_start3A_1868 = tpu.memref_squeeze %dma_start3A_1867 : memref<1x2048xf32, #tpu.memory_space<vmem>> -> memref<2048xf32, #tpu.memory_space<vmem>>
      %dma_start3A_1869 = arith.constant 1792 : i32
      %dma_start3A_1870 = tpu.memref_slice %dma_start3A_1868[%dma_start3A_1869] : memref<2048xf32, #tpu.memory_space<vmem>> -> memref<128xf32, #tpu.memory_space<vmem>>
      %dma_start3A_1871 = arith.constant 0 : i32
      %dma_start3A_1872 = tpu.memref_slice %arg7[%dma_start3A_1864, %dma_start3A_1871] : memref<2x2048xi32, #tpu.memory_space<vmem>> -> memref<1x2048xi32, #tpu.memory_space<vmem>>
      %dma_start3A_1873 = tpu.memref_squeeze %dma_start3A_1872 : memref<1x2048xi32, #tpu.memory_space<vmem>> -> memref<2048xi32, #tpu.memory_space<vmem>>
      %dma_start3A_1874 = arith.constant 1792 : i32
      %dma_start3A_1875 = tpu.memref_slice %dma_start3A_1873[%dma_start3A_1874] : memref<2048xi32, #tpu.memory_space<vmem>> -> memref<128xi32, #tpu.memory_space<vmem>>
      %dma_start3A_1876 = arith.constant 0 : i32
      %dma_start3A_1877 = tpu.memref_slice %arg3[%dma_start3A_1876] : memref<1000000xf32, #tpu.memory_space<hbm>> -> memref<1000000xf32, #tpu.memory_space<hbm>>
      tpu.enqueue_indirect_dma source(%dma_start3A_1877 : memref<1000000xf32, #tpu.memory_space<hbm>>) target(%dma_start3A_1870 : memref<128xf32, #tpu.memory_space<vmem>>) offsets(%dma_start3A_1875 : memref<128xi32, #tpu.memory_space<vmem>>) semaphore(%arg15 : memref<!tpu.dma_semaphore, #tpu.memory_space<semaphore_mem>>)
      %dma_start3A_1878 = arith.constant 1 : i32
      %dma_start3A_1879 = arith.constant 1 : i32
      %dma_start3A_1880 = arith.constant 0 : i32
      %dma_start3A_1881 = tpu.memref_slice %arg11[%dma_start3A_1879, %dma_start3A_1880] : memref<2x2048xf32, #tpu.memory_space<vmem>> -> memref<1x2048xf32, #tpu.memory_space<vmem>>
      %dma_start3A_1882 = tpu.memref_squeeze %dma_start3A_1881 : memref<1x2048xf32, #tpu.memory_space<vmem>> -> memref<2048xf32, #tpu.memory_space<vmem>>
      %dma_start3A_1883 = arith.constant 1792 : i32
      %dma_start3A_1884 = tpu.memref_slice %dma_start3A_1882[%dma_start3A_1883] : memref<2048xf32, #tpu.memory_space<vmem>> -> memref<128xf32, #tpu.memory_space<vmem>>
      %dma_start3A_1885 = arith.constant 0 : i32
      %dma_start3A_1886 = tpu.memref_slice %arg8[%dma_start3A_1878, %dma_start3A_1885] : memref<2x2048xi32, #tpu.memory_space<vmem>> -> memref<1x2048xi32, #tpu.memory_space<vmem>>
      %dma_start3A_1887 = tpu.memref_squeeze %dma_start3A_1886 : memref<1x2048xi32, #tpu.memory_space<vmem>> -> memref<2048xi32, #tpu.memory_space<vmem>>
      %dma_start3A_1888 = arith.constant 1792 : i32
      %dma_start3A_1889 = tpu.memref_slice %dma_start3A_1887[%dma_start3A_1888] : memref<2048xi32, #tpu.memory_space<vmem>> -> memref<128xi32, #tpu.memory_space<vmem>>
      %dma_start3A_1890 = arith.constant 0 : i32
      %dma_start3A_1891 = tpu.memref_slice %arg2[%dma_start3A_1890] : memref<1000000xf32, #tpu.memory_space<hbm>> -> memref<1000000xf32, #tpu.memory_space<hbm>>
      tpu.enqueue_indirect_dma source(%dma_start3A_1891 : memref<1000000xf32, #tpu.memory_space<hbm>>) target(%dma_start3A_1884 : memref<128xf32, #tpu.memory_space<vmem>>) offsets(%dma_start3A_1889 : memref<128xi32, #tpu.memory_space<vmem>>) semaphore(%arg15 : memref<!tpu.dma_semaphore, #tpu.memory_space<semaphore_mem>>)
      %dma_start3A_1892 = arith.constant 1 : i32
      %dma_start3A_1893 = arith.constant 1 : i32
      %dma_start3A_1894 = arith.constant 0 : i32
      %dma_start3A_1895 = tpu.memref_slice %arg12[%dma_start3A_1893, %dma_start3A_1894] : memref<2x2048xf32, #tpu.memory_space<vmem>> -> memref<1x2048xf32, #tpu.memory_space<vmem>>
      %dma_start3A_1896 = tpu.memref_squeeze %dma_start3A_1895 : memref<1x2048xf32, #tpu.memory_space<vmem>> -> memref<2048xf32, #tpu.memory_space<vmem>>
      %dma_start3A_1897 = arith.constant 1792 : i32
      %dma_start3A_1898 = tpu.memref_slice %dma_start3A_1896[%dma_start3A_1897] : memref<2048xf32, #tpu.memory_space<vmem>> -> memref<128xf32, #tpu.memory_space<vmem>>
      %dma_start3A_1899 = arith.constant 0 : i32
      %dma_start3A_1900 = tpu.memref_slice %arg8[%dma_start3A_1892, %dma_start3A_1899] : memref<2x2048xi32, #tpu.memory_space<vmem>> -> memref<1x2048xi32, #tpu.memory_space<vmem>>
      %dma_start3A_1901 = tpu.memref_squeeze %dma_start3A_1900 : memref<1x2048xi32, #tpu.memory_space<vmem>> -> memref<2048xi32, #tpu.memory_space<vmem>>
      %dma_start3A_1902 = arith.constant 1792 : i32
      %dma_start3A_1903 = tpu.memref_slice %dma_start3A_1901[%dma_start3A_1902] : memref<2048xi32, #tpu.memory_space<vmem>> -> memref<128xi32, #tpu.memory_space<vmem>>
      %dma_start3A_1904 = arith.constant 0 : i32
      %dma_start3A_1905 = tpu.memref_slice %arg3[%dma_start3A_1904] : memref<1000000xf32, #tpu.memory_space<hbm>> -> memref<1000000xf32, #tpu.memory_space<hbm>>
      tpu.enqueue_indirect_dma source(%dma_start3A_1905 : memref<1000000xf32, #tpu.memory_space<hbm>>) target(%dma_start3A_1898 : memref<128xf32, #tpu.memory_space<vmem>>) offsets(%dma_start3A_1903 : memref<128xi32, #tpu.memory_space<vmem>>) semaphore(%arg15 : memref<!tpu.dma_semaphore, #tpu.memory_space<semaphore_mem>>)
      %dma_start3A_1906 = arith.constant 1 : i32
      %dma_start3A_1907 = arith.constant 1 : i32
      %dma_start3A_1908 = arith.constant 0 : i32
      %dma_start3A_1909 = tpu.memref_slice %arg9[%dma_start3A_1907, %dma_start3A_1908] : memref<2x2048xf32, #tpu.memory_space<vmem>> -> memref<1x2048xf32, #tpu.memory_space<vmem>>
      %dma_start3A_1910 = tpu.memref_squeeze %dma_start3A_1909 : memref<1x2048xf32, #tpu.memory_space<vmem>> -> memref<2048xf32, #tpu.memory_space<vmem>>
      %dma_start3A_1911 = arith.constant 1920 : i32
      %dma_start3A_1912 = tpu.memref_slice %dma_start3A_1910[%dma_start3A_1911] : memref<2048xf32, #tpu.memory_space<vmem>> -> memref<128xf32, #tpu.memory_space<vmem>>
      %dma_start3A_1913 = arith.constant 0 : i32
      %dma_start3A_1914 = tpu.memref_slice %arg7[%dma_start3A_1906, %dma_start3A_1913] : memref<2x2048xi32, #tpu.memory_space<vmem>> -> memref<1x2048xi32, #tpu.memory_space<vmem>>
      %dma_start3A_1915 = tpu.memref_squeeze %dma_start3A_1914 : memref<1x2048xi32, #tpu.memory_space<vmem>> -> memref<2048xi32, #tpu.memory_space<vmem>>
      %dma_start3A_1916 = arith.constant 1920 : i32
      %dma_start3A_1917 = tpu.memref_slice %dma_start3A_1915[%dma_start3A_1916] : memref<2048xi32, #tpu.memory_space<vmem>> -> memref<128xi32, #tpu.memory_space<vmem>>
      %dma_start3A_1918 = arith.constant 0 : i32
      %dma_start3A_1919 = tpu.memref_slice %arg2[%dma_start3A_1918] : memref<1000000xf32, #tpu.memory_space<hbm>> -> memref<1000000xf32, #tpu.memory_space<hbm>>
      tpu.enqueue_indirect_dma source(%dma_start3A_1919 : memref<1000000xf32, #tpu.memory_space<hbm>>) target(%dma_start3A_1912 : memref<128xf32, #tpu.memory_space<vmem>>) offsets(%dma_start3A_1917 : memref<128xi32, #tpu.memory_space<vmem>>) semaphore(%arg15 : memref<!tpu.dma_semaphore, #tpu.memory_space<semaphore_mem>>)
      %dma_start3A_1920 = arith.constant 1 : i32
      %dma_start3A_1921 = arith.constant 1 : i32
      %dma_start3A_1922 = arith.constant 0 : i32
      %dma_start3A_1923 = tpu.memref_slice %arg10[%dma_start3A_1921, %dma_start3A_1922] : memref<2x2048xf32, #tpu.memory_space<vmem>> -> memref<1x2048xf32, #tpu.memory_space<vmem>>
      %dma_start3A_1924 = tpu.memref_squeeze %dma_start3A_1923 : memref<1x2048xf32, #tpu.memory_space<vmem>> -> memref<2048xf32, #tpu.memory_space<vmem>>
      %dma_start3A_1925 = arith.constant 1920 : i32
      %dma_start3A_1926 = tpu.memref_slice %dma_start3A_1924[%dma_start3A_1925] : memref<2048xf32, #tpu.memory_space<vmem>> -> memref<128xf32, #tpu.memory_space<vmem>>
      %dma_start3A_1927 = arith.constant 0 : i32
      %dma_start3A_1928 = tpu.memref_slice %arg7[%dma_start3A_1920, %dma_start3A_1927] : memref<2x2048xi32, #tpu.memory_space<vmem>> -> memref<1x2048xi32, #tpu.memory_space<vmem>>
      %dma_start3A_1929 = tpu.memref_squeeze %dma_start3A_1928 : memref<1x2048xi32, #tpu.memory_space<vmem>> -> memref<2048xi32, #tpu.memory_space<vmem>>
      %dma_start3A_1930 = arith.constant 1920 : i32
      %dma_start3A_1931 = tpu.memref_slice %dma_start3A_1929[%dma_start3A_1930] : memref<2048xi32, #tpu.memory_space<vmem>> -> memref<128xi32, #tpu.memory_space<vmem>>
      %dma_start3A_1932 = arith.constant 0 : i32
      %dma_start3A_1933 = tpu.memref_slice %arg3[%dma_start3A_1932] : memref<1000000xf32, #tpu.memory_space<hbm>> -> memref<1000000xf32, #tpu.memory_space<hbm>>
      tpu.enqueue_indirect_dma source(%dma_start3A_1933 : memref<1000000xf32, #tpu.memory_space<hbm>>) target(%dma_start3A_1926 : memref<128xf32, #tpu.memory_space<vmem>>) offsets(%dma_start3A_1931 : memref<128xi32, #tpu.memory_space<vmem>>) semaphore(%arg15 : memref<!tpu.dma_semaphore, #tpu.memory_space<semaphore_mem>>)
      %dma_start3A_1934 = arith.constant 1 : i32
      %dma_start3A_1935 = arith.constant 1 : i32
      %dma_start3A_1936 = arith.constant 0 : i32
      %dma_start3A_1937 = tpu.memref_slice %arg11[%dma_start3A_1935, %dma_start3A_1936] : memref<2x2048xf32, #tpu.memory_space<vmem>> -> memref<1x2048xf32, #tpu.memory_space<vmem>>
      %dma_start3A_1938 = tpu.memref_squeeze %dma_start3A_1937 : memref<1x2048xf32, #tpu.memory_space<vmem>> -> memref<2048xf32, #tpu.memory_space<vmem>>
      %dma_start3A_1939 = arith.constant 1920 : i32
      %dma_start3A_1940 = tpu.memref_slice %dma_start3A_1938[%dma_start3A_1939] : memref<2048xf32, #tpu.memory_space<vmem>> -> memref<128xf32, #tpu.memory_space<vmem>>
      %dma_start3A_1941 = arith.constant 0 : i32
      %dma_start3A_1942 = tpu.memref_slice %arg8[%dma_start3A_1934, %dma_start3A_1941] : memref<2x2048xi32, #tpu.memory_space<vmem>> -> memref<1x2048xi32, #tpu.memory_space<vmem>>
      %dma_start3A_1943 = tpu.memref_squeeze %dma_start3A_1942 : memref<1x2048xi32, #tpu.memory_space<vmem>> -> memref<2048xi32, #tpu.memory_space<vmem>>
      %dma_start3A_1944 = arith.constant 1920 : i32
      %dma_start3A_1945 = tpu.memref_slice %dma_start3A_1943[%dma_start3A_1944] : memref<2048xi32, #tpu.memory_space<vmem>> -> memref<128xi32, #tpu.memory_space<vmem>>
      %dma_start3A_1946 = arith.constant 0 : i32
      %dma_start3A_1947 = tpu.memref_slice %arg2[%dma_start3A_1946] : memref<1000000xf32, #tpu.memory_space<hbm>> -> memref<1000000xf32, #tpu.memory_space<hbm>>
      tpu.enqueue_indirect_dma source(%dma_start3A_1947 : memref<1000000xf32, #tpu.memory_space<hbm>>) target(%dma_start3A_1940 : memref<128xf32, #tpu.memory_space<vmem>>) offsets(%dma_start3A_1945 : memref<128xi32, #tpu.memory_space<vmem>>) semaphore(%arg15 : memref<!tpu.dma_semaphore, #tpu.memory_space<semaphore_mem>>)
      %dma_start3A_1948 = arith.constant 1 : i32
      %dma_start3A_1949 = arith.constant 1 : i32
      %dma_start3A_1950 = arith.constant 0 : i32
      %dma_start3A_1951 = tpu.memref_slice %arg12[%dma_start3A_1949, %dma_start3A_1950] : memref<2x2048xf32, #tpu.memory_space<vmem>> -> memref<1x2048xf32, #tpu.memory_space<vmem>>
      %dma_start3A_1952 = tpu.memref_squeeze %dma_start3A_1951 : memref<1x2048xf32, #tpu.memory_space<vmem>> -> memref<2048xf32, #tpu.memory_space<vmem>>
      %dma_start3A_1953 = arith.constant 1920 : i32
      %dma_start3A_1954 = tpu.memref_slice %dma_start3A_1952[%dma_start3A_1953] : memref<2048xf32, #tpu.memory_space<vmem>> -> memref<128xf32, #tpu.memory_space<vmem>>
      %dma_start3A_1955 = arith.constant 0 : i32
      %dma_start3A_1956 = tpu.memref_slice %arg8[%dma_start3A_1948, %dma_start3A_1955] : memref<2x2048xi32, #tpu.memory_space<vmem>> -> memref<1x2048xi32, #tpu.memory_space<vmem>>
      %dma_start3A_1957 = tpu.memref_squeeze %dma_start3A_1956 : memref<1x2048xi32, #tpu.memory_space<vmem>> -> memref<2048xi32, #tpu.memory_space<vmem>>
      %dma_start3A_1958 = arith.constant 1920 : i32
      %dma_start3A_1959 = tpu.memref_slice %dma_start3A_1957[%dma_start3A_1958] : memref<2048xi32, #tpu.memory_space<vmem>> -> memref<128xi32, #tpu.memory_space<vmem>>
      %dma_start3A_1960 = arith.constant 0 : i32
      %dma_start3A_1961 = tpu.memref_slice %arg3[%dma_start3A_1960] : memref<1000000xf32, #tpu.memory_space<hbm>> -> memref<1000000xf32, #tpu.memory_space<hbm>>
      tpu.enqueue_indirect_dma source(%dma_start3A_1961 : memref<1000000xf32, #tpu.memory_space<hbm>>) target(%dma_start3A_1954 : memref<128xf32, #tpu.memory_space<vmem>>) offsets(%dma_start3A_1959 : memref<128xi32, #tpu.memory_space<vmem>>) semaphore(%arg15 : memref<!tpu.dma_semaphore, #tpu.memory_space<semaphore_mem>>)
      %dma_wait3A_1962 = arith.constant 0 : i32
      %dma_wait3A_1963 = arith.constant 0 : i32
      %dma_wait3A_1964 = tpu.memref_slice %arg9[%dma_wait3A_1962, %dma_wait3A_1963] : memref<2x2048xf32, #tpu.memory_space<vmem>> -> memref<1x2048xf32, #tpu.memory_space<vmem>>
      %dma_wait3A_1965 = tpu.memref_squeeze %dma_wait3A_1964 : memref<1x2048xf32, #tpu.memory_space<vmem>> -> memref<2048xf32, #tpu.memory_space<vmem>>
      %dma_wait3A_1966 = arith.constant 0 : i32
      %dma_wait3A_1967 = tpu.memref_slice %arg2[%dma_wait3A_1966] : memref<1000000xf32, #tpu.memory_space<hbm>> -> memref<2048xf32, #tpu.memory_space<hbm>>
      %dma_wait3A_1968 = arith.constant 0 : i32
      %dma_wait3A_1969 = tpu.memref_slice %arg9[%dma_wait3A_1962, %dma_wait3A_1968] : memref<2x2048xf32, #tpu.memory_space<vmem>> -> memref<1x2048xf32, #tpu.memory_space<vmem>>
      %dma_wait3A_1970 = tpu.memref_squeeze %dma_wait3A_1969 : memref<1x2048xf32, #tpu.memory_space<vmem>> -> memref<2048xf32, #tpu.memory_space<vmem>>
      %dma_wait3A_1971 = arith.constant 0 : i32
      %dma_wait3A_1972 = tpu.memref_slice %arg2[%dma_wait3A_1971] : memref<1000000xf32, #tpu.memory_space<hbm>> -> memref<2048xf32, #tpu.memory_space<hbm>>
      tpu.wait_dma2 semaphore(%arg15 : memref<!tpu.dma_semaphore, #tpu.memory_space<semaphore_mem>>) src(%dma_wait3A_1972 : memref<2048xf32, #tpu.memory_space<hbm>>) dst(%dma_wait3A_1970 : memref<2048xf32, #tpu.memory_space<vmem>>)
      %dma_wait3A_1973 = arith.constant 0 : i32
      %dma_wait3A_1974 = arith.constant 0 : i32
      %dma_wait3A_1975 = tpu.memref_slice %arg10[%dma_wait3A_1973, %dma_wait3A_1974] : memref<2x2048xf32, #tpu.memory_space<vmem>> -> memref<1x2048xf32, #tpu.memory_space<vmem>>
      %dma_wait3A_1976 = tpu.memref_squeeze %dma_wait3A_1975 : memref<1x2048xf32, #tpu.memory_space<vmem>> -> memref<2048xf32, #tpu.memory_space<vmem>>
      %dma_wait3A_1977 = arith.constant 0 : i32
      %dma_wait3A_1978 = tpu.memref_slice %arg2[%dma_wait3A_1977] : memref<1000000xf32, #tpu.memory_space<hbm>> -> memref<2048xf32, #tpu.memory_space<hbm>>
      %dma_wait3A_1979 = arith.constant 0 : i32
      %dma_wait3A_1980 = tpu.memref_slice %arg10[%dma_wait3A_1973, %dma_wait3A_1979] : memref<2x2048xf32, #tpu.memory_space<vmem>> -> memref<1x2048xf32, #tpu.memory_space<vmem>>
      %dma_wait3A_1981 = tpu.memref_squeeze %dma_wait3A_1980 : memref<1x2048xf32, #tpu.memory_space<vmem>> -> memref<2048xf32, #tpu.memory_space<vmem>>
      %dma_wait3A_1982 = arith.constant 0 : i32
      %dma_wait3A_1983 = tpu.memref_slice %arg2[%dma_wait3A_1982] : memref<1000000xf32, #tpu.memory_space<hbm>> -> memref<2048xf32, #tpu.memory_space<hbm>>
      tpu.wait_dma2 semaphore(%arg15 : memref<!tpu.dma_semaphore, #tpu.memory_space<semaphore_mem>>) src(%dma_wait3A_1983 : memref<2048xf32, #tpu.memory_space<hbm>>) dst(%dma_wait3A_1981 : memref<2048xf32, #tpu.memory_space<vmem>>)
      %dma_wait3A_1984 = arith.constant 0 : i32
      %dma_wait3A_1985 = arith.constant 0 : i32
      %dma_wait3A_1986 = tpu.memref_slice %arg11[%dma_wait3A_1984, %dma_wait3A_1985] : memref<2x2048xf32, #tpu.memory_space<vmem>> -> memref<1x2048xf32, #tpu.memory_space<vmem>>
      %dma_wait3A_1987 = tpu.memref_squeeze %dma_wait3A_1986 : memref<1x2048xf32, #tpu.memory_space<vmem>> -> memref<2048xf32, #tpu.memory_space<vmem>>
      %dma_wait3A_1988 = arith.constant 0 : i32
      %dma_wait3A_1989 = tpu.memref_slice %arg2[%dma_wait3A_1988] : memref<1000000xf32, #tpu.memory_space<hbm>> -> memref<2048xf32, #tpu.memory_space<hbm>>
      %dma_wait3A_1990 = arith.constant 0 : i32
      %dma_wait3A_1991 = tpu.memref_slice %arg11[%dma_wait3A_1984, %dma_wait3A_1990] : memref<2x2048xf32, #tpu.memory_space<vmem>> -> memref<1x2048xf32, #tpu.memory_space<vmem>>
      %dma_wait3A_1992 = tpu.memref_squeeze %dma_wait3A_1991 : memref<1x2048xf32, #tpu.memory_space<vmem>> -> memref<2048xf32, #tpu.memory_space<vmem>>
      %dma_wait3A_1993 = arith.constant 0 : i32
      %dma_wait3A_1994 = tpu.memref_slice %arg2[%dma_wait3A_1993] : memref<1000000xf32, #tpu.memory_space<hbm>> -> memref<2048xf32, #tpu.memory_space<hbm>>
      tpu.wait_dma2 semaphore(%arg15 : memref<!tpu.dma_semaphore, #tpu.memory_space<semaphore_mem>>) src(%dma_wait3A_1994 : memref<2048xf32, #tpu.memory_space<hbm>>) dst(%dma_wait3A_1992 : memref<2048xf32, #tpu.memory_space<vmem>>)
      %dma_wait3A_1995 = arith.constant 0 : i32
      %dma_wait3A_1996 = arith.constant 0 : i32
      %dma_wait3A_1997 = tpu.memref_slice %arg12[%dma_wait3A_1995, %dma_wait3A_1996] : memref<2x2048xf32, #tpu.memory_space<vmem>> -> memref<1x2048xf32, #tpu.memory_space<vmem>>
      %dma_wait3A_1998 = tpu.memref_squeeze %dma_wait3A_1997 : memref<1x2048xf32, #tpu.memory_space<vmem>> -> memref<2048xf32, #tpu.memory_space<vmem>>
      %dma_wait3A_1999 = arith.constant 0 : i32
      %dma_wait3A_2000 = tpu.memref_slice %arg2[%dma_wait3A_1999] : memref<1000000xf32, #tpu.memory_space<hbm>> -> memref<2048xf32, #tpu.memory_space<hbm>>
      %dma_wait3A_2001 = arith.constant 0 : i32
      %dma_wait3A_2002 = tpu.memref_slice %arg12[%dma_wait3A_1995, %dma_wait3A_2001] : memref<2x2048xf32, #tpu.memory_space<vmem>> -> memref<1x2048xf32, #tpu.memory_space<vmem>>
      %dma_wait3A_2003 = tpu.memref_squeeze %dma_wait3A_2002 : memref<1x2048xf32, #tpu.memory_space<vmem>> -> memref<2048xf32, #tpu.memory_space<vmem>>
      %dma_wait3A_2004 = arith.constant 0 : i32
      %dma_wait3A_2005 = tpu.memref_slice %arg2[%dma_wait3A_2004] : memref<1000000xf32, #tpu.memory_space<hbm>> -> memref<2048xf32, #tpu.memory_space<hbm>>
      tpu.wait_dma2 semaphore(%arg15 : memref<!tpu.dma_semaphore, #tpu.memory_space<semaphore_mem>>) src(%dma_wait3A_2005 : memref<2048xf32, #tpu.memory_space<hbm>>) dst(%dma_wait3A_2003 : memref<2048xf32, #tpu.memory_space<vmem>>)
      %add3A_2006 = arith.constant 2 : i32
      %add3A_2007 = arith.addi %mul3A_1043, %add3A_2006 : i32
      %mul3A_2008 = arith.constant 16 : i32
      %mul3A_2009 = arith.muli %add3A, %mul3A_2008 : i32
      %add3A_2010 = arith.addi %mul3A_2009, %add3A_2007 : i32
      %mul3A_2011 = arith.constant 2048 : i32
      %mul3A_2012 = arith.muli %add3A_2010, %mul3A_2011 : i32
      %dma_start3A_2013 = arith.constant 0 : i32
      %dma_start3A_2014 = arith.constant 0 : i32
      %dma_start3A_2015 = tpu.memref_slice %arg7[%dma_start3A_2013, %dma_start3A_2014] : memref<2x2048xi32, #tpu.memory_space<vmem>> -> memref<1x2048xi32, #tpu.memory_space<vmem>>
      %dma_start3A_2016 = tpu.memref_squeeze %dma_start3A_2015 : memref<1x2048xi32, #tpu.memory_space<vmem>> -> memref<2048xi32, #tpu.memory_space<vmem>>
      %dma_start3A_2017 = tpu.memref_slice %arg4[%mul3A_2012] : memref<1052672xi32, #tpu.memory_space<hbm>> -> memref<2048xi32, #tpu.memory_space<hbm>>
      %dma_start3A_2018 = arith.constant 0 : i32
      %dma_start3A_2019 = tpu.memref_slice %arg7[%dma_start3A_2013, %dma_start3A_2018] : memref<2x2048xi32, #tpu.memory_space<vmem>> -> memref<1x2048xi32, #tpu.memory_space<vmem>>
      %dma_start3A_2020 = tpu.memref_squeeze %dma_start3A_2019 : memref<1x2048xi32, #tpu.memory_space<vmem>> -> memref<2048xi32, #tpu.memory_space<vmem>>
      %dma_start3A_2021 = tpu.memref_slice %arg4[%mul3A_2012] : memref<1052672xi32, #tpu.memory_space<hbm>> -> memref<2048xi32, #tpu.memory_space<hbm>>
      tpu.enqueue_dma source(%dma_start3A_2021 : memref<2048xi32, #tpu.memory_space<hbm>>) target(%dma_start3A_2020 : memref<2048xi32, #tpu.memory_space<vmem>>) target_semaphore(%arg14 : memref<!tpu.dma_semaphore, #tpu.memory_space<semaphore_mem>>)
      %dma_start3A_2022 = arith.constant 0 : i32
      %dma_start3A_2023 = arith.constant 0 : i32
      %dma_start3A_2024 = tpu.memref_slice %arg8[%dma_start3A_2022, %dma_start3A_2023] : memref<2x2048xi32, #tpu.memory_space<vmem>> -> memref<1x2048xi32, #tpu.memory_space<vmem>>
      %dma_start3A_2025 = tpu.memref_squeeze %dma_start3A_2024 : memref<1x2048xi32, #tpu.memory_space<vmem>> -> memref<2048xi32, #tpu.memory_space<vmem>>
      %dma_start3A_2026 = tpu.memref_slice %arg5[%mul3A_2012] : memref<1052672xi32, #tpu.memory_space<hbm>> -> memref<2048xi32, #tpu.memory_space<hbm>>
      %dma_start3A_2027 = arith.constant 0 : i32
      %dma_start3A_2028 = tpu.memref_slice %arg8[%dma_start3A_2022, %dma_start3A_2027] : memref<2x2048xi32, #tpu.memory_space<vmem>> -> memref<1x2048xi32, #tpu.memory_space<vmem>>
      %dma_start3A_2029 = tpu.memref_squeeze %dma_start3A_2028 : memref<1x2048xi32, #tpu.memory_space<vmem>> -> memref<2048xi32, #tpu.memory_space<vmem>>
      %dma_start3A_2030 = tpu.memref_slice %arg5[%mul3A_2012] : memref<1052672xi32, #tpu.memory_space<hbm>> -> memref<2048xi32, #tpu.memory_space<hbm>>
      tpu.enqueue_dma source(%dma_start3A_2030 : memref<2048xi32, #tpu.memory_space<hbm>>) target(%dma_start3A_2029 : memref<2048xi32, #tpu.memory_space<vmem>>) target_semaphore(%arg14 : memref<!tpu.dma_semaphore, #tpu.memory_space<semaphore_mem>>)
      %mul3A_2031 = arith.constant 16 : i32
      %mul3A_2032 = arith.muli %add3A, %mul3A_2031 : i32
      %add3A_2033 = arith.addi %mul3A_2032, %mul3A_1043 : i32
      %mul3A_2034 = arith.constant 2048 : i32
      %mul3A_2035 = arith.muli %add3A_2033, %mul3A_2034 : i32
      %scan3A_2036 = arith.constant 0 : i32
      %scan3A_2037 = arith.constant 128 : i32
      %scan3A_2038 = arith.addi %scan3A_2036, %scan3A_2037 : i32
      %scan3A_2039 = arith.constant 1 : i32
      %scan3A_2040 = scf.for %scan3A_3044 = %scan3A_2036 to %scan3A_2038 step %scan3A_2039 iter_args(%scan3A_3045 = %scan3A_1041) -> (vector<16xf32>)  : i32 {
        %mul3A_3046 = arith.constant 16 : i32
        %mul3A_3047 = arith.muli %scan3A_3044, %mul3A_3046 : i32
        %get3A = arith.constant 0 : i32
        %get3A_3048 = arith.constant 0 : i32
        %get3A_3049 = tpu.memref_slice %arg9[%get3A, %get3A_3048] : memref<2x2048xf32, #tpu.memory_space<vmem>> -> memref<1x2048xf32, #tpu.memory_space<vmem>>
        %get3A_3050 = tpu.memref_squeeze %get3A_3049 : memref<1x2048xf32, #tpu.memory_space<vmem>> -> memref<2048xf32, #tpu.memory_space<vmem>>
        %get3A_3051 = arith.index_cast %mul3A_3047 : i32 to index
        %get3A_3052 = tpu.vector_load %get3A_3050[%get3A_3051] {strides = array<i32>} : memref<2048xf32, #tpu.memory_space<vmem>>, vector<16xf32>,
        %get3A_3053 = vector.shape_cast %get3A_3052 : vector<16xf32> to vector<16xf32>
        %get3A_3054 = arith.constant 0 : i32
        %get3A_3055 = arith.constant 0 : i32
        %get3A_3056 = tpu.memref_slice %arg10[%get3A_3054, %get3A_3055] : memref<2x2048xf32, #tpu.memory_space<vmem>> -> memref<1x2048xf32, #tpu.memory_space<vmem>>
        %get3A_3057 = tpu.memref_squeeze %get3A_3056 : memref<1x2048xf32, #tpu.memory_space<vmem>> -> memref<2048xf32, #tpu.memory_space<vmem>>
        %get3A_3058 = arith.index_cast %mul3A_3047 : i32 to index
        %get3A_3059 = tpu.vector_load %get3A_3057[%get3A_3058] {strides = array<i32>} : memref<2048xf32, #tpu.memory_space<vmem>>, vector<16xf32>,
        %get3A_3060 = vector.shape_cast %get3A_3059 : vector<16xf32> to vector<16xf32>
        %get3A_3061 = arith.constant 0 : i32
        %get3A_3062 = arith.constant 0 : i32
        %get3A_3063 = tpu.memref_slice %arg11[%get3A_3061, %get3A_3062] : memref<2x2048xf32, #tpu.memory_space<vmem>> -> memref<1x2048xf32, #tpu.memory_space<vmem>>
        %get3A_3064 = tpu.memref_squeeze %get3A_3063 : memref<1x2048xf32, #tpu.memory_space<vmem>> -> memref<2048xf32, #tpu.memory_space<vmem>>
        %get3A_3065 = arith.index_cast %mul3A_3047 : i32 to index
        %get3A_3066 = tpu.vector_load %get3A_3064[%get3A_3065] {strides = array<i32>} : memref<2048xf32, #tpu.memory_space<vmem>>, vector<16xf32>,
        %get3A_3067 = vector.shape_cast %get3A_3066 : vector<16xf32> to vector<16xf32>
        %get3A_3068 = arith.constant 0 : i32
        %get3A_3069 = arith.constant 0 : i32
        %get3A_3070 = tpu.memref_slice %arg12[%get3A_3068, %get3A_3069] : memref<2x2048xf32, #tpu.memory_space<vmem>> -> memref<1x2048xf32, #tpu.memory_space<vmem>>
        %get3A_3071 = tpu.memref_squeeze %get3A_3070 : memref<1x2048xf32, #tpu.memory_space<vmem>> -> memref<2048xf32, #tpu.memory_space<vmem>>
        %get3A_3072 = arith.index_cast %mul3A_3047 : i32 to index
        %get3A_3073 = tpu.vector_load %get3A_3071[%get3A_3072] {strides = array<i32>} : memref<2048xf32, #tpu.memory_space<vmem>>, vector<16xf32>,
        %get3A_3074 = vector.shape_cast %get3A_3073 : vector<16xf32> to vector<16xf32>
        %sub3A = arith.subf %get3A_3060, %get3A_3074 : vector<16xf32>
        %sign3A = tpu.bitcast %sub3A : vector<16xf32> -> vector<16xi32>
        %sign3A_3075 = arith.constant -2147483648 : i32
        %sign3A_3076 = vector.broadcast %sign3A_3075 : i32 to vector<16xi32>
        %sign3A_3077 = arith.andi %sign3A, %sign3A_3076 : vector<16xi32>
        %sign3A_3078 = arith.constant 1065353216 : i32
        %sign3A_3079 = vector.broadcast %sign3A_3078 : i32 to vector<16xi32>
        %sign3A_3080 = arith.ori %sign3A_3079, %sign3A_3077 : vector<16xi32>
        %sign3A_3081 = tpu.bitcast %sign3A_3080 : vector<16xi32> -> vector<16xf32>
        %sign3A_3082 = math.absf %sub3A : vector<16xf32>
        %sign3A_3083 = arith.constant 0.000000e+00 : f32
        %sign3A_3084 = vector.broadcast %sign3A_3083 : f32 to vector<16xf32>
        %sign3A_3085 = arith.cmpf ogt, %sign3A_3082, %sign3A_3084 : vector<16xf32>
        %sign3A_3086 = arith.select %sign3A_3085, %sign3A_3081, %sub3A : vector<16xi1>, vector<16xf32>
        %sub3A_3087 = arith.subf %get3A_3053, %get3A_3067 : vector<16xf32>
        %mul3A_3088 = arith.mulf %sign3A_3086, %sub3A_3087 : vector<16xf32>
        %sub3A_3089 = arith.constant 1.000000e-01 : f32
        %sub3A_3090 = vector.broadcast %sub3A_3089 : f32 to vector<16xf32>
        %sub3A_3091 = arith.subf %sub3A_3090, %mul3A_3088 : vector<16xf32>
        %max3A = arith.constant 0.000000e+00 : f32
        %max3A_3092 = vector.broadcast %max3A : f32 to vector<16xf32>
        %max3A_3093 = arith.maximumf %sub3A_3091, %max3A_3092 : vector<16xf32>
        %mul3A_3094 = arith.constant 16 : i32
        %mul3A_3095 = arith.muli %scan3A_3044, %mul3A_3094 : i32
        %add3A_3096 = arith.addi %mul3A_2035, %mul3A_3095 : i32
        %add3A_3097 = vector.broadcast %add3A_3096 : i32 to vector<16xi32>
        %add3A_3098 = arith.addi %add3A_3097, %iota3A : vector<16xi32>
        %lt3A = arith.constant 1000000 : i32
        %lt3A_3099 = vector.broadcast %lt3A : i32 to vector<16xi32>
        %lt3A_3100 = arith.cmpi slt, %add3A_3098, %lt3A_3099 : vector<16xi32>
        %jit3A = arith.constant 0.000000e+00 : f32
        %broadcast_in_dim3A_3101 = vector.broadcast %jit3A : f32 to vector<16xf32>
        %select_n3A = arith.select %lt3A_3100, %max3A_3093, %broadcast_in_dim3A_3101 : vector<16xi1>, vector<16xf32>
        %add3A_3102 = arith.addf %scan3A_3045, %select_n3A : vector<16xf32>
        scf.yield %add3A_3102 : vector<16xf32>
      }
      %scan3A_2041 = arith.constant 128 : i32
      %mul3A_2042 = arith.constant 2 : i32
      %mul3A_2043 = arith.muli %mul3A_2042, %scan3A_1040 : i32
      %add3A_2044 = arith.constant 1 : i32
      %add3A_2045 = arith.addi %mul3A_2043, %add3A_2044 : i32
      %dma_wait3A_2046 = arith.constant 0 : i32
      %dma_wait3A_2047 = arith.constant 0 : i32
      %dma_wait3A_2048 = tpu.memref_slice %arg7[%dma_wait3A_2046, %dma_wait3A_2047] : memref<2x2048xi32, #tpu.memory_space<vmem>> -> memref<1x2048xi32, #tpu.memory_space<vmem>>
      %dma_wait3A_2049 = tpu.memref_squeeze %dma_wait3A_2048 : memref<1x2048xi32, #tpu.memory_space<vmem>> -> memref<2048xi32, #tpu.memory_space<vmem>>
      %dma_wait3A_2050 = arith.constant 0 : i32
      %dma_wait3A_2051 = tpu.memref_slice %arg4[%dma_wait3A_2050] : memref<1052672xi32, #tpu.memory_space<hbm>> -> memref<2048xi32, #tpu.memory_space<hbm>>
      %dma_wait3A_2052 = arith.constant 0 : i32
      %dma_wait3A_2053 = tpu.memref_slice %arg7[%dma_wait3A_2046, %dma_wait3A_2052] : memref<2x2048xi32, #tpu.memory_space<vmem>> -> memref<1x2048xi32, #tpu.memory_space<vmem>>
      %dma_wait3A_2054 = tpu.memref_squeeze %dma_wait3A_2053 : memref<1x2048xi32, #tpu.memory_space<vmem>> -> memref<2048xi32, #tpu.memory_space<vmem>>
      %dma_wait3A_2055 = arith.constant 0 : i32
      %dma_wait3A_2056 = tpu.memref_slice %arg4[%dma_wait3A_2055] : memref<1052672xi32, #tpu.memory_space<hbm>> -> memref<2048xi32, #tpu.memory_space<hbm>>
      tpu.wait_dma2 semaphore(%arg14 : memref<!tpu.dma_semaphore, #tpu.memory_space<semaphore_mem>>) src(%dma_wait3A_2056 : memref<2048xi32, #tpu.memory_space<hbm>>) dst(%dma_wait3A_2054 : memref<2048xi32, #tpu.memory_space<vmem>>)
      %dma_wait3A_2057 = arith.constant 0 : i32
      %dma_wait3A_2058 = arith.constant 0 : i32
      %dma_wait3A_2059 = tpu.memref_slice %arg8[%dma_wait3A_2057, %dma_wait3A_2058] : memref<2x2048xi32, #tpu.memory_space<vmem>> -> memref<1x2048xi32, #tpu.memory_space<vmem>>
      %dma_wait3A_2060 = tpu.memref_squeeze %dma_wait3A_2059 : memref<1x2048xi32, #tpu.memory_space<vmem>> -> memref<2048xi32, #tpu.memory_space<vmem>>
      %dma_wait3A_2061 = arith.constant 0 : i32
      %dma_wait3A_2062 = tpu.memref_slice %arg5[%dma_wait3A_2061] : memref<1052672xi32, #tpu.memory_space<hbm>> -> memref<2048xi32, #tpu.memory_space<hbm>>
      %dma_wait3A_2063 = arith.constant 0 : i32
      %dma_wait3A_2064 = tpu.memref_slice %arg8[%dma_wait3A_2057, %dma_wait3A_2063] : memref<2x2048xi32, #tpu.memory_space<vmem>> -> memref<1x2048xi32, #tpu.memory_space<vmem>>
      %dma_wait3A_2065 = tpu.memref_squeeze %dma_wait3A_2064 : memref<1x2048xi32, #tpu.memory_space<vmem>> -> memref<2048xi32, #tpu.memory_space<vmem>>
      %dma_wait3A_2066 = arith.constant 0 : i32
      %dma_wait3A_2067 = tpu.memref_slice %arg5[%dma_wait3A_2066] : memref<1052672xi32, #tpu.memory_space<hbm>> -> memref<2048xi32, #tpu.memory_space<hbm>>
      tpu.wait_dma2 semaphore(%arg14 : memref<!tpu.dma_semaphore, #tpu.memory_space<semaphore_mem>>) src(%dma_wait3A_2067 : memref<2048xi32, #tpu.memory_space<hbm>>) dst(%dma_wait3A_2065 : memref<2048xi32, #tpu.memory_space<vmem>>)
      %dma_start3A_2068 = arith.constant 0 : i32
      %dma_start3A_2069 = arith.constant 0 : i32
      %dma_start3A_2070 = arith.constant 0 : i32
      %dma_start3A_2071 = tpu.memref_slice %arg9[%dma_start3A_2069, %dma_start3A_2070] : memref<2x2048xf32, #tpu.memory_space<vmem>> -> memref<1x2048xf32, #tpu.memory_space<vmem>>
      %dma_start3A_2072 = tpu.memref_squeeze %dma_start3A_2071 : memref<1x2048xf32, #tpu.memory_space<vmem>> -> memref<2048xf32, #tpu.memory_space<vmem>>
      %dma_start3A_2073 = arith.constant 0 : i32
      %dma_start3A_2074 = tpu.memref_slice %dma_start3A_2072[%dma_start3A_2073] : memref<2048xf32, #tpu.memory_space<vmem>> -> memref<128xf32, #tpu.memory_space<vmem>>
      %dma_start3A_2075 = arith.constant 0 : i32
      %dma_start3A_2076 = tpu.memref_slice %arg7[%dma_start3A_2068, %dma_start3A_2075] : memref<2x2048xi32, #tpu.memory_space<vmem>> -> memref<1x2048xi32, #tpu.memory_space<vmem>>
      %dma_start3A_2077 = tpu.memref_squeeze %dma_start3A_2076 : memref<1x2048xi32, #tpu.memory_space<vmem>> -> memref<2048xi32, #tpu.memory_space<vmem>>
      %dma_start3A_2078 = arith.constant 0 : i32
      %dma_start3A_2079 = tpu.memref_slice %dma_start3A_2077[%dma_start3A_2078] : memref<2048xi32, #tpu.memory_space<vmem>> -> memref<128xi32, #tpu.memory_space<vmem>>
      %dma_start3A_2080 = arith.constant 0 : i32
      %dma_start3A_2081 = tpu.memref_slice %arg2[%dma_start3A_2080] : memref<1000000xf32, #tpu.memory_space<hbm>> -> memref<1000000xf32, #tpu.memory_space<hbm>>
      tpu.enqueue_indirect_dma source(%dma_start3A_2081 : memref<1000000xf32, #tpu.memory_space<hbm>>) target(%dma_start3A_2074 : memref<128xf32, #tpu.memory_space<vmem>>) offsets(%dma_start3A_2079 : memref<128xi32, #tpu.memory_space<vmem>>) semaphore(%arg15 : memref<!tpu.dma_semaphore, #tpu.memory_space<semaphore_mem>>)
      %dma_start3A_2082 = arith.constant 0 : i32
      %dma_start3A_2083 = arith.constant 0 : i32
      %dma_start3A_2084 = arith.constant 0 : i32
      %dma_start3A_2085 = tpu.memref_slice %arg10[%dma_start3A_2083, %dma_start3A_2084] : memref<2x2048xf32, #tpu.memory_space<vmem>> -> memref<1x2048xf32, #tpu.memory_space<vmem>>
      %dma_start3A_2086 = tpu.memref_squeeze %dma_start3A_2085 : memref<1x2048xf32, #tpu.memory_space<vmem>> -> memref<2048xf32, #tpu.memory_space<vmem>>
      %dma_start3A_2087 = arith.constant 0 : i32
      %dma_start3A_2088 = tpu.memref_slice %dma_start3A_2086[%dma_start3A_2087] : memref<2048xf32, #tpu.memory_space<vmem>> -> memref<128xf32, #tpu.memory_space<vmem>>
      %dma_start3A_2089 = arith.constant 0 : i32
      %dma_start3A_2090 = tpu.memref_slice %arg7[%dma_start3A_2082, %dma_start3A_2089] : memref<2x2048xi32, #tpu.memory_space<vmem>> -> memref<1x2048xi32, #tpu.memory_space<vmem>>
      %dma_start3A_2091 = tpu.memref_squeeze %dma_start3A_2090 : memref<1x2048xi32, #tpu.memory_space<vmem>> -> memref<2048xi32, #tpu.memory_space<vmem>>
      %dma_start3A_2092 = arith.constant 0 : i32
      %dma_start3A_2093 = tpu.memref_slice %dma_start3A_2091[%dma_start3A_2092] : memref<2048xi32, #tpu.memory_space<vmem>> -> memref<128xi32, #tpu.memory_space<vmem>>
      %dma_start3A_2094 = arith.constant 0 : i32
      %dma_start3A_2095 = tpu.memref_slice %arg3[%dma_start3A_2094] : memref<1000000xf32, #tpu.memory_space<hbm>> -> memref<1000000xf32, #tpu.memory_space<hbm>>
      tpu.enqueue_indirect_dma source(%dma_start3A_2095 : memref<1000000xf32, #tpu.memory_space<hbm>>) target(%dma_start3A_2088 : memref<128xf32, #tpu.memory_space<vmem>>) offsets(%dma_start3A_2093 : memref<128xi32, #tpu.memory_space<vmem>>) semaphore(%arg15 : memref<!tpu.dma_semaphore, #tpu.memory_space<semaphore_mem>>)
      %dma_start3A_2096 = arith.constant 0 : i32
      %dma_start3A_2097 = arith.constant 0 : i32
      %dma_start3A_2098 = arith.constant 0 : i32
      %dma_start3A_2099 = tpu.memref_slice %arg11[%dma_start3A_2097, %dma_start3A_2098] : memref<2x2048xf32, #tpu.memory_space<vmem>> -> memref<1x2048xf32, #tpu.memory_space<vmem>>
      %dma_start3A_2100 = tpu.memref_squeeze %dma_start3A_2099 : memref<1x2048xf32, #tpu.memory_space<vmem>> -> memref<2048xf32, #tpu.memory_space<vmem>>
      %dma_start3A_2101 = arith.constant 0 : i32
      %dma_start3A_2102 = tpu.memref_slice %dma_start3A_2100[%dma_start3A_2101] : memref<2048xf32, #tpu.memory_space<vmem>> -> memref<128xf32, #tpu.memory_space<vmem>>
      %dma_start3A_2103 = arith.constant 0 : i32
      %dma_start3A_2104 = tpu.memref_slice %arg8[%dma_start3A_2096, %dma_start3A_2103] : memref<2x2048xi32, #tpu.memory_space<vmem>> -> memref<1x2048xi32, #tpu.memory_space<vmem>>
      %dma_start3A_2105 = tpu.memref_squeeze %dma_start3A_2104 : memref<1x2048xi32, #tpu.memory_space<vmem>> -> memref<2048xi32, #tpu.memory_space<vmem>>
      %dma_start3A_2106 = arith.constant 0 : i32
      %dma_start3A_2107 = tpu.memref_slice %dma_start3A_2105[%dma_start3A_2106] : memref<2048xi32, #tpu.memory_space<vmem>> -> memref<128xi32, #tpu.memory_space<vmem>>
      %dma_start3A_2108 = arith.constant 0 : i32
      %dma_start3A_2109 = tpu.memref_slice %arg2[%dma_start3A_2108] : memref<1000000xf32, #tpu.memory_space<hbm>> -> memref<1000000xf32, #tpu.memory_space<hbm>>
      tpu.enqueue_indirect_dma source(%dma_start3A_2109 : memref<1000000xf32, #tpu.memory_space<hbm>>) target(%dma_start3A_2102 : memref<128xf32, #tpu.memory_space<vmem>>) offsets(%dma_start3A_2107 : memref<128xi32, #tpu.memory_space<vmem>>) semaphore(%arg15 : memref<!tpu.dma_semaphore, #tpu.memory_space<semaphore_mem>>)
      %dma_start3A_2110 = arith.constant 0 : i32
      %dma_start3A_2111 = arith.constant 0 : i32
      %dma_start3A_2112 = arith.constant 0 : i32
      %dma_start3A_2113 = tpu.memref_slice %arg12[%dma_start3A_2111, %dma_start3A_2112] : memref<2x2048xf32, #tpu.memory_space<vmem>> -> memref<1x2048xf32, #tpu.memory_space<vmem>>
      %dma_start3A_2114 = tpu.memref_squeeze %dma_start3A_2113 : memref<1x2048xf32, #tpu.memory_space<vmem>> -> memref<2048xf32, #tpu.memory_space<vmem>>
      %dma_start3A_2115 = arith.constant 0 : i32
      %dma_start3A_2116 = tpu.memref_slice %dma_start3A_2114[%dma_start3A_2115] : memref<2048xf32, #tpu.memory_space<vmem>> -> memref<128xf32, #tpu.memory_space<vmem>>
      %dma_start3A_2117 = arith.constant 0 : i32
      %dma_start3A_2118 = tpu.memref_slice %arg8[%dma_start3A_2110, %dma_start3A_2117] : memref<2x2048xi32, #tpu.memory_space<vmem>> -> memref<1x2048xi32, #tpu.memory_space<vmem>>
      %dma_start3A_2119 = tpu.memref_squeeze %dma_start3A_2118 : memref<1x2048xi32, #tpu.memory_space<vmem>> -> memref<2048xi32, #tpu.memory_space<vmem>>
      %dma_start3A_2120 = arith.constant 0 : i32
      %dma_start3A_2121 = tpu.memref_slice %dma_start3A_2119[%dma_start3A_2120] : memref<2048xi32, #tpu.memory_space<vmem>> -> memref<128xi32, #tpu.memory_space<vmem>>
      %dma_start3A_2122 = arith.constant 0 : i32
      %dma_start3A_2123 = tpu.memref_slice %arg3[%dma_start3A_2122] : memref<1000000xf32, #tpu.memory_space<hbm>> -> memref<1000000xf32, #tpu.memory_space<hbm>>
      tpu.enqueue_indirect_dma source(%dma_start3A_2123 : memref<1000000xf32, #tpu.memory_space<hbm>>) target(%dma_start3A_2116 : memref<128xf32, #tpu.memory_space<vmem>>) offsets(%dma_start3A_2121 : memref<128xi32, #tpu.memory_space<vmem>>) semaphore(%arg15 : memref<!tpu.dma_semaphore, #tpu.memory_space<semaphore_mem>>)
      %dma_start3A_2124 = arith.constant 0 : i32
      %dma_start3A_2125 = arith.constant 0 : i32
      %dma_start3A_2126 = arith.constant 0 : i32
      %dma_start3A_2127 = tpu.memref_slice %arg9[%dma_start3A_2125, %dma_start3A_2126] : memref<2x2048xf32, #tpu.memory_space<vmem>> -> memref<1x2048xf32, #tpu.memory_space<vmem>>
      %dma_start3A_2128 = tpu.memref_squeeze %dma_start3A_2127 : memref<1x2048xf32, #tpu.memory_space<vmem>> -> memref<2048xf32, #tpu.memory_space<vmem>>
      %dma_start3A_2129 = arith.constant 128 : i32
      %dma_start3A_2130 = tpu.memref_slice %dma_start3A_2128[%dma_start3A_2129] : memref<2048xf32, #tpu.memory_space<vmem>> -> memref<128xf32, #tpu.memory_space<vmem>>
      %dma_start3A_2131 = arith.constant 0 : i32
      %dma_start3A_2132 = tpu.memref_slice %arg7[%dma_start3A_2124, %dma_start3A_2131] : memref<2x2048xi32, #tpu.memory_space<vmem>> -> memref<1x2048xi32, #tpu.memory_space<vmem>>
      %dma_start3A_2133 = tpu.memref_squeeze %dma_start3A_2132 : memref<1x2048xi32, #tpu.memory_space<vmem>> -> memref<2048xi32, #tpu.memory_space<vmem>>
      %dma_start3A_2134 = arith.constant 128 : i32
      %dma_start3A_2135 = tpu.memref_slice %dma_start3A_2133[%dma_start3A_2134] : memref<2048xi32, #tpu.memory_space<vmem>> -> memref<128xi32, #tpu.memory_space<vmem>>
      %dma_start3A_2136 = arith.constant 0 : i32
      %dma_start3A_2137 = tpu.memref_slice %arg2[%dma_start3A_2136] : memref<1000000xf32, #tpu.memory_space<hbm>> -> memref<1000000xf32, #tpu.memory_space<hbm>>
      tpu.enqueue_indirect_dma source(%dma_start3A_2137 : memref<1000000xf32, #tpu.memory_space<hbm>>) target(%dma_start3A_2130 : memref<128xf32, #tpu.memory_space<vmem>>) offsets(%dma_start3A_2135 : memref<128xi32, #tpu.memory_space<vmem>>) semaphore(%arg15 : memref<!tpu.dma_semaphore, #tpu.memory_space<semaphore_mem>>)
      %dma_start3A_2138 = arith.constant 0 : i32
      %dma_start3A_2139 = arith.constant 0 : i32
      %dma_start3A_2140 = arith.constant 0 : i32
      %dma_start3A_2141 = tpu.memref_slice %arg10[%dma_start3A_2139, %dma_start3A_2140] : memref<2x2048xf32, #tpu.memory_space<vmem>> -> memref<1x2048xf32, #tpu.memory_space<vmem>>
      %dma_start3A_2142 = tpu.memref_squeeze %dma_start3A_2141 : memref<1x2048xf32, #tpu.memory_space<vmem>> -> memref<2048xf32, #tpu.memory_space<vmem>>
      %dma_start3A_2143 = arith.constant 128 : i32
      %dma_start3A_2144 = tpu.memref_slice %dma_start3A_2142[%dma_start3A_2143] : memref<2048xf32, #tpu.memory_space<vmem>> -> memref<128xf32, #tpu.memory_space<vmem>>
      %dma_start3A_2145 = arith.constant 0 : i32
      %dma_start3A_2146 = tpu.memref_slice %arg7[%dma_start3A_2138, %dma_start3A_2145] : memref<2x2048xi32, #tpu.memory_space<vmem>> -> memref<1x2048xi32, #tpu.memory_space<vmem>>
      %dma_start3A_2147 = tpu.memref_squeeze %dma_start3A_2146 : memref<1x2048xi32, #tpu.memory_space<vmem>> -> memref<2048xi32, #tpu.memory_space<vmem>>
      %dma_start3A_2148 = arith.constant 128 : i32
      %dma_start3A_2149 = tpu.memref_slice %dma_start3A_2147[%dma_start3A_2148] : memref<2048xi32, #tpu.memory_space<vmem>> -> memref<128xi32, #tpu.memory_space<vmem>>
      %dma_start3A_2150 = arith.constant 0 : i32
      %dma_start3A_2151 = tpu.memref_slice %arg3[%dma_start3A_2150] : memref<1000000xf32, #tpu.memory_space<hbm>> -> memref<1000000xf32, #tpu.memory_space<hbm>>
      tpu.enqueue_indirect_dma source(%dma_start3A_2151 : memref<1000000xf32, #tpu.memory_space<hbm>>) target(%dma_start3A_2144 : memref<128xf32, #tpu.memory_space<vmem>>) offsets(%dma_start3A_2149 : memref<128xi32, #tpu.memory_space<vmem>>) semaphore(%arg15 : memref<!tpu.dma_semaphore, #tpu.memory_space<semaphore_mem>>)
      %dma_start3A_2152 = arith.constant 0 : i32
      %dma_start3A_2153 = arith.constant 0 : i32
      %dma_start3A_2154 = arith.constant 0 : i32
      %dma_start3A_2155 = tpu.memref_slice %arg11[%dma_start3A_2153, %dma_start3A_2154] : memref<2x2048xf32, #tpu.memory_space<vmem>> -> memref<1x2048xf32, #tpu.memory_space<vmem>>
      %dma_start3A_2156 = tpu.memref_squeeze %dma_start3A_2155 : memref<1x2048xf32, #tpu.memory_space<vmem>> -> memref<2048xf32, #tpu.memory_space<vmem>>
      %dma_start3A_2157 = arith.constant 128 : i32
      %dma_start3A_2158 = tpu.memref_slice %dma_start3A_2156[%dma_start3A_2157] : memref<2048xf32, #tpu.memory_space<vmem>> -> memref<128xf32, #tpu.memory_space<vmem>>
      %dma_start3A_2159 = arith.constant 0 : i32
      %dma_start3A_2160 = tpu.memref_slice %arg8[%dma_start3A_2152, %dma_start3A_2159] : memref<2x2048xi32, #tpu.memory_space<vmem>> -> memref<1x2048xi32, #tpu.memory_space<vmem>>
      %dma_start3A_2161 = tpu.memref_squeeze %dma_start3A_2160 : memref<1x2048xi32, #tpu.memory_space<vmem>> -> memref<2048xi32, #tpu.memory_space<vmem>>
      %dma_start3A_2162 = arith.constant 128 : i32
      %dma_start3A_2163 = tpu.memref_slice %dma_start3A_2161[%dma_start3A_2162] : memref<2048xi32, #tpu.memory_space<vmem>> -> memref<128xi32, #tpu.memory_space<vmem>>
      %dma_start3A_2164 = arith.constant 0 : i32
      %dma_start3A_2165 = tpu.memref_slice %arg2[%dma_start3A_2164] : memref<1000000xf32, #tpu.memory_space<hbm>> -> memref<1000000xf32, #tpu.memory_space<hbm>>
      tpu.enqueue_indirect_dma source(%dma_start3A_2165 : memref<1000000xf32, #tpu.memory_space<hbm>>) target(%dma_start3A_2158 : memref<128xf32, #tpu.memory_space<vmem>>) offsets(%dma_start3A_2163 : memref<128xi32, #tpu.memory_space<vmem>>) semaphore(%arg15 : memref<!tpu.dma_semaphore, #tpu.memory_space<semaphore_mem>>)
      %dma_start3A_2166 = arith.constant 0 : i32
      %dma_start3A_2167 = arith.constant 0 : i32
      %dma_start3A_2168 = arith.constant 0 : i32
      %dma_start3A_2169 = tpu.memref_slice %arg12[%dma_start3A_2167, %dma_start3A_2168] : memref<2x2048xf32, #tpu.memory_space<vmem>> -> memref<1x2048xf32, #tpu.memory_space<vmem>>
      %dma_start3A_2170 = tpu.memref_squeeze %dma_start3A_2169 : memref<1x2048xf32, #tpu.memory_space<vmem>> -> memref<2048xf32, #tpu.memory_space<vmem>>
      %dma_start3A_2171 = arith.constant 128 : i32
      %dma_start3A_2172 = tpu.memref_slice %dma_start3A_2170[%dma_start3A_2171] : memref<2048xf32, #tpu.memory_space<vmem>> -> memref<128xf32, #tpu.memory_space<vmem>>
      %dma_start3A_2173 = arith.constant 0 : i32
      %dma_start3A_2174 = tpu.memref_slice %arg8[%dma_start3A_2166, %dma_start3A_2173] : memref<2x2048xi32, #tpu.memory_space<vmem>> -> memref<1x2048xi32, #tpu.memory_space<vmem>>
      %dma_start3A_2175 = tpu.memref_squeeze %dma_start3A_2174 : memref<1x2048xi32, #tpu.memory_space<vmem>> -> memref<2048xi32, #tpu.memory_space<vmem>>
      %dma_start3A_2176 = arith.constant 128 : i32
      %dma_start3A_2177 = tpu.memref_slice %dma_start3A_2175[%dma_start3A_2176] : memref<2048xi32, #tpu.memory_space<vmem>> -> memref<128xi32, #tpu.memory_space<vmem>>
      %dma_start3A_2178 = arith.constant 0 : i32
      %dma_start3A_2179 = tpu.memref_slice %arg3[%dma_start3A_2178] : memref<1000000xf32, #tpu.memory_space<hbm>> -> memref<1000000xf32, #tpu.memory_space<hbm>>
      tpu.enqueue_indirect_dma source(%dma_start3A_2179 : memref<1000000xf32, #tpu.memory_space<hbm>>) target(%dma_start3A_2172 : memref<128xf32, #tpu.memory_space<vmem>>) offsets(%dma_start3A_2177 : memref<128xi32, #tpu.memory_space<vmem>>) semaphore(%arg15 : memref<!tpu.dma_semaphore, #tpu.memory_space<semaphore_mem>>)
      %dma_start3A_2180 = arith.constant 0 : i32
      %dma_start3A_2181 = arith.constant 0 : i32
      %dma_start3A_2182 = arith.constant 0 : i32
      %dma_start3A_2183 = tpu.memref_slice %arg9[%dma_start3A_2181, %dma_start3A_2182] : memref<2x2048xf32, #tpu.memory_space<vmem>> -> memref<1x2048xf32, #tpu.memory_space<vmem>>
      %dma_start3A_2184 = tpu.memref_squeeze %dma_start3A_2183 : memref<1x2048xf32, #tpu.memory_space<vmem>> -> memref<2048xf32, #tpu.memory_space<vmem>>
      %dma_start3A_2185 = arith.constant 256 : i32
      %dma_start3A_2186 = tpu.memref_slice %dma_start3A_2184[%dma_start3A_2185] : memref<2048xf32, #tpu.memory_space<vmem>> -> memref<128xf32, #tpu.memory_space<vmem>>
      %dma_start3A_2187 = arith.constant 0 : i32
      %dma_start3A_2188 = tpu.memref_slice %arg7[%dma_start3A_2180, %dma_start3A_2187] : memref<2x2048xi32, #tpu.memory_space<vmem>> -> memref<1x2048xi32, #tpu.memory_space<vmem>>
      %dma_start3A_2189 = tpu.memref_squeeze %dma_start3A_2188 : memref<1x2048xi32, #tpu.memory_space<vmem>> -> memref<2048xi32, #tpu.memory_space<vmem>>
      %dma_start3A_2190 = arith.constant 256 : i32
      %dma_start3A_2191 = tpu.memref_slice %dma_start3A_2189[%dma_start3A_2190] : memref<2048xi32, #tpu.memory_space<vmem>> -> memref<128xi32, #tpu.memory_space<vmem>>
      %dma_start3A_2192 = arith.constant 0 : i32
      %dma_start3A_2193 = tpu.memref_slice %arg2[%dma_start3A_2192] : memref<1000000xf32, #tpu.memory_space<hbm>> -> memref<1000000xf32, #tpu.memory_space<hbm>>
      tpu.enqueue_indirect_dma source(%dma_start3A_2193 : memref<1000000xf32, #tpu.memory_space<hbm>>) target(%dma_start3A_2186 : memref<128xf32, #tpu.memory_space<vmem>>) offsets(%dma_start3A_2191 : memref<128xi32, #tpu.memory_space<vmem>>) semaphore(%arg15 : memref<!tpu.dma_semaphore, #tpu.memory_space<semaphore_mem>>)
      %dma_start3A_2194 = arith.constant 0 : i32
      %dma_start3A_2195 = arith.constant 0 : i32
      %dma_start3A_2196 = arith.constant 0 : i32
      %dma_start3A_2197 = tpu.memref_slice %arg10[%dma_start3A_2195, %dma_start3A_2196] : memref<2x2048xf32, #tpu.memory_space<vmem>> -> memref<1x2048xf32, #tpu.memory_space<vmem>>
      %dma_start3A_2198 = tpu.memref_squeeze %dma_start3A_2197 : memref<1x2048xf32, #tpu.memory_space<vmem>> -> memref<2048xf32, #tpu.memory_space<vmem>>
      %dma_start3A_2199 = arith.constant 256 : i32
      %dma_start3A_2200 = tpu.memref_slice %dma_start3A_2198[%dma_start3A_2199] : memref<2048xf32, #tpu.memory_space<vmem>> -> memref<128xf32, #tpu.memory_space<vmem>>
      %dma_start3A_2201 = arith.constant 0 : i32
      %dma_start3A_2202 = tpu.memref_slice %arg7[%dma_start3A_2194, %dma_start3A_2201] : memref<2x2048xi32, #tpu.memory_space<vmem>> -> memref<1x2048xi32, #tpu.memory_space<vmem>>
      %dma_start3A_2203 = tpu.memref_squeeze %dma_start3A_2202 : memref<1x2048xi32, #tpu.memory_space<vmem>> -> memref<2048xi32, #tpu.memory_space<vmem>>
      %dma_start3A_2204 = arith.constant 256 : i32
      %dma_start3A_2205 = tpu.memref_slice %dma_start3A_2203[%dma_start3A_2204] : memref<2048xi32, #tpu.memory_space<vmem>> -> memref<128xi32, #tpu.memory_space<vmem>>
      %dma_start3A_2206 = arith.constant 0 : i32
      %dma_start3A_2207 = tpu.memref_slice %arg3[%dma_start3A_2206] : memref<1000000xf32, #tpu.memory_space<hbm>> -> memref<1000000xf32, #tpu.memory_space<hbm>>
      tpu.enqueue_indirect_dma source(%dma_start3A_2207 : memref<1000000xf32, #tpu.memory_space<hbm>>) target(%dma_start3A_2200 : memref<128xf32, #tpu.memory_space<vmem>>) offsets(%dma_start3A_2205 : memref<128xi32, #tpu.memory_space<vmem>>) semaphore(%arg15 : memref<!tpu.dma_semaphore, #tpu.memory_space<semaphore_mem>>)
      %dma_start3A_2208 = arith.constant 0 : i32
      %dma_start3A_2209 = arith.constant 0 : i32
      %dma_start3A_2210 = arith.constant 0 : i32
      %dma_start3A_2211 = tpu.memref_slice %arg11[%dma_start3A_2209, %dma_start3A_2210] : memref<2x2048xf32, #tpu.memory_space<vmem>> -> memref<1x2048xf32, #tpu.memory_space<vmem>>
      %dma_start3A_2212 = tpu.memref_squeeze %dma_start3A_2211 : memref<1x2048xf32, #tpu.memory_space<vmem>> -> memref<2048xf32, #tpu.memory_space<vmem>>
      %dma_start3A_2213 = arith.constant 256 : i32
      %dma_start3A_2214 = tpu.memref_slice %dma_start3A_2212[%dma_start3A_2213] : memref<2048xf32, #tpu.memory_space<vmem>> -> memref<128xf32, #tpu.memory_space<vmem>>
      %dma_start3A_2215 = arith.constant 0 : i32
      %dma_start3A_2216 = tpu.memref_slice %arg8[%dma_start3A_2208, %dma_start3A_2215] : memref<2x2048xi32, #tpu.memory_space<vmem>> -> memref<1x2048xi32, #tpu.memory_space<vmem>>
      %dma_start3A_2217 = tpu.memref_squeeze %dma_start3A_2216 : memref<1x2048xi32, #tpu.memory_space<vmem>> -> memref<2048xi32, #tpu.memory_space<vmem>>
      %dma_start3A_2218 = arith.constant 256 : i32
      %dma_start3A_2219 = tpu.memref_slice %dma_start3A_2217[%dma_start3A_2218] : memref<2048xi32, #tpu.memory_space<vmem>> -> memref<128xi32, #tpu.memory_space<vmem>>
      %dma_start3A_2220 = arith.constant 0 : i32
      %dma_start3A_2221 = tpu.memref_slice %arg2[%dma_start3A_2220] : memref<1000000xf32, #tpu.memory_space<hbm>> -> memref<1000000xf32, #tpu.memory_space<hbm>>
      tpu.enqueue_indirect_dma source(%dma_start3A_2221 : memref<1000000xf32, #tpu.memory_space<hbm>>) target(%dma_start3A_2214 : memref<128xf32, #tpu.memory_space<vmem>>) offsets(%dma_start3A_2219 : memref<128xi32, #tpu.memory_space<vmem>>) semaphore(%arg15 : memref<!tpu.dma_semaphore, #tpu.memory_space<semaphore_mem>>)
      %dma_start3A_2222 = arith.constant 0 : i32
      %dma_start3A_2223 = arith.constant 0 : i32
      %dma_start3A_2224 = arith.constant 0 : i32
      %dma_start3A_2225 = tpu.memref_slice %arg12[%dma_start3A_2223, %dma_start3A_2224] : memref<2x2048xf32, #tpu.memory_space<vmem>> -> memref<1x2048xf32, #tpu.memory_space<vmem>>
      %dma_start3A_2226 = tpu.memref_squeeze %dma_start3A_2225 : memref<1x2048xf32, #tpu.memory_space<vmem>> -> memref<2048xf32, #tpu.memory_space<vmem>>
      %dma_start3A_2227 = arith.constant 256 : i32
      %dma_start3A_2228 = tpu.memref_slice %dma_start3A_2226[%dma_start3A_2227] : memref<2048xf32, #tpu.memory_space<vmem>> -> memref<128xf32, #tpu.memory_space<vmem>>
      %dma_start3A_2229 = arith.constant 0 : i32
      %dma_start3A_2230 = tpu.memref_slice %arg8[%dma_start3A_2222, %dma_start3A_2229] : memref<2x2048xi32, #tpu.memory_space<vmem>> -> memref<1x2048xi32, #tpu.memory_space<vmem>>
      %dma_start3A_2231 = tpu.memref_squeeze %dma_start3A_2230 : memref<1x2048xi32, #tpu.memory_space<vmem>> -> memref<2048xi32, #tpu.memory_space<vmem>>
      %dma_start3A_2232 = arith.constant 256 : i32
      %dma_start3A_2233 = tpu.memref_slice %dma_start3A_2231[%dma_start3A_2232] : memref<2048xi32, #tpu.memory_space<vmem>> -> memref<128xi32, #tpu.memory_space<vmem>>
      %dma_start3A_2234 = arith.constant 0 : i32
      %dma_start3A_2235 = tpu.memref_slice %arg3[%dma_start3A_2234] : memref<1000000xf32, #tpu.memory_space<hbm>> -> memref<1000000xf32, #tpu.memory_space<hbm>>
      tpu.enqueue_indirect_dma source(%dma_start3A_2235 : memref<1000000xf32, #tpu.memory_space<hbm>>) target(%dma_start3A_2228 : memref<128xf32, #tpu.memory_space<vmem>>) offsets(%dma_start3A_2233 : memref<128xi32, #tpu.memory_space<vmem>>) semaphore(%arg15 : memref<!tpu.dma_semaphore, #tpu.memory_space<semaphore_mem>>)
      %dma_start3A_2236 = arith.constant 0 : i32
      %dma_start3A_2237 = arith.constant 0 : i32
      %dma_start3A_2238 = arith.constant 0 : i32
      %dma_start3A_2239 = tpu.memref_slice %arg9[%dma_start3A_2237, %dma_start3A_2238] : memref<2x2048xf32, #tpu.memory_space<vmem>> -> memref<1x2048xf32, #tpu.memory_space<vmem>>
      %dma_start3A_2240 = tpu.memref_squeeze %dma_start3A_2239 : memref<1x2048xf32, #tpu.memory_space<vmem>> -> memref<2048xf32, #tpu.memory_space<vmem>>
      %dma_start3A_2241 = arith.constant 384 : i32
      %dma_start3A_2242 = tpu.memref_slice %dma_start3A_2240[%dma_start3A_2241] : memref<2048xf32, #tpu.memory_space<vmem>> -> memref<128xf32, #tpu.memory_space<vmem>>
      %dma_start3A_2243 = arith.constant 0 : i32
      %dma_start3A_2244 = tpu.memref_slice %arg7[%dma_start3A_2236, %dma_start3A_2243] : memref<2x2048xi32, #tpu.memory_space<vmem>> -> memref<1x2048xi32, #tpu.memory_space<vmem>>
      %dma_start3A_2245 = tpu.memref_squeeze %dma_start3A_2244 : memref<1x2048xi32, #tpu.memory_space<vmem>> -> memref<2048xi32, #tpu.memory_space<vmem>>
      %dma_start3A_2246 = arith.constant 384 : i32
      %dma_start3A_2247 = tpu.memref_slice %dma_start3A_2245[%dma_start3A_2246] : memref<2048xi32, #tpu.memory_space<vmem>> -> memref<128xi32, #tpu.memory_space<vmem>>
      %dma_start3A_2248 = arith.constant 0 : i32
      %dma_start3A_2249 = tpu.memref_slice %arg2[%dma_start3A_2248] : memref<1000000xf32, #tpu.memory_space<hbm>> -> memref<1000000xf32, #tpu.memory_space<hbm>>
      tpu.enqueue_indirect_dma source(%dma_start3A_2249 : memref<1000000xf32, #tpu.memory_space<hbm>>) target(%dma_start3A_2242 : memref<128xf32, #tpu.memory_space<vmem>>) offsets(%dma_start3A_2247 : memref<128xi32, #tpu.memory_space<vmem>>) semaphore(%arg15 : memref<!tpu.dma_semaphore, #tpu.memory_space<semaphore_mem>>)
      %dma_start3A_2250 = arith.constant 0 : i32
      %dma_start3A_2251 = arith.constant 0 : i32
      %dma_start3A_2252 = arith.constant 0 : i32
      %dma_start3A_2253 = tpu.memref_slice %arg10[%dma_start3A_2251, %dma_start3A_2252] : memref<2x2048xf32, #tpu.memory_space<vmem>> -> memref<1x2048xf32, #tpu.memory_space<vmem>>
      %dma_start3A_2254 = tpu.memref_squeeze %dma_start3A_2253 : memref<1x2048xf32, #tpu.memory_space<vmem>> -> memref<2048xf32, #tpu.memory_space<vmem>>
      %dma_start3A_2255 = arith.constant 384 : i32
      %dma_start3A_2256 = tpu.memref_slice %dma_start3A_2254[%dma_start3A_2255] : memref<2048xf32, #tpu.memory_space<vmem>> -> memref<128xf32, #tpu.memory_space<vmem>>
      %dma_start3A_2257 = arith.constant 0 : i32
      %dma_start3A_2258 = tpu.memref_slice %arg7[%dma_start3A_2250, %dma_start3A_2257] : memref<2x2048xi32, #tpu.memory_space<vmem>> -> memref<1x2048xi32, #tpu.memory_space<vmem>>
      %dma_start3A_2259 = tpu.memref_squeeze %dma_start3A_2258 : memref<1x2048xi32, #tpu.memory_space<vmem>> -> memref<2048xi32, #tpu.memory_space<vmem>>
      %dma_start3A_2260 = arith.constant 384 : i32
      %dma_start3A_2261 = tpu.memref_slice %dma_start3A_2259[%dma_start3A_2260] : memref<2048xi32, #tpu.memory_space<vmem>> -> memref<128xi32, #tpu.memory_space<vmem>>
      %dma_start3A_2262 = arith.constant 0 : i32
      %dma_start3A_2263 = tpu.memref_slice %arg3[%dma_start3A_2262] : memref<1000000xf32, #tpu.memory_space<hbm>> -> memref<1000000xf32, #tpu.memory_space<hbm>>
      tpu.enqueue_indirect_dma source(%dma_start3A_2263 : memref<1000000xf32, #tpu.memory_space<hbm>>) target(%dma_start3A_2256 : memref<128xf32, #tpu.memory_space<vmem>>) offsets(%dma_start3A_2261 : memref<128xi32, #tpu.memory_space<vmem>>) semaphore(%arg15 : memref<!tpu.dma_semaphore, #tpu.memory_space<semaphore_mem>>)
      %dma_start3A_2264 = arith.constant 0 : i32
      %dma_start3A_2265 = arith.constant 0 : i32
      %dma_start3A_2266 = arith.constant 0 : i32
      %dma_start3A_2267 = tpu.memref_slice %arg11[%dma_start3A_2265, %dma_start3A_2266] : memref<2x2048xf32, #tpu.memory_space<vmem>> -> memref<1x2048xf32, #tpu.memory_space<vmem>>
      %dma_start3A_2268 = tpu.memref_squeeze %dma_start3A_2267 : memref<1x2048xf32, #tpu.memory_space<vmem>> -> memref<2048xf32, #tpu.memory_space<vmem>>
      %dma_start3A_2269 = arith.constant 384 : i32
      %dma_start3A_2270 = tpu.memref_slice %dma_start3A_2268[%dma_start3A_2269] : memref<2048xf32, #tpu.memory_space<vmem>> -> memref<128xf32, #tpu.memory_space<vmem>>
      %dma_start3A_2271 = arith.constant 0 : i32
      %dma_start3A_2272 = tpu.memref_slice %arg8[%dma_start3A_2264, %dma_start3A_2271] : memref<2x2048xi32, #tpu.memory_space<vmem>> -> memref<1x2048xi32, #tpu.memory_space<vmem>>
      %dma_start3A_2273 = tpu.memref_squeeze %dma_start3A_2272 : memref<1x2048xi32, #tpu.memory_space<vmem>> -> memref<2048xi32, #tpu.memory_space<vmem>>
      %dma_start3A_2274 = arith.constant 384 : i32
      %dma_start3A_2275 = tpu.memref_slice %dma_start3A_2273[%dma_start3A_2274] : memref<2048xi32, #tpu.memory_space<vmem>> -> memref<128xi32, #tpu.memory_space<vmem>>
      %dma_start3A_2276 = arith.constant 0 : i32
      %dma_start3A_2277 = tpu.memref_slice %arg2[%dma_start3A_2276] : memref<1000000xf32, #tpu.memory_space<hbm>> -> memref<1000000xf32, #tpu.memory_space<hbm>>
      tpu.enqueue_indirect_dma source(%dma_start3A_2277 : memref<1000000xf32, #tpu.memory_space<hbm>>) target(%dma_start3A_2270 : memref<128xf32, #tpu.memory_space<vmem>>) offsets(%dma_start3A_2275 : memref<128xi32, #tpu.memory_space<vmem>>) semaphore(%arg15 : memref<!tpu.dma_semaphore, #tpu.memory_space<semaphore_mem>>)
      %dma_start3A_2278 = arith.constant 0 : i32
      %dma_start3A_2279 = arith.constant 0 : i32
      %dma_start3A_2280 = arith.constant 0 : i32
      %dma_start3A_2281 = tpu.memref_slice %arg12[%dma_start3A_2279, %dma_start3A_2280] : memref<2x2048xf32, #tpu.memory_space<vmem>> -> memref<1x2048xf32, #tpu.memory_space<vmem>>
      %dma_start3A_2282 = tpu.memref_squeeze %dma_start3A_2281 : memref<1x2048xf32, #tpu.memory_space<vmem>> -> memref<2048xf32, #tpu.memory_space<vmem>>
      %dma_start3A_2283 = arith.constant 384 : i32
      %dma_start3A_2284 = tpu.memref_slice %dma_start3A_2282[%dma_start3A_2283] : memref<2048xf32, #tpu.memory_space<vmem>> -> memref<128xf32, #tpu.memory_space<vmem>>
      %dma_start3A_2285 = arith.constant 0 : i32
      %dma_start3A_2286 = tpu.memref_slice %arg8[%dma_start3A_2278, %dma_start3A_2285] : memref<2x2048xi32, #tpu.memory_space<vmem>> -> memref<1x2048xi32, #tpu.memory_space<vmem>>
      %dma_start3A_2287 = tpu.memref_squeeze %dma_start3A_2286 : memref<1x2048xi32, #tpu.memory_space<vmem>> -> memref<2048xi32, #tpu.memory_space<vmem>>
      %dma_start3A_2288 = arith.constant 384 : i32
      %dma_start3A_2289 = tpu.memref_slice %dma_start3A_2287[%dma_start3A_2288] : memref<2048xi32, #tpu.memory_space<vmem>> -> memref<128xi32, #tpu.memory_space<vmem>>
      %dma_start3A_2290 = arith.constant 0 : i32
      %dma_start3A_2291 = tpu.memref_slice %arg3[%dma_start3A_2290] : memref<1000000xf32, #tpu.memory_space<hbm>> -> memref<1000000xf32, #tpu.memory_space<hbm>>
      tpu.enqueue_indirect_dma source(%dma_start3A_2291 : memref<1000000xf32, #tpu.memory_space<hbm>>) target(%dma_start3A_2284 : memref<128xf32, #tpu.memory_space<vmem>>) offsets(%dma_start3A_2289 : memref<128xi32, #tpu.memory_space<vmem>>) semaphore(%arg15 : memref<!tpu.dma_semaphore, #tpu.memory_space<semaphore_mem>>)
      %dma_start3A_2292 = arith.constant 0 : i32
      %dma_start3A_2293 = arith.constant 0 : i32
      %dma_start3A_2294 = arith.constant 0 : i32
      %dma_start3A_2295 = tpu.memref_slice %arg9[%dma_start3A_2293, %dma_start3A_2294] : memref<2x2048xf32, #tpu.memory_space<vmem>> -> memref<1x2048xf32, #tpu.memory_space<vmem>>
      %dma_start3A_2296 = tpu.memref_squeeze %dma_start3A_2295 : memref<1x2048xf32, #tpu.memory_space<vmem>> -> memref<2048xf32, #tpu.memory_space<vmem>>
      %dma_start3A_2297 = arith.constant 512 : i32
      %dma_start3A_2298 = tpu.memref_slice %dma_start3A_2296[%dma_start3A_2297] : memref<2048xf32, #tpu.memory_space<vmem>> -> memref<128xf32, #tpu.memory_space<vmem>>
      %dma_start3A_2299 = arith.constant 0 : i32
      %dma_start3A_2300 = tpu.memref_slice %arg7[%dma_start3A_2292, %dma_start3A_2299] : memref<2x2048xi32, #tpu.memory_space<vmem>> -> memref<1x2048xi32, #tpu.memory_space<vmem>>
      %dma_start3A_2301 = tpu.memref_squeeze %dma_start3A_2300 : memref<1x2048xi32, #tpu.memory_space<vmem>> -> memref<2048xi32, #tpu.memory_space<vmem>>
      %dma_start3A_2302 = arith.constant 512 : i32
      %dma_start3A_2303 = tpu.memref_slice %dma_start3A_2301[%dma_start3A_2302] : memref<2048xi32, #tpu.memory_space<vmem>> -> memref<128xi32, #tpu.memory_space<vmem>>
      %dma_start3A_2304 = arith.constant 0 : i32
      %dma_start3A_2305 = tpu.memref_slice %arg2[%dma_start3A_2304] : memref<1000000xf32, #tpu.memory_space<hbm>> -> memref<1000000xf32, #tpu.memory_space<hbm>>
      tpu.enqueue_indirect_dma source(%dma_start3A_2305 : memref<1000000xf32, #tpu.memory_space<hbm>>) target(%dma_start3A_2298 : memref<128xf32, #tpu.memory_space<vmem>>) offsets(%dma_start3A_2303 : memref<128xi32, #tpu.memory_space<vmem>>) semaphore(%arg15 : memref<!tpu.dma_semaphore, #tpu.memory_space<semaphore_mem>>)
      %dma_start3A_2306 = arith.constant 0 : i32
      %dma_start3A_2307 = arith.constant 0 : i32
      %dma_start3A_2308 = arith.constant 0 : i32
      %dma_start3A_2309 = tpu.memref_slice %arg10[%dma_start3A_2307, %dma_start3A_2308] : memref<2x2048xf32, #tpu.memory_space<vmem>> -> memref<1x2048xf32, #tpu.memory_space<vmem>>
      %dma_start3A_2310 = tpu.memref_squeeze %dma_start3A_2309 : memref<1x2048xf32, #tpu.memory_space<vmem>> -> memref<2048xf32, #tpu.memory_space<vmem>>
      %dma_start3A_2311 = arith.constant 512 : i32
      %dma_start3A_2312 = tpu.memref_slice %dma_start3A_2310[%dma_start3A_2311] : memref<2048xf32, #tpu.memory_space<vmem>> -> memref<128xf32, #tpu.memory_space<vmem>>
      %dma_start3A_2313 = arith.constant 0 : i32
      %dma_start3A_2314 = tpu.memref_slice %arg7[%dma_start3A_2306, %dma_start3A_2313] : memref<2x2048xi32, #tpu.memory_space<vmem>> -> memref<1x2048xi32, #tpu.memory_space<vmem>>
      %dma_start3A_2315 = tpu.memref_squeeze %dma_start3A_2314 : memref<1x2048xi32, #tpu.memory_space<vmem>> -> memref<2048xi32, #tpu.memory_space<vmem>>
      %dma_start3A_2316 = arith.constant 512 : i32
      %dma_start3A_2317 = tpu.memref_slice %dma_start3A_2315[%dma_start3A_2316] : memref<2048xi32, #tpu.memory_space<vmem>> -> memref<128xi32, #tpu.memory_space<vmem>>
      %dma_start3A_2318 = arith.constant 0 : i32
      %dma_start3A_2319 = tpu.memref_slice %arg3[%dma_start3A_2318] : memref<1000000xf32, #tpu.memory_space<hbm>> -> memref<1000000xf32, #tpu.memory_space<hbm>>
      tpu.enqueue_indirect_dma source(%dma_start3A_2319 : memref<1000000xf32, #tpu.memory_space<hbm>>) target(%dma_start3A_2312 : memref<128xf32, #tpu.memory_space<vmem>>) offsets(%dma_start3A_2317 : memref<128xi32, #tpu.memory_space<vmem>>) semaphore(%arg15 : memref<!tpu.dma_semaphore, #tpu.memory_space<semaphore_mem>>)
      %dma_start3A_2320 = arith.constant 0 : i32
      %dma_start3A_2321 = arith.constant 0 : i32
      %dma_start3A_2322 = arith.constant 0 : i32
      %dma_start3A_2323 = tpu.memref_slice %arg11[%dma_start3A_2321, %dma_start3A_2322] : memref<2x2048xf32, #tpu.memory_space<vmem>> -> memref<1x2048xf32, #tpu.memory_space<vmem>>
      %dma_start3A_2324 = tpu.memref_squeeze %dma_start3A_2323 : memref<1x2048xf32, #tpu.memory_space<vmem>> -> memref<2048xf32, #tpu.memory_space<vmem>>
      %dma_start3A_2325 = arith.constant 512 : i32
      %dma_start3A_2326 = tpu.memref_slice %dma_start3A_2324[%dma_start3A_2325] : memref<2048xf32, #tpu.memory_space<vmem>> -> memref<128xf32, #tpu.memory_space<vmem>>
      %dma_start3A_2327 = arith.constant 0 : i32
      %dma_start3A_2328 = tpu.memref_slice %arg8[%dma_start3A_2320, %dma_start3A_2327] : memref<2x2048xi32, #tpu.memory_space<vmem>> -> memref<1x2048xi32, #tpu.memory_space<vmem>>
      %dma_start3A_2329 = tpu.memref_squeeze %dma_start3A_2328 : memref<1x2048xi32, #tpu.memory_space<vmem>> -> memref<2048xi32, #tpu.memory_space<vmem>>
      %dma_start3A_2330 = arith.constant 512 : i32
      %dma_start3A_2331 = tpu.memref_slice %dma_start3A_2329[%dma_start3A_2330] : memref<2048xi32, #tpu.memory_space<vmem>> -> memref<128xi32, #tpu.memory_space<vmem>>
      %dma_start3A_2332 = arith.constant 0 : i32
      %dma_start3A_2333 = tpu.memref_slice %arg2[%dma_start3A_2332] : memref<1000000xf32, #tpu.memory_space<hbm>> -> memref<1000000xf32, #tpu.memory_space<hbm>>
      tpu.enqueue_indirect_dma source(%dma_start3A_2333 : memref<1000000xf32, #tpu.memory_space<hbm>>) target(%dma_start3A_2326 : memref<128xf32, #tpu.memory_space<vmem>>) offsets(%dma_start3A_2331 : memref<128xi32, #tpu.memory_space<vmem>>) semaphore(%arg15 : memref<!tpu.dma_semaphore, #tpu.memory_space<semaphore_mem>>)
      %dma_start3A_2334 = arith.constant 0 : i32
      %dma_start3A_2335 = arith.constant 0 : i32
      %dma_start3A_2336 = arith.constant 0 : i32
      %dma_start3A_2337 = tpu.memref_slice %arg12[%dma_start3A_2335, %dma_start3A_2336] : memref<2x2048xf32, #tpu.memory_space<vmem>> -> memref<1x2048xf32, #tpu.memory_space<vmem>>
      %dma_start3A_2338 = tpu.memref_squeeze %dma_start3A_2337 : memref<1x2048xf32, #tpu.memory_space<vmem>> -> memref<2048xf32, #tpu.memory_space<vmem>>
      %dma_start3A_2339 = arith.constant 512 : i32
      %dma_start3A_2340 = tpu.memref_slice %dma_start3A_2338[%dma_start3A_2339] : memref<2048xf32, #tpu.memory_space<vmem>> -> memref<128xf32, #tpu.memory_space<vmem>>
      %dma_start3A_2341 = arith.constant 0 : i32
      %dma_start3A_2342 = tpu.memref_slice %arg8[%dma_start3A_2334, %dma_start3A_2341] : memref<2x2048xi32, #tpu.memory_space<vmem>> -> memref<1x2048xi32, #tpu.memory_space<vmem>>
      %dma_start3A_2343 = tpu.memref_squeeze %dma_start3A_2342 : memref<1x2048xi32, #tpu.memory_space<vmem>> -> memref<2048xi32, #tpu.memory_space<vmem>>
      %dma_start3A_2344 = arith.constant 512 : i32
      %dma_start3A_2345 = tpu.memref_slice %dma_start3A_2343[%dma_start3A_2344] : memref<2048xi32, #tpu.memory_space<vmem>> -> memref<128xi32, #tpu.memory_space<vmem>>
      %dma_start3A_2346 = arith.constant 0 : i32
      %dma_start3A_2347 = tpu.memref_slice %arg3[%dma_start3A_2346] : memref<1000000xf32, #tpu.memory_space<hbm>> -> memref<1000000xf32, #tpu.memory_space<hbm>>
      tpu.enqueue_indirect_dma source(%dma_start3A_2347 : memref<1000000xf32, #tpu.memory_space<hbm>>) target(%dma_start3A_2340 : memref<128xf32, #tpu.memory_space<vmem>>) offsets(%dma_start3A_2345 : memref<128xi32, #tpu.memory_space<vmem>>) semaphore(%arg15 : memref<!tpu.dma_semaphore, #tpu.memory_space<semaphore_mem>>)
      %dma_start3A_2348 = arith.constant 0 : i32
      %dma_start3A_2349 = arith.constant 0 : i32
      %dma_start3A_2350 = arith.constant 0 : i32
      %dma_start3A_2351 = tpu.memref_slice %arg9[%dma_start3A_2349, %dma_start3A_2350] : memref<2x2048xf32, #tpu.memory_space<vmem>> -> memref<1x2048xf32, #tpu.memory_space<vmem>>
      %dma_start3A_2352 = tpu.memref_squeeze %dma_start3A_2351 : memref<1x2048xf32, #tpu.memory_space<vmem>> -> memref<2048xf32, #tpu.memory_space<vmem>>
      %dma_start3A_2353 = arith.constant 640 : i32
      %dma_start3A_2354 = tpu.memref_slice %dma_start3A_2352[%dma_start3A_2353] : memref<2048xf32, #tpu.memory_space<vmem>> -> memref<128xf32, #tpu.memory_space<vmem>>
      %dma_start3A_2355 = arith.constant 0 : i32
      %dma_start3A_2356 = tpu.memref_slice %arg7[%dma_start3A_2348, %dma_start3A_2355] : memref<2x2048xi32, #tpu.memory_space<vmem>> -> memref<1x2048xi32, #tpu.memory_space<vmem>>
      %dma_start3A_2357 = tpu.memref_squeeze %dma_start3A_2356 : memref<1x2048xi32, #tpu.memory_space<vmem>> -> memref<2048xi32, #tpu.memory_space<vmem>>
      %dma_start3A_2358 = arith.constant 640 : i32
      %dma_start3A_2359 = tpu.memref_slice %dma_start3A_2357[%dma_start3A_2358] : memref<2048xi32, #tpu.memory_space<vmem>> -> memref<128xi32, #tpu.memory_space<vmem>>
      %dma_start3A_2360 = arith.constant 0 : i32
      %dma_start3A_2361 = tpu.memref_slice %arg2[%dma_start3A_2360] : memref<1000000xf32, #tpu.memory_space<hbm>> -> memref<1000000xf32, #tpu.memory_space<hbm>>
      tpu.enqueue_indirect_dma source(%dma_start3A_2361 : memref<1000000xf32, #tpu.memory_space<hbm>>) target(%dma_start3A_2354 : memref<128xf32, #tpu.memory_space<vmem>>) offsets(%dma_start3A_2359 : memref<128xi32, #tpu.memory_space<vmem>>) semaphore(%arg15 : memref<!tpu.dma_semaphore, #tpu.memory_space<semaphore_mem>>)
      %dma_start3A_2362 = arith.constant 0 : i32
      %dma_start3A_2363 = arith.constant 0 : i32
      %dma_start3A_2364 = arith.constant 0 : i32
      %dma_start3A_2365 = tpu.memref_slice %arg10[%dma_start3A_2363, %dma_start3A_2364] : memref<2x2048xf32, #tpu.memory_space<vmem>> -> memref<1x2048xf32, #tpu.memory_space<vmem>>
      %dma_start3A_2366 = tpu.memref_squeeze %dma_start3A_2365 : memref<1x2048xf32, #tpu.memory_space<vmem>> -> memref<2048xf32, #tpu.memory_space<vmem>>
      %dma_start3A_2367 = arith.constant 640 : i32
      %dma_start3A_2368 = tpu.memref_slice %dma_start3A_2366[%dma_start3A_2367] : memref<2048xf32, #tpu.memory_space<vmem>> -> memref<128xf32, #tpu.memory_space<vmem>>
      %dma_start3A_2369 = arith.constant 0 : i32
      %dma_start3A_2370 = tpu.memref_slice %arg7[%dma_start3A_2362, %dma_start3A_2369] : memref<2x2048xi32, #tpu.memory_space<vmem>> -> memref<1x2048xi32, #tpu.memory_space<vmem>>
      %dma_start3A_2371 = tpu.memref_squeeze %dma_start3A_2370 : memref<1x2048xi32, #tpu.memory_space<vmem>> -> memref<2048xi32, #tpu.memory_space<vmem>>
      %dma_start3A_2372 = arith.constant 640 : i32
      %dma_start3A_2373 = tpu.memref_slice %dma_start3A_2371[%dma_start3A_2372] : memref<2048xi32, #tpu.memory_space<vmem>> -> memref<128xi32, #tpu.memory_space<vmem>>
      %dma_start3A_2374 = arith.constant 0 : i32
      %dma_start3A_2375 = tpu.memref_slice %arg3[%dma_start3A_2374] : memref<1000000xf32, #tpu.memory_space<hbm>> -> memref<1000000xf32, #tpu.memory_space<hbm>>
      tpu.enqueue_indirect_dma source(%dma_start3A_2375 : memref<1000000xf32, #tpu.memory_space<hbm>>) target(%dma_start3A_2368 : memref<128xf32, #tpu.memory_space<vmem>>) offsets(%dma_start3A_2373 : memref<128xi32, #tpu.memory_space<vmem>>) semaphore(%arg15 : memref<!tpu.dma_semaphore, #tpu.memory_space<semaphore_mem>>)
      %dma_start3A_2376 = arith.constant 0 : i32
      %dma_start3A_2377 = arith.constant 0 : i32
      %dma_start3A_2378 = arith.constant 0 : i32
      %dma_start3A_2379 = tpu.memref_slice %arg11[%dma_start3A_2377, %dma_start3A_2378] : memref<2x2048xf32, #tpu.memory_space<vmem>> -> memref<1x2048xf32, #tpu.memory_space<vmem>>
      %dma_start3A_2380 = tpu.memref_squeeze %dma_start3A_2379 : memref<1x2048xf32, #tpu.memory_space<vmem>> -> memref<2048xf32, #tpu.memory_space<vmem>>
      %dma_start3A_2381 = arith.constant 640 : i32
      %dma_start3A_2382 = tpu.memref_slice %dma_start3A_2380[%dma_start3A_2381] : memref<2048xf32, #tpu.memory_space<vmem>> -> memref<128xf32, #tpu.memory_space<vmem>>
      %dma_start3A_2383 = arith.constant 0 : i32
      %dma_start3A_2384 = tpu.memref_slice %arg8[%dma_start3A_2376, %dma_start3A_2383] : memref<2x2048xi32, #tpu.memory_space<vmem>> -> memref<1x2048xi32, #tpu.memory_space<vmem>>
      %dma_start3A_2385 = tpu.memref_squeeze %dma_start3A_2384 : memref<1x2048xi32, #tpu.memory_space<vmem>> -> memref<2048xi32, #tpu.memory_space<vmem>>
      %dma_start3A_2386 = arith.constant 640 : i32
      %dma_start3A_2387 = tpu.memref_slice %dma_start3A_2385[%dma_start3A_2386] : memref<2048xi32, #tpu.memory_space<vmem>> -> memref<128xi32, #tpu.memory_space<vmem>>
      %dma_start3A_2388 = arith.constant 0 : i32
      %dma_start3A_2389 = tpu.memref_slice %arg2[%dma_start3A_2388] : memref<1000000xf32, #tpu.memory_space<hbm>> -> memref<1000000xf32, #tpu.memory_space<hbm>>
      tpu.enqueue_indirect_dma source(%dma_start3A_2389 : memref<1000000xf32, #tpu.memory_space<hbm>>) target(%dma_start3A_2382 : memref<128xf32, #tpu.memory_space<vmem>>) offsets(%dma_start3A_2387 : memref<128xi32, #tpu.memory_space<vmem>>) semaphore(%arg15 : memref<!tpu.dma_semaphore, #tpu.memory_space<semaphore_mem>>)
      %dma_start3A_2390 = arith.constant 0 : i32
      %dma_start3A_2391 = arith.constant 0 : i32
      %dma_start3A_2392 = arith.constant 0 : i32
      %dma_start3A_2393 = tpu.memref_slice %arg12[%dma_start3A_2391, %dma_start3A_2392] : memref<2x2048xf32, #tpu.memory_space<vmem>> -> memref<1x2048xf32, #tpu.memory_space<vmem>>
      %dma_start3A_2394 = tpu.memref_squeeze %dma_start3A_2393 : memref<1x2048xf32, #tpu.memory_space<vmem>> -> memref<2048xf32, #tpu.memory_space<vmem>>
      %dma_start3A_2395 = arith.constant 640 : i32
      %dma_start3A_2396 = tpu.memref_slice %dma_start3A_2394[%dma_start3A_2395] : memref<2048xf32, #tpu.memory_space<vmem>> -> memref<128xf32, #tpu.memory_space<vmem>>
      %dma_start3A_2397 = arith.constant 0 : i32
      %dma_start3A_2398 = tpu.memref_slice %arg8[%dma_start3A_2390, %dma_start3A_2397] : memref<2x2048xi32, #tpu.memory_space<vmem>> -> memref<1x2048xi32, #tpu.memory_space<vmem>>
      %dma_start3A_2399 = tpu.memref_squeeze %dma_start3A_2398 : memref<1x2048xi32, #tpu.memory_space<vmem>> -> memref<2048xi32, #tpu.memory_space<vmem>>
      %dma_start3A_2400 = arith.constant 640 : i32
      %dma_start3A_2401 = tpu.memref_slice %dma_start3A_2399[%dma_start3A_2400] : memref<2048xi32, #tpu.memory_space<vmem>> -> memref<128xi32, #tpu.memory_space<vmem>>
      %dma_start3A_2402 = arith.constant 0 : i32
      %dma_start3A_2403 = tpu.memref_slice %arg3[%dma_start3A_2402] : memref<1000000xf32, #tpu.memory_space<hbm>> -> memref<1000000xf32, #tpu.memory_space<hbm>>
      tpu.enqueue_indirect_dma source(%dma_start3A_2403 : memref<1000000xf32, #tpu.memory_space<hbm>>) target(%dma_start3A_2396 : memref<128xf32, #tpu.memory_space<vmem>>) offsets(%dma_start3A_2401 : memref<128xi32, #tpu.memory_space<vmem>>) semaphore(%arg15 : memref<!tpu.dma_semaphore, #tpu.memory_space<semaphore_mem>>)
      %dma_start3A_2404 = arith.constant 0 : i32
      %dma_start3A_2405 = arith.constant 0 : i32
      %dma_start3A_2406 = arith.constant 0 : i32
      %dma_start3A_2407 = tpu.memref_slice %arg9[%dma_start3A_2405, %dma_start3A_2406] : memref<2x2048xf32, #tpu.memory_space<vmem>> -> memref<1x2048xf32, #tpu.memory_space<vmem>>
      %dma_start3A_2408 = tpu.memref_squeeze %dma_start3A_2407 : memref<1x2048xf32, #tpu.memory_space<vmem>> -> memref<2048xf32, #tpu.memory_space<vmem>>
      %dma_start3A_2409 = arith.constant 768 : i32
      %dma_start3A_2410 = tpu.memref_slice %dma_start3A_2408[%dma_start3A_2409] : memref<2048xf32, #tpu.memory_space<vmem>> -> memref<128xf32, #tpu.memory_space<vmem>>
      %dma_start3A_2411 = arith.constant 0 : i32
      %dma_start3A_2412 = tpu.memref_slice %arg7[%dma_start3A_2404, %dma_start3A_2411] : memref<2x2048xi32, #tpu.memory_space<vmem>> -> memref<1x2048xi32, #tpu.memory_space<vmem>>
      %dma_start3A_2413 = tpu.memref_squeeze %dma_start3A_2412 : memref<1x2048xi32, #tpu.memory_space<vmem>> -> memref<2048xi32, #tpu.memory_space<vmem>>
      %dma_start3A_2414 = arith.constant 768 : i32
      %dma_start3A_2415 = tpu.memref_slice %dma_start3A_2413[%dma_start3A_2414] : memref<2048xi32, #tpu.memory_space<vmem>> -> memref<128xi32, #tpu.memory_space<vmem>>
      %dma_start3A_2416 = arith.constant 0 : i32
      %dma_start3A_2417 = tpu.memref_slice %arg2[%dma_start3A_2416] : memref<1000000xf32, #tpu.memory_space<hbm>> -> memref<1000000xf32, #tpu.memory_space<hbm>>
      tpu.enqueue_indirect_dma source(%dma_start3A_2417 : memref<1000000xf32, #tpu.memory_space<hbm>>) target(%dma_start3A_2410 : memref<128xf32, #tpu.memory_space<vmem>>) offsets(%dma_start3A_2415 : memref<128xi32, #tpu.memory_space<vmem>>) semaphore(%arg15 : memref<!tpu.dma_semaphore, #tpu.memory_space<semaphore_mem>>)
      %dma_start3A_2418 = arith.constant 0 : i32
      %dma_start3A_2419 = arith.constant 0 : i32
      %dma_start3A_2420 = arith.constant 0 : i32
      %dma_start3A_2421 = tpu.memref_slice %arg10[%dma_start3A_2419, %dma_start3A_2420] : memref<2x2048xf32, #tpu.memory_space<vmem>> -> memref<1x2048xf32, #tpu.memory_space<vmem>>
      %dma_start3A_2422 = tpu.memref_squeeze %dma_start3A_2421 : memref<1x2048xf32, #tpu.memory_space<vmem>> -> memref<2048xf32, #tpu.memory_space<vmem>>
      %dma_start3A_2423 = arith.constant 768 : i32
      %dma_start3A_2424 = tpu.memref_slice %dma_start3A_2422[%dma_start3A_2423] : memref<2048xf32, #tpu.memory_space<vmem>> -> memref<128xf32, #tpu.memory_space<vmem>>
      %dma_start3A_2425 = arith.constant 0 : i32
      %dma_start3A_2426 = tpu.memref_slice %arg7[%dma_start3A_2418, %dma_start3A_2425] : memref<2x2048xi32, #tpu.memory_space<vmem>> -> memref<1x2048xi32, #tpu.memory_space<vmem>>
      %dma_start3A_2427 = tpu.memref_squeeze %dma_start3A_2426 : memref<1x2048xi32, #tpu.memory_space<vmem>> -> memref<2048xi32, #tpu.memory_space<vmem>>
      %dma_start3A_2428 = arith.constant 768 : i32
      %dma_start3A_2429 = tpu.memref_slice %dma_start3A_2427[%dma_start3A_2428] : memref<2048xi32, #tpu.memory_space<vmem>> -> memref<128xi32, #tpu.memory_space<vmem>>
      %dma_start3A_2430 = arith.constant 0 : i32
      %dma_start3A_2431 = tpu.memref_slice %arg3[%dma_start3A_2430] : memref<1000000xf32, #tpu.memory_space<hbm>> -> memref<1000000xf32, #tpu.memory_space<hbm>>
      tpu.enqueue_indirect_dma source(%dma_start3A_2431 : memref<1000000xf32, #tpu.memory_space<hbm>>) target(%dma_start3A_2424 : memref<128xf32, #tpu.memory_space<vmem>>) offsets(%dma_start3A_2429 : memref<128xi32, #tpu.memory_space<vmem>>) semaphore(%arg15 : memref<!tpu.dma_semaphore, #tpu.memory_space<semaphore_mem>>)
      %dma_start3A_2432 = arith.constant 0 : i32
      %dma_start3A_2433 = arith.constant 0 : i32
      %dma_start3A_2434 = arith.constant 0 : i32
      %dma_start3A_2435 = tpu.memref_slice %arg11[%dma_start3A_2433, %dma_start3A_2434] : memref<2x2048xf32, #tpu.memory_space<vmem>> -> memref<1x2048xf32, #tpu.memory_space<vmem>>
      %dma_start3A_2436 = tpu.memref_squeeze %dma_start3A_2435 : memref<1x2048xf32, #tpu.memory_space<vmem>> -> memref<2048xf32, #tpu.memory_space<vmem>>
      %dma_start3A_2437 = arith.constant 768 : i32
      %dma_start3A_2438 = tpu.memref_slice %dma_start3A_2436[%dma_start3A_2437] : memref<2048xf32, #tpu.memory_space<vmem>> -> memref<128xf32, #tpu.memory_space<vmem>>
      %dma_start3A_2439 = arith.constant 0 : i32
      %dma_start3A_2440 = tpu.memref_slice %arg8[%dma_start3A_2432, %dma_start3A_2439] : memref<2x2048xi32, #tpu.memory_space<vmem>> -> memref<1x2048xi32, #tpu.memory_space<vmem>>
      %dma_start3A_2441 = tpu.memref_squeeze %dma_start3A_2440 : memref<1x2048xi32, #tpu.memory_space<vmem>> -> memref<2048xi32, #tpu.memory_space<vmem>>
      %dma_start3A_2442 = arith.constant 768 : i32
      %dma_start3A_2443 = tpu.memref_slice %dma_start3A_2441[%dma_start3A_2442] : memref<2048xi32, #tpu.memory_space<vmem>> -> memref<128xi32, #tpu.memory_space<vmem>>
      %dma_start3A_2444 = arith.constant 0 : i32
      %dma_start3A_2445 = tpu.memref_slice %arg2[%dma_start3A_2444] : memref<1000000xf32, #tpu.memory_space<hbm>> -> memref<1000000xf32, #tpu.memory_space<hbm>>
      tpu.enqueue_indirect_dma source(%dma_start3A_2445 : memref<1000000xf32, #tpu.memory_space<hbm>>) target(%dma_start3A_2438 : memref<128xf32, #tpu.memory_space<vmem>>) offsets(%dma_start3A_2443 : memref<128xi32, #tpu.memory_space<vmem>>) semaphore(%arg15 : memref<!tpu.dma_semaphore, #tpu.memory_space<semaphore_mem>>)
      %dma_start3A_2446 = arith.constant 0 : i32
      %dma_start3A_2447 = arith.constant 0 : i32
      %dma_start3A_2448 = arith.constant 0 : i32
      %dma_start3A_2449 = tpu.memref_slice %arg12[%dma_start3A_2447, %dma_start3A_2448] : memref<2x2048xf32, #tpu.memory_space<vmem>> -> memref<1x2048xf32, #tpu.memory_space<vmem>>
      %dma_start3A_2450 = tpu.memref_squeeze %dma_start3A_2449 : memref<1x2048xf32, #tpu.memory_space<vmem>> -> memref<2048xf32, #tpu.memory_space<vmem>>
      %dma_start3A_2451 = arith.constant 768 : i32
      %dma_start3A_2452 = tpu.memref_slice %dma_start3A_2450[%dma_start3A_2451] : memref<2048xf32, #tpu.memory_space<vmem>> -> memref<128xf32, #tpu.memory_space<vmem>>
      %dma_start3A_2453 = arith.constant 0 : i32
      %dma_start3A_2454 = tpu.memref_slice %arg8[%dma_start3A_2446, %dma_start3A_2453] : memref<2x2048xi32, #tpu.memory_space<vmem>> -> memref<1x2048xi32, #tpu.memory_space<vmem>>
      %dma_start3A_2455 = tpu.memref_squeeze %dma_start3A_2454 : memref<1x2048xi32, #tpu.memory_space<vmem>> -> memref<2048xi32, #tpu.memory_space<vmem>>
      %dma_start3A_2456 = arith.constant 768 : i32
      %dma_start3A_2457 = tpu.memref_slice %dma_start3A_2455[%dma_start3A_2456] : memref<2048xi32, #tpu.memory_space<vmem>> -> memref<128xi32, #tpu.memory_space<vmem>>
      %dma_start3A_2458 = arith.constant 0 : i32
      %dma_start3A_2459 = tpu.memref_slice %arg3[%dma_start3A_2458] : memref<1000000xf32, #tpu.memory_space<hbm>> -> memref<1000000xf32, #tpu.memory_space<hbm>>
      tpu.enqueue_indirect_dma source(%dma_start3A_2459 : memref<1000000xf32, #tpu.memory_space<hbm>>) target(%dma_start3A_2452 : memref<128xf32, #tpu.memory_space<vmem>>) offsets(%dma_start3A_2457 : memref<128xi32, #tpu.memory_space<vmem>>) semaphore(%arg15 : memref<!tpu.dma_semaphore, #tpu.memory_space<semaphore_mem>>)
      %dma_start3A_2460 = arith.constant 0 : i32
      %dma_start3A_2461 = arith.constant 0 : i32
      %dma_start3A_2462 = arith.constant 0 : i32
      %dma_start3A_2463 = tpu.memref_slice %arg9[%dma_start3A_2461, %dma_start3A_2462] : memref<2x2048xf32, #tpu.memory_space<vmem>> -> memref<1x2048xf32, #tpu.memory_space<vmem>>
      %dma_start3A_2464 = tpu.memref_squeeze %dma_start3A_2463 : memref<1x2048xf32, #tpu.memory_space<vmem>> -> memref<2048xf32, #tpu.memory_space<vmem>>
      %dma_start3A_2465 = arith.constant 896 : i32
      %dma_start3A_2466 = tpu.memref_slice %dma_start3A_2464[%dma_start3A_2465] : memref<2048xf32, #tpu.memory_space<vmem>> -> memref<128xf32, #tpu.memory_space<vmem>>
      %dma_start3A_2467 = arith.constant 0 : i32
      %dma_start3A_2468 = tpu.memref_slice %arg7[%dma_start3A_2460, %dma_start3A_2467] : memref<2x2048xi32, #tpu.memory_space<vmem>> -> memref<1x2048xi32, #tpu.memory_space<vmem>>
      %dma_start3A_2469 = tpu.memref_squeeze %dma_start3A_2468 : memref<1x2048xi32, #tpu.memory_space<vmem>> -> memref<2048xi32, #tpu.memory_space<vmem>>
      %dma_start3A_2470 = arith.constant 896 : i32
      %dma_start3A_2471 = tpu.memref_slice %dma_start3A_2469[%dma_start3A_2470] : memref<2048xi32, #tpu.memory_space<vmem>> -> memref<128xi32, #tpu.memory_space<vmem>>
      %dma_start3A_2472 = arith.constant 0 : i32
      %dma_start3A_2473 = tpu.memref_slice %arg2[%dma_start3A_2472] : memref<1000000xf32, #tpu.memory_space<hbm>> -> memref<1000000xf32, #tpu.memory_space<hbm>>
      tpu.enqueue_indirect_dma source(%dma_start3A_2473 : memref<1000000xf32, #tpu.memory_space<hbm>>) target(%dma_start3A_2466 : memref<128xf32, #tpu.memory_space<vmem>>) offsets(%dma_start3A_2471 : memref<128xi32, #tpu.memory_space<vmem>>) semaphore(%arg15 : memref<!tpu.dma_semaphore, #tpu.memory_space<semaphore_mem>>)
      %dma_start3A_2474 = arith.constant 0 : i32
      %dma_start3A_2475 = arith.constant 0 : i32
      %dma_start3A_2476 = arith.constant 0 : i32
      %dma_start3A_2477 = tpu.memref_slice %arg10[%dma_start3A_2475, %dma_start3A_2476] : memref<2x2048xf32, #tpu.memory_space<vmem>> -> memref<1x2048xf32, #tpu.memory_space<vmem>>
      %dma_start3A_2478 = tpu.memref_squeeze %dma_start3A_2477 : memref<1x2048xf32, #tpu.memory_space<vmem>> -> memref<2048xf32, #tpu.memory_space<vmem>>
      %dma_start3A_2479 = arith.constant 896 : i32
      %dma_start3A_2480 = tpu.memref_slice %dma_start3A_2478[%dma_start3A_2479] : memref<2048xf32, #tpu.memory_space<vmem>> -> memref<128xf32, #tpu.memory_space<vmem>>
      %dma_start3A_2481 = arith.constant 0 : i32
      %dma_start3A_2482 = tpu.memref_slice %arg7[%dma_start3A_2474, %dma_start3A_2481] : memref<2x2048xi32, #tpu.memory_space<vmem>> -> memref<1x2048xi32, #tpu.memory_space<vmem>>
      %dma_start3A_2483 = tpu.memref_squeeze %dma_start3A_2482 : memref<1x2048xi32, #tpu.memory_space<vmem>> -> memref<2048xi32, #tpu.memory_space<vmem>>
      %dma_start3A_2484 = arith.constant 896 : i32
      %dma_start3A_2485 = tpu.memref_slice %dma_start3A_2483[%dma_start3A_2484] : memref<2048xi32, #tpu.memory_space<vmem>> -> memref<128xi32, #tpu.memory_space<vmem>>
      %dma_start3A_2486 = arith.constant 0 : i32
      %dma_start3A_2487 = tpu.memref_slice %arg3[%dma_start3A_2486] : memref<1000000xf32, #tpu.memory_space<hbm>> -> memref<1000000xf32, #tpu.memory_space<hbm>>
      tpu.enqueue_indirect_dma source(%dma_start3A_2487 : memref<1000000xf32, #tpu.memory_space<hbm>>) target(%dma_start3A_2480 : memref<128xf32, #tpu.memory_space<vmem>>) offsets(%dma_start3A_2485 : memref<128xi32, #tpu.memory_space<vmem>>) semaphore(%arg15 : memref<!tpu.dma_semaphore, #tpu.memory_space<semaphore_mem>>)
      %dma_start3A_2488 = arith.constant 0 : i32
      %dma_start3A_2489 = arith.constant 0 : i32
      %dma_start3A_2490 = arith.constant 0 : i32
      %dma_start3A_2491 = tpu.memref_slice %arg11[%dma_start3A_2489, %dma_start3A_2490] : memref<2x2048xf32, #tpu.memory_space<vmem>> -> memref<1x2048xf32, #tpu.memory_space<vmem>>
      %dma_start3A_2492 = tpu.memref_squeeze %dma_start3A_2491 : memref<1x2048xf32, #tpu.memory_space<vmem>> -> memref<2048xf32, #tpu.memory_space<vmem>>
      %dma_start3A_2493 = arith.constant 896 : i32
      %dma_start3A_2494 = tpu.memref_slice %dma_start3A_2492[%dma_start3A_2493] : memref<2048xf32, #tpu.memory_space<vmem>> -> memref<128xf32, #tpu.memory_space<vmem>>
      %dma_start3A_2495 = arith.constant 0 : i32
      %dma_start3A_2496 = tpu.memref_slice %arg8[%dma_start3A_2488, %dma_start3A_2495] : memref<2x2048xi32, #tpu.memory_space<vmem>> -> memref<1x2048xi32, #tpu.memory_space<vmem>>
      %dma_start3A_2497 = tpu.memref_squeeze %dma_start3A_2496 : memref<1x2048xi32, #tpu.memory_space<vmem>> -> memref<2048xi32, #tpu.memory_space<vmem>>
      %dma_start3A_2498 = arith.constant 896 : i32
      %dma_start3A_2499 = tpu.memref_slice %dma_start3A_2497[%dma_start3A_2498] : memref<2048xi32, #tpu.memory_space<vmem>> -> memref<128xi32, #tpu.memory_space<vmem>>
      %dma_start3A_2500 = arith.constant 0 : i32
      %dma_start3A_2501 = tpu.memref_slice %arg2[%dma_start3A_2500] : memref<1000000xf32, #tpu.memory_space<hbm>> -> memref<1000000xf32, #tpu.memory_space<hbm>>
      tpu.enqueue_indirect_dma source(%dma_start3A_2501 : memref<1000000xf32, #tpu.memory_space<hbm>>) target(%dma_start3A_2494 : memref<128xf32, #tpu.memory_space<vmem>>) offsets(%dma_start3A_2499 : memref<128xi32, #tpu.memory_space<vmem>>) semaphore(%arg15 : memref<!tpu.dma_semaphore, #tpu.memory_space<semaphore_mem>>)
      %dma_start3A_2502 = arith.constant 0 : i32
      %dma_start3A_2503 = arith.constant 0 : i32
      %dma_start3A_2504 = arith.constant 0 : i32
      %dma_start3A_2505 = tpu.memref_slice %arg12[%dma_start3A_2503, %dma_start3A_2504] : memref<2x2048xf32, #tpu.memory_space<vmem>> -> memref<1x2048xf32, #tpu.memory_space<vmem>>
      %dma_start3A_2506 = tpu.memref_squeeze %dma_start3A_2505 : memref<1x2048xf32, #tpu.memory_space<vmem>> -> memref<2048xf32, #tpu.memory_space<vmem>>
      %dma_start3A_2507 = arith.constant 896 : i32
      %dma_start3A_2508 = tpu.memref_slice %dma_start3A_2506[%dma_start3A_2507] : memref<2048xf32, #tpu.memory_space<vmem>> -> memref<128xf32, #tpu.memory_space<vmem>>
      %dma_start3A_2509 = arith.constant 0 : i32
      %dma_start3A_2510 = tpu.memref_slice %arg8[%dma_start3A_2502, %dma_start3A_2509] : memref<2x2048xi32, #tpu.memory_space<vmem>> -> memref<1x2048xi32, #tpu.memory_space<vmem>>
      %dma_start3A_2511 = tpu.memref_squeeze %dma_start3A_2510 : memref<1x2048xi32, #tpu.memory_space<vmem>> -> memref<2048xi32, #tpu.memory_space<vmem>>
      %dma_start3A_2512 = arith.constant 896 : i32
      %dma_start3A_2513 = tpu.memref_slice %dma_start3A_2511[%dma_start3A_2512] : memref<2048xi32, #tpu.memory_space<vmem>> -> memref<128xi32, #tpu.memory_space<vmem>>
      %dma_start3A_2514 = arith.constant 0 : i32
      %dma_start3A_2515 = tpu.memref_slice %arg3[%dma_start3A_2514] : memref<1000000xf32, #tpu.memory_space<hbm>> -> memref<1000000xf32, #tpu.memory_space<hbm>>
      tpu.enqueue_indirect_dma source(%dma_start3A_2515 : memref<1000000xf32, #tpu.memory_space<hbm>>) target(%dma_start3A_2508 : memref<128xf32, #tpu.memory_space<vmem>>) offsets(%dma_start3A_2513 : memref<128xi32, #tpu.memory_space<vmem>>) semaphore(%arg15 : memref<!tpu.dma_semaphore, #tpu.memory_space<semaphore_mem>>)
      %dma_start3A_2516 = arith.constant 0 : i32
      %dma_start3A_2517 = arith.constant 0 : i32
      %dma_start3A_2518 = arith.constant 0 : i32
      %dma_start3A_2519 = tpu.memref_slice %arg9[%dma_start3A_2517, %dma_start3A_2518] : memref<2x2048xf32, #tpu.memory_space<vmem>> -> memref<1x2048xf32, #tpu.memory_space<vmem>>
      %dma_start3A_2520 = tpu.memref_squeeze %dma_start3A_2519 : memref<1x2048xf32, #tpu.memory_space<vmem>> -> memref<2048xf32, #tpu.memory_space<vmem>>
      %dma_start3A_2521 = arith.constant 1024 : i32
      %dma_start3A_2522 = tpu.memref_slice %dma_start3A_2520[%dma_start3A_2521] : memref<2048xf32, #tpu.memory_space<vmem>> -> memref<128xf32, #tpu.memory_space<vmem>>
      %dma_start3A_2523 = arith.constant 0 : i32
      %dma_start3A_2524 = tpu.memref_slice %arg7[%dma_start3A_2516, %dma_start3A_2523] : memref<2x2048xi32, #tpu.memory_space<vmem>> -> memref<1x2048xi32, #tpu.memory_space<vmem>>
      %dma_start3A_2525 = tpu.memref_squeeze %dma_start3A_2524 : memref<1x2048xi32, #tpu.memory_space<vmem>> -> memref<2048xi32, #tpu.memory_space<vmem>>
      %dma_start3A_2526 = arith.constant 1024 : i32
      %dma_start3A_2527 = tpu.memref_slice %dma_start3A_2525[%dma_start3A_2526] : memref<2048xi32, #tpu.memory_space<vmem>> -> memref<128xi32, #tpu.memory_space<vmem>>
      %dma_start3A_2528 = arith.constant 0 : i32
      %dma_start3A_2529 = tpu.memref_slice %arg2[%dma_start3A_2528] : memref<1000000xf32, #tpu.memory_space<hbm>> -> memref<1000000xf32, #tpu.memory_space<hbm>>
      tpu.enqueue_indirect_dma source(%dma_start3A_2529 : memref<1000000xf32, #tpu.memory_space<hbm>>) target(%dma_start3A_2522 : memref<128xf32, #tpu.memory_space<vmem>>) offsets(%dma_start3A_2527 : memref<128xi32, #tpu.memory_space<vmem>>) semaphore(%arg15 : memref<!tpu.dma_semaphore, #tpu.memory_space<semaphore_mem>>)
      %dma_start3A_2530 = arith.constant 0 : i32
      %dma_start3A_2531 = arith.constant 0 : i32
      %dma_start3A_2532 = arith.constant 0 : i32
      %dma_start3A_2533 = tpu.memref_slice %arg10[%dma_start3A_2531, %dma_start3A_2532] : memref<2x2048xf32, #tpu.memory_space<vmem>> -> memref<1x2048xf32, #tpu.memory_space<vmem>>
      %dma_start3A_2534 = tpu.memref_squeeze %dma_start3A_2533 : memref<1x2048xf32, #tpu.memory_space<vmem>> -> memref<2048xf32, #tpu.memory_space<vmem>>
      %dma_start3A_2535 = arith.constant 1024 : i32
      %dma_start3A_2536 = tpu.memref_slice %dma_start3A_2534[%dma_start3A_2535] : memref<2048xf32, #tpu.memory_space<vmem>> -> memref<128xf32, #tpu.memory_space<vmem>>
      %dma_start3A_2537 = arith.constant 0 : i32
      %dma_start3A_2538 = tpu.memref_slice %arg7[%dma_start3A_2530, %dma_start3A_2537] : memref<2x2048xi32, #tpu.memory_space<vmem>> -> memref<1x2048xi32, #tpu.memory_space<vmem>>
      %dma_start3A_2539 = tpu.memref_squeeze %dma_start3A_2538 : memref<1x2048xi32, #tpu.memory_space<vmem>> -> memref<2048xi32, #tpu.memory_space<vmem>>
      %dma_start3A_2540 = arith.constant 1024 : i32
      %dma_start3A_2541 = tpu.memref_slice %dma_start3A_2539[%dma_start3A_2540] : memref<2048xi32, #tpu.memory_space<vmem>> -> memref<128xi32, #tpu.memory_space<vmem>>
      %dma_start3A_2542 = arith.constant 0 : i32
      %dma_start3A_2543 = tpu.memref_slice %arg3[%dma_start3A_2542] : memref<1000000xf32, #tpu.memory_space<hbm>> -> memref<1000000xf32, #tpu.memory_space<hbm>>
      tpu.enqueue_indirect_dma source(%dma_start3A_2543 : memref<1000000xf32, #tpu.memory_space<hbm>>) target(%dma_start3A_2536 : memref<128xf32, #tpu.memory_space<vmem>>) offsets(%dma_start3A_2541 : memref<128xi32, #tpu.memory_space<vmem>>) semaphore(%arg15 : memref<!tpu.dma_semaphore, #tpu.memory_space<semaphore_mem>>)
      %dma_start3A_2544 = arith.constant 0 : i32
      %dma_start3A_2545 = arith.constant 0 : i32
      %dma_start3A_2546 = arith.constant 0 : i32
      %dma_start3A_2547 = tpu.memref_slice %arg11[%dma_start3A_2545, %dma_start3A_2546] : memref<2x2048xf32, #tpu.memory_space<vmem>> -> memref<1x2048xf32, #tpu.memory_space<vmem>>
      %dma_start3A_2548 = tpu.memref_squeeze %dma_start3A_2547 : memref<1x2048xf32, #tpu.memory_space<vmem>> -> memref<2048xf32, #tpu.memory_space<vmem>>
      %dma_start3A_2549 = arith.constant 1024 : i32
      %dma_start3A_2550 = tpu.memref_slice %dma_start3A_2548[%dma_start3A_2549] : memref<2048xf32, #tpu.memory_space<vmem>> -> memref<128xf32, #tpu.memory_space<vmem>>
      %dma_start3A_2551 = arith.constant 0 : i32
      %dma_start3A_2552 = tpu.memref_slice %arg8[%dma_start3A_2544, %dma_start3A_2551] : memref<2x2048xi32, #tpu.memory_space<vmem>> -> memref<1x2048xi32, #tpu.memory_space<vmem>>
      %dma_start3A_2553 = tpu.memref_squeeze %dma_start3A_2552 : memref<1x2048xi32, #tpu.memory_space<vmem>> -> memref<2048xi32, #tpu.memory_space<vmem>>
      %dma_start3A_2554 = arith.constant 1024 : i32
      %dma_start3A_2555 = tpu.memref_slice %dma_start3A_2553[%dma_start3A_2554] : memref<2048xi32, #tpu.memory_space<vmem>> -> memref<128xi32, #tpu.memory_space<vmem>>
      %dma_start3A_2556 = arith.constant 0 : i32
      %dma_start3A_2557 = tpu.memref_slice %arg2[%dma_start3A_2556] : memref<1000000xf32, #tpu.memory_space<hbm>> -> memref<1000000xf32, #tpu.memory_space<hbm>>
      tpu.enqueue_indirect_dma source(%dma_start3A_2557 : memref<1000000xf32, #tpu.memory_space<hbm>>) target(%dma_start3A_2550 : memref<128xf32, #tpu.memory_space<vmem>>) offsets(%dma_start3A_2555 : memref<128xi32, #tpu.memory_space<vmem>>) semaphore(%arg15 : memref<!tpu.dma_semaphore, #tpu.memory_space<semaphore_mem>>)
      %dma_start3A_2558 = arith.constant 0 : i32
      %dma_start3A_2559 = arith.constant 0 : i32
      %dma_start3A_2560 = arith.constant 0 : i32
      %dma_start3A_2561 = tpu.memref_slice %arg12[%dma_start3A_2559, %dma_start3A_2560] : memref<2x2048xf32, #tpu.memory_space<vmem>> -> memref<1x2048xf32, #tpu.memory_space<vmem>>
      %dma_start3A_2562 = tpu.memref_squeeze %dma_start3A_2561 : memref<1x2048xf32, #tpu.memory_space<vmem>> -> memref<2048xf32, #tpu.memory_space<vmem>>
      %dma_start3A_2563 = arith.constant 1024 : i32
      %dma_start3A_2564 = tpu.memref_slice %dma_start3A_2562[%dma_start3A_2563] : memref<2048xf32, #tpu.memory_space<vmem>> -> memref<128xf32, #tpu.memory_space<vmem>>
      %dma_start3A_2565 = arith.constant 0 : i32
      %dma_start3A_2566 = tpu.memref_slice %arg8[%dma_start3A_2558, %dma_start3A_2565] : memref<2x2048xi32, #tpu.memory_space<vmem>> -> memref<1x2048xi32, #tpu.memory_space<vmem>>
      %dma_start3A_2567 = tpu.memref_squeeze %dma_start3A_2566 : memref<1x2048xi32, #tpu.memory_space<vmem>> -> memref<2048xi32, #tpu.memory_space<vmem>>
      %dma_start3A_2568 = arith.constant 1024 : i32
      %dma_start3A_2569 = tpu.memref_slice %dma_start3A_2567[%dma_start3A_2568] : memref<2048xi32, #tpu.memory_space<vmem>> -> memref<128xi32, #tpu.memory_space<vmem>>
      %dma_start3A_2570 = arith.constant 0 : i32
      %dma_start3A_2571 = tpu.memref_slice %arg3[%dma_start3A_2570] : memref<1000000xf32, #tpu.memory_space<hbm>> -> memref<1000000xf32, #tpu.memory_space<hbm>>
      tpu.enqueue_indirect_dma source(%dma_start3A_2571 : memref<1000000xf32, #tpu.memory_space<hbm>>) target(%dma_start3A_2564 : memref<128xf32, #tpu.memory_space<vmem>>) offsets(%dma_start3A_2569 : memref<128xi32, #tpu.memory_space<vmem>>) semaphore(%arg15 : memref<!tpu.dma_semaphore, #tpu.memory_space<semaphore_mem>>)
      %dma_start3A_2572 = arith.constant 0 : i32
      %dma_start3A_2573 = arith.constant 0 : i32
      %dma_start3A_2574 = arith.constant 0 : i32
      %dma_start3A_2575 = tpu.memref_slice %arg9[%dma_start3A_2573, %dma_start3A_2574] : memref<2x2048xf32, #tpu.memory_space<vmem>> -> memref<1x2048xf32, #tpu.memory_space<vmem>>
      %dma_start3A_2576 = tpu.memref_squeeze %dma_start3A_2575 : memref<1x2048xf32, #tpu.memory_space<vmem>> -> memref<2048xf32, #tpu.memory_space<vmem>>
      %dma_start3A_2577 = arith.constant 1152 : i32
      %dma_start3A_2578 = tpu.memref_slice %dma_start3A_2576[%dma_start3A_2577] : memref<2048xf32, #tpu.memory_space<vmem>> -> memref<128xf32, #tpu.memory_space<vmem>>
      %dma_start3A_2579 = arith.constant 0 : i32
      %dma_start3A_2580 = tpu.memref_slice %arg7[%dma_start3A_2572, %dma_start3A_2579] : memref<2x2048xi32, #tpu.memory_space<vmem>> -> memref<1x2048xi32, #tpu.memory_space<vmem>>
      %dma_start3A_2581 = tpu.memref_squeeze %dma_start3A_2580 : memref<1x2048xi32, #tpu.memory_space<vmem>> -> memref<2048xi32, #tpu.memory_space<vmem>>
      %dma_start3A_2582 = arith.constant 1152 : i32
      %dma_start3A_2583 = tpu.memref_slice %dma_start3A_2581[%dma_start3A_2582] : memref<2048xi32, #tpu.memory_space<vmem>> -> memref<128xi32, #tpu.memory_space<vmem>>
      %dma_start3A_2584 = arith.constant 0 : i32
      %dma_start3A_2585 = tpu.memref_slice %arg2[%dma_start3A_2584] : memref<1000000xf32, #tpu.memory_space<hbm>> -> memref<1000000xf32, #tpu.memory_space<hbm>>
      tpu.enqueue_indirect_dma source(%dma_start3A_2585 : memref<1000000xf32, #tpu.memory_space<hbm>>) target(%dma_start3A_2578 : memref<128xf32, #tpu.memory_space<vmem>>) offsets(%dma_start3A_2583 : memref<128xi32, #tpu.memory_space<vmem>>) semaphore(%arg15 : memref<!tpu.dma_semaphore, #tpu.memory_space<semaphore_mem>>)
      %dma_start3A_2586 = arith.constant 0 : i32
      %dma_start3A_2587 = arith.constant 0 : i32
      %dma_start3A_2588 = arith.constant 0 : i32
      %dma_start3A_2589 = tpu.memref_slice %arg10[%dma_start3A_2587, %dma_start3A_2588] : memref<2x2048xf32, #tpu.memory_space<vmem>> -> memref<1x2048xf32, #tpu.memory_space<vmem>>
      %dma_start3A_2590 = tpu.memref_squeeze %dma_start3A_2589 : memref<1x2048xf32, #tpu.memory_space<vmem>> -> memref<2048xf32, #tpu.memory_space<vmem>>
      %dma_start3A_2591 = arith.constant 1152 : i32
      %dma_start3A_2592 = tpu.memref_slice %dma_start3A_2590[%dma_start3A_2591] : memref<2048xf32, #tpu.memory_space<vmem>> -> memref<128xf32, #tpu.memory_space<vmem>>
      %dma_start3A_2593 = arith.constant 0 : i32
      %dma_start3A_2594 = tpu.memref_slice %arg7[%dma_start3A_2586, %dma_start3A_2593] : memref<2x2048xi32, #tpu.memory_space<vmem>> -> memref<1x2048xi32, #tpu.memory_space<vmem>>
      %dma_start3A_2595 = tpu.memref_squeeze %dma_start3A_2594 : memref<1x2048xi32, #tpu.memory_space<vmem>> -> memref<2048xi32, #tpu.memory_space<vmem>>
      %dma_start3A_2596 = arith.constant 1152 : i32
      %dma_start3A_2597 = tpu.memref_slice %dma_start3A_2595[%dma_start3A_2596] : memref<2048xi32, #tpu.memory_space<vmem>> -> memref<128xi32, #tpu.memory_space<vmem>>
      %dma_start3A_2598 = arith.constant 0 : i32
      %dma_start3A_2599 = tpu.memref_slice %arg3[%dma_start3A_2598] : memref<1000000xf32, #tpu.memory_space<hbm>> -> memref<1000000xf32, #tpu.memory_space<hbm>>
      tpu.enqueue_indirect_dma source(%dma_start3A_2599 : memref<1000000xf32, #tpu.memory_space<hbm>>) target(%dma_start3A_2592 : memref<128xf32, #tpu.memory_space<vmem>>) offsets(%dma_start3A_2597 : memref<128xi32, #tpu.memory_space<vmem>>) semaphore(%arg15 : memref<!tpu.dma_semaphore, #tpu.memory_space<semaphore_mem>>)
      %dma_start3A_2600 = arith.constant 0 : i32
      %dma_start3A_2601 = arith.constant 0 : i32
      %dma_start3A_2602 = arith.constant 0 : i32
      %dma_start3A_2603 = tpu.memref_slice %arg11[%dma_start3A_2601, %dma_start3A_2602] : memref<2x2048xf32, #tpu.memory_space<vmem>> -> memref<1x2048xf32, #tpu.memory_space<vmem>>
      %dma_start3A_2604 = tpu.memref_squeeze %dma_start3A_2603 : memref<1x2048xf32, #tpu.memory_space<vmem>> -> memref<2048xf32, #tpu.memory_space<vmem>>
      %dma_start3A_2605 = arith.constant 1152 : i32
      %dma_start3A_2606 = tpu.memref_slice %dma_start3A_2604[%dma_start3A_2605] : memref<2048xf32, #tpu.memory_space<vmem>> -> memref<128xf32, #tpu.memory_space<vmem>>
      %dma_start3A_2607 = arith.constant 0 : i32
      %dma_start3A_2608 = tpu.memref_slice %arg8[%dma_start3A_2600, %dma_start3A_2607] : memref<2x2048xi32, #tpu.memory_space<vmem>> -> memref<1x2048xi32, #tpu.memory_space<vmem>>
      %dma_start3A_2609 = tpu.memref_squeeze %dma_start3A_2608 : memref<1x2048xi32, #tpu.memory_space<vmem>> -> memref<2048xi32, #tpu.memory_space<vmem>>
      %dma_start3A_2610 = arith.constant 1152 : i32
      %dma_start3A_2611 = tpu.memref_slice %dma_start3A_2609[%dma_start3A_2610] : memref<2048xi32, #tpu.memory_space<vmem>> -> memref<128xi32, #tpu.memory_space<vmem>>
      %dma_start3A_2612 = arith.constant 0 : i32
      %dma_start3A_2613 = tpu.memref_slice %arg2[%dma_start3A_2612] : memref<1000000xf32, #tpu.memory_space<hbm>> -> memref<1000000xf32, #tpu.memory_space<hbm>>
      tpu.enqueue_indirect_dma source(%dma_start3A_2613 : memref<1000000xf32, #tpu.memory_space<hbm>>) target(%dma_start3A_2606 : memref<128xf32, #tpu.memory_space<vmem>>) offsets(%dma_start3A_2611 : memref<128xi32, #tpu.memory_space<vmem>>) semaphore(%arg15 : memref<!tpu.dma_semaphore, #tpu.memory_space<semaphore_mem>>)
      %dma_start3A_2614 = arith.constant 0 : i32
      %dma_start3A_2615 = arith.constant 0 : i32
      %dma_start3A_2616 = arith.constant 0 : i32
      %dma_start3A_2617 = tpu.memref_slice %arg12[%dma_start3A_2615, %dma_start3A_2616] : memref<2x2048xf32, #tpu.memory_space<vmem>> -> memref<1x2048xf32, #tpu.memory_space<vmem>>
      %dma_start3A_2618 = tpu.memref_squeeze %dma_start3A_2617 : memref<1x2048xf32, #tpu.memory_space<vmem>> -> memref<2048xf32, #tpu.memory_space<vmem>>
      %dma_start3A_2619 = arith.constant 1152 : i32
      %dma_start3A_2620 = tpu.memref_slice %dma_start3A_2618[%dma_start3A_2619] : memref<2048xf32, #tpu.memory_space<vmem>> -> memref<128xf32, #tpu.memory_space<vmem>>
      %dma_start3A_2621 = arith.constant 0 : i32
      %dma_start3A_2622 = tpu.memref_slice %arg8[%dma_start3A_2614, %dma_start3A_2621] : memref<2x2048xi32, #tpu.memory_space<vmem>> -> memref<1x2048xi32, #tpu.memory_space<vmem>>
      %dma_start3A_2623 = tpu.memref_squeeze %dma_start3A_2622 : memref<1x2048xi32, #tpu.memory_space<vmem>> -> memref<2048xi32, #tpu.memory_space<vmem>>
      %dma_start3A_2624 = arith.constant 1152 : i32
      %dma_start3A_2625 = tpu.memref_slice %dma_start3A_2623[%dma_start3A_2624] : memref<2048xi32, #tpu.memory_space<vmem>> -> memref<128xi32, #tpu.memory_space<vmem>>
      %dma_start3A_2626 = arith.constant 0 : i32
      %dma_start3A_2627 = tpu.memref_slice %arg3[%dma_start3A_2626] : memref<1000000xf32, #tpu.memory_space<hbm>> -> memref<1000000xf32, #tpu.memory_space<hbm>>
      tpu.enqueue_indirect_dma source(%dma_start3A_2627 : memref<1000000xf32, #tpu.memory_space<hbm>>) target(%dma_start3A_2620 : memref<128xf32, #tpu.memory_space<vmem>>) offsets(%dma_start3A_2625 : memref<128xi32, #tpu.memory_space<vmem>>) semaphore(%arg15 : memref<!tpu.dma_semaphore, #tpu.memory_space<semaphore_mem>>)
      %dma_start3A_2628 = arith.constant 0 : i32
      %dma_start3A_2629 = arith.constant 0 : i32
      %dma_start3A_2630 = arith.constant 0 : i32
      %dma_start3A_2631 = tpu.memref_slice %arg9[%dma_start3A_2629, %dma_start3A_2630] : memref<2x2048xf32, #tpu.memory_space<vmem>> -> memref<1x2048xf32, #tpu.memory_space<vmem>>
      %dma_start3A_2632 = tpu.memref_squeeze %dma_start3A_2631 : memref<1x2048xf32, #tpu.memory_space<vmem>> -> memref<2048xf32, #tpu.memory_space<vmem>>
      %dma_start3A_2633 = arith.constant 1280 : i32
      %dma_start3A_2634 = tpu.memref_slice %dma_start3A_2632[%dma_start3A_2633] : memref<2048xf32, #tpu.memory_space<vmem>> -> memref<128xf32, #tpu.memory_space<vmem>>
      %dma_start3A_2635 = arith.constant 0 : i32
      %dma_start3A_2636 = tpu.memref_slice %arg7[%dma_start3A_2628, %dma_start3A_2635] : memref<2x2048xi32, #tpu.memory_space<vmem>> -> memref<1x2048xi32, #tpu.memory_space<vmem>>
      %dma_start3A_2637 = tpu.memref_squeeze %dma_start3A_2636 : memref<1x2048xi32, #tpu.memory_space<vmem>> -> memref<2048xi32, #tpu.memory_space<vmem>>
      %dma_start3A_2638 = arith.constant 1280 : i32
      %dma_start3A_2639 = tpu.memref_slice %dma_start3A_2637[%dma_start3A_2638] : memref<2048xi32, #tpu.memory_space<vmem>> -> memref<128xi32, #tpu.memory_space<vmem>>
      %dma_start3A_2640 = arith.constant 0 : i32
      %dma_start3A_2641 = tpu.memref_slice %arg2[%dma_start3A_2640] : memref<1000000xf32, #tpu.memory_space<hbm>> -> memref<1000000xf32, #tpu.memory_space<hbm>>
      tpu.enqueue_indirect_dma source(%dma_start3A_2641 : memref<1000000xf32, #tpu.memory_space<hbm>>) target(%dma_start3A_2634 : memref<128xf32, #tpu.memory_space<vmem>>) offsets(%dma_start3A_2639 : memref<128xi32, #tpu.memory_space<vmem>>) semaphore(%arg15 : memref<!tpu.dma_semaphore, #tpu.memory_space<semaphore_mem>>)
      %dma_start3A_2642 = arith.constant 0 : i32
      %dma_start3A_2643 = arith.constant 0 : i32
      %dma_start3A_2644 = arith.constant 0 : i32
      %dma_start3A_2645 = tpu.memref_slice %arg10[%dma_start3A_2643, %dma_start3A_2644] : memref<2x2048xf32, #tpu.memory_space<vmem>> -> memref<1x2048xf32, #tpu.memory_space<vmem>>
      %dma_start3A_2646 = tpu.memref_squeeze %dma_start3A_2645 : memref<1x2048xf32, #tpu.memory_space<vmem>> -> memref<2048xf32, #tpu.memory_space<vmem>>
      %dma_start3A_2647 = arith.constant 1280 : i32
      %dma_start3A_2648 = tpu.memref_slice %dma_start3A_2646[%dma_start3A_2647] : memref<2048xf32, #tpu.memory_space<vmem>> -> memref<128xf32, #tpu.memory_space<vmem>>
      %dma_start3A_2649 = arith.constant 0 : i32
      %dma_start3A_2650 = tpu.memref_slice %arg7[%dma_start3A_2642, %dma_start3A_2649] : memref<2x2048xi32, #tpu.memory_space<vmem>> -> memref<1x2048xi32, #tpu.memory_space<vmem>>
      %dma_start3A_2651 = tpu.memref_squeeze %dma_start3A_2650 : memref<1x2048xi32, #tpu.memory_space<vmem>> -> memref<2048xi32, #tpu.memory_space<vmem>>
      %dma_start3A_2652 = arith.constant 1280 : i32
      %dma_start3A_2653 = tpu.memref_slice %dma_start3A_2651[%dma_start3A_2652] : memref<2048xi32, #tpu.memory_space<vmem>> -> memref<128xi32, #tpu.memory_space<vmem>>
      %dma_start3A_2654 = arith.constant 0 : i32
      %dma_start3A_2655 = tpu.memref_slice %arg3[%dma_start3A_2654] : memref<1000000xf32, #tpu.memory_space<hbm>> -> memref<1000000xf32, #tpu.memory_space<hbm>>
      tpu.enqueue_indirect_dma source(%dma_start3A_2655 : memref<1000000xf32, #tpu.memory_space<hbm>>) target(%dma_start3A_2648 : memref<128xf32, #tpu.memory_space<vmem>>) offsets(%dma_start3A_2653 : memref<128xi32, #tpu.memory_space<vmem>>) semaphore(%arg15 : memref<!tpu.dma_semaphore, #tpu.memory_space<semaphore_mem>>)
      %dma_start3A_2656 = arith.constant 0 : i32
      %dma_start3A_2657 = arith.constant 0 : i32
      %dma_start3A_2658 = arith.constant 0 : i32
      %dma_start3A_2659 = tpu.memref_slice %arg11[%dma_start3A_2657, %dma_start3A_2658] : memref<2x2048xf32, #tpu.memory_space<vmem>> -> memref<1x2048xf32, #tpu.memory_space<vmem>>
      %dma_start3A_2660 = tpu.memref_squeeze %dma_start3A_2659 : memref<1x2048xf32, #tpu.memory_space<vmem>> -> memref<2048xf32, #tpu.memory_space<vmem>>
      %dma_start3A_2661 = arith.constant 1280 : i32
      %dma_start3A_2662 = tpu.memref_slice %dma_start3A_2660[%dma_start3A_2661] : memref<2048xf32, #tpu.memory_space<vmem>> -> memref<128xf32, #tpu.memory_space<vmem>>
      %dma_start3A_2663 = arith.constant 0 : i32
      %dma_start3A_2664 = tpu.memref_slice %arg8[%dma_start3A_2656, %dma_start3A_2663] : memref<2x2048xi32, #tpu.memory_space<vmem>> -> memref<1x2048xi32, #tpu.memory_space<vmem>>
      %dma_start3A_2665 = tpu.memref_squeeze %dma_start3A_2664 : memref<1x2048xi32, #tpu.memory_space<vmem>> -> memref<2048xi32, #tpu.memory_space<vmem>>
      %dma_start3A_2666 = arith.constant 1280 : i32
      %dma_start3A_2667 = tpu.memref_slice %dma_start3A_2665[%dma_start3A_2666] : memref<2048xi32, #tpu.memory_space<vmem>> -> memref<128xi32, #tpu.memory_space<vmem>>
      %dma_start3A_2668 = arith.constant 0 : i32
      %dma_start3A_2669 = tpu.memref_slice %arg2[%dma_start3A_2668] : memref<1000000xf32, #tpu.memory_space<hbm>> -> memref<1000000xf32, #tpu.memory_space<hbm>>
      tpu.enqueue_indirect_dma source(%dma_start3A_2669 : memref<1000000xf32, #tpu.memory_space<hbm>>) target(%dma_start3A_2662 : memref<128xf32, #tpu.memory_space<vmem>>) offsets(%dma_start3A_2667 : memref<128xi32, #tpu.memory_space<vmem>>) semaphore(%arg15 : memref<!tpu.dma_semaphore, #tpu.memory_space<semaphore_mem>>)
      %dma_start3A_2670 = arith.constant 0 : i32
      %dma_start3A_2671 = arith.constant 0 : i32
      %dma_start3A_2672 = arith.constant 0 : i32
      %dma_start3A_2673 = tpu.memref_slice %arg12[%dma_start3A_2671, %dma_start3A_2672] : memref<2x2048xf32, #tpu.memory_space<vmem>> -> memref<1x2048xf32, #tpu.memory_space<vmem>>
      %dma_start3A_2674 = tpu.memref_squeeze %dma_start3A_2673 : memref<1x2048xf32, #tpu.memory_space<vmem>> -> memref<2048xf32, #tpu.memory_space<vmem>>
      %dma_start3A_2675 = arith.constant 1280 : i32
      %dma_start3A_2676 = tpu.memref_slice %dma_start3A_2674[%dma_start3A_2675] : memref<2048xf32, #tpu.memory_space<vmem>> -> memref<128xf32, #tpu.memory_space<vmem>>
      %dma_start3A_2677 = arith.constant 0 : i32
      %dma_start3A_2678 = tpu.memref_slice %arg8[%dma_start3A_2670, %dma_start3A_2677] : memref<2x2048xi32, #tpu.memory_space<vmem>> -> memref<1x2048xi32, #tpu.memory_space<vmem>>
      %dma_start3A_2679 = tpu.memref_squeeze %dma_start3A_2678 : memref<1x2048xi32, #tpu.memory_space<vmem>> -> memref<2048xi32, #tpu.memory_space<vmem>>
      %dma_start3A_2680 = arith.constant 1280 : i32
      %dma_start3A_2681 = tpu.memref_slice %dma_start3A_2679[%dma_start3A_2680] : memref<2048xi32, #tpu.memory_space<vmem>> -> memref<128xi32, #tpu.memory_space<vmem>>
      %dma_start3A_2682 = arith.constant 0 : i32
      %dma_start3A_2683 = tpu.memref_slice %arg3[%dma_start3A_2682] : memref<1000000xf32, #tpu.memory_space<hbm>> -> memref<1000000xf32, #tpu.memory_space<hbm>>
      tpu.enqueue_indirect_dma source(%dma_start3A_2683 : memref<1000000xf32, #tpu.memory_space<hbm>>) target(%dma_start3A_2676 : memref<128xf32, #tpu.memory_space<vmem>>) offsets(%dma_start3A_2681 : memref<128xi32, #tpu.memory_space<vmem>>) semaphore(%arg15 : memref<!tpu.dma_semaphore, #tpu.memory_space<semaphore_mem>>)
      %dma_start3A_2684 = arith.constant 0 : i32
      %dma_start3A_2685 = arith.constant 0 : i32
      %dma_start3A_2686 = arith.constant 0 : i32
      %dma_start3A_2687 = tpu.memref_slice %arg9[%dma_start3A_2685, %dma_start3A_2686] : memref<2x2048xf32, #tpu.memory_space<vmem>> -> memref<1x2048xf32, #tpu.memory_space<vmem>>
      %dma_start3A_2688 = tpu.memref_squeeze %dma_start3A_2687 : memref<1x2048xf32, #tpu.memory_space<vmem>> -> memref<2048xf32, #tpu.memory_space<vmem>>
      %dma_start3A_2689 = arith.constant 1408 : i32
      %dma_start3A_2690 = tpu.memref_slice %dma_start3A_2688[%dma_start3A_2689] : memref<2048xf32, #tpu.memory_space<vmem>> -> memref<128xf32, #tpu.memory_space<vmem>>
      %dma_start3A_2691 = arith.constant 0 : i32
      %dma_start3A_2692 = tpu.memref_slice %arg7[%dma_start3A_2684, %dma_start3A_2691] : memref<2x2048xi32, #tpu.memory_space<vmem>> -> memref<1x2048xi32, #tpu.memory_space<vmem>>
      %dma_start3A_2693 = tpu.memref_squeeze %dma_start3A_2692 : memref<1x2048xi32, #tpu.memory_space<vmem>> -> memref<2048xi32, #tpu.memory_space<vmem>>
      %dma_start3A_2694 = arith.constant 1408 : i32
      %dma_start3A_2695 = tpu.memref_slice %dma_start3A_2693[%dma_start3A_2694] : memref<2048xi32, #tpu.memory_space<vmem>> -> memref<128xi32, #tpu.memory_space<vmem>>
      %dma_start3A_2696 = arith.constant 0 : i32
      %dma_start3A_2697 = tpu.memref_slice %arg2[%dma_start3A_2696] : memref<1000000xf32, #tpu.memory_space<hbm>> -> memref<1000000xf32, #tpu.memory_space<hbm>>
      tpu.enqueue_indirect_dma source(%dma_start3A_2697 : memref<1000000xf32, #tpu.memory_space<hbm>>) target(%dma_start3A_2690 : memref<128xf32, #tpu.memory_space<vmem>>) offsets(%dma_start3A_2695 : memref<128xi32, #tpu.memory_space<vmem>>) semaphore(%arg15 : memref<!tpu.dma_semaphore, #tpu.memory_space<semaphore_mem>>)
      %dma_start3A_2698 = arith.constant 0 : i32
      %dma_start3A_2699 = arith.constant 0 : i32
      %dma_start3A_2700 = arith.constant 0 : i32
      %dma_start3A_2701 = tpu.memref_slice %arg10[%dma_start3A_2699, %dma_start3A_2700] : memref<2x2048xf32, #tpu.memory_space<vmem>> -> memref<1x2048xf32, #tpu.memory_space<vmem>>
      %dma_start3A_2702 = tpu.memref_squeeze %dma_start3A_2701 : memref<1x2048xf32, #tpu.memory_space<vmem>> -> memref<2048xf32, #tpu.memory_space<vmem>>
      %dma_start3A_2703 = arith.constant 1408 : i32
      %dma_start3A_2704 = tpu.memref_slice %dma_start3A_2702[%dma_start3A_2703] : memref<2048xf32, #tpu.memory_space<vmem>> -> memref<128xf32, #tpu.memory_space<vmem>>
      %dma_start3A_2705 = arith.constant 0 : i32
      %dma_start3A_2706 = tpu.memref_slice %arg7[%dma_start3A_2698, %dma_start3A_2705] : memref<2x2048xi32, #tpu.memory_space<vmem>> -> memref<1x2048xi32, #tpu.memory_space<vmem>>
      %dma_start3A_2707 = tpu.memref_squeeze %dma_start3A_2706 : memref<1x2048xi32, #tpu.memory_space<vmem>> -> memref<2048xi32, #tpu.memory_space<vmem>>
      %dma_start3A_2708 = arith.constant 1408 : i32
      %dma_start3A_2709 = tpu.memref_slice %dma_start3A_2707[%dma_start3A_2708] : memref<2048xi32, #tpu.memory_space<vmem>> -> memref<128xi32, #tpu.memory_space<vmem>>
      %dma_start3A_2710 = arith.constant 0 : i32
      %dma_start3A_2711 = tpu.memref_slice %arg3[%dma_start3A_2710] : memref<1000000xf32, #tpu.memory_space<hbm>> -> memref<1000000xf32, #tpu.memory_space<hbm>>
      tpu.enqueue_indirect_dma source(%dma_start3A_2711 : memref<1000000xf32, #tpu.memory_space<hbm>>) target(%dma_start3A_2704 : memref<128xf32, #tpu.memory_space<vmem>>) offsets(%dma_start3A_2709 : memref<128xi32, #tpu.memory_space<vmem>>) semaphore(%arg15 : memref<!tpu.dma_semaphore, #tpu.memory_space<semaphore_mem>>)
      %dma_start3A_2712 = arith.constant 0 : i32
      %dma_start3A_2713 = arith.constant 0 : i32
      %dma_start3A_2714 = arith.constant 0 : i32
      %dma_start3A_2715 = tpu.memref_slice %arg11[%dma_start3A_2713, %dma_start3A_2714] : memref<2x2048xf32, #tpu.memory_space<vmem>> -> memref<1x2048xf32, #tpu.memory_space<vmem>>
      %dma_start3A_2716 = tpu.memref_squeeze %dma_start3A_2715 : memref<1x2048xf32, #tpu.memory_space<vmem>> -> memref<2048xf32, #tpu.memory_space<vmem>>
      %dma_start3A_2717 = arith.constant 1408 : i32
      %dma_start3A_2718 = tpu.memref_slice %dma_start3A_2716[%dma_start3A_2717] : memref<2048xf32, #tpu.memory_space<vmem>> -> memref<128xf32, #tpu.memory_space<vmem>>
      %dma_start3A_2719 = arith.constant 0 : i32
      %dma_start3A_2720 = tpu.memref_slice %arg8[%dma_start3A_2712, %dma_start3A_2719] : memref<2x2048xi32, #tpu.memory_space<vmem>> -> memref<1x2048xi32, #tpu.memory_space<vmem>>
      %dma_start3A_2721 = tpu.memref_squeeze %dma_start3A_2720 : memref<1x2048xi32, #tpu.memory_space<vmem>> -> memref<2048xi32, #tpu.memory_space<vmem>>
      %dma_start3A_2722 = arith.constant 1408 : i32
      %dma_start3A_2723 = tpu.memref_slice %dma_start3A_2721[%dma_start3A_2722] : memref<2048xi32, #tpu.memory_space<vmem>> -> memref<128xi32, #tpu.memory_space<vmem>>
      %dma_start3A_2724 = arith.constant 0 : i32
      %dma_start3A_2725 = tpu.memref_slice %arg2[%dma_start3A_2724] : memref<1000000xf32, #tpu.memory_space<hbm>> -> memref<1000000xf32, #tpu.memory_space<hbm>>
      tpu.enqueue_indirect_dma source(%dma_start3A_2725 : memref<1000000xf32, #tpu.memory_space<hbm>>) target(%dma_start3A_2718 : memref<128xf32, #tpu.memory_space<vmem>>) offsets(%dma_start3A_2723 : memref<128xi32, #tpu.memory_space<vmem>>) semaphore(%arg15 : memref<!tpu.dma_semaphore, #tpu.memory_space<semaphore_mem>>)
      %dma_start3A_2726 = arith.constant 0 : i32
      %dma_start3A_2727 = arith.constant 0 : i32
      %dma_start3A_2728 = arith.constant 0 : i32
      %dma_start3A_2729 = tpu.memref_slice %arg12[%dma_start3A_2727, %dma_start3A_2728] : memref<2x2048xf32, #tpu.memory_space<vmem>> -> memref<1x2048xf32, #tpu.memory_space<vmem>>
      %dma_start3A_2730 = tpu.memref_squeeze %dma_start3A_2729 : memref<1x2048xf32, #tpu.memory_space<vmem>> -> memref<2048xf32, #tpu.memory_space<vmem>>
      %dma_start3A_2731 = arith.constant 1408 : i32
      %dma_start3A_2732 = tpu.memref_slice %dma_start3A_2730[%dma_start3A_2731] : memref<2048xf32, #tpu.memory_space<vmem>> -> memref<128xf32, #tpu.memory_space<vmem>>
      %dma_start3A_2733 = arith.constant 0 : i32
      %dma_start3A_2734 = tpu.memref_slice %arg8[%dma_start3A_2726, %dma_start3A_2733] : memref<2x2048xi32, #tpu.memory_space<vmem>> -> memref<1x2048xi32, #tpu.memory_space<vmem>>
      %dma_start3A_2735 = tpu.memref_squeeze %dma_start3A_2734 : memref<1x2048xi32, #tpu.memory_space<vmem>> -> memref<2048xi32, #tpu.memory_space<vmem>>
      %dma_start3A_2736 = arith.constant 1408 : i32
      %dma_start3A_2737 = tpu.memref_slice %dma_start3A_2735[%dma_start3A_2736] : memref<2048xi32, #tpu.memory_space<vmem>> -> memref<128xi32, #tpu.memory_space<vmem>>
      %dma_start3A_2738 = arith.constant 0 : i32
      %dma_start3A_2739 = tpu.memref_slice %arg3[%dma_start3A_2738] : memref<1000000xf32, #tpu.memory_space<hbm>> -> memref<1000000xf32, #tpu.memory_space<hbm>>
      tpu.enqueue_indirect_dma source(%dma_start3A_2739 : memref<1000000xf32, #tpu.memory_space<hbm>>) target(%dma_start3A_2732 : memref<128xf32, #tpu.memory_space<vmem>>) offsets(%dma_start3A_2737 : memref<128xi32, #tpu.memory_space<vmem>>) semaphore(%arg15 : memref<!tpu.dma_semaphore, #tpu.memory_space<semaphore_mem>>)
      %dma_start3A_2740 = arith.constant 0 : i32
      %dma_start3A_2741 = arith.constant 0 : i32
      %dma_start3A_2742 = arith.constant 0 : i32
      %dma_start3A_2743 = tpu.memref_slice %arg9[%dma_start3A_2741, %dma_start3A_2742] : memref<2x2048xf32, #tpu.memory_space<vmem>> -> memref<1x2048xf32, #tpu.memory_space<vmem>>
      %dma_start3A_2744 = tpu.memref_squeeze %dma_start3A_2743 : memref<1x2048xf32, #tpu.memory_space<vmem>> -> memref<2048xf32, #tpu.memory_space<vmem>>
      %dma_start3A_2745 = arith.constant 1536 : i32
      %dma_start3A_2746 = tpu.memref_slice %dma_start3A_2744[%dma_start3A_2745] : memref<2048xf32, #tpu.memory_space<vmem>> -> memref<128xf32, #tpu.memory_space<vmem>>
      %dma_start3A_2747 = arith.constant 0 : i32
      %dma_start3A_2748 = tpu.memref_slice %arg7[%dma_start3A_2740, %dma_start3A_2747] : memref<2x2048xi32, #tpu.memory_space<vmem>> -> memref<1x2048xi32, #tpu.memory_space<vmem>>
      %dma_start3A_2749 = tpu.memref_squeeze %dma_start3A_2748 : memref<1x2048xi32, #tpu.memory_space<vmem>> -> memref<2048xi32, #tpu.memory_space<vmem>>
      %dma_start3A_2750 = arith.constant 1536 : i32
      %dma_start3A_2751 = tpu.memref_slice %dma_start3A_2749[%dma_start3A_2750] : memref<2048xi32, #tpu.memory_space<vmem>> -> memref<128xi32, #tpu.memory_space<vmem>>
      %dma_start3A_2752 = arith.constant 0 : i32
      %dma_start3A_2753 = tpu.memref_slice %arg2[%dma_start3A_2752] : memref<1000000xf32, #tpu.memory_space<hbm>> -> memref<1000000xf32, #tpu.memory_space<hbm>>
      tpu.enqueue_indirect_dma source(%dma_start3A_2753 : memref<1000000xf32, #tpu.memory_space<hbm>>) target(%dma_start3A_2746 : memref<128xf32, #tpu.memory_space<vmem>>) offsets(%dma_start3A_2751 : memref<128xi32, #tpu.memory_space<vmem>>) semaphore(%arg15 : memref<!tpu.dma_semaphore, #tpu.memory_space<semaphore_mem>>)
      %dma_start3A_2754 = arith.constant 0 : i32
      %dma_start3A_2755 = arith.constant 0 : i32
      %dma_start3A_2756 = arith.constant 0 : i32
      %dma_start3A_2757 = tpu.memref_slice %arg10[%dma_start3A_2755, %dma_start3A_2756] : memref<2x2048xf32, #tpu.memory_space<vmem>> -> memref<1x2048xf32, #tpu.memory_space<vmem>>
      %dma_start3A_2758 = tpu.memref_squeeze %dma_start3A_2757 : memref<1x2048xf32, #tpu.memory_space<vmem>> -> memref<2048xf32, #tpu.memory_space<vmem>>
      %dma_start3A_2759 = arith.constant 1536 : i32
      %dma_start3A_2760 = tpu.memref_slice %dma_start3A_2758[%dma_start3A_2759] : memref<2048xf32, #tpu.memory_space<vmem>> -> memref<128xf32, #tpu.memory_space<vmem>>
      %dma_start3A_2761 = arith.constant 0 : i32
      %dma_start3A_2762 = tpu.memref_slice %arg7[%dma_start3A_2754, %dma_start3A_2761] : memref<2x2048xi32, #tpu.memory_space<vmem>> -> memref<1x2048xi32, #tpu.memory_space<vmem>>
      %dma_start3A_2763 = tpu.memref_squeeze %dma_start3A_2762 : memref<1x2048xi32, #tpu.memory_space<vmem>> -> memref<2048xi32, #tpu.memory_space<vmem>>
      %dma_start3A_2764 = arith.constant 1536 : i32
      %dma_start3A_2765 = tpu.memref_slice %dma_start3A_2763[%dma_start3A_2764] : memref<2048xi32, #tpu.memory_space<vmem>> -> memref<128xi32, #tpu.memory_space<vmem>>
      %dma_start3A_2766 = arith.constant 0 : i32
      %dma_start3A_2767 = tpu.memref_slice %arg3[%dma_start3A_2766] : memref<1000000xf32, #tpu.memory_space<hbm>> -> memref<1000000xf32, #tpu.memory_space<hbm>>
      tpu.enqueue_indirect_dma source(%dma_start3A_2767 : memref<1000000xf32, #tpu.memory_space<hbm>>) target(%dma_start3A_2760 : memref<128xf32, #tpu.memory_space<vmem>>) offsets(%dma_start3A_2765 : memref<128xi32, #tpu.memory_space<vmem>>) semaphore(%arg15 : memref<!tpu.dma_semaphore, #tpu.memory_space<semaphore_mem>>)
      %dma_start3A_2768 = arith.constant 0 : i32
      %dma_start3A_2769 = arith.constant 0 : i32
      %dma_start3A_2770 = arith.constant 0 : i32
      %dma_start3A_2771 = tpu.memref_slice %arg11[%dma_start3A_2769, %dma_start3A_2770] : memref<2x2048xf32, #tpu.memory_space<vmem>> -> memref<1x2048xf32, #tpu.memory_space<vmem>>
      %dma_start3A_2772 = tpu.memref_squeeze %dma_start3A_2771 : memref<1x2048xf32, #tpu.memory_space<vmem>> -> memref<2048xf32, #tpu.memory_space<vmem>>
      %dma_start3A_2773 = arith.constant 1536 : i32
      %dma_start3A_2774 = tpu.memref_slice %dma_start3A_2772[%dma_start3A_2773] : memref<2048xf32, #tpu.memory_space<vmem>> -> memref<128xf32, #tpu.memory_space<vmem>>
      %dma_start3A_2775 = arith.constant 0 : i32
      %dma_start3A_2776 = tpu.memref_slice %arg8[%dma_start3A_2768, %dma_start3A_2775] : memref<2x2048xi32, #tpu.memory_space<vmem>> -> memref<1x2048xi32, #tpu.memory_space<vmem>>
      %dma_start3A_2777 = tpu.memref_squeeze %dma_start3A_2776 : memref<1x2048xi32, #tpu.memory_space<vmem>> -> memref<2048xi32, #tpu.memory_space<vmem>>
      %dma_start3A_2778 = arith.constant 1536 : i32
      %dma_start3A_2779 = tpu.memref_slice %dma_start3A_2777[%dma_start3A_2778] : memref<2048xi32, #tpu.memory_space<vmem>> -> memref<128xi32, #tpu.memory_space<vmem>>
      %dma_start3A_2780 = arith.constant 0 : i32
      %dma_start3A_2781 = tpu.memref_slice %arg2[%dma_start3A_2780] : memref<1000000xf32, #tpu.memory_space<hbm>> -> memref<1000000xf32, #tpu.memory_space<hbm>>
      tpu.enqueue_indirect_dma source(%dma_start3A_2781 : memref<1000000xf32, #tpu.memory_space<hbm>>) target(%dma_start3A_2774 : memref<128xf32, #tpu.memory_space<vmem>>) offsets(%dma_start3A_2779 : memref<128xi32, #tpu.memory_space<vmem>>) semaphore(%arg15 : memref<!tpu.dma_semaphore, #tpu.memory_space<semaphore_mem>>)
      %dma_start3A_2782 = arith.constant 0 : i32
      %dma_start3A_2783 = arith.constant 0 : i32
      %dma_start3A_2784 = arith.constant 0 : i32
      %dma_start3A_2785 = tpu.memref_slice %arg12[%dma_start3A_2783, %dma_start3A_2784] : memref<2x2048xf32, #tpu.memory_space<vmem>> -> memref<1x2048xf32, #tpu.memory_space<vmem>>
      %dma_start3A_2786 = tpu.memref_squeeze %dma_start3A_2785 : memref<1x2048xf32, #tpu.memory_space<vmem>> -> memref<2048xf32, #tpu.memory_space<vmem>>
      %dma_start3A_2787 = arith.constant 1536 : i32
      %dma_start3A_2788 = tpu.memref_slice %dma_start3A_2786[%dma_start3A_2787] : memref<2048xf32, #tpu.memory_space<vmem>> -> memref<128xf32, #tpu.memory_space<vmem>>
      %dma_start3A_2789 = arith.constant 0 : i32
      %dma_start3A_2790 = tpu.memref_slice %arg8[%dma_start3A_2782, %dma_start3A_2789] : memref<2x2048xi32, #tpu.memory_space<vmem>> -> memref<1x2048xi32, #tpu.memory_space<vmem>>
      %dma_start3A_2791 = tpu.memref_squeeze %dma_start3A_2790 : memref<1x2048xi32, #tpu.memory_space<vmem>> -> memref<2048xi32, #tpu.memory_space<vmem>>
      %dma_start3A_2792 = arith.constant 1536 : i32
      %dma_start3A_2793 = tpu.memref_slice %dma_start3A_2791[%dma_start3A_2792] : memref<2048xi32, #tpu.memory_space<vmem>> -> memref<128xi32, #tpu.memory_space<vmem>>
      %dma_start3A_2794 = arith.constant 0 : i32
      %dma_start3A_2795 = tpu.memref_slice %arg3[%dma_start3A_2794] : memref<1000000xf32, #tpu.memory_space<hbm>> -> memref<1000000xf32, #tpu.memory_space<hbm>>
      tpu.enqueue_indirect_dma source(%dma_start3A_2795 : memref<1000000xf32, #tpu.memory_space<hbm>>) target(%dma_start3A_2788 : memref<128xf32, #tpu.memory_space<vmem>>) offsets(%dma_start3A_2793 : memref<128xi32, #tpu.memory_space<vmem>>) semaphore(%arg15 : memref<!tpu.dma_semaphore, #tpu.memory_space<semaphore_mem>>)
      %dma_start3A_2796 = arith.constant 0 : i32
      %dma_start3A_2797 = arith.constant 0 : i32
      %dma_start3A_2798 = arith.constant 0 : i32
      %dma_start3A_2799 = tpu.memref_slice %arg9[%dma_start3A_2797, %dma_start3A_2798] : memref<2x2048xf32, #tpu.memory_space<vmem>> -> memref<1x2048xf32, #tpu.memory_space<vmem>>
      %dma_start3A_2800 = tpu.memref_squeeze %dma_start3A_2799 : memref<1x2048xf32, #tpu.memory_space<vmem>> -> memref<2048xf32, #tpu.memory_space<vmem>>
      %dma_start3A_2801 = arith.constant 1664 : i32
      %dma_start3A_2802 = tpu.memref_slice %dma_start3A_2800[%dma_start3A_2801] : memref<2048xf32, #tpu.memory_space<vmem>> -> memref<128xf32, #tpu.memory_space<vmem>>
      %dma_start3A_2803 = arith.constant 0 : i32
      %dma_start3A_2804 = tpu.memref_slice %arg7[%dma_start3A_2796, %dma_start3A_2803] : memref<2x2048xi32, #tpu.memory_space<vmem>> -> memref<1x2048xi32, #tpu.memory_space<vmem>>
      %dma_start3A_2805 = tpu.memref_squeeze %dma_start3A_2804 : memref<1x2048xi32, #tpu.memory_space<vmem>> -> memref<2048xi32, #tpu.memory_space<vmem>>
      %dma_start3A_2806 = arith.constant 1664 : i32
      %dma_start3A_2807 = tpu.memref_slice %dma_start3A_2805[%dma_start3A_2806] : memref<2048xi32, #tpu.memory_space<vmem>> -> memref<128xi32, #tpu.memory_space<vmem>>
      %dma_start3A_2808 = arith.constant 0 : i32
      %dma_start3A_2809 = tpu.memref_slice %arg2[%dma_start3A_2808] : memref<1000000xf32, #tpu.memory_space<hbm>> -> memref<1000000xf32, #tpu.memory_space<hbm>>
      tpu.enqueue_indirect_dma source(%dma_start3A_2809 : memref<1000000xf32, #tpu.memory_space<hbm>>) target(%dma_start3A_2802 : memref<128xf32, #tpu.memory_space<vmem>>) offsets(%dma_start3A_2807 : memref<128xi32, #tpu.memory_space<vmem>>) semaphore(%arg15 : memref<!tpu.dma_semaphore, #tpu.memory_space<semaphore_mem>>)
      %dma_start3A_2810 = arith.constant 0 : i32
      %dma_start3A_2811 = arith.constant 0 : i32
      %dma_start3A_2812 = arith.constant 0 : i32
      %dma_start3A_2813 = tpu.memref_slice %arg10[%dma_start3A_2811, %dma_start3A_2812] : memref<2x2048xf32, #tpu.memory_space<vmem>> -> memref<1x2048xf32, #tpu.memory_space<vmem>>
      %dma_start3A_2814 = tpu.memref_squeeze %dma_start3A_2813 : memref<1x2048xf32, #tpu.memory_space<vmem>> -> memref<2048xf32, #tpu.memory_space<vmem>>
      %dma_start3A_2815 = arith.constant 1664 : i32
      %dma_start3A_2816 = tpu.memref_slice %dma_start3A_2814[%dma_start3A_2815] : memref<2048xf32, #tpu.memory_space<vmem>> -> memref<128xf32, #tpu.memory_space<vmem>>
      %dma_start3A_2817 = arith.constant 0 : i32
      %dma_start3A_2818 = tpu.memref_slice %arg7[%dma_start3A_2810, %dma_start3A_2817] : memref<2x2048xi32, #tpu.memory_space<vmem>> -> memref<1x2048xi32, #tpu.memory_space<vmem>>
      %dma_start3A_2819 = tpu.memref_squeeze %dma_start3A_2818 : memref<1x2048xi32, #tpu.memory_space<vmem>> -> memref<2048xi32, #tpu.memory_space<vmem>>
      %dma_start3A_2820 = arith.constant 1664 : i32
      %dma_start3A_2821 = tpu.memref_slice %dma_start3A_2819[%dma_start3A_2820] : memref<2048xi32, #tpu.memory_space<vmem>> -> memref<128xi32, #tpu.memory_space<vmem>>
      %dma_start3A_2822 = arith.constant 0 : i32
      %dma_start3A_2823 = tpu.memref_slice %arg3[%dma_start3A_2822] : memref<1000000xf32, #tpu.memory_space<hbm>> -> memref<1000000xf32, #tpu.memory_space<hbm>>
      tpu.enqueue_indirect_dma source(%dma_start3A_2823 : memref<1000000xf32, #tpu.memory_space<hbm>>) target(%dma_start3A_2816 : memref<128xf32, #tpu.memory_space<vmem>>) offsets(%dma_start3A_2821 : memref<128xi32, #tpu.memory_space<vmem>>) semaphore(%arg15 : memref<!tpu.dma_semaphore, #tpu.memory_space<semaphore_mem>>)
      %dma_start3A_2824 = arith.constant 0 : i32
      %dma_start3A_2825 = arith.constant 0 : i32
      %dma_start3A_2826 = arith.constant 0 : i32
      %dma_start3A_2827 = tpu.memref_slice %arg11[%dma_start3A_2825, %dma_start3A_2826] : memref<2x2048xf32, #tpu.memory_space<vmem>> -> memref<1x2048xf32, #tpu.memory_space<vmem>>
      %dma_start3A_2828 = tpu.memref_squeeze %dma_start3A_2827 : memref<1x2048xf32, #tpu.memory_space<vmem>> -> memref<2048xf32, #tpu.memory_space<vmem>>
      %dma_start3A_2829 = arith.constant 1664 : i32
      %dma_start3A_2830 = tpu.memref_slice %dma_start3A_2828[%dma_start3A_2829] : memref<2048xf32, #tpu.memory_space<vmem>> -> memref<128xf32, #tpu.memory_space<vmem>>
      %dma_start3A_2831 = arith.constant 0 : i32
      %dma_start3A_2832 = tpu.memref_slice %arg8[%dma_start3A_2824, %dma_start3A_2831] : memref<2x2048xi32, #tpu.memory_space<vmem>> -> memref<1x2048xi32, #tpu.memory_space<vmem>>
      %dma_start3A_2833 = tpu.memref_squeeze %dma_start3A_2832 : memref<1x2048xi32, #tpu.memory_space<vmem>> -> memref<2048xi32, #tpu.memory_space<vmem>>
      %dma_start3A_2834 = arith.constant 1664 : i32
      %dma_start3A_2835 = tpu.memref_slice %dma_start3A_2833[%dma_start3A_2834] : memref<2048xi32, #tpu.memory_space<vmem>> -> memref<128xi32, #tpu.memory_space<vmem>>
      %dma_start3A_2836 = arith.constant 0 : i32
      %dma_start3A_2837 = tpu.memref_slice %arg2[%dma_start3A_2836] : memref<1000000xf32, #tpu.memory_space<hbm>> -> memref<1000000xf32, #tpu.memory_space<hbm>>
      tpu.enqueue_indirect_dma source(%dma_start3A_2837 : memref<1000000xf32, #tpu.memory_space<hbm>>) target(%dma_start3A_2830 : memref<128xf32, #tpu.memory_space<vmem>>) offsets(%dma_start3A_2835 : memref<128xi32, #tpu.memory_space<vmem>>) semaphore(%arg15 : memref<!tpu.dma_semaphore, #tpu.memory_space<semaphore_mem>>)
      %dma_start3A_2838 = arith.constant 0 : i32
      %dma_start3A_2839 = arith.constant 0 : i32
      %dma_start3A_2840 = arith.constant 0 : i32
      %dma_start3A_2841 = tpu.memref_slice %arg12[%dma_start3A_2839, %dma_start3A_2840] : memref<2x2048xf32, #tpu.memory_space<vmem>> -> memref<1x2048xf32, #tpu.memory_space<vmem>>
      %dma_start3A_2842 = tpu.memref_squeeze %dma_start3A_2841 : memref<1x2048xf32, #tpu.memory_space<vmem>> -> memref<2048xf32, #tpu.memory_space<vmem>>
      %dma_start3A_2843 = arith.constant 1664 : i32
      %dma_start3A_2844 = tpu.memref_slice %dma_start3A_2842[%dma_start3A_2843] : memref<2048xf32, #tpu.memory_space<vmem>> -> memref<128xf32, #tpu.memory_space<vmem>>
      %dma_start3A_2845 = arith.constant 0 : i32
      %dma_start3A_2846 = tpu.memref_slice %arg8[%dma_start3A_2838, %dma_start3A_2845] : memref<2x2048xi32, #tpu.memory_space<vmem>> -> memref<1x2048xi32, #tpu.memory_space<vmem>>
      %dma_start3A_2847 = tpu.memref_squeeze %dma_start3A_2846 : memref<1x2048xi32, #tpu.memory_space<vmem>> -> memref<2048xi32, #tpu.memory_space<vmem>>
      %dma_start3A_2848 = arith.constant 1664 : i32
      %dma_start3A_2849 = tpu.memref_slice %dma_start3A_2847[%dma_start3A_2848] : memref<2048xi32, #tpu.memory_space<vmem>> -> memref<128xi32, #tpu.memory_space<vmem>>
      %dma_start3A_2850 = arith.constant 0 : i32
      %dma_start3A_2851 = tpu.memref_slice %arg3[%dma_start3A_2850] : memref<1000000xf32, #tpu.memory_space<hbm>> -> memref<1000000xf32, #tpu.memory_space<hbm>>
      tpu.enqueue_indirect_dma source(%dma_start3A_2851 : memref<1000000xf32, #tpu.memory_space<hbm>>) target(%dma_start3A_2844 : memref<128xf32, #tpu.memory_space<vmem>>) offsets(%dma_start3A_2849 : memref<128xi32, #tpu.memory_space<vmem>>) semaphore(%arg15 : memref<!tpu.dma_semaphore, #tpu.memory_space<semaphore_mem>>)
      %dma_start3A_2852 = arith.constant 0 : i32
      %dma_start3A_2853 = arith.constant 0 : i32
      %dma_start3A_2854 = arith.constant 0 : i32
      %dma_start3A_2855 = tpu.memref_slice %arg9[%dma_start3A_2853, %dma_start3A_2854] : memref<2x2048xf32, #tpu.memory_space<vmem>> -> memref<1x2048xf32, #tpu.memory_space<vmem>>
      %dma_start3A_2856 = tpu.memref_squeeze %dma_start3A_2855 : memref<1x2048xf32, #tpu.memory_space<vmem>> -> memref<2048xf32, #tpu.memory_space<vmem>>
      %dma_start3A_2857 = arith.constant 1792 : i32
      %dma_start3A_2858 = tpu.memref_slice %dma_start3A_2856[%dma_start3A_2857] : memref<2048xf32, #tpu.memory_space<vmem>> -> memref<128xf32, #tpu.memory_space<vmem>>
      %dma_start3A_2859 = arith.constant 0 : i32
      %dma_start3A_2860 = tpu.memref_slice %arg7[%dma_start3A_2852, %dma_start3A_2859] : memref<2x2048xi32, #tpu.memory_space<vmem>> -> memref<1x2048xi32, #tpu.memory_space<vmem>>
      %dma_start3A_2861 = tpu.memref_squeeze %dma_start3A_2860 : memref<1x2048xi32, #tpu.memory_space<vmem>> -> memref<2048xi32, #tpu.memory_space<vmem>>
      %dma_start3A_2862 = arith.constant 1792 : i32
      %dma_start3A_2863 = tpu.memref_slice %dma_start3A_2861[%dma_start3A_2862] : memref<2048xi32, #tpu.memory_space<vmem>> -> memref<128xi32, #tpu.memory_space<vmem>>
      %dma_start3A_2864 = arith.constant 0 : i32
      %dma_start3A_2865 = tpu.memref_slice %arg2[%dma_start3A_2864] : memref<1000000xf32, #tpu.memory_space<hbm>> -> memref<1000000xf32, #tpu.memory_space<hbm>>
      tpu.enqueue_indirect_dma source(%dma_start3A_2865 : memref<1000000xf32, #tpu.memory_space<hbm>>) target(%dma_start3A_2858 : memref<128xf32, #tpu.memory_space<vmem>>) offsets(%dma_start3A_2863 : memref<128xi32, #tpu.memory_space<vmem>>) semaphore(%arg15 : memref<!tpu.dma_semaphore, #tpu.memory_space<semaphore_mem>>)
      %dma_start3A_2866 = arith.constant 0 : i32
      %dma_start3A_2867 = arith.constant 0 : i32
      %dma_start3A_2868 = arith.constant 0 : i32
      %dma_start3A_2869 = tpu.memref_slice %arg10[%dma_start3A_2867, %dma_start3A_2868] : memref<2x2048xf32, #tpu.memory_space<vmem>> -> memref<1x2048xf32, #tpu.memory_space<vmem>>
      %dma_start3A_2870 = tpu.memref_squeeze %dma_start3A_2869 : memref<1x2048xf32, #tpu.memory_space<vmem>> -> memref<2048xf32, #tpu.memory_space<vmem>>
      %dma_start3A_2871 = arith.constant 1792 : i32
      %dma_start3A_2872 = tpu.memref_slice %dma_start3A_2870[%dma_start3A_2871] : memref<2048xf32, #tpu.memory_space<vmem>> -> memref<128xf32, #tpu.memory_space<vmem>>
      %dma_start3A_2873 = arith.constant 0 : i32
      %dma_start3A_2874 = tpu.memref_slice %arg7[%dma_start3A_2866, %dma_start3A_2873] : memref<2x2048xi32, #tpu.memory_space<vmem>> -> memref<1x2048xi32, #tpu.memory_space<vmem>>
      %dma_start3A_2875 = tpu.memref_squeeze %dma_start3A_2874 : memref<1x2048xi32, #tpu.memory_space<vmem>> -> memref<2048xi32, #tpu.memory_space<vmem>>
      %dma_start3A_2876 = arith.constant 1792 : i32
      %dma_start3A_2877 = tpu.memref_slice %dma_start3A_2875[%dma_start3A_2876] : memref<2048xi32, #tpu.memory_space<vmem>> -> memref<128xi32, #tpu.memory_space<vmem>>
      %dma_start3A_2878 = arith.constant 0 : i32
      %dma_start3A_2879 = tpu.memref_slice %arg3[%dma_start3A_2878] : memref<1000000xf32, #tpu.memory_space<hbm>> -> memref<1000000xf32, #tpu.memory_space<hbm>>
      tpu.enqueue_indirect_dma source(%dma_start3A_2879 : memref<1000000xf32, #tpu.memory_space<hbm>>) target(%dma_start3A_2872 : memref<128xf32, #tpu.memory_space<vmem>>) offsets(%dma_start3A_2877 : memref<128xi32, #tpu.memory_space<vmem>>) semaphore(%arg15 : memref<!tpu.dma_semaphore, #tpu.memory_space<semaphore_mem>>)
      %dma_start3A_2880 = arith.constant 0 : i32
      %dma_start3A_2881 = arith.constant 0 : i32
      %dma_start3A_2882 = arith.constant 0 : i32
      %dma_start3A_2883 = tpu.memref_slice %arg11[%dma_start3A_2881, %dma_start3A_2882] : memref<2x2048xf32, #tpu.memory_space<vmem>> -> memref<1x2048xf32, #tpu.memory_space<vmem>>
      %dma_start3A_2884 = tpu.memref_squeeze %dma_start3A_2883 : memref<1x2048xf32, #tpu.memory_space<vmem>> -> memref<2048xf32, #tpu.memory_space<vmem>>
      %dma_start3A_2885 = arith.constant 1792 : i32
      %dma_start3A_2886 = tpu.memref_slice %dma_start3A_2884[%dma_start3A_2885] : memref<2048xf32, #tpu.memory_space<vmem>> -> memref<128xf32, #tpu.memory_space<vmem>>
      %dma_start3A_2887 = arith.constant 0 : i32
      %dma_start3A_2888 = tpu.memref_slice %arg8[%dma_start3A_2880, %dma_start3A_2887] : memref<2x2048xi32, #tpu.memory_space<vmem>> -> memref<1x2048xi32, #tpu.memory_space<vmem>>
      %dma_start3A_2889 = tpu.memref_squeeze %dma_start3A_2888 : memref<1x2048xi32, #tpu.memory_space<vmem>> -> memref<2048xi32, #tpu.memory_space<vmem>>
      %dma_start3A_2890 = arith.constant 1792 : i32
      %dma_start3A_2891 = tpu.memref_slice %dma_start3A_2889[%dma_start3A_2890] : memref<2048xi32, #tpu.memory_space<vmem>> -> memref<128xi32, #tpu.memory_space<vmem>>
      %dma_start3A_2892 = arith.constant 0 : i32
      %dma_start3A_2893 = tpu.memref_slice %arg2[%dma_start3A_2892] : memref<1000000xf32, #tpu.memory_space<hbm>> -> memref<1000000xf32, #tpu.memory_space<hbm>>
      tpu.enqueue_indirect_dma source(%dma_start3A_2893 : memref<1000000xf32, #tpu.memory_space<hbm>>) target(%dma_start3A_2886 : memref<128xf32, #tpu.memory_space<vmem>>) offsets(%dma_start3A_2891 : memref<128xi32, #tpu.memory_space<vmem>>) semaphore(%arg15 : memref<!tpu.dma_semaphore, #tpu.memory_space<semaphore_mem>>)
      %dma_start3A_2894 = arith.constant 0 : i32
      %dma_start3A_2895 = arith.constant 0 : i32
      %dma_start3A_2896 = arith.constant 0 : i32
      %dma_start3A_2897 = tpu.memref_slice %arg12[%dma_start3A_2895, %dma_start3A_2896] : memref<2x2048xf32, #tpu.memory_space<vmem>> -> memref<1x2048xf32, #tpu.memory_space<vmem>>
      %dma_start3A_2898 = tpu.memref_squeeze %dma_start3A_2897 : memref<1x2048xf32, #tpu.memory_space<vmem>> -> memref<2048xf32, #tpu.memory_space<vmem>>
      %dma_start3A_2899 = arith.constant 1792 : i32
      %dma_start3A_2900 = tpu.memref_slice %dma_start3A_2898[%dma_start3A_2899] : memref<2048xf32, #tpu.memory_space<vmem>> -> memref<128xf32, #tpu.memory_space<vmem>>
      %dma_start3A_2901 = arith.constant 0 : i32
      %dma_start3A_2902 = tpu.memref_slice %arg8[%dma_start3A_2894, %dma_start3A_2901] : memref<2x2048xi32, #tpu.memory_space<vmem>> -> memref<1x2048xi32, #tpu.memory_space<vmem>>
      %dma_start3A_2903 = tpu.memref_squeeze %dma_start3A_2902 : memref<1x2048xi32, #tpu.memory_space<vmem>> -> memref<2048xi32, #tpu.memory_space<vmem>>
      %dma_start3A_2904 = arith.constant 1792 : i32
      %dma_start3A_2905 = tpu.memref_slice %dma_start3A_2903[%dma_start3A_2904] : memref<2048xi32, #tpu.memory_space<vmem>> -> memref<128xi32, #tpu.memory_space<vmem>>
      %dma_start3A_2906 = arith.constant 0 : i32
      %dma_start3A_2907 = tpu.memref_slice %arg3[%dma_start3A_2906] : memref<1000000xf32, #tpu.memory_space<hbm>> -> memref<1000000xf32, #tpu.memory_space<hbm>>
      tpu.enqueue_indirect_dma source(%dma_start3A_2907 : memref<1000000xf32, #tpu.memory_space<hbm>>) target(%dma_start3A_2900 : memref<128xf32, #tpu.memory_space<vmem>>) offsets(%dma_start3A_2905 : memref<128xi32, #tpu.memory_space<vmem>>) semaphore(%arg15 : memref<!tpu.dma_semaphore, #tpu.memory_space<semaphore_mem>>)
      %dma_start3A_2908 = arith.constant 0 : i32
      %dma_start3A_2909 = arith.constant 0 : i32
      %dma_start3A_2910 = arith.constant 0 : i32
      %dma_start3A_2911 = tpu.memref_slice %arg9[%dma_start3A_2909, %dma_start3A_2910] : memref<2x2048xf32, #tpu.memory_space<vmem>> -> memref<1x2048xf32, #tpu.memory_space<vmem>>
      %dma_start3A_2912 = tpu.memref_squeeze %dma_start3A_2911 : memref<1x2048xf32, #tpu.memory_space<vmem>> -> memref<2048xf32, #tpu.memory_space<vmem>>
      %dma_start3A_2913 = arith.constant 1920 : i32
      %dma_start3A_2914 = tpu.memref_slice %dma_start3A_2912[%dma_start3A_2913] : memref<2048xf32, #tpu.memory_space<vmem>> -> memref<128xf32, #tpu.memory_space<vmem>>
      %dma_start3A_2915 = arith.constant 0 : i32
      %dma_start3A_2916 = tpu.memref_slice %arg7[%dma_start3A_2908, %dma_start3A_2915] : memref<2x2048xi32, #tpu.memory_space<vmem>> -> memref<1x2048xi32, #tpu.memory_space<vmem>>
      %dma_start3A_2917 = tpu.memref_squeeze %dma_start3A_2916 : memref<1x2048xi32, #tpu.memory_space<vmem>> -> memref<2048xi32, #tpu.memory_space<vmem>>
      %dma_start3A_2918 = arith.constant 1920 : i32
      %dma_start3A_2919 = tpu.memref_slice %dma_start3A_2917[%dma_start3A_2918] : memref<2048xi32, #tpu.memory_space<vmem>> -> memref<128xi32, #tpu.memory_space<vmem>>
      %dma_start3A_2920 = arith.constant 0 : i32
      %dma_start3A_2921 = tpu.memref_slice %arg2[%dma_start3A_2920] : memref<1000000xf32, #tpu.memory_space<hbm>> -> memref<1000000xf32, #tpu.memory_space<hbm>>
      tpu.enqueue_indirect_dma source(%dma_start3A_2921 : memref<1000000xf32, #tpu.memory_space<hbm>>) target(%dma_start3A_2914 : memref<128xf32, #tpu.memory_space<vmem>>) offsets(%dma_start3A_2919 : memref<128xi32, #tpu.memory_space<vmem>>) semaphore(%arg15 : memref<!tpu.dma_semaphore, #tpu.memory_space<semaphore_mem>>)
      %dma_start3A_2922 = arith.constant 0 : i32
      %dma_start3A_2923 = arith.constant 0 : i32
      %dma_start3A_2924 = arith.constant 0 : i32
      %dma_start3A_2925 = tpu.memref_slice %arg10[%dma_start3A_2923, %dma_start3A_2924] : memref<2x2048xf32, #tpu.memory_space<vmem>> -> memref<1x2048xf32, #tpu.memory_space<vmem>>
      %dma_start3A_2926 = tpu.memref_squeeze %dma_start3A_2925 : memref<1x2048xf32, #tpu.memory_space<vmem>> -> memref<2048xf32, #tpu.memory_space<vmem>>
      %dma_start3A_2927 = arith.constant 1920 : i32
      %dma_start3A_2928 = tpu.memref_slice %dma_start3A_2926[%dma_start3A_2927] : memref<2048xf32, #tpu.memory_space<vmem>> -> memref<128xf32, #tpu.memory_space<vmem>>
      %dma_start3A_2929 = arith.constant 0 : i32
      %dma_start3A_2930 = tpu.memref_slice %arg7[%dma_start3A_2922, %dma_start3A_2929] : memref<2x2048xi32, #tpu.memory_space<vmem>> -> memref<1x2048xi32, #tpu.memory_space<vmem>>
      %dma_start3A_2931 = tpu.memref_squeeze %dma_start3A_2930 : memref<1x2048xi32, #tpu.memory_space<vmem>> -> memref<2048xi32, #tpu.memory_space<vmem>>
      %dma_start3A_2932 = arith.constant 1920 : i32
      %dma_start3A_2933 = tpu.memref_slice %dma_start3A_2931[%dma_start3A_2932] : memref<2048xi32, #tpu.memory_space<vmem>> -> memref<128xi32, #tpu.memory_space<vmem>>
      %dma_start3A_2934 = arith.constant 0 : i32
      %dma_start3A_2935 = tpu.memref_slice %arg3[%dma_start3A_2934] : memref<1000000xf32, #tpu.memory_space<hbm>> -> memref<1000000xf32, #tpu.memory_space<hbm>>
      tpu.enqueue_indirect_dma source(%dma_start3A_2935 : memref<1000000xf32, #tpu.memory_space<hbm>>) target(%dma_start3A_2928 : memref<128xf32, #tpu.memory_space<vmem>>) offsets(%dma_start3A_2933 : memref<128xi32, #tpu.memory_space<vmem>>) semaphore(%arg15 : memref<!tpu.dma_semaphore, #tpu.memory_space<semaphore_mem>>)
      %dma_start3A_2936 = arith.constant 0 : i32
      %dma_start3A_2937 = arith.constant 0 : i32
      %dma_start3A_2938 = arith.constant 0 : i32
      %dma_start3A_2939 = tpu.memref_slice %arg11[%dma_start3A_2937, %dma_start3A_2938] : memref<2x2048xf32, #tpu.memory_space<vmem>> -> memref<1x2048xf32, #tpu.memory_space<vmem>>
      %dma_start3A_2940 = tpu.memref_squeeze %dma_start3A_2939 : memref<1x2048xf32, #tpu.memory_space<vmem>> -> memref<2048xf32, #tpu.memory_space<vmem>>
      %dma_start3A_2941 = arith.constant 1920 : i32
      %dma_start3A_2942 = tpu.memref_slice %dma_start3A_2940[%dma_start3A_2941] : memref<2048xf32, #tpu.memory_space<vmem>> -> memref<128xf32, #tpu.memory_space<vmem>>
      %dma_start3A_2943 = arith.constant 0 : i32
      %dma_start3A_2944 = tpu.memref_slice %arg8[%dma_start3A_2936, %dma_start3A_2943] : memref<2x2048xi32, #tpu.memory_space<vmem>> -> memref<1x2048xi32, #tpu.memory_space<vmem>>
      %dma_start3A_2945 = tpu.memref_squeeze %dma_start3A_2944 : memref<1x2048xi32, #tpu.memory_space<vmem>> -> memref<2048xi32, #tpu.memory_space<vmem>>
      %dma_start3A_2946 = arith.constant 1920 : i32
      %dma_start3A_2947 = tpu.memref_slice %dma_start3A_2945[%dma_start3A_2946] : memref<2048xi32, #tpu.memory_space<vmem>> -> memref<128xi32, #tpu.memory_space<vmem>>
      %dma_start3A_2948 = arith.constant 0 : i32
      %dma_start3A_2949 = tpu.memref_slice %arg2[%dma_start3A_2948] : memref<1000000xf32, #tpu.memory_space<hbm>> -> memref<1000000xf32, #tpu.memory_space<hbm>>
      tpu.enqueue_indirect_dma source(%dma_start3A_2949 : memref<1000000xf32, #tpu.memory_space<hbm>>) target(%dma_start3A_2942 : memref<128xf32, #tpu.memory_space<vmem>>) offsets(%dma_start3A_2947 : memref<128xi32, #tpu.memory_space<vmem>>) semaphore(%arg15 : memref<!tpu.dma_semaphore, #tpu.memory_space<semaphore_mem>>)
      %dma_start3A_2950 = arith.constant 0 : i32
      %dma_start3A_2951 = arith.constant 0 : i32
      %dma_start3A_2952 = arith.constant 0 : i32
      %dma_start3A_2953 = tpu.memref_slice %arg12[%dma_start3A_2951, %dma_start3A_2952] : memref<2x2048xf32, #tpu.memory_space<vmem>> -> memref<1x2048xf32, #tpu.memory_space<vmem>>
      %dma_start3A_2954 = tpu.memref_squeeze %dma_start3A_2953 : memref<1x2048xf32, #tpu.memory_space<vmem>> -> memref<2048xf32, #tpu.memory_space<vmem>>
      %dma_start3A_2955 = arith.constant 1920 : i32
      %dma_start3A_2956 = tpu.memref_slice %dma_start3A_2954[%dma_start3A_2955] : memref<2048xf32, #tpu.memory_space<vmem>> -> memref<128xf32, #tpu.memory_space<vmem>>
      %dma_start3A_2957 = arith.constant 0 : i32
      %dma_start3A_2958 = tpu.memref_slice %arg8[%dma_start3A_2950, %dma_start3A_2957] : memref<2x2048xi32, #tpu.memory_space<vmem>> -> memref<1x2048xi32, #tpu.memory_space<vmem>>
      %dma_start3A_2959 = tpu.memref_squeeze %dma_start3A_2958 : memref<1x2048xi32, #tpu.memory_space<vmem>> -> memref<2048xi32, #tpu.memory_space<vmem>>
      %dma_start3A_2960 = arith.constant 1920 : i32
      %dma_start3A_2961 = tpu.memref_slice %dma_start3A_2959[%dma_start3A_2960] : memref<2048xi32, #tpu.memory_space<vmem>> -> memref<128xi32, #tpu.memory_space<vmem>>
      %dma_start3A_2962 = arith.constant 0 : i32
      %dma_start3A_2963 = tpu.memref_slice %arg3[%dma_start3A_2962] : memref<1000000xf32, #tpu.memory_space<hbm>> -> memref<1000000xf32, #tpu.memory_space<hbm>>
      tpu.enqueue_indirect_dma source(%dma_start3A_2963 : memref<1000000xf32, #tpu.memory_space<hbm>>) target(%dma_start3A_2956 : memref<128xf32, #tpu.memory_space<vmem>>) offsets(%dma_start3A_2961 : memref<128xi32, #tpu.memory_space<vmem>>) semaphore(%arg15 : memref<!tpu.dma_semaphore, #tpu.memory_space<semaphore_mem>>)
      %dma_wait3A_2964 = arith.constant 1 : i32
      %dma_wait3A_2965 = arith.constant 0 : i32
      %dma_wait3A_2966 = tpu.memref_slice %arg9[%dma_wait3A_2964, %dma_wait3A_2965] : memref<2x2048xf32, #tpu.memory_space<vmem>> -> memref<1x2048xf32, #tpu.memory_space<vmem>>
      %dma_wait3A_2967 = tpu.memref_squeeze %dma_wait3A_2966 : memref<1x2048xf32, #tpu.memory_space<vmem>> -> memref<2048xf32, #tpu.memory_space<vmem>>
      %dma_wait3A_2968 = arith.constant 0 : i32
      %dma_wait3A_2969 = tpu.memref_slice %arg2[%dma_wait3A_2968] : memref<1000000xf32, #tpu.memory_space<hbm>> -> memref<2048xf32, #tpu.memory_space<hbm>>
      %dma_wait3A_2970 = arith.constant 0 : i32
      %dma_wait3A_2971 = tpu.memref_slice %arg9[%dma_wait3A_2964, %dma_wait3A_2970] : memref<2x2048xf32, #tpu.memory_space<vmem>> -> memref<1x2048xf32, #tpu.memory_space<vmem>>
      %dma_wait3A_2972 = tpu.memref_squeeze %dma_wait3A_2971 : memref<1x2048xf32, #tpu.memory_space<vmem>> -> memref<2048xf32, #tpu.memory_space<vmem>>
      %dma_wait3A_2973 = arith.constant 0 : i32
      %dma_wait3A_2974 = tpu.memref_slice %arg2[%dma_wait3A_2973] : memref<1000000xf32, #tpu.memory_space<hbm>> -> memref<2048xf32, #tpu.memory_space<hbm>>
      tpu.wait_dma2 semaphore(%arg15 : memref<!tpu.dma_semaphore, #tpu.memory_space<semaphore_mem>>) src(%dma_wait3A_2974 : memref<2048xf32, #tpu.memory_space<hbm>>) dst(%dma_wait3A_2972 : memref<2048xf32, #tpu.memory_space<vmem>>)
      %dma_wait3A_2975 = arith.constant 1 : i32
      %dma_wait3A_2976 = arith.constant 0 : i32
      %dma_wait3A_2977 = tpu.memref_slice %arg10[%dma_wait3A_2975, %dma_wait3A_2976] : memref<2x2048xf32, #tpu.memory_space<vmem>> -> memref<1x2048xf32, #tpu.memory_space<vmem>>
      %dma_wait3A_2978 = tpu.memref_squeeze %dma_wait3A_2977 : memref<1x2048xf32, #tpu.memory_space<vmem>> -> memref<2048xf32, #tpu.memory_space<vmem>>
      %dma_wait3A_2979 = arith.constant 0 : i32
      %dma_wait3A_2980 = tpu.memref_slice %arg2[%dma_wait3A_2979] : memref<1000000xf32, #tpu.memory_space<hbm>> -> memref<2048xf32, #tpu.memory_space<hbm>>
      %dma_wait3A_2981 = arith.constant 0 : i32
      %dma_wait3A_2982 = tpu.memref_slice %arg10[%dma_wait3A_2975, %dma_wait3A_2981] : memref<2x2048xf32, #tpu.memory_space<vmem>> -> memref<1x2048xf32, #tpu.memory_space<vmem>>
      %dma_wait3A_2983 = tpu.memref_squeeze %dma_wait3A_2982 : memref<1x2048xf32, #tpu.memory_space<vmem>> -> memref<2048xf32, #tpu.memory_space<vmem>>
      %dma_wait3A_2984 = arith.constant 0 : i32
      %dma_wait3A_2985 = tpu.memref_slice %arg2[%dma_wait3A_2984] : memref<1000000xf32, #tpu.memory_space<hbm>> -> memref<2048xf32, #tpu.memory_space<hbm>>
      tpu.wait_dma2 semaphore(%arg15 : memref<!tpu.dma_semaphore, #tpu.memory_space<semaphore_mem>>) src(%dma_wait3A_2985 : memref<2048xf32, #tpu.memory_space<hbm>>) dst(%dma_wait3A_2983 : memref<2048xf32, #tpu.memory_space<vmem>>)
      %dma_wait3A_2986 = arith.constant 1 : i32
      %dma_wait3A_2987 = arith.constant 0 : i32
      %dma_wait3A_2988 = tpu.memref_slice %arg11[%dma_wait3A_2986, %dma_wait3A_2987] : memref<2x2048xf32, #tpu.memory_space<vmem>> -> memref<1x2048xf32, #tpu.memory_space<vmem>>
      %dma_wait3A_2989 = tpu.memref_squeeze %dma_wait3A_2988 : memref<1x2048xf32, #tpu.memory_space<vmem>> -> memref<2048xf32, #tpu.memory_space<vmem>>
      %dma_wait3A_2990 = arith.constant 0 : i32
      %dma_wait3A_2991 = tpu.memref_slice %arg2[%dma_wait3A_2990] : memref<1000000xf32, #tpu.memory_space<hbm>> -> memref<2048xf32, #tpu.memory_space<hbm>>
      %dma_wait3A_2992 = arith.constant 0 : i32
      %dma_wait3A_2993 = tpu.memref_slice %arg11[%dma_wait3A_2986, %dma_wait3A_2992] : memref<2x2048xf32, #tpu.memory_space<vmem>> -> memref<1x2048xf32, #tpu.memory_space<vmem>>
      %dma_wait3A_2994 = tpu.memref_squeeze %dma_wait3A_2993 : memref<1x2048xf32, #tpu.memory_space<vmem>> -> memref<2048xf32, #tpu.memory_space<vmem>>
      %dma_wait3A_2995 = arith.constant 0 : i32
      %dma_wait3A_2996 = tpu.memref_slice %arg2[%dma_wait3A_2995] : memref<1000000xf32, #tpu.memory_space<hbm>> -> memref<2048xf32, #tpu.memory_space<hbm>>
      tpu.wait_dma2 semaphore(%arg15 : memref<!tpu.dma_semaphore, #tpu.memory_space<semaphore_mem>>) src(%dma_wait3A_2996 : memref<2048xf32, #tpu.memory_space<hbm>>) dst(%dma_wait3A_2994 : memref<2048xf32, #tpu.memory_space<vmem>>)
      %dma_wait3A_2997 = arith.constant 1 : i32
      %dma_wait3A_2998 = arith.constant 0 : i32
      %dma_wait3A_2999 = tpu.memref_slice %arg12[%dma_wait3A_2997, %dma_wait3A_2998] : memref<2x2048xf32, #tpu.memory_space<vmem>> -> memref<1x2048xf32, #tpu.memory_space<vmem>>
      %dma_wait3A_3000 = tpu.memref_squeeze %dma_wait3A_2999 : memref<1x2048xf32, #tpu.memory_space<vmem>> -> memref<2048xf32, #tpu.memory_space<vmem>>
      %dma_wait3A_3001 = arith.constant 0 : i32
      %dma_wait3A_3002 = tpu.memref_slice %arg2[%dma_wait3A_3001] : memref<1000000xf32, #tpu.memory_space<hbm>> -> memref<2048xf32, #tpu.memory_space<hbm>>
      %dma_wait3A_3003 = arith.constant 0 : i32
      %dma_wait3A_3004 = tpu.memref_slice %arg12[%dma_wait3A_2997, %dma_wait3A_3003] : memref<2x2048xf32, #tpu.memory_space<vmem>> -> memref<1x2048xf32, #tpu.memory_space<vmem>>
      %dma_wait3A_3005 = tpu.memref_squeeze %dma_wait3A_3004 : memref<1x2048xf32, #tpu.memory_space<vmem>> -> memref<2048xf32, #tpu.memory_space<vmem>>
      %dma_wait3A_3006 = arith.constant 0 : i32
      %dma_wait3A_3007 = tpu.memref_slice %arg2[%dma_wait3A_3006] : memref<1000000xf32, #tpu.memory_space<hbm>> -> memref<2048xf32, #tpu.memory_space<hbm>>
      tpu.wait_dma2 semaphore(%arg15 : memref<!tpu.dma_semaphore, #tpu.memory_space<semaphore_mem>>) src(%dma_wait3A_3007 : memref<2048xf32, #tpu.memory_space<hbm>>) dst(%dma_wait3A_3005 : memref<2048xf32, #tpu.memory_space<vmem>>)
      %add3A_3008 = arith.constant 2 : i32
      %add3A_3009 = arith.addi %add3A_2045, %add3A_3008 : i32
      %mul3A_3010 = arith.constant 16 : i32
      %mul3A_3011 = arith.muli %add3A, %mul3A_3010 : i32
      %add3A_3012 = arith.addi %mul3A_3011, %add3A_3009 : i32
      %mul3A_3013 = arith.constant 2048 : i32
      %mul3A_3014 = arith.muli %add3A_3012, %mul3A_3013 : i32
      %dma_start3A_3015 = arith.constant 1 : i32
      %dma_start3A_3016 = arith.constant 0 : i32
      %dma_start3A_3017 = tpu.memref_slice %arg7[%dma_start3A_3015, %dma_start3A_3016] : memref<2x2048xi32, #tpu.memory_space<vmem>> -> memref<1x2048xi32, #tpu.memory_space<vmem>>
      %dma_start3A_3018 = tpu.memref_squeeze %dma_start3A_3017 : memref<1x2048xi32, #tpu.memory_space<vmem>> -> memref<2048xi32, #tpu.memory_space<vmem>>
      %dma_start3A_3019 = tpu.memref_slice %arg4[%mul3A_3014] : memref<1052672xi32, #tpu.memory_space<hbm>> -> memref<2048xi32, #tpu.memory_space<hbm>>
      %dma_start3A_3020 = arith.constant 0 : i32
      %dma_start3A_3021 = tpu.memref_slice %arg7[%dma_start3A_3015, %dma_start3A_3020] : memref<2x2048xi32, #tpu.memory_space<vmem>> -> memref<1x2048xi32, #tpu.memory_space<vmem>>
      %dma_start3A_3022 = tpu.memref_squeeze %dma_start3A_3021 : memref<1x2048xi32, #tpu.memory_space<vmem>> -> memref<2048xi32, #tpu.memory_space<vmem>>
      %dma_start3A_3023 = tpu.memref_slice %arg4[%mul3A_3014] : memref<1052672xi32, #tpu.memory_space<hbm>> -> memref<2048xi32, #tpu.memory_space<hbm>>
      tpu.enqueue_dma source(%dma_start3A_3023 : memref<2048xi32, #tpu.memory_space<hbm>>) target(%dma_start3A_3022 : memref<2048xi32, #tpu.memory_space<vmem>>) target_semaphore(%arg14 : memref<!tpu.dma_semaphore, #tpu.memory_space<semaphore_mem>>)
      %dma_start3A_3024 = arith.constant 1 : i32
      %dma_start3A_3025 = arith.constant 0 : i32
      %dma_start3A_3026 = tpu.memref_slice %arg8[%dma_start3A_3024, %dma_start3A_3025] : memref<2x2048xi32, #tpu.memory_space<vmem>> -> memref<1x2048xi32, #tpu.memory_space<vmem>>
      %dma_start3A_3027 = tpu.memref_squeeze %dma_start3A_3026 : memref<1x2048xi32, #tpu.memory_space<vmem>> -> memref<2048xi32, #tpu.memory_space<vmem>>
      %dma_start3A_3028 = tpu.memref_slice %arg5[%mul3A_3014] : memref<1052672xi32, #tpu.memory_space<hbm>> -> memref<2048xi32, #tpu.memory_space<hbm>>
      %dma_start3A_3029 = arith.constant 0 : i32
      %dma_start3A_3030 = tpu.memref_slice %arg8[%dma_start3A_3024, %dma_start3A_3029] : memref<2x2048xi32, #tpu.memory_space<vmem>> -> memref<1x2048xi32, #tpu.memory_space<vmem>>
      %dma_start3A_3031 = tpu.memref_squeeze %dma_start3A_3030 : memref<1x2048xi32, #tpu.memory_space<vmem>> -> memref<2048xi32, #tpu.memory_space<vmem>>
      %dma_start3A_3032 = tpu.memref_slice %arg5[%mul3A_3014] : memref<1052672xi32, #tpu.memory_space<hbm>> -> memref<2048xi32, #tpu.memory_space<hbm>>
      tpu.enqueue_dma source(%dma_start3A_3032 : memref<2048xi32, #tpu.memory_space<hbm>>) target(%dma_start3A_3031 : memref<2048xi32, #tpu.memory_space<vmem>>) target_semaphore(%arg14 : memref<!tpu.dma_semaphore, #tpu.memory_space<semaphore_mem>>)
      %mul3A_3033 = arith.constant 16 : i32
      %mul3A_3034 = arith.muli %add3A, %mul3A_3033 : i32
      %add3A_3035 = arith.addi %mul3A_3034, %add3A_2045 : i32
      %mul3A_3036 = arith.constant 2048 : i32
      %mul3A_3037 = arith.muli %add3A_3035, %mul3A_3036 : i32
      %scan3A_3038 = arith.constant 0 : i32
      %scan3A_3039 = arith.constant 128 : i32
      %scan3A_3040 = arith.addi %scan3A_3038, %scan3A_3039 : i32
      %scan3A_3041 = arith.constant 1 : i32
      %scan3A_3042 = scf.for %scan3A_3044 = %scan3A_3038 to %scan3A_3040 step %scan3A_3041 iter_args(%scan3A_3045 = %scan3A_2040) -> (vector<16xf32>)  : i32 {
        %mul3A_3046 = arith.constant 16 : i32
        %mul3A_3047 = arith.muli %scan3A_3044, %mul3A_3046 : i32
        %get3A = arith.constant 1 : i32
        %get3A_3048 = arith.constant 0 : i32
        %get3A_3049 = tpu.memref_slice %arg9[%get3A, %get3A_3048] : memref<2x2048xf32, #tpu.memory_space<vmem>> -> memref<1x2048xf32, #tpu.memory_space<vmem>>
        %get3A_3050 = tpu.memref_squeeze %get3A_3049 : memref<1x2048xf32, #tpu.memory_space<vmem>> -> memref<2048xf32, #tpu.memory_space<vmem>>
        %get3A_3051 = arith.index_cast %mul3A_3047 : i32 to index
        %get3A_3052 = tpu.vector_load %get3A_3050[%get3A_3051] {strides = array<i32>} : memref<2048xf32, #tpu.memory_space<vmem>>, vector<16xf32>,
        %get3A_3053 = vector.shape_cast %get3A_3052 : vector<16xf32> to vector<16xf32>
        %get3A_3054 = arith.constant 1 : i32
        %get3A_3055 = arith.constant 0 : i32
        %get3A_3056 = tpu.memref_slice %arg10[%get3A_3054, %get3A_3055] : memref<2x2048xf32, #tpu.memory_space<vmem>> -> memref<1x2048xf32, #tpu.memory_space<vmem>>
        %get3A_3057 = tpu.memref_squeeze %get3A_3056 : memref<1x2048xf32, #tpu.memory_space<vmem>> -> memref<2048xf32, #tpu.memory_space<vmem>>
        %get3A_3058 = arith.index_cast %mul3A_3047 : i32 to index
        %get3A_3059 = tpu.vector_load %get3A_3057[%get3A_3058] {strides = array<i32>} : memref<2048xf32, #tpu.memory_space<vmem>>, vector<16xf32>,
        %get3A_3060 = vector.shape_cast %get3A_3059 : vector<16xf32> to vector<16xf32>
        %get3A_3061 = arith.constant 1 : i32
        %get3A_3062 = arith.constant 0 : i32
        %get3A_3063 = tpu.memref_slice %arg11[%get3A_3061, %get3A_3062] : memref<2x2048xf32, #tpu.memory_space<vmem>> -> memref<1x2048xf32, #tpu.memory_space<vmem>>
        %get3A_3064 = tpu.memref_squeeze %get3A_3063 : memref<1x2048xf32, #tpu.memory_space<vmem>> -> memref<2048xf32, #tpu.memory_space<vmem>>
        %get3A_3065 = arith.index_cast %mul3A_3047 : i32 to index
        %get3A_3066 = tpu.vector_load %get3A_3064[%get3A_3065] {strides = array<i32>} : memref<2048xf32, #tpu.memory_space<vmem>>, vector<16xf32>,
        %get3A_3067 = vector.shape_cast %get3A_3066 : vector<16xf32> to vector<16xf32>
        %get3A_3068 = arith.constant 1 : i32
        %get3A_3069 = arith.constant 0 : i32
        %get3A_3070 = tpu.memref_slice %arg12[%get3A_3068, %get3A_3069] : memref<2x2048xf32, #tpu.memory_space<vmem>> -> memref<1x2048xf32, #tpu.memory_space<vmem>>
        %get3A_3071 = tpu.memref_squeeze %get3A_3070 : memref<1x2048xf32, #tpu.memory_space<vmem>> -> memref<2048xf32, #tpu.memory_space<vmem>>
        %get3A_3072 = arith.index_cast %mul3A_3047 : i32 to index
        %get3A_3073 = tpu.vector_load %get3A_3071[%get3A_3072] {strides = array<i32>} : memref<2048xf32, #tpu.memory_space<vmem>>, vector<16xf32>,
        %get3A_3074 = vector.shape_cast %get3A_3073 : vector<16xf32> to vector<16xf32>
        %sub3A = arith.subf %get3A_3060, %get3A_3074 : vector<16xf32>
        %sign3A = tpu.bitcast %sub3A : vector<16xf32> -> vector<16xi32>
        %sign3A_3075 = arith.constant -2147483648 : i32
        %sign3A_3076 = vector.broadcast %sign3A_3075 : i32 to vector<16xi32>
        %sign3A_3077 = arith.andi %sign3A, %sign3A_3076 : vector<16xi32>
        %sign3A_3078 = arith.constant 1065353216 : i32
        %sign3A_3079 = vector.broadcast %sign3A_3078 : i32 to vector<16xi32>
        %sign3A_3080 = arith.ori %sign3A_3079, %sign3A_3077 : vector<16xi32>
        %sign3A_3081 = tpu.bitcast %sign3A_3080 : vector<16xi32> -> vector<16xf32>
        %sign3A_3082 = math.absf %sub3A : vector<16xf32>
        %sign3A_3083 = arith.constant 0.000000e+00 : f32
        %sign3A_3084 = vector.broadcast %sign3A_3083 : f32 to vector<16xf32>
        %sign3A_3085 = arith.cmpf ogt, %sign3A_3082, %sign3A_3084 : vector<16xf32>
        %sign3A_3086 = arith.select %sign3A_3085, %sign3A_3081, %sub3A : vector<16xi1>, vector<16xf32>
        %sub3A_3087 = arith.subf %get3A_3053, %get3A_3067 : vector<16xf32>
        %mul3A_3088 = arith.mulf %sign3A_3086, %sub3A_3087 : vector<16xf32>
        %sub3A_3089 = arith.constant 1.000000e-01 : f32
        %sub3A_3090 = vector.broadcast %sub3A_3089 : f32 to vector<16xf32>
        %sub3A_3091 = arith.subf %sub3A_3090, %mul3A_3088 : vector<16xf32>
        %max3A = arith.constant 0.000000e+00 : f32
        %max3A_3092 = vector.broadcast %max3A : f32 to vector<16xf32>
        %max3A_3093 = arith.maximumf %sub3A_3091, %max3A_3092 : vector<16xf32>
        %mul3A_3094 = arith.constant 16 : i32
        %mul3A_3095 = arith.muli %scan3A_3044, %mul3A_3094 : i32
        %add3A_3096 = arith.addi %mul3A_3037, %mul3A_3095 : i32
        %add3A_3097 = vector.broadcast %add3A_3096 : i32 to vector<16xi32>
        %add3A_3098 = arith.addi %add3A_3097, %iota3A : vector<16xi32>
        %lt3A = arith.constant 1000000 : i32
        %lt3A_3099 = vector.broadcast %lt3A : i32 to vector<16xi32>
        %lt3A_3100 = arith.cmpi slt, %add3A_3098, %lt3A_3099 : vector<16xi32>
        %jit3A = arith.constant 0.000000e+00 : f32
        %broadcast_in_dim3A_3101 = vector.broadcast %jit3A : f32 to vector<16xf32>
        %select_n3A = arith.select %lt3A_3100, %max3A_3093, %broadcast_in_dim3A_3101 : vector<16xi1>, vector<16xf32>
        %add3A_3102 = arith.addf %scan3A_3045, %select_n3A : vector<16xf32>
        scf.yield %add3A_3102 : vector<16xf32>
      }
      %scan3A_3043 = arith.constant 128 : i32
      scf.yield %scan3A_3042 : vector<16xf32>
    }
    %scan3A_970 = arith.constant 8 : i32
    %dma_wait3A_971 = arith.constant 0 : i32
    %dma_wait3A_972 = arith.constant 0 : i32
    %dma_wait3A_973 = tpu.memref_slice %arg7[%dma_wait3A_971, %dma_wait3A_972] : memref<2x2048xi32, #tpu.memory_space<vmem>> -> memref<1x2048xi32, #tpu.memory_space<vmem>>
    %dma_wait3A_974 = tpu.memref_squeeze %dma_wait3A_973 : memref<1x2048xi32, #tpu.memory_space<vmem>> -> memref<2048xi32, #tpu.memory_space<vmem>>
    %dma_wait3A_975 = arith.constant 0 : i32
    %dma_wait3A_976 = tpu.memref_slice %arg4[%dma_wait3A_975] : memref<1052672xi32, #tpu.memory_space<hbm>> -> memref<2048xi32, #tpu.memory_space<hbm>>
    %dma_wait3A_977 = arith.constant 0 : i32
    %dma_wait3A_978 = tpu.memref_slice %arg7[%dma_wait3A_971, %dma_wait3A_977] : memref<2x2048xi32, #tpu.memory_space<vmem>> -> memref<1x2048xi32, #tpu.memory_space<vmem>>
    %dma_wait3A_979 = tpu.memref_squeeze %dma_wait3A_978 : memref<1x2048xi32, #tpu.memory_space<vmem>> -> memref<2048xi32, #tpu.memory_space<vmem>>
    %dma_wait3A_980 = arith.constant 0 : i32
    %dma_wait3A_981 = tpu.memref_slice %arg4[%dma_wait3A_980] : memref<1052672xi32, #tpu.memory_space<hbm>> -> memref<2048xi32, #tpu.memory_space<hbm>>
    tpu.wait_dma2 semaphore(%arg14 : memref<!tpu.dma_semaphore, #tpu.memory_space<semaphore_mem>>) src(%dma_wait3A_981 : memref<2048xi32, #tpu.memory_space<hbm>>) dst(%dma_wait3A_979 : memref<2048xi32, #tpu.memory_space<vmem>>)
    %dma_wait3A_982 = arith.constant 0 : i32
    %dma_wait3A_983 = arith.constant 0 : i32
    %dma_wait3A_984 = tpu.memref_slice %arg8[%dma_wait3A_982, %dma_wait3A_983] : memref<2x2048xi32, #tpu.memory_space<vmem>> -> memref<1x2048xi32, #tpu.memory_space<vmem>>
    %dma_wait3A_985 = tpu.memref_squeeze %dma_wait3A_984 : memref<1x2048xi32, #tpu.memory_space<vmem>> -> memref<2048xi32, #tpu.memory_space<vmem>>
    %dma_wait3A_986 = arith.constant 0 : i32
    %dma_wait3A_987 = tpu.memref_slice %arg5[%dma_wait3A_986] : memref<1052672xi32, #tpu.memory_space<hbm>> -> memref<2048xi32, #tpu.memory_space<hbm>>
    %dma_wait3A_988 = arith.constant 0 : i32
    %dma_wait3A_989 = tpu.memref_slice %arg8[%dma_wait3A_982, %dma_wait3A_988] : memref<2x2048xi32, #tpu.memory_space<vmem>> -> memref<1x2048xi32, #tpu.memory_space<vmem>>
    %dma_wait3A_990 = tpu.memref_squeeze %dma_wait3A_989 : memref<1x2048xi32, #tpu.memory_space<vmem>> -> memref<2048xi32, #tpu.memory_space<vmem>>
    %dma_wait3A_991 = arith.constant 0 : i32
    %dma_wait3A_992 = tpu.memref_slice %arg5[%dma_wait3A_991] : memref<1052672xi32, #tpu.memory_space<hbm>> -> memref<2048xi32, #tpu.memory_space<hbm>>
    tpu.wait_dma2 semaphore(%arg14 : memref<!tpu.dma_semaphore, #tpu.memory_space<semaphore_mem>>) src(%dma_wait3A_992 : memref<2048xi32, #tpu.memory_space<hbm>>) dst(%dma_wait3A_990 : memref<2048xi32, #tpu.memory_space<vmem>>)
    %dma_wait3A_993 = arith.constant 0 : i32
    %dma_wait3A_994 = arith.constant 0 : i32
    %dma_wait3A_995 = tpu.memref_slice %arg9[%dma_wait3A_993, %dma_wait3A_994] : memref<2x2048xf32, #tpu.memory_space<vmem>> -> memref<1x2048xf32, #tpu.memory_space<vmem>>
    %dma_wait3A_996 = tpu.memref_squeeze %dma_wait3A_995 : memref<1x2048xf32, #tpu.memory_space<vmem>> -> memref<2048xf32, #tpu.memory_space<vmem>>
    %dma_wait3A_997 = arith.constant 0 : i32
    %dma_wait3A_998 = tpu.memref_slice %arg2[%dma_wait3A_997] : memref<1000000xf32, #tpu.memory_space<hbm>> -> memref<2048xf32, #tpu.memory_space<hbm>>
    %dma_wait3A_999 = arith.constant 0 : i32
    %dma_wait3A_1000 = tpu.memref_slice %arg9[%dma_wait3A_993, %dma_wait3A_999] : memref<2x2048xf32, #tpu.memory_space<vmem>> -> memref<1x2048xf32, #tpu.memory_space<vmem>>
    %dma_wait3A_1001 = tpu.memref_squeeze %dma_wait3A_1000 : memref<1x2048xf32, #tpu.memory_space<vmem>> -> memref<2048xf32, #tpu.memory_space<vmem>>
    %dma_wait3A_1002 = arith.constant 0 : i32
    %dma_wait3A_1003 = tpu.memref_slice %arg2[%dma_wait3A_1002] : memref<1000000xf32, #tpu.memory_space<hbm>> -> memref<2048xf32, #tpu.memory_space<hbm>>
    tpu.wait_dma2 semaphore(%arg15 : memref<!tpu.dma_semaphore, #tpu.memory_space<semaphore_mem>>) src(%dma_wait3A_1003 : memref<2048xf32, #tpu.memory_space<hbm>>) dst(%dma_wait3A_1001 : memref<2048xf32, #tpu.memory_space<vmem>>)
    %dma_wait3A_1004 = arith.constant 0 : i32
    %dma_wait3A_1005 = arith.constant 0 : i32
    %dma_wait3A_1006 = tpu.memref_slice %arg10[%dma_wait3A_1004, %dma_wait3A_1005] : memref<2x2048xf32, #tpu.memory_space<vmem>> -> memref<1x2048xf32, #tpu.memory_space<vmem>>
    %dma_wait3A_1007 = tpu.memref_squeeze %dma_wait3A_1006 : memref<1x2048xf32, #tpu.memory_space<vmem>> -> memref<2048xf32, #tpu.memory_space<vmem>>
    %dma_wait3A_1008 = arith.constant 0 : i32
    %dma_wait3A_1009 = tpu.memref_slice %arg2[%dma_wait3A_1008] : memref<1000000xf32, #tpu.memory_space<hbm>> -> memref<2048xf32, #tpu.memory_space<hbm>>
    %dma_wait3A_1010 = arith.constant 0 : i32
    %dma_wait3A_1011 = tpu.memref_slice %arg10[%dma_wait3A_1004, %dma_wait3A_1010] : memref<2x2048xf32, #tpu.memory_space<vmem>> -> memref<1x2048xf32, #tpu.memory_space<vmem>>
    %dma_wait3A_1012 = tpu.memref_squeeze %dma_wait3A_1011 : memref<1x2048xf32, #tpu.memory_space<vmem>> -> memref<2048xf32, #tpu.memory_space<vmem>>
    %dma_wait3A_1013 = arith.constant 0 : i32
    %dma_wait3A_1014 = tpu.memref_slice %arg2[%dma_wait3A_1013] : memref<1000000xf32, #tpu.memory_space<hbm>> -> memref<2048xf32, #tpu.memory_space<hbm>>
    tpu.wait_dma2 semaphore(%arg15 : memref<!tpu.dma_semaphore, #tpu.memory_space<semaphore_mem>>) src(%dma_wait3A_1014 : memref<2048xf32, #tpu.memory_space<hbm>>) dst(%dma_wait3A_1012 : memref<2048xf32, #tpu.memory_space<vmem>>)
    %dma_wait3A_1015 = arith.constant 0 : i32
    %dma_wait3A_1016 = arith.constant 0 : i32
    %dma_wait3A_1017 = tpu.memref_slice %arg11[%dma_wait3A_1015, %dma_wait3A_1016] : memref<2x2048xf32, #tpu.memory_space<vmem>> -> memref<1x2048xf32, #tpu.memory_space<vmem>>
    %dma_wait3A_1018 = tpu.memref_squeeze %dma_wait3A_1017 : memref<1x2048xf32, #tpu.memory_space<vmem>> -> memref<2048xf32, #tpu.memory_space<vmem>>
    %dma_wait3A_1019 = arith.constant 0 : i32
    %dma_wait3A_1020 = tpu.memref_slice %arg2[%dma_wait3A_1019] : memref<1000000xf32, #tpu.memory_space<hbm>> -> memref<2048xf32, #tpu.memory_space<hbm>>
    %dma_wait3A_1021 = arith.constant 0 : i32
    %dma_wait3A_1022 = tpu.memref_slice %arg11[%dma_wait3A_1015, %dma_wait3A_1021] : memref<2x2048xf32, #tpu.memory_space<vmem>> -> memref<1x2048xf32, #tpu.memory_space<vmem>>
    %dma_wait3A_1023 = tpu.memref_squeeze %dma_wait3A_1022 : memref<1x2048xf32, #tpu.memory_space<vmem>> -> memref<2048xf32, #tpu.memory_space<vmem>>
    %dma_wait3A_1024 = arith.constant 0 : i32
    %dma_wait3A_1025 = tpu.memref_slice %arg2[%dma_wait3A_1024] : memref<1000000xf32, #tpu.memory_space<hbm>> -> memref<2048xf32, #tpu.memory_space<hbm>>
    tpu.wait_dma2 semaphore(%arg15 : memref<!tpu.dma_semaphore, #tpu.memory_space<semaphore_mem>>) src(%dma_wait3A_1025 : memref<2048xf32, #tpu.memory_space<hbm>>) dst(%dma_wait3A_1023 : memref<2048xf32, #tpu.memory_space<vmem>>)
    %dma_wait3A_1026 = arith.constant 0 : i32
    %dma_wait3A_1027 = arith.constant 0 : i32
    %dma_wait3A_1028 = tpu.memref_slice %arg12[%dma_wait3A_1026, %dma_wait3A_1027] : memref<2x2048xf32, #tpu.memory_space<vmem>> -> memref<1x2048xf32, #tpu.memory_space<vmem>>
    %dma_wait3A_1029 = tpu.memref_squeeze %dma_wait3A_1028 : memref<1x2048xf32, #tpu.memory_space<vmem>> -> memref<2048xf32, #tpu.memory_space<vmem>>
    %dma_wait3A_1030 = arith.constant 0 : i32
    %dma_wait3A_1031 = tpu.memref_slice %arg2[%dma_wait3A_1030] : memref<1000000xf32, #tpu.memory_space<hbm>> -> memref<2048xf32, #tpu.memory_space<hbm>>
    %dma_wait3A_1032 = arith.constant 0 : i32
    %dma_wait3A_1033 = tpu.memref_slice %arg12[%dma_wait3A_1026, %dma_wait3A_1032] : memref<2x2048xf32, #tpu.memory_space<vmem>> -> memref<1x2048xf32, #tpu.memory_space<vmem>>
    %dma_wait3A_1034 = tpu.memref_squeeze %dma_wait3A_1033 : memref<1x2048xf32, #tpu.memory_space<vmem>> -> memref<2048xf32, #tpu.memory_space<vmem>>
    %dma_wait3A_1035 = arith.constant 0 : i32
    %dma_wait3A_1036 = tpu.memref_slice %arg2[%dma_wait3A_1035] : memref<1000000xf32, #tpu.memory_space<hbm>> -> memref<2048xf32, #tpu.memory_space<hbm>>
    tpu.wait_dma2 semaphore(%arg15 : memref<!tpu.dma_semaphore, #tpu.memory_space<semaphore_mem>>) src(%dma_wait3A_1036 : memref<2048xf32, #tpu.memory_space<hbm>>) dst(%dma_wait3A_1034 : memref<2048xf32, #tpu.memory_space<vmem>>)
    %swap3A = arith.constant 0 : index
    %swap3A_1037 = tpu.vector_load %arg13[%swap3A] {strides = array<i32>} : memref<16xf32, #tpu.memory_space<vmem>>, vector<16xf32>,
    %swap3A_1038 = vector.shape_cast %swap3A_1037 : vector<16xf32> to vector<16xf32>
    %swap3A_1039 = vector.shape_cast %scan3A_969 : vector<16xf32> to vector<16xf32>
    tpu.vector_store %arg13[%swap3A], %swap3A_1039 {strides = array<i32>} : memref<16xf32, #tpu.memory_space<vmem>>, vector<16xf32>,
    "tpu.region"() ({
      %run_scoped3A = tpu.sem_alloc : memref<!tpu.dma_semaphore, #tpu.memory_space<semaphore_mem>>
      %dma_start3A_1040 = arith.constant 0 : i32
      %dma_start3A_1041 = tpu.memref_slice %arg6[%add3A, %dma_start3A_1040] : memref<32x16xf32, #tpu.memory_space<hbm>> -> memref<1x16xf32, #tpu.memory_space<hbm>>
      %dma_start3A_1042 = tpu.memref_squeeze %dma_start3A_1041 : memref<1x16xf32, #tpu.memory_space<hbm>> -> memref<16xf32, #tpu.memory_space<hbm>>
      %dma_start3A_1043 = arith.constant 0 : i32
      %dma_start3A_1044 = tpu.memref_slice %arg6[%add3A, %dma_start3A_1043] : memref<32x16xf32, #tpu.memory_space<hbm>> -> memref<1x16xf32, #tpu.memory_space<hbm>>
      %dma_start3A_1045 = tpu.memref_squeeze %dma_start3A_1044 : memref<1x16xf32, #tpu.memory_space<hbm>> -> memref<16xf32, #tpu.memory_space<hbm>>
      tpu.enqueue_dma source(%arg13 : memref<16xf32, #tpu.memory_space<vmem>>) target(%dma_start3A_1045 : memref<16xf32, #tpu.memory_space<hbm>>) target_semaphore(%run_scoped3A : memref<!tpu.dma_semaphore, #tpu.memory_space<semaphore_mem>>)
      %dma_wait3A_1046 = arith.constant 0 : i32
      %dma_wait3A_1047 = tpu.memref_slice %arg6[%add3A, %dma_wait3A_1046] : memref<32x16xf32, #tpu.memory_space<hbm>> -> memref<1x16xf32, #tpu.memory_space<hbm>>
      %dma_wait3A_1048 = tpu.memref_squeeze %dma_wait3A_1047 : memref<1x16xf32, #tpu.memory_space<hbm>> -> memref<16xf32, #tpu.memory_space<hbm>>
      %dma_wait3A_1049 = arith.constant 0 : i32
      %dma_wait3A_1050 = tpu.memref_slice %arg6[%add3A, %dma_wait3A_1049] : memref<32x16xf32, #tpu.memory_space<hbm>> -> memref<1x16xf32, #tpu.memory_space<hbm>>
      %dma_wait3A_1051 = tpu.memref_squeeze %dma_wait3A_1050 : memref<1x16xf32, #tpu.memory_space<hbm>> -> memref<16xf32, #tpu.memory_space<hbm>>
      tpu.wait_dma2 semaphore(%run_scoped3A : memref<!tpu.dma_semaphore, #tpu.memory_space<semaphore_mem>>) src(%arg13 : memref<16xf32, #tpu.memory_space<vmem>>) dst(%dma_wait3A_1051 : memref<16xf32, #tpu.memory_space<hbm>>)
      tpu.yield
    }) : () -> ()
    return
  }
}

</mosaic_0001>

<sc_bundles>
// kernel: kernel.3.cloned.1.call-start
scs
__scs_entry_jumppad:
0x0: {  	(pc) =	sbr.rel $0x88, $3  }
0x1: {  	(tag) =	ssettag $0x0;
	lr =	simm.s32 $0x1  }
0x2: {  	[smem:$0x3F9F] =	sst lr;
	_ =	strace $0xD0000000  }
0x3: {  	_ = 	snop  }
0x4: {  	_ = 	snop  }
0x5: {  	_ = 	snop  }
0x6: {  	_ = 	snop  }
0x7: {  	_ = 	snop  }
__scs_overlays_trampoline_lowered:
0x8: {  	[smem:$0x3FAE] =	sst s0  }
0x9: {  	[smem:$0x3FAF] =	sst s1  }
0xa: {  	[smem:$0x3FB0] =	sst s2  }
0xb: {  	[smem:$0x3FB1] =	sst s3  }
0xc: {  	[smem:$0x3FB2] =	sst s4  }
0xd: {  	[smem:$0x3FB3] =	sst s5  }
0xe: {  	[smem:$0x3FB4] =	sst s6  }
0xf: {  	[smem:$0x3FB5] =	sst s7  }
0x10: {  	[smem:$0x3FB6] =	sst s8  }
0x11: {  	[smem:$0x3FB7] =	sst s9;
	s0 =	simm.s32 @!p0 $0x0  }
0x12: {  	s1 =	sld [smem:$0x3F9D];
	s0 =	simm.s32 @p0 $0x1  }
0x13: {  	[smem:$0x3FB8] =	sst s0;
	s0 =	simm.s32 @!p1 $0x0  }
0x14: {  	s2 =	sld [smem:$0x3F9C];
	s0 =	simm.s32 @p1 $0x1  }
0x15: {  	[smem:$0x3FB9] =	sst s0;
	s0 =	simm.s32 @!p2 $0x0  }
0x16: {  	s3 =	sld [smem:$0x3FDB];
	s0 =	simm.s32 @p2 $0x1  }
0x17: {  	s4 =	simm.s32 $0x1BF5;
	[smem:$0x3FBB] =	sst s0  }
0x18: {  	s0 =	sld [smem:$0x3F9E];
	_ =	swait.ge [sflag:s4], $0x0  }
0x19: {  	s7 =	sld [smem:$0x3F9F]  }
0x1a: {  	s8 =	sadd.s32 $0xFFFFE003, lr  }
0x1b: {  	s9 =	sadd.s32 $0xFFFFFEF7, lr;
	s5 =	simm.s32 $0xFFFFFFFF;
	p2 =	slt.u32 s8, $0xFFFFF086  }
0x1c: {  	p1 =	slt.u32 s9, $0xF7A;
	s5 =	simm.s32 @!p2 $0x0  }
0x1d: {  	s5 =	simm.s32 @p1 $0x1;
	p0 =	seq.s32 s7, s2  }
0x1e: {  	s7 =	smul.u32 @!p0 $0xF7A, s2;
	p2 =	seq.s32 @!p0 s5, $0x0  }
0x1f: {  	s9 =	smul.u32 $0xF7A, s1;
	s8 =	simm.s32 @!p0 $0x1BF5;
	p2 =	por !p2, p0  }
0x20: {  	[sflag:s8] =	ssyncset.s32 @!p0 $0xFFFFF086;
	s6 =	sadd.s32 @!p0 s3, s7;
	s7 =	simm.s32 @!p0 $0x108  }
0x21: {  	s3 =	sadd.s32 s3, s9;
	s6 =	sadd.s32 @!p0 $0x88, s6;
	s7 =	simm.s32 @p2 $0x1082  }
0x22: {  	[simem:s7], [sflag:s8] =	dma.local @!p0 [hbm:s6], $0xF7A  }
0x23: {  	s9 =	sor.u32 $0xD0000000, s2;
	s6 =	simm.s32 $0x108;
	_ =	swait.ge @!p0 [sflag:s8], $0x0  }
0x24: {  	s3 =	sadd.s32 $0x88, s3;
	s6 =	simm.s32 @!p1 $0x1082;
	[sflag:s4] =	ssyncset.s32 $0xFFFFF086  }
0x25: {  	[simem:s6], [sflag:s4] =	dma.local [hbm:s3], $0xF7A  }
0x26: {  	[smem:$0x3F9F] =	sst s1;
	(tag) =	ssettag s2;
	_ =	strace s9  }
0x27: {  	s1 =	sld [smem:$0x3FAF]  }
0x28: {  	s2 =	sld [smem:$0x3FB0]  }
0x29: {  	s4 =	sld [smem:$0x3FB2]  }
0x2a: {  	p0 =	seq.s32 s5, $0x0;
	s5 =	sld [smem:$0x3FB3]  }
0x2b: {  	s6 =	sld [smem:$0x3FB4]  }
0x2c: {  	s7 =	sld [smem:$0x3FB5]  }
0x2d: {  	s3 =	simm.s32 $0x108;
	s8 =	sld [smem:$0x3FB6]  }
0x2e: {  	s3 =	simm.s32 @!p0 $0x1082;
	s9 =	sld [smem:$0x3FB7]  }
0x2f: {  	lr =	sadd.s32 s0, s3;
	s0 =	sld [smem:$0x3FAE]  }
0x30: {  	s3 =	sld [smem:$0x3FB1]  }
0x31: {  	[smem:$0x3FBA] =	sst s10  }
0x32: {  	s10 =	sld [smem:$0x3FB8];
	_ =	sdelay $0x3  }
0x33: {  	p0 =	seq.s32 s10, $0x1;
	s10 =	sld [smem:$0x3FBA];
	_ =	sdelay $0x3  }
0x34: {  	[smem:$0x3FBA] =	sst s10  }
0x35: {  	s10 =	sld [smem:$0x3FB9];
	_ =	sdelay $0x3  }
0x36: {  	p1 =	seq.s32 s10, $0x1;
	s10 =	sld [smem:$0x3FBA];
	_ =	sdelay $0x3  }
0x37: {  	[smem:$0x3FBA] =	sst s10  }
0x38: {  	s10 =	sld [smem:$0x3FBB]  }
0x39: {  	_ = 	snop;
	(pc) =	sbr.ind lr, $3  }
0x3a: {  	_ = 	snop  }
0x3b: {  	_ = 	snop  }
0x3c: {  	p2 =	seq.s32 s10, $0x1;
	s10 =	sld [smem:$0x3FBA]  }
0x3d: {  	_ =	shalt  }
0x3e: {  	_ =	shalt  }
0x3f: {  	_ =	shalt  }
0x40: {  	_ =	shalt  }
0x41: {  	_ =	shalt  }
0x42: {  	_ =	shalt  }
0x43: {  	_ =	shalt  }
0x44: {  	_ =	shalt  }
0x45: {  	_ =	shalt  }
0x46: {  	_ =	shalt  }
0x47: {  	_ =	shalt  }
0x48: {  	_ =	shalt  }
0x49: {  	_ =	shalt  }
0x4a: {  	_ =	shalt  }
0x4b: {  	_ =	shalt  }
0x4c: {  	_ =	shalt  }
0x4d: {  	_ =	shalt  }
0x4e: {  	_ =	shalt  }
0x4f: {  	_ =	shalt  }
0x50: {  	_ =	shalt  }
0x51: {  	_ =	shalt  }
0x52: {  	_ =	shalt  }
0x53: {  	_ =	shalt  }
0x54: {  	_ =	shalt  }
0x55: {  	_ =	shalt  }
0x56: {  	_ =	shalt  }
0x57: {  	_ =	shalt  }
0x58: {  	_ =	shalt  }
0x59: {  	_ =	shalt  }
0x5a: {  	_ =	shalt  }
0x5b: {  	_ =	shalt  }
0x5c: {  	_ =	shalt  }
0x5d: {  	_ =	shalt  }
0x5e: {  	_ =	shalt  }
0x5f: {  	_ =	shalt  }
0x60: {  	_ =	shalt  }
0x61: {  	_ =	shalt  }
0x62: {  	_ =	shalt  }
0x63: {  	_ =	shalt  }
0x64: {  	_ =	shalt  }
0x65: {  	_ =	shalt  }
0x66: {  	_ =	shalt  }
0x67: {  	_ =	shalt  }
0x68: {  	_ =	shalt  }
0x69: {  	_ =	shalt  }
0x6a: {  	_ =	shalt  }
0x6b: {  	_ =	shalt  }
0x6c: {  	_ =	shalt  }
0x6d: {  	_ =	shalt  }
0x6e: {  	_ =	shalt  }
0x6f: {  	_ =	shalt  }
0x70: {  	_ =	shalt  }
0x71: {  	_ =	shalt  }
0x72: {  	_ =	shalt  }
0x73: {  	_ =	shalt  }
0x74: {  	_ =	shalt  }
0x75: {  	_ =	shalt  }
0x76: {  	_ =	shalt  }
0x77: {  	_ =	shalt  }
0x78: {  	_ =	shalt  }
0x79: {  	_ =	shalt  }
0x7a: {  	_ =	shalt  }
0x7b: {  	_ =	shalt  }
0x7c: {  	_ =	shalt  }
0x7d: {  	_ =	shalt  }
0x7e: {  	_ =	shalt  }
0x7f: {  	_ =	shalt  }
0x80: {  	_ =	shalt  }
0x81: {  	_ =	shalt  }
0x82: {  	_ =	shalt  }
0x83: {  	_ =	shalt  }
0x84: {  	_ =	shalt  }
0x85: {  	_ =	shalt  }
0x86: {  	_ =	shalt  }
0x87: {  	_ =	shalt  }
.Lfunc_end0:
.L_simem_size_0:
called_computation_lowered:
.L_overlay_start_0:
0x88: {  	s2 =	sld [smem:$0x3FD9]  }
0x89: {  	s3 =	sld [smem:$0x3FFE];
	_ =	sdelay $0x1  }
0x8a: {  	s1 =	srdreg.scid  }
0x8b: {  	s0 =	sand.u32 $0x1, s1  }
0x8c: {  	s16 =	sshll.u32 s0, $0xA;
	s2 =	sadd.s32 s3, s2  }
0x8d: {  	s2 =	sadd.s32 s2, s16  }
0x8e: {  	[smem:$0x3FC6] =	sst s2  }
0x8f: {  	_ = 	snop  }
0x90: {  	(tm) =	ssettm $0x1  }
0x91: {  	s17 =	sld [smem:$0x3FFB];
	_ =	sdelay $0x3  }
0x92: {  	_ =	strace s17  }
0x93: {  	s2 =	sld [smem:$0x3FFC];
	_ =	sdelay $0x3  }
0x94: {  	_ =	strace s2  }
0x95: {  	s2 =	sld [smem:$0x3FFD];
	_ =	sdelay $0x3  }
0x96: {  	_ =	strace s2  }
0x97: {  	_ =	strace $0x8FFFFFFF  }
0x98: {  	s18 =	sld [smem:$0x3FDB];
	_ =	sdelay $0x1  }
0x99: {  	s19 =	simm.s32 $_scs_section_size  }
0x9a: {  	s4 =	simm.s32 $_size__tile_overlayer_lowered;
	s5 =	simm.s32 $_tile_overlayer_lowered  }
0x9b: {  	s22 =	simm.s32 $0x1BFF;
	s21 =	sshll.u32 s5, $0x1;
	s2 =	sadd.s32 s19, s18  }
0x9c: {  	s6 =	simm.s32 $0x0;
	s20 =	sshll.u32 s4, $0x1;
	s4 =	sadd.s32 s21, s2  }
0x9d: {  	[timem:s6], [sflag:s22] =	dma.local [hbm:s4], s20  }
0x9e: {  	_ =	swait.ge [sflag:s22], s20  }
0x9f: {  	s3 =	ssub.s32 $0x0, s20;
	[sflag:s22] =	ssyncset.done $0x0  }
0xa0: {  	[sflag:s22] =	ssyncadd.s32 s3;
	_ =	sdelay $0x1  }
0xa1: {  	s23 =	simm.s32 $0x1B8B  }
0xa2: {  	_ =	swait.ge [sflag:s23], $0x1  }
0xa3: {  	[sflag:s23] =	ssyncset.done $0x0  }
0xa4: {  	s25 =	simm.s32 $0x1B8E;
	s24 =	sld [smem:$0x3FFE];
	[sflag:s23] =	ssyncadd.s32 $0xFFFFFFFF  }
0xa5: {  	s26 =	simm.s32 $execute0_lowered;
	[smem:$0x3FD2] =	sst s25  }
0xa6: {  	s4 =	sshll.u32 s26, $0x1;
	_ =	strace $0x80000046;
	[dreg:$0x1] =	wrdreg $0xFFFFFFFF  }
0xa7: {  	s28 =	simm.s32 $_size_execute0_lowered;
	s2 =	sadd.s32 s2, s4;
	[dreg:$0x0] =	wrdreg $0x0  }
0xa8: {  	s4 =	sshll.u32 s28, $0x1;
	[dreg:$0x2] =	wrdreg s2  }
0xa9: {  	[dreg:$0x3] =	wrdreg s4  }
0xaa: {  	[dreg:$0x4] =	wrdreg $0xC0  }
0xab: {  	_ =	task [dreg:s6], $0x5FFFF  }
0xac: {  	[dreg:$0x1] =	wrdreg $0xFFFFFFFF  }
0xad: {  	[dreg:$0x0] =	wrdreg $0x60  }
0xae: {  	[dreg:$0x2] =	wrdreg s24  }
0xaf: {  	[dreg:$0x3] =	wrdreg $0x9  }
0xb0: {  	_ =	task.clear_ibuf [dreg:s6], $0x4FFFF;
	_ =	strace $0x90000046  }
0xb1: {  	s29 =	simm.s32 $0x9;
	_ =	strace $0x80000048  }
0xb2: {  	_ =	swait.ge [sflag:s29], $0x1  }
0xb3: {  	[sflag:s29] =	ssyncadd.s32 $0xFFFFFFFF  }
0xb4: {  	_ =	strace $0x90000048  }
0xb5: {  	_ =	sfence  }
0xb6: {  	s30 =	sld [smem:$0x0];
	_ =	sdelay $0x2  }
0xb7: {  	s31 =	sshll.u32 s1, $0xD;
	s1 =	sshrl.u32 s1, $0x2  }
0xb8: {  	s3 =	sand.u32 $0x4000, s31;
	s1 =	sadd.s32 s1, s30  }
0xb9: {  	s0 =	sor.u32 s3, s0;
	s1 =	sshll.u32 s1, $0x11  }
0xba: {  	s0 =	sor.u32 s1, s0  }
0xbb: {  	s0 =	sadd.s32 $0x8F2B, s0  }
0xbc: {  	[sflag:s0] =	ssyncadd.remote.s32 $0x1  }
0xbd: {  	_ =	sfence.sel $0xFFFF  }
0xbe: {  	[dreg:$0x0] =	wrdreg $0xFFFFFFFF;
	(pc) =	sbr.abs _section_cstart, $3  }
0xbf: {  	[dreg:$0x1] =	wrdreg $0xFFFFFFFF  }
0xc0: {  	_ =	task.clear_ibuf [dreg:s6], $0x2FFFF;
	_ =	strace $0x9FFFFFFF  }
0xc1: {  	(tm) =	ssettm $0x7FFFFFFF  }
tec
execute0_lowered:
.L_overlay_start_1:
0x0: {  	(tag) =	ssettag $0x1  }
0x1: {  	s1 =	rddreg [dreg:$0x0];
	s21 =	simm.s32 $0x0;
	s0 =	srdreg.scid  }
0x2: {  	s10 =	stileid.u32;
	[smem:$0x7FF] =	sst s21;
	s0 =	sand.u32 $0x1, s0  }
0x3: {  	s2 =	sshll.u32 s10, $0x1;
	s5 =	sadd.s32 $0x5D600, s1;
	s13 =	sadd.s32 $0x3D400, s1  }
0x4: {  	s6 =	sshll.u32 s10, $0x10;
	_ =	strace $0x80000047;
	s2 =	sor.u32 s0, s2  }
0x5: {  	s7 =	ssub.s32 $0x2, s0;
	[smem:$0x7F2] =	sst s5;
	s0 =	sshll.u32 s0, $0xF  }
0x6: {  	[smem:$0x7F3] =	sst s13;
	s3 =	sshll.u32 s2, $0x4;
	s0 =	sor.u32 s0, s6  }
0x7: {  	s19 =	sor.u32 $0x2, s3;
	[dreg:$0x13] =	wrdreg s0  }
0x8: {  	s2 =	sshll.u32 s2, $0xC;
	s20 =	sor.u32 $0x3, s3;
	[dreg:$0x6] =	wrdreg s19  }
0x9: {  	s11 =	sadd.s32 s5, s2;
	[dreg:$0x7] =	wrdreg s20  }
0xa: {  	s12 =	sadd.s32 s13, s2;
	[dreg:$0x2] =	wrdreg s11  }
0xb: {  	s16 =	sor.u32 $0x100, s2;
	s0 =	sor.u32 $0x800, s0;
	[dreg:$0x3] =	wrdreg s12  }
0xc: {  	s9 =	sshrl.u32 s7, $0x1;
	s17 =	sadd.s32 s5, s16;
	[smem:$0x7FD] =	sst s0  }
0xd: {  	s8 =	sadd.s32 s3, s1;
	s18 =	sadd.s32 s13, s16;
	[dreg:$0x4] =	wrdreg s17  }
0xe: {  	s7 =	ssub.s32 s7, s9;
	s22 =	sadd.s32 $0x7D800, s8;
	[dreg:$0x5] =	wrdreg s18  }
0xf: {  	s23 =	smax.u32 s7, $0x1;
	[dreg:$0x8] =	wrdreg s22  }
0x10: {  	s24 =	sadd.s32 $0x10, s11;
	[dreg:$0x9] =	wrdreg s23  }
0x11: {  	s25 =	sadd.s32 $0x20, s11;
	[dreg:$0xa] =	wrdreg s24  }
0x12: {  	s26 =	sadd.s32 $0x30, s11;
	[dreg:$0xb] =	wrdreg s25  }
0x13: {  	s28 =	sadd.s32 $0x40, s11;
	[dreg:$0xc] =	wrdreg s26  }
0x14: {  	s29 =	sadd.s32 $0x50, s11;
	[dreg:$0xd] =	wrdreg s28  }
0x15: {  	s30 =	sadd.s32 $0x60, s11;
	[dreg:$0xe] =	wrdreg s29  }
0x16: {  	s31 =	sadd.s32 $0x70, s11;
	[dreg:$0xf] =	wrdreg s30  }
0x17: {  	s3 =	sadd.s32 $0x80, s11;
	[dreg:$0x10] =	wrdreg s31  }
0x18: {  	s5 =	sadd.s32 $0x90, s11;
	[dreg:$0x11] =	wrdreg s3  }
0x19: {  	s7 =	sadd.s32 $0xA0, s11;
	[dreg:$0x12] =	wrdreg s5  }
0x1a: {  	s8 =	sadd.s32 $0xB0, s11;
	[dreg:$0x14] =	wrdreg s7  }
0x1b: {  	s9 =	sadd.s32 $0xC0, s11;
	[dreg:$0x15] =	wrdreg s8  }
0x1c: {  	s10 =	sadd.s32 $0xD0, s11;
	[dreg:$0x16] =	wrdreg s9  }
0x1d: {  	s13 =	sadd.s32 $0xE0, s11;
	[dreg:$0x17] =	wrdreg s10  }
0x1e: {  	s14 =	sadd.s32 $0xF0, s11;
	[dreg:$0x18] =	wrdreg s13  }
0x1f: {  	s15 =	sadd.s32 $0x10, s12;
	[dreg:$0x19] =	wrdreg s14  }
0x20: {  	s16 =	sadd.s32 $0x20, s12;
	[dreg:$0x1a] =	wrdreg s15  }
0x21: {  	s19 =	sadd.s32 $0x50, s12;
	[dreg:$0x1b] =	wrdreg s16  }
0x22: {  	s20 =	sadd.s32 $0x60, s12;
	[dreg:$0x1e] =	wrdreg s19  }
0x23: {  	s17 =	sadd.s32 $0x30, s12;
	[dreg:$0x1f] =	wrdreg s20  }
0x24: {  	s18 =	sadd.s32 $0x40, s12;
	[dreg:$0x1c] =	wrdreg s17  }
0x25: {  	s22 =	sadd.s32 $0x70, s12;
	[dreg:$0x1d] =	wrdreg s18  }
0x26: {  	s23 =	sadd.s32 $0x80, s12;
	[smem:$0x7F4] =	sst s22  }
0x27: {  	s24 =	sadd.s32 $0x90, s12;
	[smem:$0x7F5] =	sst s23  }
0x28: {  	s25 =	sadd.s32 $0xA0, s12;
	[smem:$0x7F6] =	sst s24  }
0x29: {  	s26 =	sadd.s32 $0xB0, s12;
	[smem:$0x7F7] =	sst s25  }
0x2a: {  	s28 =	sadd.s32 $0xC0, s12;
	[smem:$0x7F8] =	sst s26  }
0x2b: {  	s4 =	sadd.s32 $0x1EA00, s1;
	s29 =	sadd.s32 $0xD0, s12;
	[smem:$0x7F9] =	sst s28  }
0x2c: {  	s2 =	simm.s32 $0x1;
	s30 =	sadd.s32 $0xE0, s12;
	[smem:$0x7FA] =	sst s29  }
0x2d: {  	v0 =	vimm.f32 $1.000000000e+00;
	s31 =	sadd.s32 $0xF0, s12;
	s13 =	simm.s32 $0x80;
	[smem:$0x7FB] =	sst s30  }
0x2e: {  	v0 =	vand.u32 $0x7FFFFFFF, v0;
	s20 =	simm.s32 $0x2;
	s3 =	simm.s32 $0x0;
	[smem:$0x7FC] =	sst s31  }
.LBB2_1:
0x2f: {  	[smem:$0x7F1] =	sst s3  }
0x30: {  	s7 =	rddreg [dreg:$0x2]  }
0x31: {  	s25 =	rddreg [dreg:$0xa]  }
0x32: {  	[tilespmem:s21], [sflag:$0x1] =	stream.linear.gather [hbm4b:s7+s21], $0x80, $0x38;
	[tilespmem:$0x6080] =	vst v63  }
0x33: {  	s8 =	simm.s32 $0x100;
	s26 =	rddreg [dreg:$0xb]  }
0x34: {  	[tilespmem:s8], [sflag:$0x1] =	stream.linear.gather [hbm4b:s25+s21], $0x80, $0x38;
	[tilespmem:$0x6080] =	vst v63  }
0x35: {  	s9 =	simm.s32 $0x200;
	s28 =	rddreg [dreg:$0xc]  }
0x36: {  	[tilespmem:s9], [sflag:$0x1] =	stream.linear.gather [hbm4b:s26+s21], $0x80, $0x38;
	[tilespmem:$0x6080] =	vst v63  }
0x37: {  	s10 =	simm.s32 $0x300;
	s0 =	rddreg [dreg:$0xd]  }
0x38: {  	[tilespmem:s10], [sflag:$0x1] =	stream.linear.gather [hbm4b:s28+s21], $0x80, $0x38;
	[tilespmem:$0x6080] =	vst v63  }
0x39: {  	s22 =	simm.s32 $0x400;
	s3 =	rddreg [dreg:$0xe]  }
0x3a: {  	[tilespmem:s22], [sflag:$0x1] =	stream.linear.gather [hbm4b:s0+s21], $0x80, $0x38;
	[tilespmem:$0x6080] =	vst v63  }
0x3b: {  	s23 =	simm.s32 $0x500;
	s5 =	rddreg [dreg:$0xf]  }
0x3c: {  	[tilespmem:s23], [sflag:$0x1] =	stream.linear.gather [hbm4b:s3+s21], $0x80, $0x38;
	[tilespmem:$0x6080] =	vst v63  }
0x3d: {  	s24 =	simm.s32 $0x600;
	s6 =	rddreg [dreg:$0x10]  }
0x3e: {  	[tilespmem:s24], [sflag:$0x1] =	stream.linear.gather [hbm4b:s5+s21], $0x80, $0x38;
	[tilespmem:$0x6080] =	vst v63  }
0x3f: {  	s11 =	rddreg [dreg:$0x11];
	s25 =	simm.s32 $0x700  }
0x40: {  	[tilespmem:s25], [sflag:$0x1] =	stream.linear.gather [hbm4b:s6+s21], $0x80, $0x38;
	[tilespmem:$0x6080] =	vst v63  }
0x41: {  	s12 =	simm.s32 $0x800;
	s14 =	rddreg [dreg:$0x12]  }
0x42: {  	[tilespmem:s12], [sflag:$0x1] =	stream.linear.gather [hbm4b:s11+s21], $0x80, $0x38;
	[tilespmem:$0x6080] =	vst v63  }
0x43: {  	s15 =	rddreg [dreg:$0x14];
	s11 =	simm.s32 $0x900  }
0x44: {  	[tilespmem:s11], [sflag:$0x1] =	stream.linear.gather [hbm4b:s14+s21], $0x80, $0x38;
	[tilespmem:$0x6080] =	vst v63  }
0x45: {  	s16 =	rddreg [dreg:$0x15];
	s0 =	simm.s32 $0xA00  }
0x46: {  	[tilespmem:s0], [sflag:$0x1] =	stream.linear.gather [hbm4b:s15+s21], $0x80, $0x38;
	[tilespmem:$0x6080] =	vst v63  }
0x47: {  	s17 =	simm.s32 $0xB00;
	s18 =	rddreg [dreg:$0x16]  }
0x48: {  	[tilespmem:s17], [sflag:$0x1] =	stream.linear.gather [hbm4b:s16+s21], $0x80, $0x38;
	[tilespmem:$0x6080] =	vst v63  }
0x49: {  	s29 =	simm.s32 $0xC00;
	s19 =	rddreg [dreg:$0x17]  }
0x4a: {  	[tilespmem:s29], [sflag:$0x1] =	stream.linear.gather [hbm4b:s18+s21], $0x80, $0x38;
	[tilespmem:$0x6080] =	vst v63  }
0x4b: {  	s26 =	simm.s32 $0xD00;
	s28 =	rddreg [dreg:$0x18]  }
0x4c: {  	[tilespmem:s26], [sflag:$0x1] =	stream.linear.gather [hbm4b:s19+s21], $0x80, $0x38;
	[tilespmem:$0x6080] =	vst v63  }
0x4d: {  	s30 =	simm.s32 $0xE00;
	s5 =	rddreg [dreg:$0x3]  }
0x4e: {  	[tilespmem:s30], [sflag:$0x1] =	stream.linear.gather [hbm4b:s28+s21], $0x80, $0x38;
	[tilespmem:$0x6080] =	vst v63  }
0x4f: {  	s3 =	simm.s32 $0xF00;
	s0 =	rddreg [dreg:$0x19]  }
0x50: {  	[tilespmem:s3], [sflag:$0x1] =	stream.linear.gather [hbm4b:s0+s21], $0x80, $0x38;
	[tilespmem:$0x6080] =	vst v63  }
0x51: {  	s6 =	rddreg [dreg:$0x1a];
	s0 =	simm.s32 $0x1000  }
0x52: {  	[tilespmem:s0], [sflag:$0x1] =	stream.linear.gather [hbm4b:s5+s21], $0x80, $0x38;
	[tilespmem:$0x6080] =	vst v63  }
0x53: {  	s14 =	rddreg [dreg:$0x1b];
	s3 =	simm.s32 $0x1100  }
0x54: {  	[tilespmem:s3], [sflag:$0x1] =	stream.linear.gather [hbm4b:s6+s21], $0x80, $0x38;
	[tilespmem:$0x6080] =	vst v63  }
0x55: {  	s15 =	rddreg [dreg:$0x1c];
	s5 =	simm.s32 $0x1200  }
0x56: {  	[tilespmem:s5], [sflag:$0x1] =	stream.linear.gather [hbm4b:s14+s21], $0x80, $0x38;
	[tilespmem:$0x6080] =	vst v63  }
0x57: {  	s16 =	rddreg [dreg:$0x1d];
	s6 =	simm.s32 $0x1300  }
0x58: {  	[tilespmem:s6], [sflag:$0x1] =	stream.linear.gather [hbm4b:s15+s21], $0x80, $0x38;
	[tilespmem:$0x6080] =	vst v63  }
0x59: {  	s17 =	rddreg [dreg:$0x1e];
	s14 =	simm.s32 $0x1400  }
0x5a: {  	[tilespmem:s14], [sflag:$0x1] =	stream.linear.gather [hbm4b:s16+s21], $0x80, $0x38;
	[tilespmem:$0x6080] =	vst v63  }
0x5b: {  	s18 =	rddreg [dreg:$0x1f];
	s15 =	simm.s32 $0x1500  }
0x5c: {  	[tilespmem:s15], [sflag:$0x1] =	stream.linear.gather [hbm4b:s17+s21], $0x80, $0x38;
	[tilespmem:$0x6080] =	vst v63  }
0x5d: {  	s19 =	sld [smem:$0x7F4];
	s16 =	simm.s32 $0x1600  }
0x5e: {  	[tilespmem:s16], [sflag:$0x1] =	stream.linear.gather [hbm4b:s18+s21], $0x80, $0x38;
	[tilespmem:$0x6080] =	vst v63  }
0x5f: {  	s26 =	sld [smem:$0x7F5];
	s17 =	simm.s32 $0x1700  }
0x60: {  	[tilespmem:s17], [sflag:$0x1] =	stream.linear.gather [hbm4b:s19+s21], $0x80, $0x38;
	[tilespmem:$0x6080] =	vst v63  }
0x61: {  	s28 =	sld [smem:$0x7F6];
	s18 =	simm.s32 $0x1800  }
0x62: {  	[tilespmem:s18], [sflag:$0x1] =	stream.linear.gather [hbm4b:s26+s21], $0x80, $0x38;
	[tilespmem:$0x6080] =	vst v63  }
0x63: {  	s19 =	simm.s32 $0x1900;
	s26 =	sld [smem:$0x7F7]  }
0x64: {  	[tilespmem:s19], [sflag:$0x1] =	stream.linear.gather [hbm4b:s28+s21], $0x80, $0x38;
	[tilespmem:$0x6080] =	vst v63  }
0x65: {  	s7 =	sld [smem:$0x7F8];
	s28 =	simm.s32 $0x1A00  }
0x66: {  	[tilespmem:s28], [sflag:$0x1] =	stream.linear.gather [hbm4b:s26+s21], $0x80, $0x38;
	[tilespmem:$0x6080] =	vst v63  }
0x67: {  	s26 =	simm.s32 $0x1B00  }
0x68: {  	[tilespmem:s26], [sflag:$0x1] =	stream.linear.gather [hbm4b:s7+s21], $0x80, $0x38;
	[tilespmem:$0x6080] =	vst v63  }
0x69: {  	s7 =	sld [smem:$0x7F9];
	_ =	sdelay $0x1  }
0x6a: {  	s31 =	simm.s32 $0x1C00  }
0x6b: {  	[tilespmem:s31], [sflag:$0x1] =	stream.linear.gather [hbm4b:s7+s21], $0x80, $0x38;
	[tilespmem:$0x6080] =	vst v63  }
0x6c: {  	s7 =	sld [smem:$0x7FA];
	_ =	sdelay $0x1  }
0x6d: {  	s31 =	simm.s32 $0x1D00  }
0x6e: {  	[tilespmem:s31], [sflag:$0x1] =	stream.linear.gather [hbm4b:s7+s21], $0x80, $0x38;
	[tilespmem:$0x6080] =	vst v63  }
0x6f: {  	s7 =	sld [smem:$0x7FB];
	_ =	sdelay $0x1  }
0x70: {  	s31 =	simm.s32 $0x1E00  }
0x71: {  	[tilespmem:s31], [sflag:$0x1] =	stream.linear.gather [hbm4b:s7+s21], $0x80, $0x38;
	[tilespmem:$0x6080] =	vst v63  }
0x72: {  	s7 =	sld [smem:$0x7FC];
	_ =	sdelay $0x1  }
0x73: {  	s31 =	simm.s32 $0x1F00  }
0x74: {  	[tilespmem:s31], [sflag:$0x1] =	stream.linear.gather [hbm4b:s7+s21], $0x80, $0x38;
	[tilespmem:$0x6080] =	vst v63  }
0x75: {  	_ =	swait.ge [sflag:s2], $0x800  }
0x76: {  	[sflag:s2] =	ssyncset.done $0x0  }
0x77: {  	[sflag:s2] =	ssyncadd.s32 $0xFFFFF800  }
0x78: {  	_ =	swait.ge [sflag:s2], $0x800  }
0x79: {  	[sflag:s2] =	ssyncset.done $0x0  }
0x7a: {  	s7 =	simm.s32 $0x2000;
	[sflag:s2] =	ssyncadd.s32 $0xFFFFF800  }
0x7b: {  	[tilespmem:s7], [sflag:$0x2] =	stream.indirect.gather [hbm4b:s1+s13], $0x1, s21, s13, $0xb8;
	[tilespmem:$0x6080] =	vst v63  }
0x7c: {  	s7 =	simm.s32 $0x3000  }
0x7d: {  	[tilespmem:s7], [sflag:$0x2] =	stream.indirect.gather [hbm4b:s4+s13], $0x1, s21, s13, $0xb8;
	[tilespmem:$0x6080] =	vst v63  }
0x7e: {  	s7 =	simm.s32 $0x4000  }
0x7f: {  	[tilespmem:s7], [sflag:$0x2] =	stream.indirect.gather [hbm4b:s1+s13], $0x1, s0, s13, $0xb8;
	[tilespmem:$0x6080] =	vst v63  }
0x80: {  	s7 =	simm.s32 $0x5000  }
0x81: {  	[tilespmem:s7], [sflag:$0x2] =	stream.indirect.gather [hbm4b:s4+s13], $0x1, s0, s13, $0xb8;
	[tilespmem:$0x6080] =	vst v63  }
0x82: {  	s7 =	simm.s32 $0x2100  }
0x83: {  	[tilespmem:s7], [sflag:$0x2] =	stream.indirect.gather [hbm4b:s1+s13], $0x1, s8, s13, $0xb8;
	[tilespmem:$0x6080] =	vst v63  }
0x84: {  	s7 =	simm.s32 $0x3100  }
0x85: {  	[tilespmem:s7], [sflag:$0x2] =	stream.indirect.gather [hbm4b:s4+s13], $0x1, s8, s13, $0xb8;
	[tilespmem:$0x6080] =	vst v63  }
0x86: {  	s7 =	simm.s32 $0x4100  }
0x87: {  	[tilespmem:s7], [sflag:$0x2] =	stream.indirect.gather [hbm4b:s1+s13], $0x1, s3, s13, $0xb8;
	[tilespmem:$0x6080] =	vst v63  }
0x88: {  	s8 =	simm.s32 $0x5100  }
0x89: {  	[tilespmem:s8], [sflag:$0x2] =	stream.indirect.gather [hbm4b:s4+s13], $0x1, s3, s13, $0xb8;
	[tilespmem:$0x6080] =	vst v63  }
0x8a: {  	s7 =	simm.s32 $0x2200  }
0x8b: {  	[tilespmem:s7], [sflag:$0x2] =	stream.indirect.gather [hbm4b:s1+s13], $0x1, s9, s13, $0xb8;
	[tilespmem:$0x6080] =	vst v63  }
0x8c: {  	s8 =	simm.s32 $0x3200  }
0x8d: {  	[tilespmem:s8], [sflag:$0x2] =	stream.indirect.gather [hbm4b:s4+s13], $0x1, s9, s13, $0xb8;
	[tilespmem:$0x6080] =	vst v63  }
0x8e: {  	s3 =	simm.s32 $0x4200  }
0x8f: {  	[tilespmem:s3], [sflag:$0x2] =	stream.indirect.gather [hbm4b:s1+s13], $0x1, s5, s13, $0xb8;
	[tilespmem:$0x6080] =	vst v63  }
0x90: {  	s7 =	simm.s32 $0x5200  }
0x91: {  	[tilespmem:s7], [sflag:$0x2] =	stream.indirect.gather [hbm4b:s4+s13], $0x1, s5, s13, $0xb8;
	[tilespmem:$0x6080] =	vst v63  }
0x92: {  	s8 =	simm.s32 $0x2300  }
0x93: {  	[tilespmem:s8], [sflag:$0x2] =	stream.indirect.gather [hbm4b:s1+s13], $0x1, s10, s13, $0xb8;
	[tilespmem:$0x6080] =	vst v63  }
0x94: {  	s9 =	simm.s32 $0x3300  }
0x95: {  	[tilespmem:s9], [sflag:$0x2] =	stream.indirect.gather [hbm4b:s4+s13], $0x1, s10, s13, $0xb8;
	[tilespmem:$0x6080] =	vst v63  }
0x96: {  	s3 =	simm.s32 $0x4300  }
0x97: {  	[tilespmem:s3], [sflag:$0x2] =	stream.indirect.gather [hbm4b:s1+s13], $0x1, s6, s13, $0xb8;
	[tilespmem:$0x6080] =	vst v63  }
0x98: {  	s5 =	simm.s32 $0x5300  }
0x99: {  	[tilespmem:s5], [sflag:$0x2] =	stream.indirect.gather [hbm4b:s4+s13], $0x1, s6, s13, $0xb8;
	[tilespmem:$0x6080] =	vst v63  }
0x9a: {  	s6 =	simm.s32 $0x2400  }
0x9b: {  	[tilespmem:s6], [sflag:$0x2] =	stream.indirect.gather [hbm4b:s1+s13], $0x1, s22, s13, $0xb8;
	[tilespmem:$0x6080] =	vst v63  }
0x9c: {  	s7 =	simm.s32 $0x3400  }
0x9d: {  	[tilespmem:s7], [sflag:$0x2] =	stream.indirect.gather [hbm4b:s4+s13], $0x1, s22, s13, $0xb8;
	[tilespmem:$0x6080] =	vst v63  }
0x9e: {  	s8 =	simm.s32 $0x4400  }
0x9f: {  	[tilespmem:s8], [sflag:$0x2] =	stream.indirect.gather [hbm4b:s1+s13], $0x1, s14, s13, $0xb8;
	[tilespmem:$0x6080] =	vst v63  }
0xa0: {  	s9 =	simm.s32 $0x5400  }
0xa1: {  	[tilespmem:s9], [sflag:$0x2] =	stream.indirect.gather [hbm4b:s4+s13], $0x1, s14, s13, $0xb8;
	[tilespmem:$0x6080] =	vst v63  }
0xa2: {  	s10 =	simm.s32 $0x2500  }
0xa3: {  	[tilespmem:s10], [sflag:$0x2] =	stream.indirect.gather [hbm4b:s1+s13], $0x1, s23, s13, $0xb8;
	[tilespmem:$0x6080] =	vst v63  }
0xa4: {  	s14 =	simm.s32 $0x3500  }
0xa5: {  	[tilespmem:s14], [sflag:$0x2] =	stream.indirect.gather [hbm4b:s4+s13], $0x1, s23, s13, $0xb8;
	[tilespmem:$0x6080] =	vst v63  }
0xa6: {  	s22 =	simm.s32 $0x4500  }
0xa7: {  	[tilespmem:s22], [sflag:$0x2] =	stream.indirect.gather [hbm4b:s1+s13], $0x1, s15, s13, $0xb8;
	[tilespmem:$0x6080] =	vst v63  }
0xa8: {  	s23 =	simm.s32 $0x5500  }
0xa9: {  	[tilespmem:s23], [sflag:$0x2] =	stream.indirect.gather [hbm4b:s4+s13], $0x1, s15, s13, $0xb8;
	[tilespmem:$0x6080] =	vst v63  }
0xaa: {  	s3 =	simm.s32 $0x2600  }
0xab: {  	[tilespmem:s3], [sflag:$0x2] =	stream.indirect.gather [hbm4b:s1+s13], $0x1, s24, s13, $0xb8;
	[tilespmem:$0x6080] =	vst v63  }
0xac: {  	s5 =	simm.s32 $0x3600  }
0xad: {  	[tilespmem:s5], [sflag:$0x2] =	stream.indirect.gather [hbm4b:s4+s13], $0x1, s24, s13, $0xb8;
	[tilespmem:$0x6080] =	vst v63  }
0xae: {  	s6 =	simm.s32 $0x4600  }
0xaf: {  	[tilespmem:s6], [sflag:$0x2] =	stream.indirect.gather [hbm4b:s1+s13], $0x1, s16, s13, $0xb8;
	[tilespmem:$0x6080] =	vst v63  }
0xb0: {  	s7 =	simm.s32 $0x5600  }
0xb1: {  	[tilespmem:s7], [sflag:$0x2] =	stream.indirect.gather [hbm4b:s4+s13], $0x1, s16, s13, $0xb8;
	[tilespmem:$0x6080] =	vst v63  }
0xb2: {  	s8 =	simm.s32 $0x2700  }
0xb3: {  	[tilespmem:s8], [sflag:$0x2] =	stream.indirect.gather [hbm4b:s1+s13], $0x1, s25, s13, $0xb8;
	[tilespmem:$0x6080] =	vst v63  }
0xb4: {  	s9 =	simm.s32 $0x3700  }
0xb5: {  	[tilespmem:s9], [sflag:$0x2] =	stream.indirect.gather [hbm4b:s4+s13], $0x1, s25, s13, $0xb8;
	[tilespmem:$0x6080] =	vst v63  }
0xb6: {  	s10 =	simm.s32 $0x4700  }
0xb7: {  	[tilespmem:s10], [sflag:$0x2] =	stream.indirect.gather [hbm4b:s1+s13], $0x1, s17, s13, $0xb8;
	[tilespmem:$0x6080] =	vst v63  }
0xb8: {  	s14 =	simm.s32 $0x5700  }
0xb9: {  	[tilespmem:s14], [sflag:$0x2] =	stream.indirect.gather [hbm4b:s4+s13], $0x1, s17, s13, $0xb8;
	[tilespmem:$0x6080] =	vst v63  }
0xba: {  	s15 =	simm.s32 $0x2800  }
0xbb: {  	[tilespmem:s15], [sflag:$0x2] =	stream.indirect.gather [hbm4b:s1+s13], $0x1, s12, s13, $0xb8;
	[tilespmem:$0x6080] =	vst v63  }
0xbc: {  	s16 =	simm.s32 $0x3800  }
0xbd: {  	[tilespmem:s16], [sflag:$0x2] =	stream.indirect.gather [hbm4b:s4+s13], $0x1, s12, s13, $0xb8;
	[tilespmem:$0x6080] =	vst v63  }
0xbe: {  	s17 =	simm.s32 $0x4800  }
0xbf: {  	[tilespmem:s17], [sflag:$0x2] =	stream.indirect.gather [hbm4b:s1+s13], $0x1, s18, s13, $0xb8;
	[tilespmem:$0x6080] =	vst v63  }
0xc0: {  	s22 =	simm.s32 $0x5800  }
0xc1: {  	[tilespmem:s22], [sflag:$0x2] =	stream.indirect.gather [hbm4b:s4+s13], $0x1, s18, s13, $0xb8;
	[tilespmem:$0x6080] =	vst v63  }
0xc2: {  	s23 =	simm.s32 $0x2900  }
0xc3: {  	[tilespmem:s23], [sflag:$0x2] =	stream.indirect.gather [hbm4b:s1+s13], $0x1, s11, s13, $0xb8;
	[tilespmem:$0x6080] =	vst v63  }
0xc4: {  	s24 =	simm.s32 $0x3900  }
0xc5: {  	[tilespmem:s24], [sflag:$0x2] =	stream.indirect.gather [hbm4b:s4+s13], $0x1, s11, s13, $0xb8;
	[tilespmem:$0x6080] =	vst v63  }
0xc6: {  	s25 =	simm.s32 $0x4900  }
0xc7: {  	[tilespmem:s25], [sflag:$0x2] =	stream.indirect.gather [hbm4b:s1+s13], $0x1, s19, s13, $0xb8;
	[tilespmem:$0x6080] =	vst v63  }
0xc8: {  	s5 =	simm.s32 $0x5900  }
0xc9: {  	[tilespmem:s5], [sflag:$0x2] =	stream.indirect.gather [hbm4b:s4+s13], $0x1, s19, s13, $0xb8;
	[tilespmem:$0x6080] =	vst v63  }
0xca: {  	s6 =	simm.s32 $0x2A00;
	s7 =	simm.s32 $0xA00  }
0xcb: {  	[tilespmem:s6], [sflag:$0x2] =	stream.indirect.gather [hbm4b:s1+s13], $0x1, s7, s13, $0xb8;
	[tilespmem:$0x6080] =	vst v63  }
0xcc: {  	s8 =	simm.s32 $0x3A00  }
0xcd: {  	[tilespmem:s8], [sflag:$0x2] =	stream.indirect.gather [hbm4b:s4+s13], $0x1, s7, s13, $0xb8;
	[tilespmem:$0x6080] =	vst v63  }
0xce: {  	s9 =	simm.s32 $0x4A00  }
0xcf: {  	[tilespmem:s9], [sflag:$0x2] =	stream.indirect.gather [hbm4b:s1+s13], $0x1, s28, s13, $0xb8;
	[tilespmem:$0x6080] =	vst v63  }
0xd0: {  	s10 =	simm.s32 $0x5A00  }
0xd1: {  	[tilespmem:s10], [sflag:$0x2] =	stream.indirect.gather [hbm4b:s4+s13], $0x1, s28, s13, $0xb8;
	[tilespmem:$0x6080] =	vst v63  }
0xd2: {  	s12 =	simm.s32 $0xB00;
	s11 =	simm.s32 $0x2B00  }
0xd3: {  	[tilespmem:s11], [sflag:$0x2] =	stream.indirect.gather [hbm4b:s1+s13], $0x1, s12, s13, $0xb8;
	[tilespmem:$0x6080] =	vst v63  }
0xd4: {  	s18 =	simm.s32 $0x3B00  }
0xd5: {  	[tilespmem:s18], [sflag:$0x2] =	stream.indirect.gather [hbm4b:s4+s13], $0x1, s12, s13, $0xb8;
	[tilespmem:$0x6080] =	vst v63  }
0xd6: {  	s19 =	simm.s32 $0x4B00  }
0xd7: {  	[tilespmem:s19], [sflag:$0x2] =	stream.indirect.gather [hbm4b:s1+s13], $0x1, s26, s13, $0xb8;
	[tilespmem:$0x6080] =	vst v63  }
0xd8: {  	s22 =	simm.s32 $0x5B00  }
0xd9: {  	[tilespmem:s22], [sflag:$0x2] =	stream.indirect.gather [hbm4b:s4+s13], $0x1, s26, s13, $0xb8;
	[tilespmem:$0x6080] =	vst v63  }
0xda: {  	s23 =	simm.s32 $0x2C00  }
0xdb: {  	[tilespmem:s23], [sflag:$0x2] =	stream.indirect.gather [hbm4b:s1+s13], $0x1, s29, s13, $0xb8;
	[tilespmem:$0x6080] =	vst v63  }
0xdc: {  	s24 =	simm.s32 $0x3C00  }
0xdd: {  	[tilespmem:s24], [sflag:$0x2] =	stream.indirect.gather [hbm4b:s4+s13], $0x1, s29, s13, $0xb8;
	[tilespmem:$0x6080] =	vst v63  }
0xde: {  	s25 =	simm.s32 $0x4C00;
	s26 =	simm.s32 $0x1C00  }
0xdf: {  	[tilespmem:s25], [sflag:$0x2] =	stream.indirect.gather [hbm4b:s1+s13], $0x1, s26, s13, $0xb8;
	[tilespmem:$0x6080] =	vst v63  }
0xe0: {  	s28 =	simm.s32 $0x5C00  }
0xe1: {  	[tilespmem:s28], [sflag:$0x2] =	stream.indirect.gather [hbm4b:s4+s13], $0x1, s26, s13, $0xb8;
	[tilespmem:$0x6080] =	vst v63  }
0xe2: {  	s6 =	simm.s32 $0x2D00;
	s7 =	simm.s32 $0xD00  }
0xe3: {  	[tilespmem:s6], [sflag:$0x2] =	stream.indirect.gather [hbm4b:s1+s13], $0x1, s7, s13, $0xb8;
	[tilespmem:$0x6080] =	vst v63  }
0xe4: {  	s8 =	simm.s32 $0x3D00  }
0xe5: {  	[tilespmem:s8], [sflag:$0x2] =	stream.indirect.gather [hbm4b:s4+s13], $0x1, s7, s13, $0xb8;
	[tilespmem:$0x6080] =	vst v63  }
0xe6: {  	s9 =	simm.s32 $0x4D00;
	s10 =	simm.s32 $0x1D00  }
0xe7: {  	[tilespmem:s9], [sflag:$0x2] =	stream.indirect.gather [hbm4b:s1+s13], $0x1, s10, s13, $0xb8;
	[tilespmem:$0x6080] =	vst v63  }
0xe8: {  	s22 =	simm.s32 $0x5D00  }
0xe9: {  	[tilespmem:s22], [sflag:$0x2] =	stream.indirect.gather [hbm4b:s4+s13], $0x1, s10, s13, $0xb8;
	[tilespmem:$0x6080] =	vst v63  }
0xea: {  	s23 =	simm.s32 $0x2E00  }
0xeb: {  	[tilespmem:s23], [sflag:$0x2] =	stream.indirect.gather [hbm4b:s1+s13], $0x1, s30, s13, $0xb8;
	[tilespmem:$0x6080] =	vst v63  }
0xec: {  	s24 =	simm.s32 $0x3E00  }
0xed: {  	[tilespmem:s24], [sflag:$0x2] =	stream.indirect.gather [hbm4b:s4+s13], $0x1, s30, s13, $0xb8;
	[tilespmem:$0x6080] =	vst v63  }
0xee: {  	s25 =	simm.s32 $0x4E00;
	s26 =	simm.s32 $0x1E00  }
0xef: {  	[tilespmem:s25], [sflag:$0x2] =	stream.indirect.gather [hbm4b:s1+s13], $0x1, s26, s13, $0xb8;
	[tilespmem:$0x6080] =	vst v63  }
0xf0: {  	s28 =	simm.s32 $0x5E00  }
0xf1: {  	[tilespmem:s28], [sflag:$0x2] =	stream.indirect.gather [hbm4b:s4+s13], $0x1, s26, s13, $0xb8;
	[tilespmem:$0x6080] =	vst v63  }
0xf2: {  	s7 =	simm.s32 $0x2F00;
	s8 =	simm.s32 $0xF00  }
0xf3: {  	[tilespmem:s7], [sflag:$0x2] =	stream.indirect.gather [hbm4b:s1+s13], $0x1, s8, s13, $0xb8;
	[tilespmem:$0x6080] =	vst v63  }
0xf4: {  	s9 =	simm.s32 $0x3F00  }
0xf5: {  	[tilespmem:s9], [sflag:$0x2] =	stream.indirect.gather [hbm4b:s4+s13], $0x1, s8, s13, $0xb8;
	[tilespmem:$0x6080] =	vst v63  }
0xf6: {  	s10 =	simm.s32 $0x4F00;
	s22 =	simm.s32 $0x1F00  }
0xf7: {  	[tilespmem:s10], [sflag:$0x2] =	stream.indirect.gather [hbm4b:s1+s13], $0x1, s22, s13, $0xb8;
	[tilespmem:$0x6080] =	vst v63  }
0xf8: {  	s23 =	simm.s32 $0x5F00  }
0xf9: {  	[tilespmem:s23], [sflag:$0x2] =	stream.indirect.gather [hbm4b:s4+s13], $0x1, s22, s13, $0xb8;
	[tilespmem:$0x6080] =	vst v63  }
0xfa: {  	s8 =	rddreg [dreg:$0x4]  }
0xfb: {  	[tilespmem:s13], [sflag:$0x1] =	stream.linear.gather [hbm4b:s8+s21], $0x80, $0x38;
	[tilespmem:$0x6080] =	vst v63  }
0xfc: {  	s25 =	simm.s32 $0x180;
	s24 =	sadd.s32 $0x10, s8  }
0xfd: {  	[tilespmem:s25], [sflag:$0x1] =	stream.linear.gather [hbm4b:s24+s21], $0x80, $0x38;
	[tilespmem:$0x6080] =	vst v63  }
0xfe: {  	s28 =	simm.s32 $0x280;
	s26 =	sadd.s32 $0x20, s8  }
0xff: {  	[tilespmem:s28], [sflag:$0x1] =	stream.linear.gather [hbm4b:s26+s21], $0x80, $0x38;
	[tilespmem:$0x6080] =	vst v63  }
0x100: {  	s9 =	sadd.s32 $0x30, s8;
	s10 =	simm.s32 $0x380  }
0x101: {  	[tilespmem:s10], [sflag:$0x1] =	stream.linear.gather [hbm4b:s9+s21], $0x80, $0x38;
	[tilespmem:$0x6080] =	vst v63  }
0x102: {  	s22 =	sadd.s32 $0x40, s8;
	s23 =	simm.s32 $0x480  }
0x103: {  	[tilespmem:s23], [sflag:$0x1] =	stream.linear.gather [hbm4b:s22+s21], $0x80, $0x38;
	[tilespmem:$0x6080] =	vst v63  }
0x104: {  	s24 =	sadd.s32 $0x50, s8;
	s25 =	simm.s32 $0x580  }
0x105: {  	[tilespmem:s25], [sflag:$0x1] =	stream.linear.gather [hbm4b:s24+s21], $0x80, $0x38;
	[tilespmem:$0x6080] =	vst v63  }
0x106: {  	s26 =	sadd.s32 $0x60, s8;
	s28 =	simm.s32 $0x680  }
0x107: {  	[tilespmem:s28], [sflag:$0x1] =	stream.linear.gather [hbm4b:s26+s21], $0x80, $0x38;
	[tilespmem:$0x6080] =	vst v63  }
0x108: {  	s9 =	sadd.s32 $0x70, s8;
	s10 =	simm.s32 $0x780  }
0x109: {  	[tilespmem:s10], [sflag:$0x1] =	stream.linear.gather [hbm4b:s9+s21], $0x80, $0x38;
	[tilespmem:$0x6080] =	vst v63  }
0x10a: {  	s22 =	sadd.s32 $0x80, s8;
	s23 =	simm.s32 $0x880  }
0x10b: {  	[tilespmem:s23], [sflag:$0x1] =	stream.linear.gather [hbm4b:s22+s21], $0x80, $0x38;
	[tilespmem:$0x6080] =	vst v63  }
0x10c: {  	s24 =	sadd.s32 $0x90, s8;
	s25 =	simm.s32 $0x980  }
0x10d: {  	[tilespmem:s25], [sflag:$0x1] =	stream.linear.gather [hbm4b:s24+s21], $0x80, $0x38;
	[tilespmem:$0x6080] =	vst v63  }
0x10e: {  	s26 =	sadd.s32 $0xA0, s8;
	s28 =	simm.s32 $0xA80  }
0x10f: {  	[tilespmem:s28], [sflag:$0x1] =	stream.linear.gather [hbm4b:s26+s21], $0x80, $0x38;
	[tilespmem:$0x6080] =	vst v63  }
0x110: {  	s9 =	sadd.s32 $0xB0, s8;
	s10 =	simm.s32 $0xB80  }
0x111: {  	[tilespmem:s10], [sflag:$0x1] =	stream.linear.gather [hbm4b:s9+s21], $0x80, $0x38;
	[tilespmem:$0x6080] =	vst v63  }
0x112: {  	s22 =	sadd.s32 $0xC0, s8;
	s23 =	simm.s32 $0xC80  }
0x113: {  	[tilespmem:s23], [sflag:$0x1] =	stream.linear.gather [hbm4b:s22+s21], $0x80, $0x38;
	[tilespmem:$0x6080] =	vst v63  }
0x114: {  	s24 =	sadd.s32 $0xD0, s8;
	s25 =	simm.s32 $0xD80  }
0x115: {  	[tilespmem:s25], [sflag:$0x1] =	stream.linear.gather [hbm4b:s24+s21], $0x80, $0x38;
	[tilespmem:$0x6080] =	vst v63  }
0x116: {  	s26 =	sadd.s32 $0xE0, s8;
	s28 =	simm.s32 $0xE80  }
0x117: {  	[tilespmem:s28], [sflag:$0x1] =	stream.linear.gather [hbm4b:s26+s21], $0x80, $0x38;
	[tilespmem:$0x6080] =	vst v63  }
0x118: {  	s8 =	sadd.s32 $0xF0, s8;
	s9 =	simm.s32 $0xF80  }
0x119: {  	[tilespmem:s9], [sflag:$0x1] =	stream.linear.gather [hbm4b:s8+s21], $0x80, $0x38;
	[tilespmem:$0x6080] =	vst v63  }
0x11a: {  	s10 =	simm.s32 $0x1080;
	s8 =	rddreg [dreg:$0x5]  }
0x11b: {  	[tilespmem:s10], [sflag:$0x1] =	stream.linear.gather [hbm4b:s8+s21], $0x80, $0x38;
	[tilespmem:$0x6080] =	vst v63  }
0x11c: {  	s31 =	simm.s32 $0x600;
	s23 =	simm.s32 $0x1180;
	s22 =	sadd.s32 $0x10, s8  }
0x11d: {  	[tilespmem:s23], [sflag:$0x1] =	stream.linear.gather [hbm4b:s22+s21], $0x80, $0x38;
	[tilespmem:$0x6080] =	vst v63  }
0x11e: {  	s0 =	simm.s32 $0x700;
	s25 =	simm.s32 $0x1280;
	s24 =	sadd.s32 $0x20, s8  }
0x11f: {  	[tilespmem:s25], [sflag:$0x1] =	stream.linear.gather [hbm4b:s24+s21], $0x80, $0x38;
	[tilespmem:$0x6080] =	vst v63  }
0x120: {  	s3 =	simm.s32 $0x1F00;
	s28 =	simm.s32 $0x1380;
	s26 =	sadd.s32 $0x30, s8  }
0x121: {  	[tilespmem:s28], [sflag:$0x1] =	stream.linear.gather [hbm4b:s26+s21], $0x80, $0x38;
	[tilespmem:$0x6080] =	vst v63  }
0x122: {  	s14 =	simm.s32 $0x800;
	s9 =	sadd.s32 $0x40, s8;
	s10 =	simm.s32 $0x1480  }
0x123: {  	[tilespmem:s10], [sflag:$0x1] =	stream.linear.gather [hbm4b:s9+s21], $0x80, $0x38;
	[tilespmem:$0x6080] =	vst v63  }
0x124: {  	s15 =	simm.s32 $0x900;
	s22 =	sadd.s32 $0x50, s8;
	s23 =	simm.s32 $0x1580  }
0x125: {  	[tilespmem:s23], [sflag:$0x1] =	stream.linear.gather [hbm4b:s22+s21], $0x80, $0x38;
	[tilespmem:$0x6080] =	vst v63  }
0x126: {  	s16 =	simm.s32 $0xA00;
	s24 =	sadd.s32 $0x60, s8;
	s25 =	simm.s32 $0x1680  }
0x127: {  	[tilespmem:s25], [sflag:$0x1] =	stream.linear.gather [hbm4b:s24+s21], $0x80, $0x38;
	[tilespmem:$0x6080] =	vst v63  }
0x128: {  	s17 =	simm.s32 $0xB00;
	s26 =	sadd.s32 $0x70, s8;
	s28 =	simm.s32 $0x1780  }
0x129: {  	[tilespmem:s28], [sflag:$0x1] =	stream.linear.gather [hbm4b:s26+s21], $0x80, $0x38;
	[tilespmem:$0x6080] =	vst v63  }
0x12a: {  	s5 =	simm.s32 $0xE00;
	s9 =	sadd.s32 $0x80, s8;
	s10 =	simm.s32 $0x1880  }
0x12b: {  	[tilespmem:s10], [sflag:$0x1] =	stream.linear.gather [hbm4b:s9+s21], $0x80, $0x38;
	[tilespmem:$0x6080] =	vst v63  }
0x12c: {  	s11 =	simm.s32 $0x1D00;
	s22 =	sadd.s32 $0x90, s8;
	s23 =	simm.s32 $0x1980  }
0x12d: {  	[tilespmem:s23], [sflag:$0x1] =	stream.linear.gather [hbm4b:s22+s21], $0x80, $0x38;
	[tilespmem:$0x6080] =	vst v63  }
0x12e: {  	s12 =	simm.s32 $0x1B00;
	s24 =	sadd.s32 $0xA0, s8;
	s25 =	simm.s32 $0x1A80  }
0x12f: {  	[tilespmem:s25], [sflag:$0x1] =	stream.linear.gather [hbm4b:s24+s21], $0x80, $0x38;
	[tilespmem:$0x6080] =	vst v63  }
0x130: {  	s18 =	simm.s32 $0xC00;
	s26 =	sadd.s32 $0xB0, s8;
	s28 =	simm.s32 $0x1B80  }
0x131: {  	[tilespmem:s28], [sflag:$0x1] =	stream.linear.gather [hbm4b:s26+s21], $0x80, $0x38;
	[tilespmem:$0x6080] =	vst v63  }
0x132: {  	s19 =	simm.s32 $0xD00;
	s9 =	sadd.s32 $0xC0, s8;
	s10 =	simm.s32 $0x1C80  }
0x133: {  	[tilespmem:s10], [sflag:$0x1] =	stream.linear.gather [hbm4b:s9+s21], $0x80, $0x38;
	[tilespmem:$0x6080] =	vst v63  }
0x134: {  	s29 =	simm.s32 $0x1C00;
	s22 =	sadd.s32 $0xD0, s8;
	s23 =	simm.s32 $0x1D80  }
0x135: {  	[tilespmem:s23], [sflag:$0x1] =	stream.linear.gather [hbm4b:s22+s21], $0x80, $0x38;
	[tilespmem:$0x6080] =	vst v63  }
0x136: {  	s6 =	simm.s32 $0xF00;
	s24 =	sadd.s32 $0xE0, s8;
	s25 =	simm.s32 $0x1E80  }
0x137: {  	[tilespmem:s25], [sflag:$0x1] =	stream.linear.gather [hbm4b:s24+s21], $0x80, $0x38;
	[tilespmem:$0x6080] =	vst v63  }
0x138: {  	s26 =	sadd.s32 $0xF0, s8;
	s28 =	simm.s32 $0x1F80;
	s22 =	rddreg [dreg:$0x13]  }
0x139: {  	[tilespmem:s28], [sflag:$0x1] =	stream.linear.gather [hbm4b:s26+s21], $0x80, $0x38;
	[tilespmem:$0x6080] =	vst v63  }
0x13a: {  	v1 =	vimm.f32 $0.0e+00;
	s30 =	simm.s32 $0x1E00;
	s23 =	simm.s32 $0x0;
	s21 =	sld [smem:$0x7FD]  }
.LBB2_2:
0x13b: {  	_ =	swait.ge [sflag:s2], $0x800  }
0x13c: {  	[sflag:s2] =	ssyncset.done $0x0  }
0x13d: {  	[sflag:s2] =	ssyncadd.s32 $0xFFFFF800  }
0x13e: {  	_ =	swait.ge [sflag:s2], $0x800  }
0x13f: {  	[sflag:s2] =	ssyncset.done $0x0  }
0x140: {  	s7 =	simm.s32 $0x2080;
	[sflag:s2] =	ssyncadd.s32 $0xFFFFF800  }
0x141: {  	[tilespmem:s7], [sflag:$0x2] =	stream.indirect.gather [hbm4b:s1+s13], $0x1, s13, s13, $0xb8;
	[tilespmem:$0x6080] =	vst v63  }
0x142: {  	s24 =	simm.s32 $0x3080  }
0x143: {  	[tilespmem:s24], [sflag:$0x2] =	stream.indirect.gather [hbm4b:s4+s13], $0x1, s13, s13, $0xb8;
	[tilespmem:$0x6080] =	vst v63  }
0x144: {  	s25 =	simm.s32 $0x1080;
	s8 =	simm.s32 $0x4080  }
0x145: {  	[tilespmem:s8], [sflag:$0x2] =	stream.indirect.gather [hbm4b:s1+s13], $0x1, s25, s13, $0xb8;
	[tilespmem:$0x6080] =	vst v63  }
0x146: {  	s26 =	simm.s32 $0x5080  }
0x147: {  	[tilespmem:s26], [sflag:$0x2] =	stream.indirect.gather [hbm4b:s4+s13], $0x1, s25, s13, $0xb8;
	[tilespmem:$0x6080] =	vst v63  }
0x148: {  	s9 =	simm.s32 $0x180;
	s10 =	simm.s32 $0x2180  }
0x149: {  	[tilespmem:s10], [sflag:$0x2] =	stream.indirect.gather [hbm4b:s1+s13], $0x1, s9, s13, $0xb8;
	[tilespmem:$0x6080] =	vst v63  }
0x14a: {  	s24 =	simm.s32 $0x3180  }
0x14b: {  	[tilespmem:s24], [sflag:$0x2] =	stream.indirect.gather [hbm4b:s4+s13], $0x1, s9, s13, $0xb8;
	[tilespmem:$0x6080] =	vst v63  }
0x14c: {  	s25 =	simm.s32 $0x1180;
	s26 =	simm.s32 $0x4180  }
0x14d: {  	[tilespmem:s26], [sflag:$0x2] =	stream.indirect.gather [hbm4b:s1+s13], $0x1, s25, s13, $0xb8;
	[tilespmem:$0x6080] =	vst v63  }
0x14e: {  	s9 =	simm.s32 $0x5180  }
0x14f: {  	[tilespmem:s9], [sflag:$0x2] =	stream.indirect.gather [hbm4b:s4+s13], $0x1, s25, s13, $0xb8;
	[tilespmem:$0x6080] =	vst v63  }
0x150: {  	s10 =	simm.s32 $0x280;
	s24 =	simm.s32 $0x2280  }
0x151: {  	[tilespmem:s24], [sflag:$0x2] =	stream.indirect.gather [hbm4b:s1+s13], $0x1, s10, s13, $0xb8;
	[tilespmem:$0x6080] =	vst v63  }
0x152: {  	s25 =	simm.s32 $0x3280  }
0x153: {  	[tilespmem:s25], [sflag:$0x2] =	stream.indirect.gather [hbm4b:s4+s13], $0x1, s10, s13, $0xb8;
	[tilespmem:$0x6080] =	vst v63  }
0x154: {  	s26 =	simm.s32 $0x1280;
	s9 =	simm.s32 $0x4280  }
0x155: {  	[tilespmem:s9], [sflag:$0x2] =	stream.indirect.gather [hbm4b:s1+s13], $0x1, s26, s13, $0xb8;
	[tilespmem:$0x6080] =	vst v63  }
0x156: {  	s10 =	simm.s32 $0x5280  }
0x157: {  	[tilespmem:s10], [sflag:$0x2] =	stream.indirect.gather [hbm4b:s4+s13], $0x1, s26, s13, $0xb8;
	[tilespmem:$0x6080] =	vst v63  }
0x158: {  	s24 =	simm.s32 $0x380;
	s25 =	simm.s32 $0x2380  }
0x159: {  	[tilespmem:s25], [sflag:$0x2] =	stream.indirect.gather [hbm4b:s1+s13], $0x1, s24, s13, $0xb8;
	[tilespmem:$0x6080] =	vst v63  }
0x15a: {  	s26 =	simm.s32 $0x3380  }
0x15b: {  	[tilespmem:s26], [sflag:$0x2] =	stream.indirect.gather [hbm4b:s4+s13], $0x1, s24, s13, $0xb8;
	[tilespmem:$0x6080] =	vst v63  }
0x15c: {  	s9 =	simm.s32 $0x1380;
	s10 =	simm.s32 $0x4380  }
0x15d: {  	[tilespmem:s10], [sflag:$0x2] =	stream.indirect.gather [hbm4b:s1+s13], $0x1, s9, s13, $0xb8;
	[tilespmem:$0x6080] =	vst v63  }
0x15e: {  	s24 =	simm.s32 $0x5380  }
0x15f: {  	[tilespmem:s24], [sflag:$0x2] =	stream.indirect.gather [hbm4b:s4+s13], $0x1, s9, s13, $0xb8;
	[tilespmem:$0x6080] =	vst v63  }
0x160: {  	s25 =	simm.s32 $0x480;
	s26 =	simm.s32 $0x2480  }
0x161: {  	[tilespmem:s26], [sflag:$0x2] =	stream.indirect.gather [hbm4b:s1+s13], $0x1, s25, s13, $0xb8;
	[tilespmem:$0x6080] =	vst v63  }
0x162: {  	s9 =	simm.s32 $0x3480  }
0x163: {  	[tilespmem:s9], [sflag:$0x2] =	stream.indirect.gather [hbm4b:s4+s13], $0x1, s25, s13, $0xb8;
	[tilespmem:$0x6080] =	vst v63  }
0x164: {  	s10 =	simm.s32 $0x1480;
	s24 =	simm.s32 $0x4480  }
0x165: {  	[tilespmem:s24], [sflag:$0x2] =	stream.indirect.gather [hbm4b:s1+s13], $0x1, s10, s13, $0xb8;
	[tilespmem:$0x6080] =	vst v63  }
0x166: {  	s25 =	simm.s32 $0x5480  }
0x167: {  	[tilespmem:s25], [sflag:$0x2] =	stream.indirect.gather [hbm4b:s4+s13], $0x1, s10, s13, $0xb8;
	[tilespmem:$0x6080] =	vst v63  }
0x168: {  	s26 =	simm.s32 $0x580;
	s9 =	simm.s32 $0x2580  }
0x169: {  	[tilespmem:s9], [sflag:$0x2] =	stream.indirect.gather [hbm4b:s1+s13], $0x1, s26, s13, $0xb8;
	[tilespmem:$0x6080] =	vst v63  }
0x16a: {  	s10 =	simm.s32 $0x3580  }
0x16b: {  	[tilespmem:s10], [sflag:$0x2] =	stream.indirect.gather [hbm4b:s4+s13], $0x1, s26, s13, $0xb8;
	[tilespmem:$0x6080] =	vst v63  }
0x16c: {  	s24 =	simm.s32 $0x1580;
	s25 =	simm.s32 $0x4580  }
0x16d: {  	[tilespmem:s25], [sflag:$0x2] =	stream.indirect.gather [hbm4b:s1+s13], $0x1, s24, s13, $0xb8;
	[tilespmem:$0x6080] =	vst v63  }
0x16e: {  	s26 =	simm.s32 $0x5580  }
0x16f: {  	[tilespmem:s26], [sflag:$0x2] =	stream.indirect.gather [hbm4b:s4+s13], $0x1, s24, s13, $0xb8;
	[tilespmem:$0x6080] =	vst v63  }
0x170: {  	s9 =	simm.s32 $0x680;
	s10 =	simm.s32 $0x2680  }
0x171: {  	[tilespmem:s10], [sflag:$0x2] =	stream.indirect.gather [hbm4b:s1+s13], $0x1, s9, s13, $0xb8;
	[tilespmem:$0x6080] =	vst v63  }
0x172: {  	s24 =	simm.s32 $0x3680  }
0x173: {  	[tilespmem:s24], [sflag:$0x2] =	stream.indirect.gather [hbm4b:s4+s13], $0x1, s9, s13, $0xb8;
	[tilespmem:$0x6080] =	vst v63  }
0x174: {  	s25 =	simm.s32 $0x1680;
	s26 =	simm.s32 $0x4680  }
0x175: {  	[tilespmem:s26], [sflag:$0x2] =	stream.indirect.gather [hbm4b:s1+s13], $0x1, s25, s13, $0xb8;
	[tilespmem:$0x6080] =	vst v63  }
0x176: {  	s9 =	simm.s32 $0x5680  }
0x177: {  	[tilespmem:s9], [sflag:$0x2] =	stream.indirect.gather [hbm4b:s4+s13], $0x1, s25, s13, $0xb8;
	[tilespmem:$0x6080] =	vst v63  }
0x178: {  	s10 =	simm.s32 $0x780;
	s24 =	simm.s32 $0x2780  }
0x179: {  	[tilespmem:s24], [sflag:$0x2] =	stream.indirect.gather [hbm4b:s1+s13], $0x1, s10, s13, $0xb8;
	[tilespmem:$0x6080] =	vst v63  }
0x17a: {  	s25 =	simm.s32 $0x3780  }
0x17b: {  	[tilespmem:s25], [sflag:$0x2] =	stream.indirect.gather [hbm4b:s4+s13], $0x1, s10, s13, $0xb8;
	[tilespmem:$0x6080] =	vst v63  }
0x17c: {  	s26 =	simm.s32 $0x1780;
	s9 =	simm.s32 $0x4780  }
0x17d: {  	[tilespmem:s9], [sflag:$0x2] =	stream.indirect.gather [hbm4b:s1+s13], $0x1, s26, s13, $0xb8;
	[tilespmem:$0x6080] =	vst v63  }
0x17e: {  	s10 =	simm.s32 $0x5780  }
0x17f: {  	[tilespmem:s10], [sflag:$0x2] =	stream.indirect.gather [hbm4b:s4+s13], $0x1, s26, s13, $0xb8;
	[tilespmem:$0x6080] =	vst v63  }
0x180: {  	s24 =	simm.s32 $0x880;
	s25 =	simm.s32 $0x2880  }
0x181: {  	[tilespmem:s25], [sflag:$0x2] =	stream.indirect.gather [hbm4b:s1+s13], $0x1, s24, s13, $0xb8;
	[tilespmem:$0x6080] =	vst v63  }
0x182: {  	s26 =	simm.s32 $0x3880  }
0x183: {  	[tilespmem:s26], [sflag:$0x2] =	stream.indirect.gather [hbm4b:s4+s13], $0x1, s24, s13, $0xb8;
	[tilespmem:$0x6080] =	vst v63  }
0x184: {  	s9 =	simm.s32 $0x1880;
	s10 =	simm.s32 $0x4880  }
0x185: {  	[tilespmem:s10], [sflag:$0x2] =	stream.indirect.gather [hbm4b:s1+s13], $0x1, s9, s13, $0xb8;
	[tilespmem:$0x6080] =	vst v63  }
0x186: {  	s24 =	simm.s32 $0x5880  }
0x187: {  	[tilespmem:s24], [sflag:$0x2] =	stream.indirect.gather [hbm4b:s4+s13], $0x1, s9, s13, $0xb8;
	[tilespmem:$0x6080] =	vst v63  }
0x188: {  	s25 =	simm.s32 $0x980;
	s26 =	simm.s32 $0x2980  }
0x189: {  	[tilespmem:s26], [sflag:$0x2] =	stream.indirect.gather [hbm4b:s1+s13], $0x1, s25, s13, $0xb8;
	[tilespmem:$0x6080] =	vst v63  }
0x18a: {  	s9 =	simm.s32 $0x3980  }
0x18b: {  	[tilespmem:s9], [sflag:$0x2] =	stream.indirect.gather [hbm4b:s4+s13], $0x1, s25, s13, $0xb8;
	[tilespmem:$0x6080] =	vst v63  }
0x18c: {  	s10 =	simm.s32 $0x1980;
	s24 =	simm.s32 $0x4980  }
0x18d: {  	[tilespmem:s24], [sflag:$0x2] =	stream.indirect.gather [hbm4b:s1+s13], $0x1, s10, s13, $0xb8;
	[tilespmem:$0x6080] =	vst v63  }
0x18e: {  	s25 =	simm.s32 $0x5980  }
0x18f: {  	[tilespmem:s25], [sflag:$0x2] =	stream.indirect.gather [hbm4b:s4+s13], $0x1, s10, s13, $0xb8;
	[tilespmem:$0x6080] =	vst v63  }
0x190: {  	s26 =	simm.s32 $0xA80;
	s9 =	simm.s32 $0x2A80  }
0x191: {  	[tilespmem:s9], [sflag:$0x2] =	stream.indirect.gather [hbm4b:s1+s13], $0x1, s26, s13, $0xb8;
	[tilespmem:$0x6080] =	vst v63  }
0x192: {  	s10 =	simm.s32 $0x3A80  }
0x193: {  	[tilespmem:s10], [sflag:$0x2] =	stream.indirect.gather [hbm4b:s4+s13], $0x1, s26, s13, $0xb8;
	[tilespmem:$0x6080] =	vst v63  }
0x194: {  	s24 =	simm.s32 $0x1A80;
	s25 =	simm.s32 $0x4A80  }
0x195: {  	[tilespmem:s25], [sflag:$0x2] =	stream.indirect.gather [hbm4b:s1+s13], $0x1, s24, s13, $0xb8;
	[tilespmem:$0x6080] =	vst v63  }
0x196: {  	s26 =	simm.s32 $0x5A80  }
0x197: {  	[tilespmem:s26], [sflag:$0x2] =	stream.indirect.gather [hbm4b:s4+s13], $0x1, s24, s13, $0xb8;
	[tilespmem:$0x6080] =	vst v63  }
0x198: {  	s9 =	simm.s32 $0xB80;
	s10 =	simm.s32 $0x2B80  }
0x199: {  	[tilespmem:s10], [sflag:$0x2] =	stream.indirect.gather [hbm4b:s1+s13], $0x1, s9, s13, $0xb8;
	[tilespmem:$0x6080] =	vst v63  }
0x19a: {  	s24 =	simm.s32 $0x3B80  }
0x19b: {  	[tilespmem:s24], [sflag:$0x2] =	stream.indirect.gather [hbm4b:s4+s13], $0x1, s9, s13, $0xb8;
	[tilespmem:$0x6080] =	vst v63  }
0x19c: {  	s25 =	simm.s32 $0x1B80;
	s26 =	simm.s32 $0x4B80  }
0x19d: {  	[tilespmem:s26], [sflag:$0x2] =	stream.indirect.gather [hbm4b:s1+s13], $0x1, s25, s13, $0xb8;
	[tilespmem:$0x6080] =	vst v63  }
0x19e: {  	s9 =	simm.s32 $0x5B80  }
0x19f: {  	[tilespmem:s9], [sflag:$0x2] =	stream.indirect.gather [hbm4b:s4+s13], $0x1, s25, s13, $0xb8;
	[tilespmem:$0x6080] =	vst v63  }
0x1a0: {  	s10 =	simm.s32 $0xC80;
	s24 =	simm.s32 $0x2C80  }
0x1a1: {  	[tilespmem:s24], [sflag:$0x2] =	stream.indirect.gather [hbm4b:s1+s13], $0x1, s10, s13, $0xb8;
	[tilespmem:$0x6080] =	vst v63  }
0x1a2: {  	s25 =	simm.s32 $0x3C80  }
0x1a3: {  	[tilespmem:s25], [sflag:$0x2] =	stream.indirect.gather [hbm4b:s4+s13], $0x1, s10, s13, $0xb8;
	[tilespmem:$0x6080] =	vst v63  }
0x1a4: {  	s26 =	simm.s32 $0x1C80;
	s9 =	simm.s32 $0x4C80  }
0x1a5: {  	[tilespmem:s9], [sflag:$0x2] =	stream.indirect.gather [hbm4b:s1+s13], $0x1, s26, s13, $0xb8;
	[tilespmem:$0x6080] =	vst v63  }
0x1a6: {  	s10 =	simm.s32 $0x5C80  }
0x1a7: {  	[tilespmem:s10], [sflag:$0x2] =	stream.indirect.gather [hbm4b:s4+s13], $0x1, s26, s13, $0xb8;
	[tilespmem:$0x6080] =	vst v63  }
0x1a8: {  	s24 =	simm.s32 $0xD80;
	s25 =	simm.s32 $0x2D80  }
0x1a9: {  	[tilespmem:s25], [sflag:$0x2] =	stream.indirect.gather [hbm4b:s1+s13], $0x1, s24, s13, $0xb8;
	[tilespmem:$0x6080] =	vst v63  }
0x1aa: {  	s26 =	simm.s32 $0x3D80  }
0x1ab: {  	[tilespmem:s26], [sflag:$0x2] =	stream.indirect.gather [hbm4b:s4+s13], $0x1, s24, s13, $0xb8;
	[tilespmem:$0x6080] =	vst v63  }
0x1ac: {  	s9 =	simm.s32 $0x1D80;
	s10 =	simm.s32 $0x4D80  }
0x1ad: {  	[tilespmem:s10], [sflag:$0x2] =	stream.indirect.gather [hbm4b:s1+s13], $0x1, s9, s13, $0xb8;
	[tilespmem:$0x6080] =	vst v63  }
0x1ae: {  	s24 =	simm.s32 $0x5D80  }
0x1af: {  	[tilespmem:s24], [sflag:$0x2] =	stream.indirect.gather [hbm4b:s4+s13], $0x1, s9, s13, $0xb8;
	[tilespmem:$0x6080] =	vst v63  }
0x1b0: {  	s25 =	simm.s32 $0xE80;
	s26 =	simm.s32 $0x2E80  }
0x1b1: {  	[tilespmem:s26], [sflag:$0x2] =	stream.indirect.gather [hbm4b:s1+s13], $0x1, s25, s13, $0xb8;
	[tilespmem:$0x6080] =	vst v63  }
0x1b2: {  	s9 =	simm.s32 $0x3E80  }
0x1b3: {  	[tilespmem:s9], [sflag:$0x2] =	stream.indirect.gather [hbm4b:s4+s13], $0x1, s25, s13, $0xb8;
	[tilespmem:$0x6080] =	vst v63  }
0x1b4: {  	s10 =	simm.s32 $0x1E80;
	s24 =	simm.s32 $0x4E80  }
0x1b5: {  	[tilespmem:s24], [sflag:$0x2] =	stream.indirect.gather [hbm4b:s1+s13], $0x1, s10, s13, $0xb8;
	[tilespmem:$0x6080] =	vst v63  }
0x1b6: {  	s25 =	simm.s32 $0x5E80  }
0x1b7: {  	[tilespmem:s25], [sflag:$0x2] =	stream.indirect.gather [hbm4b:s4+s13], $0x1, s10, s13, $0xb8;
	[tilespmem:$0x6080] =	vst v63  }
0x1b8: {  	s26 =	simm.s32 $0xF80;
	s9 =	simm.s32 $0x2F80  }
0x1b9: {  	[tilespmem:s9], [sflag:$0x2] =	stream.indirect.gather [hbm4b:s1+s13], $0x1, s26, s13, $0xb8;
	[tilespmem:$0x6080] =	vst v63  }
0x1ba: {  	s10 =	simm.s32 $0x3F80  }
0x1bb: {  	[tilespmem:s10], [sflag:$0x2] =	stream.indirect.gather [hbm4b:s4+s13], $0x1, s26, s13, $0xb8;
	[tilespmem:$0x6080] =	vst v63  }
0x1bc: {  	s24 =	simm.s32 $0x1F80;
	s25 =	simm.s32 $0x4F80  }
0x1bd: {  	[tilespmem:s25], [sflag:$0x2] =	stream.indirect.gather [hbm4b:s1+s13], $0x1, s24, s13, $0xb8;
	[tilespmem:$0x6080] =	vst v63  }
0x1be: {  	s26 =	simm.s32 $0x5F80  }
0x1bf: {  	[tilespmem:s26], [sflag:$0x2] =	stream.indirect.gather [hbm4b:s4+s13], $0x1, s24, s13, $0xb8;
	[tilespmem:$0x6080] =	vst v63  }
0x1c0: {  	_ =	swait.ge [sflag:s20], $0x800  }
0x1c1: {  	[sflag:s20] =	ssyncset.done $0x0  }
0x1c2: {  	[sflag:s20] =	ssyncadd.s32 $0xFFFFF800  }
0x1c3: {  	_ =	swait.ge [sflag:s20], $0x800  }
0x1c4: {  	[sflag:s20] =	ssyncset.done $0x0  }
0x1c5: {  	[sflag:s20] =	ssyncadd.s32 $0xFFFFF800  }
0x1c6: {  	_ =	swait.ge [sflag:s20], $0x800  }
0x1c7: {  	[sflag:s20] =	ssyncset.done $0x0  }
0x1c8: {  	[sflag:s20] =	ssyncadd.s32 $0xFFFFF800  }
0x1c9: {  	s28 =	sshll.u32 s23, $0x1;
	s8 =	rddreg [dreg:$0x6];
	_ =	swait.ge [sflag:s20], $0x800  }
0x1ca: {  	s7 =	sadd.s32 s28, s8;
	s9 =	sld [smem:$0x7F2]  }
0x1cb: {  	s7 =	sshll.u32 s7, $0x8  }
0x1cc: {  	[sflag:s20] =	ssyncset.done $0x0;
	s8 =	sand.u32 $0x1FFFFE00, s7  }
0x1cd: {  	s7 =	simm.s32 $0x0;
	[sflag:s20] =	ssyncadd.s32 $0xFFFFF800;
	s24 =	sadd.s32 s9, s8  }
0x1ce: {  	[tilespmem:s7], [sflag:$0x1] =	stream.linear.gather [hbm4b:s24+s7], $0x80, $0x38;
	[tilespmem:$0x6080] =	vst v63  }
0x1cf: {  	s9 =	simm.s32 $0x100;
	s25 =	sadd.s32 $0x10, s24  }
0x1d0: {  	[tilespmem:s9], [sflag:$0x1] =	stream.linear.gather [hbm4b:s25+s7], $0x80, $0x38;
	[tilespmem:$0x6080] =	vst v63  }
0x1d1: {  	s26 =	simm.s32 $0x200;
	s10 =	sadd.s32 $0x20, s24  }
0x1d2: {  	[tilespmem:s26], [sflag:$0x1] =	stream.linear.gather [hbm4b:s10+s7], $0x80, $0x38;
	[tilespmem:$0x6080] =	vst v63  }
0x1d3: {  	s10 =	sadd.s32 $0x30, s24;
	s26 =	simm.s32 $0x300  }
0x1d4: {  	[tilespmem:s26], [sflag:$0x1] =	stream.linear.gather [hbm4b:s10+s7], $0x80, $0x38;
	[tilespmem:$0x6080] =	vst v63  }
0x1d5: {  	s10 =	sadd.s32 $0x40, s24;
	s26 =	simm.s32 $0x400  }
0x1d6: {  	[tilespmem:s26], [sflag:$0x1] =	stream.linear.gather [hbm4b:s10+s7], $0x80, $0x38;
	[tilespmem:$0x6080] =	vst v63  }
0x1d7: {  	s9 =	sadd.s32 $0x50, s24;
	s10 =	simm.s32 $0x500  }
0x1d8: {  	[tilespmem:s10], [sflag:$0x1] =	stream.linear.gather [hbm4b:s9+s7], $0x80, $0x38;
	[tilespmem:$0x6080] =	vst v63  }
0x1d9: {  	s26 =	sadd.s32 $0x60, s24  }
0x1da: {  	[tilespmem:s31], [sflag:$0x1] =	stream.linear.gather [hbm4b:s26+s7], $0x80, $0x38;
	[tilespmem:$0x6080] =	vst v63  }
0x1db: {  	s9 =	sadd.s32 $0x70, s24  }
0x1dc: {  	[tilespmem:s0], [sflag:$0x1] =	stream.linear.gather [hbm4b:s9+s7], $0x80, $0x38;
	[tilespmem:$0x6080] =	vst v63  }
0x1dd: {  	s10 =	sadd.s32 $0x80, s24  }
0x1de: {  	[tilespmem:s14], [sflag:$0x1] =	stream.linear.gather [hbm4b:s10+s7], $0x80, $0x38;
	[tilespmem:$0x6080] =	vst v63  }
0x1df: {  	s14 =	sadd.s32 $0x90, s24  }
0x1e0: {  	[tilespmem:s15], [sflag:$0x1] =	stream.linear.gather [hbm4b:s14+s7], $0x80, $0x38;
	[tilespmem:$0x6080] =	vst v63  }
0x1e1: {  	s15 =	sadd.s32 $0xA0, s24  }
0x1e2: {  	[tilespmem:s16], [sflag:$0x1] =	stream.linear.gather [hbm4b:s15+s7], $0x80, $0x38;
	[tilespmem:$0x6080] =	vst v63  }
0x1e3: {  	s16 =	sadd.s32 $0xB0, s24  }
0x1e4: {  	[tilespmem:s17], [sflag:$0x1] =	stream.linear.gather [hbm4b:s16+s7], $0x80, $0x38;
	[tilespmem:$0x6080] =	vst v63  }
0x1e5: {  	s17 =	sadd.s32 $0xC0, s24  }
0x1e6: {  	[tilespmem:s18], [sflag:$0x1] =	stream.linear.gather [hbm4b:s17+s7], $0x80, $0x38;
	[tilespmem:$0x6080] =	vst v63  }
0x1e7: {  	s18 =	sadd.s32 $0xD0, s24  }
0x1e8: {  	[tilespmem:s19], [sflag:$0x1] =	stream.linear.gather [hbm4b:s18+s7], $0x80, $0x38;
	[tilespmem:$0x6080] =	vst v63  }
0x1e9: {  	s26 =	sld [smem:$0x7F3];
	s19 =	sadd.s32 $0xE0, s24  }
0x1ea: {  	[tilespmem:s5], [sflag:$0x1] =	stream.linear.gather [hbm4b:s19+s7], $0x80, $0x38;
	[tilespmem:$0x6080] =	vst v63  }
0x1eb: {  	s24 =	sadd.s32 $0xF0, s24  }
0x1ec: {  	[tilespmem:s6], [sflag:$0x1] =	stream.linear.gather [hbm4b:s24+s7], $0x80, $0x38;
	[tilespmem:$0x6080] =	vst v63  }
0x1ed: {  	s31 =	simm.s32 $0x1000;
	s8 =	sadd.s32 s26, s8  }
0x1ee: {  	[tilespmem:s31], [sflag:$0x1] =	stream.linear.gather [hbm4b:s8+s7], $0x80, $0x38;
	[tilespmem:$0x6080] =	vst v63  }
0x1ef: {  	s0 =	sadd.s32 $0x10, s8;
	s5 =	simm.s32 $0x1100  }
0x1f0: {  	[tilespmem:s5], [sflag:$0x1] =	stream.linear.gather [hbm4b:s0+s7], $0x80, $0x38;
	[tilespmem:$0x6080] =	vst v63  }
0x1f1: {  	s9 =	simm.s32 $0x1200;
	s6 =	sadd.s32 $0x20, s8  }
0x1f2: {  	[tilespmem:s9], [sflag:$0x1] =	stream.linear.gather [hbm4b:s6+s7], $0x80, $0x38;
	[tilespmem:$0x6080] =	vst v63  }
0x1f3: {  	s10 =	sadd.s32 $0x30, s8;
	s14 =	simm.s32 $0x1300  }
0x1f4: {  	[tilespmem:s14], [sflag:$0x1] =	stream.linear.gather [hbm4b:s10+s7], $0x80, $0x38;
	[tilespmem:$0x6080] =	vst v63  }
0x1f5: {  	s15 =	sadd.s32 $0x40, s8;
	s16 =	simm.s32 $0x1400  }
0x1f6: {  	[tilespmem:s16], [sflag:$0x1] =	stream.linear.gather [hbm4b:s15+s7], $0x80, $0x38;
	[tilespmem:$0x6080] =	vst v63  }
0x1f7: {  	s17 =	sadd.s32 $0x50, s8;
	s18 =	simm.s32 $0x1500  }
0x1f8: {  	[tilespmem:s18], [sflag:$0x1] =	stream.linear.gather [hbm4b:s17+s7], $0x80, $0x38;
	[tilespmem:$0x6080] =	vst v63  }
0x1f9: {  	s25 =	simm.s32 $0x1600;
	s19 =	sadd.s32 $0x60, s8  }
0x1fa: {  	[tilespmem:s25], [sflag:$0x1] =	stream.linear.gather [hbm4b:s19+s7], $0x80, $0x38;
	[tilespmem:$0x6080] =	vst v63  }
0x1fb: {  	s26 =	sadd.s32 $0x70, s8;
	s31 =	simm.s32 $0x1700  }
0x1fc: {  	[tilespmem:s31], [sflag:$0x1] =	stream.linear.gather [hbm4b:s26+s7], $0x80, $0x38;
	[tilespmem:$0x6080] =	vst v63  }
0x1fd: {  	s0 =	sadd.s32 $0x80, s8;
	s5 =	simm.s32 $0x1800  }
0x1fe: {  	[tilespmem:s5], [sflag:$0x1] =	stream.linear.gather [hbm4b:s0+s7], $0x80, $0x38;
	[tilespmem:$0x6080] =	vst v63  }
0x1ff: {  	s6 =	sadd.s32 $0x90, s8;
	s9 =	simm.s32 $0x1900  }
0x200: {  	[tilespmem:s9], [sflag:$0x1] =	stream.linear.gather [hbm4b:s6+s7], $0x80, $0x38;
	[tilespmem:$0x6080] =	vst v63  }
0x201: {  	s10 =	sadd.s32 $0xA0, s8;
	s14 =	simm.s32 $0x1A00  }
0x202: {  	[tilespmem:s14], [sflag:$0x1] =	stream.linear.gather [hbm4b:s10+s7], $0x80, $0x38;
	[tilespmem:$0x6080] =	vst v63  }
0x203: {  	s15 =	sadd.s32 $0xB0, s8  }
0x204: {  	[tilespmem:s12], [sflag:$0x1] =	stream.linear.gather [hbm4b:s15+s7], $0x80, $0x38;
	[tilespmem:$0x6080] =	vst v63  }
0x205: {  	s16 =	sadd.s32 $0xC0, s8  }
0x206: {  	[tilespmem:s29], [sflag:$0x1] =	stream.linear.gather [hbm4b:s16+s7], $0x80, $0x38;
	[tilespmem:$0x6080] =	vst v63  }
0x207: {  	s17 =	sadd.s32 $0xD0, s8  }
0x208: {  	[tilespmem:s11], [sflag:$0x1] =	stream.linear.gather [hbm4b:s17+s7], $0x80, $0x38;
	[tilespmem:$0x6080] =	vst v63  }
0x209: {  	s18 =	sadd.s32 $0xE0, s8  }
0x20a: {  	[tilespmem:s30], [sflag:$0x1] =	stream.linear.gather [hbm4b:s18+s7], $0x80, $0x38;
	[tilespmem:$0x6080] =	vst v63  }
0x20b: {  	s8 =	sadd.s32 $0xF0, s8  }
0x20c: {  	[tilespmem:s3], [sflag:$0x1] =	stream.linear.gather [hbm4b:s8+s7], $0x80, $0x38;
	[tilespmem:$0x6080] =	vst v63  }
0x20d: {  	s19 =	sand.u32 $0x70, s7;
	s7 =	sand.u32 $0xF00, s7  }
0x20e: {  	s7 =	sor.u32 s19, s7  }
0x20f: {  	v2 =	vld [tilespmem:s7+$0x3000]  }
0x210: {  	v3 =	vld [tilespmem:s7+$0x5000]  }
0x211: {  	s24 =	simm.s32 $0x20;
	s25 =	simm.s32 $0x10  }
0x212: {  	s26 =	sand.u32 $0x70, s25;
	s8 =	sand.u32 $0xF00, s24;
	v4 =	vld [tilespmem:s7+$0x2000]  }
0x213: {  	s29 =	sor.u32 s26, s8;
	v5 =	vld [tilespmem:s7+$0x4000]  }
0x214: {  	v6 =	vld [tilespmem:s29+$0x2000]  }
0x215: {  	v7 =	vld [tilespmem:s29+$0x3000];
	v2 =	vsub.f32 v2, v3  }
0x216: {  	v3 =	vld [tilespmem:s29+$0x5000]  }
0x217: {  	s30 =	simm.s32 $0x40;
	s26 =	simm.s32 $0x20;
	v9 =	vld [tilespmem:s29+$0x4000];
	v8 =	vand.u32 $0x80000000, v2;
	vm0 =	vlt.f32 v2, $0.0e+00;
	vm1 =	vgt.f32 v2, $0.0e+00  }
0x218: {  	s31 =	sand.u32 $0x70, s26;
	s7 =	sand.u32 $0xF00, s30;
	v4 =	vsub.f32 v4, v5;
	v5 =	vor.u32 v8, v0;
	vm0 =	vmor vm1, vm0  }
0x219: {  	s8 =	sor.u32 s31, s7;
	v5 =	vsel vm0, v5, v2  }
0x21a: {  	v2 =	vld [tilespmem:s8+$0x2000];
	v10 =	vmul.f32 v5, v4  }
0x21b: {  	v4 =	vld [tilespmem:s8+$0x3000];
	v8 =	vsub.f32 v7, v3  }
0x21c: {  	v5 =	vld [tilespmem:s8+$0x5000];
	v7 =	vsub.f32 v6, v9;
	v6 =	vsub.f32 $1.000000010e-01, v10  }
0x21d: {  	s24 =	sadd.s32 $0x0, s22;
	s7 =	simm.s32 $0x30;
	v3 =	vld [tilespmem:s8+$0x4000];
	s8 =	simm.s32 $0x60;
	v9 =	vand.u32 $0x80000000, v8;
	vm0 =	vlt.f32 v8, $0.0e+00;
	vm1 =	vgt.f32 v8, $0.0e+00  }
.LBB2_3:
0x21e: {  	v6 =	vmax.f32 v6, $0.0e+00;
	p0 =	slt.u32 s24, $0xF4240  }
0x21f: {  	s9 =	sand.u32 $0x70, s7;
	s10 =	sand.u32 $0xF00, s8;
	v10 =	vor.u32 v9, v0;
	vm0 =	vmor vm1, vm0;
	v6 =	vpsel !p0, $0x0, v6;
	p0 =	sne.s32 s7, $0x7F0  }
.Ltmp0:
0x220: {  	s9 =	sor.u32 s9, s10;
	v8 =	vsel vm0, v10, v8;
	v9 =	vmov v2;
	s10 =	smov.u32 s26;
	(pc) =	sbr.rel @p0 .LBB2_3-.Ltmp0, $4  }
0x221: {  	s26 =	smov.u32 s7;
	s7 =	sadd.s32 $0x10, s7;
	v2 =	vld [tilespmem:s9+$0x2000];
	v10 =	vmul.f32 v8, v7;
	v1 =	vadd.f32 v6, v1  }
0x222: {  	v8 =	vsub.f32 v4, v5;
	v4 =	vld [tilespmem:s9+$0x3000]  }
0x223: {  	v5 =	vld [tilespmem:s9+$0x5000];
	v7 =	vsub.f32 v9, v3;
	v6 =	vsub.f32 $1.000000010e-01, v10  }
0x224: {  	s8 =	sadd.s32 $0x20, s8;
	s24 =	sadd.s32 s25, s22;
	s25 =	smov.u32 s10;
	v3 =	vld [tilespmem:s9+$0x4000];
	v9 =	vand.u32 $0x80000000, v8;
	vm0 =	vlt.f32 v8, $0.0e+00;
	vm1 =	vgt.f32 v8, $0.0e+00  }
0x225: {  	_ =	swait.ge [sflag:s2], $0x800  }
0x226: {  	[sflag:s2] =	ssyncset.done $0x0  }
0x227: {  	[sflag:s2] =	ssyncadd.s32 $0xFFFFF800  }
0x228: {  	_ =	swait.ge [sflag:s2], $0x800  }
0x229: {  	[sflag:s2] =	ssyncset.done $0x0  }
0x22a: {  	s7 =	simm.s32 $0x0;
	s0 =	simm.s32 $0x2000;
	[sflag:s2] =	ssyncadd.s32 $0xFFFFF800  }
0x22b: {  	[tilespmem:s0], [sflag:$0x2] =	stream.indirect.gather [hbm4b:s1+s13], $0x1, s7, s13, $0xb8;
	[tilespmem:$0x6080] =	vst v63  }
0x22c: {  	s18 =	simm.s32 $0x3000  }
0x22d: {  	[tilespmem:s18], [sflag:$0x2] =	stream.indirect.gather [hbm4b:s4+s13], $0x1, s7, s13, $0xb8;
	[tilespmem:$0x6080] =	vst v63  }
0x22e: {  	s19 =	simm.s32 $0x1000;
	s3 =	simm.s32 $0x4000  }
0x22f: {  	[tilespmem:s3], [sflag:$0x2] =	stream.indirect.gather [hbm4b:s1+s13], $0x1, s19, s13, $0xb8;
	[tilespmem:$0x6080] =	vst v63  }
0x230: {  	s5 =	simm.s32 $0x5000  }
0x231: {  	[tilespmem:s5], [sflag:$0x2] =	stream.indirect.gather [hbm4b:s4+s13], $0x1, s19, s13, $0xb8;
	[tilespmem:$0x6080] =	vst v63  }
0x232: {  	s8 =	simm.s32 $0x100;
	s6 =	simm.s32 $0x2100  }
0x233: {  	[tilespmem:s6], [sflag:$0x2] =	stream.indirect.gather [hbm4b:s1+s13], $0x1, s8, s13, $0xb8;
	[tilespmem:$0x6080] =	vst v63  }
0x234: {  	s9 =	simm.s32 $0x3100  }
0x235: {  	[tilespmem:s9], [sflag:$0x2] =	stream.indirect.gather [hbm4b:s4+s13], $0x1, s8, s13, $0xb8;
	[tilespmem:$0x6080] =	vst v63  }
0x236: {  	s10 =	simm.s32 $0x1100;
	s11 =	simm.s32 $0x4100  }
0x237: {  	[tilespmem:s11], [sflag:$0x2] =	stream.indirect.gather [hbm4b:s1+s13], $0x1, s10, s13, $0xb8;
	[tilespmem:$0x6080] =	vst v63  }
0x238: {  	s12 =	simm.s32 $0x5100  }
0x239: {  	[tilespmem:s12], [sflag:$0x2] =	stream.indirect.gather [hbm4b:s4+s13], $0x1, s10, s13, $0xb8;
	[tilespmem:$0x6080] =	vst v63  }
0x23a: {  	s14 =	simm.s32 $0x200;
	s15 =	simm.s32 $0x2200  }
0x23b: {  	[tilespmem:s15], [sflag:$0x2] =	stream.indirect.gather [hbm4b:s1+s13], $0x1, s14, s13, $0xb8;
	[tilespmem:$0x6080] =	vst v63  }
0x23c: {  	s16 =	simm.s32 $0x3200  }
0x23d: {  	[tilespmem:s16], [sflag:$0x2] =	stream.indirect.gather [hbm4b:s4+s13], $0x1, s14, s13, $0xb8;
	[tilespmem:$0x6080] =	vst v63  }
0x23e: {  	s17 =	simm.s32 $0x1200;
	s18 =	simm.s32 $0x4200  }
0x23f: {  	[tilespmem:s18], [sflag:$0x2] =	stream.indirect.gather [hbm4b:s1+s13], $0x1, s17, s13, $0xb8;
	[tilespmem:$0x6080] =	vst v63  }
0x240: {  	s19 =	simm.s32 $0x5200  }
0x241: {  	[tilespmem:s19], [sflag:$0x2] =	stream.indirect.gather [hbm4b:s4+s13], $0x1, s17, s13, $0xb8;
	[tilespmem:$0x6080] =	vst v63  }
0x242: {  	s5 =	simm.s32 $0x300;
	s6 =	simm.s32 $0x2300  }
0x243: {  	[tilespmem:s6], [sflag:$0x2] =	stream.indirect.gather [hbm4b:s1+s13], $0x1, s5, s13, $0xb8;
	[tilespmem:$0x6080] =	vst v63  }
0x244: {  	s9 =	simm.s32 $0x3300  }
0x245: {  	[tilespmem:s9], [sflag:$0x2] =	stream.indirect.gather [hbm4b:s4+s13], $0x1, s5, s13, $0xb8;
	[tilespmem:$0x6080] =	vst v63  }
0x246: {  	s11 =	simm.s32 $0x4300;
	s10 =	simm.s32 $0x1300  }
0x247: {  	[tilespmem:s11], [sflag:$0x2] =	stream.indirect.gather [hbm4b:s1+s13], $0x1, s10, s13, $0xb8;
	[tilespmem:$0x6080] =	vst v63  }
0x248: {  	s12 =	simm.s32 $0x5300  }
0x249: {  	[tilespmem:s12], [sflag:$0x2] =	stream.indirect.gather [hbm4b:s4+s13], $0x1, s10, s13, $0xb8;
	[tilespmem:$0x6080] =	vst v63  }
0x24a: {  	s15 =	simm.s32 $0x2400;
	s14 =	simm.s32 $0x400  }
0x24b: {  	[tilespmem:s15], [sflag:$0x2] =	stream.indirect.gather [hbm4b:s1+s13], $0x1, s14, s13, $0xb8;
	[tilespmem:$0x6080] =	vst v63  }
0x24c: {  	s16 =	simm.s32 $0x3400  }
0x24d: {  	[tilespmem:s16], [sflag:$0x2] =	stream.indirect.gather [hbm4b:s4+s13], $0x1, s14, s13, $0xb8;
	[tilespmem:$0x6080] =	vst v63  }
0x24e: {  	s18 =	simm.s32 $0x4400;
	s17 =	simm.s32 $0x1400  }
0x24f: {  	[tilespmem:s18], [sflag:$0x2] =	stream.indirect.gather [hbm4b:s1+s13], $0x1, s17, s13, $0xb8;
	[tilespmem:$0x6080] =	vst v63  }
0x250: {  	s19 =	simm.s32 $0x5400  }
0x251: {  	[tilespmem:s19], [sflag:$0x2] =	stream.indirect.gather [hbm4b:s4+s13], $0x1, s17, s13, $0xb8;
	[tilespmem:$0x6080] =	vst v63  }
0x252: {  	s6 =	simm.s32 $0x2500;
	s5 =	simm.s32 $0x500  }
0x253: {  	[tilespmem:s6], [sflag:$0x2] =	stream.indirect.gather [hbm4b:s1+s13], $0x1, s5, s13, $0xb8;
	[tilespmem:$0x6080] =	vst v63  }
0x254: {  	s9 =	simm.s32 $0x3500  }
0x255: {  	[tilespmem:s9], [sflag:$0x2] =	stream.indirect.gather [hbm4b:s4+s13], $0x1, s5, s13, $0xb8;
	[tilespmem:$0x6080] =	vst v63  }
0x256: {  	s11 =	simm.s32 $0x4500;
	s10 =	simm.s32 $0x1500  }
0x257: {  	[tilespmem:s11], [sflag:$0x2] =	stream.indirect.gather [hbm4b:s1+s13], $0x1, s10, s13, $0xb8;
	[tilespmem:$0x6080] =	vst v63  }
0x258: {  	s12 =	simm.s32 $0x5500  }
0x259: {  	[tilespmem:s12], [sflag:$0x2] =	stream.indirect.gather [hbm4b:s4+s13], $0x1, s10, s13, $0xb8;
	[tilespmem:$0x6080] =	vst v63  }
0x25a: {  	s15 =	simm.s32 $0x2600;
	s14 =	simm.s32 $0x600  }
0x25b: {  	[tilespmem:s15], [sflag:$0x2] =	stream.indirect.gather [hbm4b:s1+s13], $0x1, s14, s13, $0xb8;
	[tilespmem:$0x6080] =	vst v63  }
0x25c: {  	s16 =	simm.s32 $0x3600  }
0x25d: {  	[tilespmem:s16], [sflag:$0x2] =	stream.indirect.gather [hbm4b:s4+s13], $0x1, s14, s13, $0xb8;
	[tilespmem:$0x6080] =	vst v63  }
0x25e: {  	s18 =	simm.s32 $0x4600;
	s17 =	simm.s32 $0x1600  }
0x25f: {  	[tilespmem:s18], [sflag:$0x2] =	stream.indirect.gather [hbm4b:s1+s13], $0x1, s17, s13, $0xb8;
	[tilespmem:$0x6080] =	vst v63  }
0x260: {  	s19 =	simm.s32 $0x5600  }
0x261: {  	[tilespmem:s19], [sflag:$0x2] =	stream.indirect.gather [hbm4b:s4+s13], $0x1, s17, s13, $0xb8;
	[tilespmem:$0x6080] =	vst v63  }
0x262: {  	s3 =	simm.s32 $0x700;
	s5 =	simm.s32 $0x2700  }
0x263: {  	[tilespmem:s5], [sflag:$0x2] =	stream.indirect.gather [hbm4b:s1+s13], $0x1, s3, s13, $0xb8;
	[tilespmem:$0x6080] =	vst v63  }
0x264: {  	s6 =	simm.s32 $0x3700  }
0x265: {  	[tilespmem:s6], [sflag:$0x2] =	stream.indirect.gather [hbm4b:s4+s13], $0x1, s3, s13, $0xb8;
	[tilespmem:$0x6080] =	vst v63  }
0x266: {  	s8 =	simm.s32 $0x4700;
	s5 =	simm.s32 $0x1700  }
0x267: {  	[tilespmem:s8], [sflag:$0x2] =	stream.indirect.gather [hbm4b:s1+s13], $0x1, s5, s13, $0xb8;
	[tilespmem:$0x6080] =	vst v63  }
0x268: {  	s9 =	simm.s32 $0x5700  }
0x269: {  	[tilespmem:s9], [sflag:$0x2] =	stream.indirect.gather [hbm4b:s4+s13], $0x1, s5, s13, $0xb8;
	[tilespmem:$0x6080] =	vst v63  }
0x26a: {  	s11 =	simm.s32 $0x2800;
	s10 =	simm.s32 $0x800  }
0x26b: {  	[tilespmem:s11], [sflag:$0x2] =	stream.indirect.gather [hbm4b:s1+s13], $0x1, s10, s13, $0xb8;
	[tilespmem:$0x6080] =	vst v63  }
0x26c: {  	s12 =	simm.s32 $0x3800  }
0x26d: {  	[tilespmem:s12], [sflag:$0x2] =	stream.indirect.gather [hbm4b:s4+s13], $0x1, s10, s13, $0xb8;
	[tilespmem:$0x6080] =	vst v63  }
0x26e: {  	s15 =	simm.s32 $0x1800;
	s16 =	simm.s32 $0x4800  }
0x26f: {  	[tilespmem:s16], [sflag:$0x2] =	stream.indirect.gather [hbm4b:s1+s13], $0x1, s15, s13, $0xb8;
	[tilespmem:$0x6080] =	vst v63  }
0x270: {  	s17 =	simm.s32 $0x5800  }
0x271: {  	[tilespmem:s17], [sflag:$0x2] =	stream.indirect.gather [hbm4b:s4+s13], $0x1, s15, s13, $0xb8;
	[tilespmem:$0x6080] =	vst v63  }
0x272: {  	s18 =	simm.s32 $0x900;
	s19 =	simm.s32 $0x2900  }
0x273: {  	[tilespmem:s19], [sflag:$0x2] =	stream.indirect.gather [hbm4b:s1+s13], $0x1, s18, s13, $0xb8;
	[tilespmem:$0x6080] =	vst v63  }
0x274: {  	s5 =	simm.s32 $0x3900  }
0x275: {  	[tilespmem:s5], [sflag:$0x2] =	stream.indirect.gather [hbm4b:s4+s13], $0x1, s18, s13, $0xb8;
	[tilespmem:$0x6080] =	vst v63  }
0x276: {  	s6 =	simm.s32 $0x1900;
	s8 =	simm.s32 $0x4900  }
0x277: {  	[tilespmem:s8], [sflag:$0x2] =	stream.indirect.gather [hbm4b:s1+s13], $0x1, s6, s13, $0xb8;
	[tilespmem:$0x6080] =	vst v63  }
0x278: {  	s9 =	simm.s32 $0x5900  }
0x279: {  	[tilespmem:s9], [sflag:$0x2] =	stream.indirect.gather [hbm4b:s4+s13], $0x1, s6, s13, $0xb8;
	[tilespmem:$0x6080] =	vst v63  }
0x27a: {  	s11 =	simm.s32 $0x2A00;
	s10 =	simm.s32 $0xA00  }
0x27b: {  	[tilespmem:s11], [sflag:$0x2] =	stream.indirect.gather [hbm4b:s1+s13], $0x1, s10, s13, $0xb8;
	[tilespmem:$0x6080] =	vst v63  }
0x27c: {  	s12 =	simm.s32 $0x3A00  }
0x27d: {  	[tilespmem:s12], [sflag:$0x2] =	stream.indirect.gather [hbm4b:s4+s13], $0x1, s10, s13, $0xb8;
	[tilespmem:$0x6080] =	vst v63  }
0x27e: {  	s17 =	simm.s32 $0x1A00;
	s18 =	simm.s32 $0x4A00  }
0x27f: {  	[tilespmem:s18], [sflag:$0x2] =	stream.indirect.gather [hbm4b:s1+s13], $0x1, s17, s13, $0xb8;
	[tilespmem:$0x6080] =	vst v63  }
0x280: {  	s19 =	simm.s32 $0x5A00  }
0x281: {  	[tilespmem:s19], [sflag:$0x2] =	stream.indirect.gather [hbm4b:s4+s13], $0x1, s17, s13, $0xb8;
	[tilespmem:$0x6080] =	vst v63  }
0x282: {  	s6 =	simm.s32 $0xB00;
	s9 =	simm.s32 $0x2B00  }
0x283: {  	[tilespmem:s9], [sflag:$0x2] =	stream.indirect.gather [hbm4b:s1+s13], $0x1, s6, s13, $0xb8;
	[tilespmem:$0x6080] =	vst v63  }
0x284: {  	s10 =	simm.s32 $0x3B00  }
0x285: {  	[tilespmem:s10], [sflag:$0x2] =	stream.indirect.gather [hbm4b:s4+s13], $0x1, s6, s13, $0xb8;
	[tilespmem:$0x6080] =	vst v63  }
0x286: {  	s11 =	simm.s32 $0x1B00;
	s12 =	simm.s32 $0x4B00  }
0x287: {  	[tilespmem:s12], [sflag:$0x2] =	stream.indirect.gather [hbm4b:s1+s13], $0x1, s11, s13, $0xb8;
	[tilespmem:$0x6080] =	vst v63  }
0x288: {  	s18 =	simm.s32 $0x5B00  }
0x289: {  	[tilespmem:s18], [sflag:$0x2] =	stream.indirect.gather [hbm4b:s4+s13], $0x1, s11, s13, $0xb8;
	[tilespmem:$0x6080] =	vst v63  }
0x28a: {  	s5 =	simm.s32 $0x2C00;
	s19 =	simm.s32 $0xC00  }
0x28b: {  	[tilespmem:s5], [sflag:$0x2] =	stream.indirect.gather [hbm4b:s1+s13], $0x1, s19, s13, $0xb8;
	[tilespmem:$0x6080] =	vst v63  }
0x28c: {  	s6 =	simm.s32 $0x3C00  }
0x28d: {  	[tilespmem:s6], [sflag:$0x2] =	stream.indirect.gather [hbm4b:s4+s13], $0x1, s19, s13, $0xb8;
	[tilespmem:$0x6080] =	vst v63  }
0x28e: {  	s8 =	simm.s32 $0x1C00;
	s9 =	simm.s32 $0x4C00  }
0x28f: {  	[tilespmem:s9], [sflag:$0x2] =	stream.indirect.gather [hbm4b:s1+s13], $0x1, s8, s13, $0xb8;
	[tilespmem:$0x6080] =	vst v63  }
0x290: {  	s10 =	simm.s32 $0x5C00  }
0x291: {  	[tilespmem:s10], [sflag:$0x2] =	stream.indirect.gather [hbm4b:s4+s13], $0x1, s8, s13, $0xb8;
	[tilespmem:$0x6080] =	vst v63  }
0x292: {  	s11 =	simm.s32 $0xD00;
	s19 =	simm.s32 $0x2D00  }
0x293: {  	[tilespmem:s19], [sflag:$0x2] =	stream.indirect.gather [hbm4b:s1+s13], $0x1, s11, s13, $0xb8;
	[tilespmem:$0x6080] =	vst v63  }
0x294: {  	s5 =	simm.s32 $0x3D00  }
0x295: {  	[tilespmem:s5], [sflag:$0x2] =	stream.indirect.gather [hbm4b:s4+s13], $0x1, s11, s13, $0xb8;
	[tilespmem:$0x6080] =	vst v63  }
0x296: {  	s6 =	simm.s32 $0x1D00;
	s8 =	simm.s32 $0x4D00  }
0x297: {  	[tilespmem:s8], [sflag:$0x2] =	stream.indirect.gather [hbm4b:s1+s13], $0x1, s6, s13, $0xb8;
	[tilespmem:$0x6080] =	vst v63  }
0x298: {  	s9 =	simm.s32 $0x5D00  }
0x299: {  	[tilespmem:s9], [sflag:$0x2] =	stream.indirect.gather [hbm4b:s4+s13], $0x1, s6, s13, $0xb8;
	[tilespmem:$0x6080] =	vst v63  }
0x29a: {  	s10 =	simm.s32 $0xE00;
	s5 =	simm.s32 $0x2E00  }
0x29b: {  	[tilespmem:s5], [sflag:$0x2] =	stream.indirect.gather [hbm4b:s1+s13], $0x1, s10, s13, $0xb8;
	[tilespmem:$0x6080] =	vst v63  }
0x29c: {  	s6 =	simm.s32 $0x3E00  }
0x29d: {  	[tilespmem:s6], [sflag:$0x2] =	stream.indirect.gather [hbm4b:s4+s13], $0x1, s10, s13, $0xb8;
	[tilespmem:$0x6080] =	vst v63  }
0x29e: {  	s8 =	simm.s32 $0x4E00;
	s6 =	simm.s32 $0x1E00  }
0x29f: {  	[tilespmem:s8], [sflag:$0x2] =	stream.indirect.gather [hbm4b:s1+s13], $0x1, s6, s13, $0xb8;
	[tilespmem:$0x6080] =	vst v63  }
0x2a0: {  	s9 =	simm.s32 $0x5E00  }
0x2a1: {  	[tilespmem:s9], [sflag:$0x2] =	stream.indirect.gather [hbm4b:s4+s13], $0x1, s6, s13, $0xb8;
	[tilespmem:$0x6080] =	vst v63  }
0x2a2: {  	s10 =	simm.s32 $0xF00;
	s6 =	simm.s32 $0x2F00  }
0x2a3: {  	[tilespmem:s6], [sflag:$0x2] =	stream.indirect.gather [hbm4b:s1+s13], $0x1, s10, s13, $0xb8;
	[tilespmem:$0x6080] =	vst v63  }
0x2a4: {  	s9 =	simm.s32 $0x3F00  }
0x2a5: {  	[tilespmem:s9], [sflag:$0x2] =	stream.indirect.gather [hbm4b:s4+s13], $0x1, s10, s13, $0xb8;
	[tilespmem:$0x6080] =	vst v63  }
0x2a6: {  	s8 =	simm.s32 $0x1F00;
	s10 =	simm.s32 $0x4F00  }
0x2a7: {  	[tilespmem:s10], [sflag:$0x2] =	stream.indirect.gather [hbm4b:s1+s13], $0x1, s8, s13, $0xb8;
	[tilespmem:$0x6080] =	vst v63  }
0x2a8: {  	s9 =	simm.s32 $0x5F00  }
0x2a9: {  	[tilespmem:s9], [sflag:$0x2] =	stream.indirect.gather [hbm4b:s4+s13], $0x1, s8, s13, $0xb8;
	[tilespmem:$0x6080] =	vst v63  }
0x2aa: {  	_ =	swait.ge [sflag:s20], $0x800  }
0x2ab: {  	[sflag:s20] =	ssyncset.done $0x0  }
0x2ac: {  	[sflag:s20] =	ssyncadd.s32 $0xFFFFF800  }
0x2ad: {  	_ =	swait.ge [sflag:s20], $0x800  }
0x2ae: {  	[sflag:s20] =	ssyncset.done $0x0  }
0x2af: {  	[sflag:s20] =	ssyncadd.s32 $0xFFFFF800  }
0x2b0: {  	_ =	swait.ge [sflag:s20], $0x800  }
0x2b1: {  	[sflag:s20] =	ssyncset.done $0x0  }
0x2b2: {  	[sflag:s20] =	ssyncadd.s32 $0xFFFFF800  }
0x2b3: {  	s9 =	rddreg [dreg:$0x7];
	_ =	swait.ge [sflag:s20], $0x800  }
0x2b4: {  	s8 =	sadd.s32 s28, s9;
	s10 =	sld [smem:$0x7F2]  }
0x2b5: {  	s8 =	sshll.u32 s8, $0x8  }
0x2b6: {  	[sflag:s20] =	ssyncset.done $0x0;
	s8 =	sand.u32 $0x1FFFFF00, s8  }
0x2b7: {  	[sflag:s20] =	ssyncadd.s32 $0xFFFFF800;
	s9 =	sadd.s32 s10, s8  }
0x2b8: {  	[tilespmem:s13], [sflag:$0x1] =	stream.linear.gather [hbm4b:s9+s7], $0x80, $0x38;
	[tilespmem:$0x6080] =	vst v63  }
0x2b9: {  	s28 =	simm.s32 $0x180;
	s10 =	sadd.s32 $0x10, s9  }
0x2ba: {  	[tilespmem:s28], [sflag:$0x1] =	stream.linear.gather [hbm4b:s10+s7], $0x80, $0x38;
	[tilespmem:$0x6080] =	vst v63  }
0x2bb: {  	s10 =	sadd.s32 $0x20, s9;
	s28 =	simm.s32 $0x280  }
0x2bc: {  	[tilespmem:s28], [sflag:$0x1] =	stream.linear.gather [hbm4b:s10+s7], $0x80, $0x38;
	[tilespmem:$0x6080] =	vst v63  }
0x2bd: {  	s10 =	sadd.s32 $0x30, s9;
	s28 =	simm.s32 $0x380  }
0x2be: {  	[tilespmem:s28], [sflag:$0x1] =	stream.linear.gather [hbm4b:s10+s7], $0x80, $0x38;
	[tilespmem:$0x6080] =	vst v63  }
0x2bf: {  	s10 =	sadd.s32 $0x40, s9;
	s28 =	simm.s32 $0x480  }
0x2c0: {  	[tilespmem:s28], [sflag:$0x1] =	stream.linear.gather [hbm4b:s10+s7], $0x80, $0x38;
	[tilespmem:$0x6080] =	vst v63  }
0x2c1: {  	s10 =	sadd.s32 $0x50, s9;
	s28 =	simm.s32 $0x580  }
0x2c2: {  	[tilespmem:s28], [sflag:$0x1] =	stream.linear.gather [hbm4b:s10+s7], $0x80, $0x38;
	[tilespmem:$0x6080] =	vst v63  }
0x2c3: {  	s10 =	sadd.s32 $0x60, s9;
	s28 =	simm.s32 $0x680  }
0x2c4: {  	[tilespmem:s28], [sflag:$0x1] =	stream.linear.gather [hbm4b:s10+s7], $0x80, $0x38;
	[tilespmem:$0x6080] =	vst v63  }
0x2c5: {  	s10 =	sadd.s32 $0x70, s9;
	s28 =	simm.s32 $0x780  }
0x2c6: {  	[tilespmem:s28], [sflag:$0x1] =	stream.linear.gather [hbm4b:s10+s7], $0x80, $0x38;
	[tilespmem:$0x6080] =	vst v63  }
0x2c7: {  	s10 =	sadd.s32 $0x80, s9;
	s28 =	simm.s32 $0x880  }
0x2c8: {  	[tilespmem:s28], [sflag:$0x1] =	stream.linear.gather [hbm4b:s10+s7], $0x80, $0x38;
	[tilespmem:$0x6080] =	vst v63  }
0x2c9: {  	s10 =	sadd.s32 $0x90, s9;
	s28 =	simm.s32 $0x980  }
0x2ca: {  	[tilespmem:s28], [sflag:$0x1] =	stream.linear.gather [hbm4b:s10+s7], $0x80, $0x38;
	[tilespmem:$0x6080] =	vst v63  }
0x2cb: {  	s10 =	sadd.s32 $0xA0, s9;
	s28 =	simm.s32 $0xA80  }
0x2cc: {  	[tilespmem:s28], [sflag:$0x1] =	stream.linear.gather [hbm4b:s10+s7], $0x80, $0x38;
	[tilespmem:$0x6080] =	vst v63  }
0x2cd: {  	s10 =	sadd.s32 $0xB0, s9;
	s28 =	simm.s32 $0xB80  }
0x2ce: {  	[tilespmem:s28], [sflag:$0x1] =	stream.linear.gather [hbm4b:s10+s7], $0x80, $0x38;
	[tilespmem:$0x6080] =	vst v63  }
0x2cf: {  	s10 =	sadd.s32 $0xC0, s9;
	s28 =	simm.s32 $0xC80  }
0x2d0: {  	[tilespmem:s28], [sflag:$0x1] =	stream.linear.gather [hbm4b:s10+s7], $0x80, $0x38;
	[tilespmem:$0x6080] =	vst v63  }
0x2d1: {  	s10 =	sadd.s32 $0xD0, s9;
	s28 =	simm.s32 $0xD80  }
0x2d2: {  	[tilespmem:s28], [sflag:$0x1] =	stream.linear.gather [hbm4b:s10+s7], $0x80, $0x38;
	[tilespmem:$0x6080] =	vst v63  }
0x2d3: {  	s10 =	sadd.s32 $0xE0, s9;
	s28 =	simm.s32 $0xE80  }
0x2d4: {  	[tilespmem:s28], [sflag:$0x1] =	stream.linear.gather [hbm4b:s10+s7], $0x80, $0x38;
	[tilespmem:$0x6080] =	vst v63  }
0x2d5: {  	s10 =	sld [smem:$0x7F3]  }
0x2d6: {  	s9 =	sadd.s32 $0xF0, s9;
	s28 =	simm.s32 $0xF80  }
0x2d7: {  	[tilespmem:s28], [sflag:$0x1] =	stream.linear.gather [hbm4b:s9+s7], $0x80, $0x38;
	[tilespmem:$0x6080] =	vst v63  }
0x2d8: {  	s28 =	simm.s32 $0x1080;
	s8 =	sadd.s32 s10, s8  }
0x2d9: {  	[tilespmem:s28], [sflag:$0x1] =	stream.linear.gather [hbm4b:s8+s7], $0x80, $0x38;
	[tilespmem:$0x6080] =	vst v63  }
0x2da: {  	s10 =	sadd.s32 $0x10, s8;
	s28 =	simm.s32 $0x1180  }
0x2db: {  	[tilespmem:s28], [sflag:$0x1] =	stream.linear.gather [hbm4b:s10+s7], $0x80, $0x38;
	[tilespmem:$0x6080] =	vst v63  }
0x2dc: {  	s10 =	sadd.s32 $0x20, s8;
	s28 =	simm.s32 $0x1280  }
0x2dd: {  	[tilespmem:s28], [sflag:$0x1] =	stream.linear.gather [hbm4b:s10+s7], $0x80, $0x38;
	[tilespmem:$0x6080] =	vst v63  }
0x2de: {  	s10 =	sadd.s32 $0x30, s8;
	s28 =	simm.s32 $0x1380  }
0x2df: {  	[tilespmem:s28], [sflag:$0x1] =	stream.linear.gather [hbm4b:s10+s7], $0x80, $0x38;
	[tilespmem:$0x6080] =	vst v63  }
0x2e0: {  	s10 =	sadd.s32 $0x40, s8;
	s28 =	simm.s32 $0x1480  }
0x2e1: {  	[tilespmem:s28], [sflag:$0x1] =	stream.linear.gather [hbm4b:s10+s7], $0x80, $0x38;
	[tilespmem:$0x6080] =	vst v63  }
0x2e2: {  	s10 =	sadd.s32 $0x50, s8;
	s28 =	simm.s32 $0x1580  }
0x2e3: {  	[tilespmem:s28], [sflag:$0x1] =	stream.linear.gather [hbm4b:s10+s7], $0x80, $0x38;
	[tilespmem:$0x6080] =	vst v63  }
0x2e4: {  	s10 =	sadd.s32 $0x60, s8;
	s28 =	simm.s32 $0x1680  }
0x2e5: {  	[tilespmem:s28], [sflag:$0x1] =	stream.linear.gather [hbm4b:s10+s7], $0x80, $0x38;
	[tilespmem:$0x6080] =	vst v63  }
0x2e6: {  	s10 =	sadd.s32 $0x70, s8;
	s28 =	simm.s32 $0x1780  }
0x2e7: {  	[tilespmem:s28], [sflag:$0x1] =	stream.linear.gather [hbm4b:s10+s7], $0x80, $0x38;
	[tilespmem:$0x6080] =	vst v63  }
0x2e8: {  	s10 =	sadd.s32 $0x80, s8;
	s28 =	simm.s32 $0x1880  }
0x2e9: {  	[tilespmem:s28], [sflag:$0x1] =	stream.linear.gather [hbm4b:s10+s7], $0x80, $0x38;
	[tilespmem:$0x6080] =	vst v63  }
0x2ea: {  	s10 =	sadd.s32 $0x90, s8;
	s28 =	simm.s32 $0x1980  }
0x2eb: {  	[tilespmem:s28], [sflag:$0x1] =	stream.linear.gather [hbm4b:s10+s7], $0x80, $0x38;
	[tilespmem:$0x6080] =	vst v63  }
0x2ec: {  	s10 =	sadd.s32 $0xA0, s8;
	s28 =	simm.s32 $0x1A80  }
0x2ed: {  	[tilespmem:s28], [sflag:$0x1] =	stream.linear.gather [hbm4b:s10+s7], $0x80, $0x38;
	[tilespmem:$0x6080] =	vst v63  }
0x2ee: {  	s10 =	sadd.s32 $0xB0, s8;
	s28 =	simm.s32 $0x1B80  }
0x2ef: {  	[tilespmem:s28], [sflag:$0x1] =	stream.linear.gather [hbm4b:s10+s7], $0x80, $0x38;
	[tilespmem:$0x6080] =	vst v63  }
0x2f0: {  	s10 =	sadd.s32 $0xC0, s8;
	s28 =	simm.s32 $0x1C80  }
0x2f1: {  	[tilespmem:s28], [sflag:$0x1] =	stream.linear.gather [hbm4b:s10+s7], $0x80, $0x38;
	[tilespmem:$0x6080] =	vst v63  }
0x2f2: {  	s10 =	sadd.s32 $0xD0, s8;
	s28 =	simm.s32 $0x1D80  }
0x2f3: {  	[tilespmem:s28], [sflag:$0x1] =	stream.linear.gather [hbm4b:s10+s7], $0x80, $0x38;
	[tilespmem:$0x6080] =	vst v63  }
0x2f4: {  	s10 =	sadd.s32 $0xE0, s8;
	s28 =	simm.s32 $0x1E80  }
0x2f5: {  	[tilespmem:s28], [sflag:$0x1] =	stream.linear.gather [hbm4b:s10+s7], $0x80, $0x38;
	[tilespmem:$0x6080] =	vst v63  }
0x2f6: {  	s8 =	sadd.s32 $0xF0, s8;
	s10 =	simm.s32 $0x1F80  }
0x2f7: {  	[tilespmem:s10], [sflag:$0x1] =	stream.linear.gather [hbm4b:s8+s7], $0x80, $0x38;
	[tilespmem:$0x6080] =	vst v63  }
0x2f8: {  	s28 =	sand.u32 $0x70, s7;
	s7 =	sand.u32 $0xF00, s7  }
0x2f9: {  	s8 =	sor.u32 s28, s7  }
0x2fa: {  	v9 =	vor.u32 v9, v0;
	vm0 =	vmor vm1, vm0;
	v10 =	vld [tilespmem:s8+$0x2080]  }
0x2fb: {  	v8 =	vsel vm0, v9, v8;
	v4 =	vsub.f32 v4, v5;
	v5 =	vld [tilespmem:s8+$0x3080]  }
0x2fc: {  	v7 =	vmul.f32 v8, v7;
	v8 =	vld [tilespmem:s8+$0x5080]  }
0x2fd: {  	v9 =	vand.u32 $0x80000000, v4;
	vm0 =	vlt.f32 v4, $0.0e+00;
	vm1 =	vgt.f32 v4, $0.0e+00;
	s9 =	simm.s32 $0x20;
	s7 =	simm.s32 $0x10;
	v11 =	vld [tilespmem:s8+$0x4080]  }
0x2fe: {  	v2 =	vsub.f32 v2, v3;
	v3 =	vor.u32 v9, v0;
	vm0 =	vmor vm1, vm0;
	s10 =	sand.u32 $0x70, s7;
	s8 =	sand.u32 $0xF00, s9  }
0x2ff: {  	p0 =	slt.u32 s24, $0xF4240;
	v6 =	vmax.f32 v6, $0.0e+00;
	v3 =	vsel vm0, v3, v4;
	s8 =	sor.u32 s10, s8  }
0x300: {  	v4 =	vpsel !p0, $0x0, v6;
	v6 =	vsub.f32 $1.000000010e-01, v7;
	v2 =	vmul.f32 v3, v2;
	v9 =	vld [tilespmem:s8+$0x2080]  }
0x301: {  	s31 =	simm.s32 $0x600;
	s29 =	simm.s32 $0x1C00;
	s30 =	simm.s32 $0x1E00;
	v1 =	vadd.f32 v4, v1;
	v4 =	vld [tilespmem:s8+$0x3080];
	v3 =	vsub.f32 v5, v8  }
0x302: {  	s24 =	sadd.s32 s25, s22;
	s25 =	simm.s32 $0x40;
	s26 =	sadd.s32 s26, s22;
	v2 =	vsub.f32 $1.000000010e-01, v2;
	v5 =	vmax.f32 v6, $0.0e+00;
	v6 =	vld [tilespmem:s8+$0x5080];
	v7 =	vsub.f32 v10, v11  }
0x303: {  	p5 =	slt.u32 s24, $0xF4240;
	s24 =	simm.s32 $0x20;
	p6 =	slt.u32 s26, $0xF4240;
	v8 =	vld [tilespmem:s8+$0x4080];
	v10 =	vand.u32 $0x80000000, v3;
	vm0 =	vlt.f32 v3, $0.0e+00;
	vm1 =	vgt.f32 v3, $0.0e+00  }
0x304: {  	s26 =	sadd.s32 $0x0, s21;
	s28 =	sand.u32 $0x70, s24;
	s8 =	sand.u32 $0xF00, s25;
	v5 =	vpsel !p5, $0x0, v5;
	vm0 =	vmor vm1, vm0;
	v10 =	vor.u32 v10, v0  }
0x305: {  	s0 =	simm.s32 $0x700;
	v2 =	vmax.f32 v2, $0.0e+00;
	s14 =	simm.s32 $0x800;
	s8 =	sor.u32 s28, s8;
	v1 =	vadd.f32 v5, v1;
	v3 =	vsel vm0, v10, v3  }
0x306: {  	s3 =	simm.s32 $0x1F00;
	s16 =	simm.s32 $0xA00;
	s15 =	simm.s32 $0x900;
	v5 =	vpsel !p6, $0x0, v2;
	v2 =	vld [tilespmem:s8+$0x2080];
	v10 =	vmul.f32 v3, v7  }
0x307: {  	s17 =	simm.s32 $0xB00;
	s12 =	simm.s32 $0x1B00;
	s18 =	simm.s32 $0xC00;
	v1 =	vadd.f32 v5, v1;
	v5 =	vld [tilespmem:s8+$0x5080];
	v7 =	vsub.f32 v4, v6  }
0x308: {  	s19 =	simm.s32 $0xD00;
	s11 =	simm.s32 $0x1D00;
	s5 =	simm.s32 $0xE00;
	v3 =	vld [tilespmem:s8+$0x3080];
	v6 =	vsub.f32 v9, v8;
	v8 =	vsub.f32 $1.000000010e-01, v10  }
0x309: {  	s6 =	simm.s32 $0xF00;
	s25 =	simm.s32 $0x30;
	v4 =	vld [tilespmem:s8+$0x4080];
	s8 =	simm.s32 $0x60;
	v9 =	vand.u32 $0x80000000, v7;
	vm0 =	vlt.f32 v7, $0.0e+00;
	vm1 =	vgt.f32 v7, $0.0e+00  }
.LBB2_5:
0x30a: {  	v8 =	vmax.f32 v8, $0.0e+00;
	p0 =	slt.u32 s26, $0xF4240  }
0x30b: {  	s9 =	sand.u32 $0x70, s25;
	s10 =	sand.u32 $0xF00, s8;
	v10 =	vor.u32 v9, v0;
	vm0 =	vmor vm1, vm0;
	v8 =	vpsel !p0, $0x0, v8;
	p0 =	sne.s32 s25, $0x7F0  }
.Ltmp1:
0x30c: {  	s9 =	sor.u32 s9, s10;
	v7 =	vsel vm0, v10, v7;
	v9 =	vmov v2;
	s10 =	smov.u32 s24;
	(pc) =	sbr.rel @p0 .LBB2_5-.Ltmp1, $4  }
0x30d: {  	s24 =	smov.u32 s25;
	s25 =	sadd.s32 $0x10, s25;
	v2 =	vld [tilespmem:s9+$0x2080];
	v10 =	vmul.f32 v7, v6;
	v1 =	vadd.f32 v8, v1  }
0x30e: {  	v7 =	vsub.f32 v3, v5;
	v3 =	vld [tilespmem:s9+$0x3080]  }
0x30f: {  	v5 =	vld [tilespmem:s9+$0x5080];
	v6 =	vsub.f32 v9, v4;
	v8 =	vsub.f32 $1.000000010e-01, v10  }
0x310: {  	s8 =	sadd.s32 $0x20, s8;
	s26 =	sadd.s32 s7, s21;
	s7 =	smov.u32 s10;
	v4 =	vld [tilespmem:s9+$0x4080];
	v9 =	vand.u32 $0x80000000, v7;
	vm0 =	vlt.f32 v7, $0.0e+00;
	vm1 =	vgt.f32 v7, $0.0e+00  }
0x311: {  	_ =	sdelay $0x1  }
0x312: {  	v9 =	vor.u32 v9, v0;
	vm0 =	vmor vm1, vm0  }
0x313: {  	v7 =	vsel vm0, v9, v7;
	v3 =	vsub.f32 v3, v5  }
0x314: {  	v60 =	vmul.f32 v7, v6  }
0x315: {  	v61 =	vand.u32 $0x80000000, v3;
	vm14 =	vlt.f32 v3, $0.0e+00;
	vm15 =	vgt.f32 v3, $0.0e+00  }
0x316: {  	v2 =	vsub.f32 v2, v4;
	v62 =	vor.u32 v61, v0;
	vm0 =	vmor vm15, vm14  }
0x317: {  	v3 =	vsel vm0, v62, v3  }
0x318: {  	v63 =	vmax.f32 v8, $0.0e+00;
	p0 =	slt.u32 s26, $0xF4240;
	s23 =	sadd.s32 $0x1, s23;
	v5 =	vsub.f32 $1.000000010e-01, v60;
	v2 =	vmul.f32 v3, v2  }
0x319: {  	s7 =	sadd.s32 s7, s21;
	v3 =	vpsel !p0, $0x0, v63;
	p0 =	sne.s32 s23, $0x8  }
.Ltmp2:
0x31a: {  	p5 =	slt.u32 s7, $0xF4240;
	v1 =	vadd.f32 v3, v1;
	v3 =	vmax.f32 v5, $0.0e+00;
	v2 =	vsub.f32 $1.000000010e-01, v2;
	(pc) =	sbr.rel @p0 .LBB2_2-.Ltmp2, $4  }
0x31b: {  	s28 =	sadd.s32 s24, s21;
	v3 =	vpsel !p5, $0x0, v3  }
0x31c: {  	p6 =	slt.u32 s28, $0xF4240;
	v1 =	vadd.f32 v3, v1;
	v2 =	vmax.f32 v2, $0.0e+00  }
0x31d: {  	v2 =	vpsel !p6, $0x0, v2  }
0x31e: {  	s22 =	sadd.s32 $0x1000, s22;
	s21 =	sadd.s32 $0x1000, s21;
	v1 =	vadd.f32 v2, v1  }
0x31f: {  	_ =	swait.ge [sflag:s2], $0x800  }
0x320: {  	[sflag:s2] =	ssyncset.done $0x0  }
0x321: {  	[sflag:s2] =	ssyncadd.s32 $0xFFFFF800  }
0x322: {  	_ =	swait.ge [sflag:s2], $0x800  }
0x323: {  	[sflag:s2] =	ssyncset.done $0x0  }
0x324: {  	[sflag:s2] =	ssyncadd.s32 $0xFFFFF800  }
0x325: {  	_ =	swait.ge [sflag:s20], $0x800  }
0x326: {  	[sflag:s20] =	ssyncset.done $0x0  }
0x327: {  	[sflag:s20] =	ssyncadd.s32 $0xFFFFF800  }
0x328: {  	_ =	swait.ge [sflag:s20], $0x800  }
0x329: {  	[sflag:s20] =	ssyncset.done $0x0  }
0x32a: {  	[sflag:s20] =	ssyncadd.s32 $0xFFFFF800  }
0x32b: {  	_ =	swait.ge [sflag:s20], $0x800  }
0x32c: {  	[sflag:s20] =	ssyncset.done $0x0  }
0x32d: {  	[sflag:s20] =	ssyncadd.s32 $0xFFFFF800  }
0x32e: {  	_ =	swait.ge [sflag:s20], $0x800  }
0x32f: {  	[sflag:s20] =	ssyncset.done $0x0  }
0x330: {  	s21 =	simm.s32 $0x0;
	[sflag:s20] =	ssyncadd.s32 $0xFFFFF800  }
0x331: {  	s0 =	simm.s32 $0x6000;
	s30 =	simm.s32 $0x3;
	s7 =	rddreg [dreg:$0x8];
	[tilespmem:$0x6000] =	vst v1  }
0x332: {  	[hbm4b:s7+s21] =	stream.linear.scatter [tilespmem:s0], [sflag:$0x3], $0x80, $0x38;
	[tilespmem:$0x6080] =	vst v63  }
0x333: {  	_ =	swait.ge [sflag:s30], $0x80  }
0x334: {  	s3 =	sld [smem:$0x7F1];
	_ =	sdelay $0x2  }
0x335: {  	s31 =	rddreg [dreg:$0x9];
	s3 =	sadd.s32 $0x1, s3  }
0x336: {  	p0 =	sne.s32 s3, s31  }
.Ltmp3:
0x337: {  	_ = 	snop;
	(pc) =	sbr.rel @p0 .LBB2_1-.Ltmp3, $3  }
0x338: {  	_ =	sdelay $0x1  }
0x339: {  	[sflag:s30] =	ssyncset.done $0x0  }
0x33a: {  	[sflag:s30] =	ssyncadd.s32 $0xFFFFFF80  }
0x33b: {  	_ =	sfence.sel $0x180000  }
0x33c: {  	[bflag:$0x0] =	sbarrier.arrive $0xFFFF  }
0x33d: {  	_ =	strace $0x90000047  }
0x33e: {  	s0 =	stileid.u32;
	[bflag:$0x2] =	sbarrier.arrive $0xFFFF  }
0x33f: {  	p0 =	sne.s32 s0, $0x0;
	s0 =	rddreg [dreg:$0x1]  }
0x340: {  	s0 =	sadd.s32 @!p0 $0x100000, s0  }
0x341: {  	[sflag:s0] =	ssyncadd.tile.s32 @!p0 $0x1;
	_ =	shalt  }
.Lfunc_end2:
_tile_overlayer_lowered:
.L_overlay_start_2:
0x342: {  	(tag) =	ssettag $0x2  }
0x343: {  	s0 =	rddreg [dreg:$0x0];
	s2 =	stileid.u32  }
0x344: {  	s1 =	rddreg [dreg:$0x1];
	p0 =	sne.s32 s2, $0x0  }
0x345: {  	s3 =	rddreg [dreg:$0x2];
	[bflag:$0x3] =	sbarrier.arrive $0xFFFF;
	s2 =	simm.s32 @!p0 $0x1C03  }
0x346: {  	[timem:s3], [sflag:s2] =	dma.local @!p0 [hbm:s0], s1  }
0x347: {  	s0 =	simm.s32 @!p0 $0x3  }
0x348: {  	_ =	swait.ge @!p0 [sflag:s0], s1  }
0x349: {  	s1 =	ssub.s32 @!p0 $0x0, s1;
	[sflag:s0] =	ssyncset.done @!p0 $0x0  }
0x34a: {  	[sflag:s0] =	ssyncadd.s32 @!p0 s1  }
0x34b: {  	[bflag:$0x3] =	sbarrier.arrive $0xFFFF  }
0x34c: {  	_ =	shalt  }

</sc_bundles>
